<compile_context>
chip_gen: v7x
topology: tpu7x:2x2x1
jax: 0.10.2.dev20260603
libtpu: 0.0.44.dev20260713+nightly
codegen_flags: <defaults>
</compile_context>

<pallas_src>
import functools

import jax
import jax.numpy as jnp
from jax import lax
from jax.experimental import pallas as pl
from jax.experimental.pallas import tpu as pltpu
from jax.experimental.pallas import tpu_sc as plsc

NUM_CODEBOOKS = 9
CODEBOOK_SIZE = 1088
EMB_DIM = 64
SEQ_LEN = 131072

NW = 32
LOOKUPS = NUM_CODEBOOKS * SEQ_LEN
SUB = 128
SUBS_PER_CHUNK = 8
STEP = SUBS_PER_CHUNK * SUB
SUBS_PER_HALF = SUBS_PER_CHUNK // 2
HALF = STEP // 2

ROW_W = EMB_DIM // 2

NCH = 4
TCH = SEQ_LEN // NCH
CODE_ROWS_PER_CB = SEQ_LEN // SUB
CHUNK_CODE_ROWS = TCH // SUB


def _sc_gather_chunk(codes2d, tables_flat, chunk):
    mesh = plsc.VectorSubcoreMesh(core_axis_name="c", subcore_axis_name="s")

    @functools.partial(
        pl.kernel,
        mesh=mesh,
        out_type=jax.ShapeDtypeStruct((NUM_CODEBOOKS * TCH, ROW_W),
                                      jnp.float32),
        scratch_types=[
            pltpu.VMEM((SUBS_PER_CHUNK, SUB), jnp.int32),
            pltpu.VMEM((SUBS_PER_CHUNK, SUB), jnp.int32),
            pltpu.VMEM((HALF, ROW_W), jnp.float32),
            pltpu.VMEM((HALF, ROW_W), jnp.float32),
            pltpu.SemaphoreType.DMA,
            pltpu.SemaphoreType.DMA,
        ],
        compiler_params=pltpu.CompilerParams(use_tc_tiling_on_sc=False),
    )
    def k(codes_ref, tables_ref, out_ref, idx_a, idx_b, rows_a, rows_b,
          sem_a, sem_b):
        wid = lax.axis_index("c") * 16 + lax.axis_index("s")

        def load_idx(i, idx_v):
            row = (i * CODE_ROWS_PER_CB + chunk * CHUNK_CODE_ROWS
                   + wid * SUBS_PER_CHUNK)
            pltpu.sync_copy(codes_ref.at[pl.ds(row, SUBS_PER_CHUNK)], idx_v)

        def fire(h, idx_v, rows_v, sem):
            for j in range(SUBS_PER_HALF):
                pltpu.async_copy(tables_ref.at[idx_v.at[SUBS_PER_HALF * h + j]],
                                 rows_v.at[pl.ds(j * SUB, SUB)], sem)

        def drain(rows_v, sem):
            pltpu.make_async_copy(tables_ref.at[pl.ds(0, HALF)],
                                  rows_v, sem).wait()

        def write(i, h, rows_v):
            pltpu.sync_copy(
                rows_v,
                out_ref.at[pl.ds(i * TCH + wid * STEP + h * HALF, HALF)])

        load_idx(0, idx_a)
        fire(0, idx_a, rows_a, sem_a)
        fire(1, idx_a, rows_b, sem_b)

        def pair_body(p, carry):
            a = 2 * p
            b = a + 1
            c = a + 2
            load_idx(b, idx_b)
            drain(rows_a, sem_a)
            write(a, 0, rows_a)
            fire(0, idx_b, rows_a, sem_a)
            drain(rows_b, sem_b)
            write(a, 1, rows_b)
            fire(1, idx_b, rows_b, sem_b)
            load_idx(c, idx_a)
            drain(rows_a, sem_a)
            write(b, 0, rows_a)
            fire(0, idx_a, rows_a, sem_a)
            drain(rows_b, sem_b)
            write(b, 1, rows_b)
            fire(1, idx_a, rows_b, sem_b)
            return carry

        lax.fori_loop(0, (NUM_CODEBOOKS - 1) // 2, pair_body, 0)
        drain(rows_a, sem_a)
        write(NUM_CODEBOOKS - 1, 0, rows_a)
        drain(rows_b, sem_b)
        write(NUM_CODEBOOKS - 1, 1, rows_b)

    return k(codes2d, tables_flat)


BLK = 4096
QB = BLK // 4
H1, H2, H3 = 512, 256, 128


def _mlp_body(e_ref, w1_ref, b1_ref, w2_ref, b2_ref, w3_ref, b3_ref,
              w4_ref, b4_ref, o_ref):
    evens, odds = [], []
    for i in range(NUM_CODEBOOKS):
        w = pltpu.bitcast(e_ref[i], jnp.int32)
        evens.append(pltpu.bitcast(w << 16, jnp.float32))
        odds.append(pltpu.bitcast(w & jnp.int32(-65536), jnp.float32))
    for q in range(4):
        lhs = jnp.concatenate(
            [half[:, ROW_W * q:ROW_W * (q + 1)]
             for i in range(NUM_CODEBOOKS)
             for half in (evens[i], odds[i])],
            axis=1).astype(jnp.bfloat16)
        acc = jnp.dot(lhs, w1_ref[...],
                      preferred_element_type=jnp.float32) + b1_ref[...]
        h = jnp.maximum(acc, 0.0).astype(jnp.bfloat16)
        h = jnp.maximum(
            jnp.dot(h, w2_ref[...], preferred_element_type=jnp.float32)
            + b2_ref[...], 0.0).astype(jnp.bfloat16)
        h = jnp.maximum(
            jnp.dot(h, w3_ref[...], preferred_element_type=jnp.float32)
            + b3_ref[...], 0.0)
        y = jnp.tanh(
            jnp.dot(h, w4_ref[...], preferred_element_type=jnp.float32)
            + b4_ref[...])
        o_ref[:, q] = y[:, 0]


def _tc_mlp(embs, w1, b1, w2, b2, w3, b3, w4, b4, interpret=False):
    grid = (TCH // BLK,)
    return pl.pallas_call(
        _mlp_body,
        grid=grid,
        in_specs=[
            pl.BlockSpec((NUM_CODEBOOKS, QB, 2 * EMB_DIM), lambda j: (0, j, 0)),
            pl.BlockSpec((NUM_CODEBOOKS * EMB_DIM, H1), lambda j: (0, 0)),
            pl.BlockSpec((1, H1), lambda j: (0, 0)),
            pl.BlockSpec((H1, H2), lambda j: (0, 0)),
            pl.BlockSpec((1, H2), lambda j: (0, 0)),
            pl.BlockSpec((H2, H3), lambda j: (0, 0)),
            pl.BlockSpec((1, H3), lambda j: (0, 0)),
            pl.BlockSpec((H3, 1), lambda j: (0, 0)),
            pl.BlockSpec((1, 1), lambda j: (0, 0)),
        ],
        out_specs=pl.BlockSpec((QB, 4), lambda j: (j, 0)),
        out_shape=jax.ShapeDtypeStruct((TCH // 4, 4), jnp.float32),
        interpret=interpret,
    )(embs, w1, b1, w2, b2, w3, b3, w4, b4)


def kernel(audio_codes, tables, W1, b1, W2, b2, W3, b3, W4, b4):
    codes = audio_codes.astype(jnp.int32)
    offs = (jnp.arange(NUM_CODEBOOKS, dtype=jnp.int32) * CODEBOOK_SIZE)[:, None]
    codes2d = (codes + offs).reshape(LOOKUPS // SUB, SUB)
    tables_bf = tables.astype(jnp.bfloat16).reshape(
        NUM_CODEBOOKS * CODEBOOK_SIZE, ROW_W, 2)
    tables_flat = lax.bitcast_convert_type(tables_bf, jnp.float32)
    w1f = W1.astype(jnp.bfloat16).reshape(NUM_CODEBOOKS, EMB_DIM, H1)
    w1 = jnp.concatenate([w1f[:, 0::2, :], w1f[:, 1::2, :]],
                         axis=1).reshape(NUM_CODEBOOKS * EMB_DIM, H1)
    w2 = W2.astype(jnp.bfloat16)
    w3 = W3.astype(jnp.bfloat16)
    b1r, b2r, b3r, b4r = (b1.reshape(1, H1), b2.reshape(1, H2),
                          b3.reshape(1, H3), b4.reshape(1, 1))
    outs = []
    for chunk in range(NCH):
        embs = _sc_gather_chunk(codes2d, tables_flat, chunk).reshape(
            NUM_CODEBOOKS, TCH // 4, 2 * EMB_DIM)
        outs.append(_tc_mlp(embs, w1, b1r, w2, b2r, w3, b3r, W4, b4r))
    return jnp.concatenate(outs, axis=0).reshape(SEQ_LEN)

# --- scband reference (transcript-rebuilt; emitter-appended) ---
"""Pipeline reference for scband-simple-audio-decoder-42176578847097 (READ-ONLY COPY).

The authoritative reference and input builder live on the scoring server;
editing this copy changes nothing except your own understanding.
"""

import jax, jax.numpy as jnp
import numpy as np

NUM_CODEBOOKS = 9
CODEBOOK_SIZE = 1088
EMB_DIM = 64
SEQ_LEN = 131072


def setup_inputs(seed: int = 0) -> dict:
    key = jax.random.key(seed)
    ks = jax.random.split(key, 12)
    audio_codes = jax.random.randint(ks[0], (NUM_CODEBOOKS, SEQ_LEN), 0, CODEBOOK_SIZE)
    tables = jax.random.normal(ks[1], (NUM_CODEBOOKS, CODEBOOK_SIZE, EMB_DIM), dtype=jnp.float32) * 0.02
    d_in = NUM_CODEBOOKS * EMB_DIM  # 576
    W1 = jax.random.normal(ks[2], (d_in, 512), dtype=jnp.float32) * (1.0 / np.sqrt(d_in))
    b1 = jnp.zeros((512,), dtype=jnp.float32)
    W2 = jax.random.normal(ks[3], (512, 256), dtype=jnp.float32) * (1.0 / np.sqrt(512))
    b2 = jnp.zeros((256,), dtype=jnp.float32)
    W3 = jax.random.normal(ks[4], (256, 128), dtype=jnp.float32) * (1.0 / np.sqrt(256))
    b3 = jnp.zeros((128,), dtype=jnp.float32)
    W4 = jax.random.normal(ks[5], (128, 1), dtype=jnp.float32) * (1.0 / np.sqrt(128))
    b4 = jnp.zeros((1,), dtype=jnp.float32)
    return {"audio_codes": audio_codes, "tables": tables, "W1": W1, "b1": b1, "W2": W2, "b2": b2, "W3": W3, "b3": b3, "W4": W4, "b4": b4}


def reference(audio_codes, tables, W1, b1, W2, b2, W3, b3, W4, b4):
    # per-codebook embedding lookup: tables[i][audio_codes[i]] -> [NUM_CODEBOOKS, SEQ, EMB]
    embs = jax.vmap(lambda t, c: jnp.take(t, c, axis=0))(tables, audio_codes)
    # concat along feature dim: [SEQ, NUM_CODEBOOKS * EMB]
    combined = jnp.transpose(embs, (1, 0, 2)).reshape(embs.shape[1], -1)
    h = jax.nn.relu(combined @ W1 + b1)
    h = jax.nn.relu(h @ W2 + b2)
    h = jax.nn.relu(h @ W3 + b3)
    out = jnp.tanh(h @ W4 + b4)
    return out.squeeze(-1)

if __name__ == "__main__":
    import jax
    _d = setup_inputs()
    print(jax.jit(kernel)(*tuple(_d.values())))

</pallas_src>

<mosaic_0001>
#map = affine_map<(d0, d1) -> (0, 0)>
module attributes {stable_mosaic.version = 14 : i64} {
  func.func @k(%arg0: i32, %arg1: i32, %arg2: memref<9216x128xi32, #tpu.memory_space<hbm>>, %arg3: memref<9792x32xf32, #tpu.memory_space<hbm>>, %arg4: memref<294912x32xf32, #tpu.memory_space<hbm>>, %arg5: memref<8x128xi32, #tpu.memory_space<vmem>>, %arg6: memref<8x128xi32, #tpu.memory_space<vmem>>, %arg7: memref<512x32xf32, #tpu.memory_space<vmem>>, %arg8: memref<512x32xf32, #tpu.memory_space<vmem>>, %arg9: memref<!tpu.dma_semaphore, #tpu.memory_space<semaphore_mem>>, %arg10: memref<!tpu.dma_semaphore, #tpu.memory_space<semaphore_mem>>) attributes {dimension_semantics = [#tpu.dimension_semantics<core_parallel>, #tpu.dimension_semantics<subcore_parallel>], iteration_bounds = array<i64: 2, 16>, scalar_prefetch = 0 : i64, scratch_operands = 6 : i64, tpu.core_type = #tpu.core_type<sc_vector_subcore>, window_params = [{transform_indices = #map}, {transform_indices = #map}, {transform_indices = #map}]} {
    %mul3A = arith.constant 16 : i32
    %mul3A_0 = arith.muli %arg0, %mul3A : i32
    %add3A = arith.addi %mul3A_0, %arg1 : i32
    %mul3A_1 = arith.constant 8 : i32
    %mul3A_2 = arith.muli %add3A, %mul3A_1 : i32
    %add3A_3 = arith.constant 512 : i32
    %add3A_4 = arith.addi %add3A_3, %mul3A_2 : i32
    "tpu.region"() ({
      %run_scoped3A = tpu.sem_alloc : memref<!tpu.dma_semaphore, #tpu.memory_space<semaphore_mem>>
      %dma_start3A_112 = arith.constant 0 : i32
      %dma_start3A_113 = tpu.memref_slice %arg2[%add3A_4, %dma_start3A_112] : memref<9216x128xi32, #tpu.memory_space<hbm>> -> memref<8x128xi32, #tpu.memory_space<hbm>>
      %dma_start3A_114 = arith.constant 0 : i32
      %dma_start3A_115 = tpu.memref_slice %arg2[%add3A_4, %dma_start3A_114] : memref<9216x128xi32, #tpu.memory_space<hbm>> -> memref<8x128xi32, #tpu.memory_space<hbm>>
      tpu.enqueue_dma source(%dma_start3A_115 : memref<8x128xi32, #tpu.memory_space<hbm>>) target(%arg5 : memref<8x128xi32, #tpu.memory_space<vmem>>) target_semaphore(%run_scoped3A : memref<!tpu.dma_semaphore, #tpu.memory_space<semaphore_mem>>)
      %dma_wait3A_116 = arith.constant 0 : i32
      %dma_wait3A_117 = tpu.memref_slice %arg2[%add3A_4, %dma_wait3A_116] : memref<9216x128xi32, #tpu.memory_space<hbm>> -> memref<8x128xi32, #tpu.memory_space<hbm>>
      %dma_wait3A_118 = arith.constant 0 : i32
      %dma_wait3A_119 = tpu.memref_slice %arg2[%add3A_4, %dma_wait3A_118] : memref<9216x128xi32, #tpu.memory_space<hbm>> -> memref<8x128xi32, #tpu.memory_space<hbm>>
      tpu.wait_dma2 semaphore(%run_scoped3A : memref<!tpu.dma_semaphore, #tpu.memory_space<semaphore_mem>>) src(%dma_wait3A_119 : memref<8x128xi32, #tpu.memory_space<hbm>>) dst(%arg5 : memref<8x128xi32, #tpu.memory_space<vmem>>)
      tpu.yield
    }) : () -> ()
    %dma_start3A = arith.constant 0 : i32
    %dma_start3A_5 = arith.constant 0 : i32
    %dma_start3A_6 = arith.constant 0 : i32
    %dma_start3A_7 = tpu.memref_slice %arg7[%dma_start3A_5, %dma_start3A_6] : memref<512x32xf32, #tpu.memory_space<vmem>> -> memref<128x32xf32, #tpu.memory_space<vmem>>
    %dma_start3A_8 = arith.constant 0 : i32
    %dma_start3A_9 = tpu.memref_slice %arg5[%dma_start3A, %dma_start3A_8] : memref<8x128xi32, #tpu.memory_space<vmem>> -> memref<1x128xi32, #tpu.memory_space<vmem>>
    %dma_start3A_10 = tpu.memref_squeeze %dma_start3A_9 : memref<1x128xi32, #tpu.memory_space<vmem>> -> memref<128xi32, #tpu.memory_space<vmem>>
    %dma_start3A_11 = arith.constant 0 : i32
    %dma_start3A_12 = arith.constant 0 : i32
    %dma_start3A_13 = tpu.memref_slice %arg3[%dma_start3A_11, %dma_start3A_12] : memref<9792x32xf32, #tpu.memory_space<hbm>> -> memref<9792x32xf32, #tpu.memory_space<hbm>>
    tpu.enqueue_indirect_dma source(%dma_start3A_13 : memref<9792x32xf32, #tpu.memory_space<hbm>>) target(%dma_start3A_7 : memref<128x32xf32, #tpu.memory_space<vmem>>) offsets(%dma_start3A_10 : memref<128xi32, #tpu.memory_space<vmem>>) semaphore(%arg9 : memref<!tpu.dma_semaphore, #tpu.memory_space<semaphore_mem>>)
    %dma_start3A_14 = arith.constant 1 : i32
    %dma_start3A_15 = arith.constant 128 : i32
    %dma_start3A_16 = arith.constant 0 : i32
    %dma_start3A_17 = tpu.memref_slice %arg7[%dma_start3A_15, %dma_start3A_16] : memref<512x32xf32, #tpu.memory_space<vmem>> -> memref<128x32xf32, #tpu.memory_space<vmem>>
    %dma_start3A_18 = arith.constant 0 : i32
    %dma_start3A_19 = tpu.memref_slice %arg5[%dma_start3A_14, %dma_start3A_18] : memref<8x128xi32, #tpu.memory_space<vmem>> -> memref<1x128xi32, #tpu.memory_space<vmem>>
    %dma_start3A_20 = tpu.memref_squeeze %dma_start3A_19 : memref<1x128xi32, #tpu.memory_space<vmem>> -> memref<128xi32, #tpu.memory_space<vmem>>
    %dma_start3A_21 = arith.constant 0 : i32
    %dma_start3A_22 = arith.constant 0 : i32
    %dma_start3A_23 = tpu.memref_slice %arg3[%dma_start3A_21, %dma_start3A_22] : memref<9792x32xf32, #tpu.memory_space<hbm>> -> memref<9792x32xf32, #tpu.memory_space<hbm>>
    tpu.enqueue_indirect_dma source(%dma_start3A_23 : memref<9792x32xf32, #tpu.memory_space<hbm>>) target(%dma_start3A_17 : memref<128x32xf32, #tpu.memory_space<vmem>>) offsets(%dma_start3A_20 : memref<128xi32, #tpu.memory_space<vmem>>) semaphore(%arg9 : memref<!tpu.dma_semaphore, #tpu.memory_space<semaphore_mem>>)
    %dma_start3A_24 = arith.constant 2 : i32
    %dma_start3A_25 = arith.constant 256 : i32
    %dma_start3A_26 = arith.constant 0 : i32
    %dma_start3A_27 = tpu.memref_slice %arg7[%dma_start3A_25, %dma_start3A_26] : memref<512x32xf32, #tpu.memory_space<vmem>> -> memref<128x32xf32, #tpu.memory_space<vmem>>
    %dma_start3A_28 = arith.constant 0 : i32
    %dma_start3A_29 = tpu.memref_slice %arg5[%dma_start3A_24, %dma_start3A_28] : memref<8x128xi32, #tpu.memory_space<vmem>> -> memref<1x128xi32, #tpu.memory_space<vmem>>
    %dma_start3A_30 = tpu.memref_squeeze %dma_start3A_29 : memref<1x128xi32, #tpu.memory_space<vmem>> -> memref<128xi32, #tpu.memory_space<vmem>>
    %dma_start3A_31 = arith.constant 0 : i32
    %dma_start3A_32 = arith.constant 0 : i32
    %dma_start3A_33 = tpu.memref_slice %arg3[%dma_start3A_31, %dma_start3A_32] : memref<9792x32xf32, #tpu.memory_space<hbm>> -> memref<9792x32xf32, #tpu.memory_space<hbm>>
    tpu.enqueue_indirect_dma source(%dma_start3A_33 : memref<9792x32xf32, #tpu.memory_space<hbm>>) target(%dma_start3A_27 : memref<128x32xf32, #tpu.memory_space<vmem>>) offsets(%dma_start3A_30 : memref<128xi32, #tpu.memory_space<vmem>>) semaphore(%arg9 : memref<!tpu.dma_semaphore, #tpu.memory_space<semaphore_mem>>)
    %dma_start3A_34 = arith.constant 3 : i32
    %dma_start3A_35 = arith.constant 384 : i32
    %dma_start3A_36 = arith.constant 0 : i32
    %dma_start3A_37 = tpu.memref_slice %arg7[%dma_start3A_35, %dma_start3A_36] : memref<512x32xf32, #tpu.memory_space<vmem>> -> memref<128x32xf32, #tpu.memory_space<vmem>>
    %dma_start3A_38 = arith.constant 0 : i32
    %dma_start3A_39 = tpu.memref_slice %arg5[%dma_start3A_34, %dma_start3A_38] : memref<8x128xi32, #tpu.memory_space<vmem>> -> memref<1x128xi32, #tpu.memory_space<vmem>>
    %dma_start3A_40 = tpu.memref_squeeze %dma_start3A_39 : memref<1x128xi32, #tpu.memory_space<vmem>> -> memref<128xi32, #tpu.memory_space<vmem>>
    %dma_start3A_41 = arith.constant 0 : i32
    %dma_start3A_42 = arith.constant 0 : i32
    %dma_start3A_43 = tpu.memref_slice %arg3[%dma_start3A_41, %dma_start3A_42] : memref<9792x32xf32, #tpu.memory_space<hbm>> -> memref<9792x32xf32, #tpu.memory_space<hbm>>
    tpu.enqueue_indirect_dma source(%dma_start3A_43 : memref<9792x32xf32, #tpu.memory_space<hbm>>) target(%dma_start3A_37 : memref<128x32xf32, #tpu.memory_space<vmem>>) offsets(%dma_start3A_40 : memref<128xi32, #tpu.memory_space<vmem>>) semaphore(%arg9 : memref<!tpu.dma_semaphore, #tpu.memory_space<semaphore_mem>>)
    %dma_start3A_44 = arith.constant 4 : i32
    %dma_start3A_45 = arith.constant 0 : i32
    %dma_start3A_46 = arith.constant 0 : i32
    %dma_start3A_47 = tpu.memref_slice %arg8[%dma_start3A_45, %dma_start3A_46] : memref<512x32xf32, #tpu.memory_space<vmem>> -> memref<128x32xf32, #tpu.memory_space<vmem>>
    %dma_start3A_48 = arith.constant 0 : i32
    %dma_start3A_49 = tpu.memref_slice %arg5[%dma_start3A_44, %dma_start3A_48] : memref<8x128xi32, #tpu.memory_space<vmem>> -> memref<1x128xi32, #tpu.memory_space<vmem>>
    %dma_start3A_50 = tpu.memref_squeeze %dma_start3A_49 : memref<1x128xi32, #tpu.memory_space<vmem>> -> memref<128xi32, #tpu.memory_space<vmem>>
    %dma_start3A_51 = arith.constant 0 : i32
    %dma_start3A_52 = arith.constant 0 : i32
    %dma_start3A_53 = tpu.memref_slice %arg3[%dma_start3A_51, %dma_start3A_52] : memref<9792x32xf32, #tpu.memory_space<hbm>> -> memref<9792x32xf32, #tpu.memory_space<hbm>>
    tpu.enqueue_indirect_dma source(%dma_start3A_53 : memref<9792x32xf32, #tpu.memory_space<hbm>>) target(%dma_start3A_47 : memref<128x32xf32, #tpu.memory_space<vmem>>) offsets(%dma_start3A_50 : memref<128xi32, #tpu.memory_space<vmem>>) semaphore(%arg10 : memref<!tpu.dma_semaphore, #tpu.memory_space<semaphore_mem>>)
    %dma_start3A_54 = arith.constant 5 : i32
    %dma_start3A_55 = arith.constant 128 : i32
    %dma_start3A_56 = arith.constant 0 : i32
    %dma_start3A_57 = tpu.memref_slice %arg8[%dma_start3A_55, %dma_start3A_56] : memref<512x32xf32, #tpu.memory_space<vmem>> -> memref<128x32xf32, #tpu.memory_space<vmem>>
    %dma_start3A_58 = arith.constant 0 : i32
    %dma_start3A_59 = tpu.memref_slice %arg5[%dma_start3A_54, %dma_start3A_58] : memref<8x128xi32, #tpu.memory_space<vmem>> -> memref<1x128xi32, #tpu.memory_space<vmem>>
    %dma_start3A_60 = tpu.memref_squeeze %dma_start3A_59 : memref<1x128xi32, #tpu.memory_space<vmem>> -> memref<128xi32, #tpu.memory_space<vmem>>
    %dma_start3A_61 = arith.constant 0 : i32
    %dma_start3A_62 = arith.constant 0 : i32
    %dma_start3A_63 = tpu.memref_slice %arg3[%dma_start3A_61, %dma_start3A_62] : memref<9792x32xf32, #tpu.memory_space<hbm>> -> memref<9792x32xf32, #tpu.memory_space<hbm>>
    tpu.enqueue_indirect_dma source(%dma_start3A_63 : memref<9792x32xf32, #tpu.memory_space<hbm>>) target(%dma_start3A_57 : memref<128x32xf32, #tpu.memory_space<vmem>>) offsets(%dma_start3A_60 : memref<128xi32, #tpu.memory_space<vmem>>) semaphore(%arg10 : memref<!tpu.dma_semaphore, #tpu.memory_space<semaphore_mem>>)
    %dma_start3A_64 = arith.constant 6 : i32
    %dma_start3A_65 = arith.constant 256 : i32
    %dma_start3A_66 = arith.constant 0 : i32
    %dma_start3A_67 = tpu.memref_slice %arg8[%dma_start3A_65, %dma_start3A_66] : memref<512x32xf32, #tpu.memory_space<vmem>> -> memref<128x32xf32, #tpu.memory_space<vmem>>
    %dma_start3A_68 = arith.constant 0 : i32
    %dma_start3A_69 = tpu.memref_slice %arg5[%dma_start3A_64, %dma_start3A_68] : memref<8x128xi32, #tpu.memory_space<vmem>> -> memref<1x128xi32, #tpu.memory_space<vmem>>
    %dma_start3A_70 = tpu.memref_squeeze %dma_start3A_69 : memref<1x128xi32, #tpu.memory_space<vmem>> -> memref<128xi32, #tpu.memory_space<vmem>>
    %dma_start3A_71 = arith.constant 0 : i32
    %dma_start3A_72 = arith.constant 0 : i32
    %dma_start3A_73 = tpu.memref_slice %arg3[%dma_start3A_71, %dma_start3A_72] : memref<9792x32xf32, #tpu.memory_space<hbm>> -> memref<9792x32xf32, #tpu.memory_space<hbm>>
    tpu.enqueue_indirect_dma source(%dma_start3A_73 : memref<9792x32xf32, #tpu.memory_space<hbm>>) target(%dma_start3A_67 : memref<128x32xf32, #tpu.memory_space<vmem>>) offsets(%dma_start3A_70 : memref<128xi32, #tpu.memory_space<vmem>>) semaphore(%arg10 : memref<!tpu.dma_semaphore, #tpu.memory_space<semaphore_mem>>)
    %dma_start3A_74 = arith.constant 7 : i32
    %dma_start3A_75 = arith.constant 384 : i32
    %dma_start3A_76 = arith.constant 0 : i32
    %dma_start3A_77 = tpu.memref_slice %arg8[%dma_start3A_75, %dma_start3A_76] : memref<512x32xf32, #tpu.memory_space<vmem>> -> memref<128x32xf32, #tpu.memory_space<vmem>>
    %dma_start3A_78 = arith.constant 0 : i32
    %dma_start3A_79 = tpu.memref_slice %arg5[%dma_start3A_74, %dma_start3A_78] : memref<8x128xi32, #tpu.memory_space<vmem>> -> memref<1x128xi32, #tpu.memory_space<vmem>>
    %dma_start3A_80 = tpu.memref_squeeze %dma_start3A_79 : memref<1x128xi32, #tpu.memory_space<vmem>> -> memref<128xi32, #tpu.memory_space<vmem>>
    %dma_start3A_81 = arith.constant 0 : i32
    %dma_start3A_82 = arith.constant 0 : i32
    %dma_start3A_83 = tpu.memref_slice %arg3[%dma_start3A_81, %dma_start3A_82] : memref<9792x32xf32, #tpu.memory_space<hbm>> -> memref<9792x32xf32, #tpu.memory_space<hbm>>
    tpu.enqueue_indirect_dma source(%dma_start3A_83 : memref<9792x32xf32, #tpu.memory_space<hbm>>) target(%dma_start3A_77 : memref<128x32xf32, #tpu.memory_space<vmem>>) offsets(%dma_start3A_80 : memref<128xi32, #tpu.memory_space<vmem>>) semaphore(%arg10 : memref<!tpu.dma_semaphore, #tpu.memory_space<semaphore_mem>>)
    %scan3A = arith.constant 0 : i32
    %scan3A_84 = arith.constant 0 : i32
    %scan3A_85 = arith.constant 4 : i32
    %scan3A_86 = arith.addi %scan3A_84, %scan3A_85 : i32
    %scan3A_87 = arith.constant 1 : i32
    scf.for %scan3A_112 = %scan3A_84 to %scan3A_86 step %scan3A_87  : i32 {
      %mul3A_113 = arith.constant 2 : i32
      %mul3A_114 = arith.muli %mul3A_113, %scan3A_112 : i32
      %add3A_115 = arith.constant 1 : i32
      %add3A_116 = arith.addi %mul3A_114, %add3A_115 : i32
      %add3A_117 = arith.constant 2 : i32
      %add3A_118 = arith.addi %mul3A_114, %add3A_117 : i32
      %mul3A_119 = arith.constant 1024 : i32
      %mul3A_120 = arith.muli %add3A_116, %mul3A_119 : i32
      %add3A_121 = arith.constant 512 : i32
      %add3A_122 = arith.addi %mul3A_120, %add3A_121 : i32
      %mul3A_123 = arith.constant 8 : i32
      %mul3A_124 = arith.muli %add3A, %mul3A_123 : i32
      %add3A_125 = arith.addi %add3A_122, %mul3A_124 : i32
      "tpu.region"() ({
        %run_scoped3A = tpu.sem_alloc : memref<!tpu.dma_semaphore, #tpu.memory_space<semaphore_mem>>
        %dma_start3A_345 = arith.constant 0 : i32
        %dma_start3A_346 = tpu.memref_slice %arg2[%add3A_125, %dma_start3A_345] : memref<9216x128xi32, #tpu.memory_space<hbm>> -> memref<8x128xi32, #tpu.memory_space<hbm>>
        %dma_start3A_347 = arith.constant 0 : i32
        %dma_start3A_348 = tpu.memref_slice %arg2[%add3A_125, %dma_start3A_347] : memref<9216x128xi32, #tpu.memory_space<hbm>> -> memref<8x128xi32, #tpu.memory_space<hbm>>
        tpu.enqueue_dma source(%dma_start3A_348 : memref<8x128xi32, #tpu.memory_space<hbm>>) target(%arg6 : memref<8x128xi32, #tpu.memory_space<vmem>>) target_semaphore(%run_scoped3A : memref<!tpu.dma_semaphore, #tpu.memory_space<semaphore_mem>>)
        %dma_wait3A_349 = arith.constant 0 : i32
        %dma_wait3A_350 = tpu.memref_slice %arg2[%add3A_125, %dma_wait3A_349] : memref<9216x128xi32, #tpu.memory_space<hbm>> -> memref<8x128xi32, #tpu.memory_space<hbm>>
        %dma_wait3A_351 = arith.constant 0 : i32
        %dma_wait3A_352 = tpu.memref_slice %arg2[%add3A_125, %dma_wait3A_351] : memref<9216x128xi32, #tpu.memory_space<hbm>> -> memref<8x128xi32, #tpu.memory_space<hbm>>
        tpu.wait_dma2 semaphore(%run_scoped3A : memref<!tpu.dma_semaphore, #tpu.memory_space<semaphore_mem>>) src(%dma_wait3A_352 : memref<8x128xi32, #tpu.memory_space<hbm>>) dst(%arg6 : memref<8x128xi32, #tpu.memory_space<vmem>>)
        tpu.yield
      }) : () -> ()
      %dma_wait3A_126 = arith.constant 0 : i32
      %dma_wait3A_127 = arith.constant 0 : i32
      %dma_wait3A_128 = tpu.memref_slice %arg3[%dma_wait3A_126, %dma_wait3A_127] : memref<9792x32xf32, #tpu.memory_space<hbm>> -> memref<512x32xf32, #tpu.memory_space<hbm>>
      %dma_wait3A_129 = arith.constant 0 : i32
      %dma_wait3A_130 = arith.constant 0 : i32
      %dma_wait3A_131 = tpu.memref_slice %arg3[%dma_wait3A_129, %dma_wait3A_130] : memref<9792x32xf32, #tpu.memory_space<hbm>> -> memref<512x32xf32, #tpu.memory_space<hbm>>
      tpu.wait_dma2 semaphore(%arg9 : memref<!tpu.dma_semaphore, #tpu.memory_space<semaphore_mem>>) src(%dma_wait3A_131 : memref<512x32xf32, #tpu.memory_space<hbm>>) dst(%arg7 : memref<512x32xf32, #tpu.memory_space<vmem>>)
      %mul3A_132 = arith.constant 32768 : i32
      %mul3A_133 = arith.muli %mul3A_114, %mul3A_132 : i32
      %mul3A_134 = arith.constant 1024 : i32
      %mul3A_135 = arith.muli %add3A, %mul3A_134 : i32
      %add3A_136 = arith.addi %mul3A_133, %mul3A_135 : i32
      %add3A_137 = arith.constant 0 : i32
      %add3A_138 = arith.addi %add3A_136, %add3A_137 : i32
      "tpu.region"() ({
        %run_scoped3A = tpu.sem_alloc : memref<!tpu.dma_semaphore, #tpu.memory_space<semaphore_mem>>
        %dma_start3A_345 = arith.constant 0 : i32
        %dma_start3A_346 = tpu.memref_slice %arg4[%add3A_138, %dma_start3A_345] : memref<294912x32xf32, #tpu.memory_space<hbm>> -> memref<512x32xf32, #tpu.memory_space<hbm>>
        %dma_start3A_347 = arith.constant 0 : i32
        %dma_start3A_348 = tpu.memref_slice %arg4[%add3A_138, %dma_start3A_347] : memref<294912x32xf32, #tpu.memory_space<hbm>> -> memref<512x32xf32, #tpu.memory_space<hbm>>
        tpu.enqueue_dma source(%arg7 : memref<512x32xf32, #tpu.memory_space<vmem>>) target(%dma_start3A_348 : memref<512x32xf32, #tpu.memory_space<hbm>>) target_semaphore(%run_scoped3A : memref<!tpu.dma_semaphore, #tpu.memory_space<semaphore_mem>>)
        %dma_wait3A_349 = arith.constant 0 : i32
        %dma_wait3A_350 = tpu.memref_slice %arg4[%add3A_138, %dma_wait3A_349] : memref<294912x32xf32, #tpu.memory_space<hbm>> -> memref<512x32xf32, #tpu.memory_space<hbm>>
        %dma_wait3A_351 = arith.constant 0 : i32
        %dma_wait3A_352 = tpu.memref_slice %arg4[%add3A_138, %dma_wait3A_351] : memref<294912x32xf32, #tpu.memory_space<hbm>> -> memref<512x32xf32, #tpu.memory_space<hbm>>
        tpu.wait_dma2 semaphore(%run_scoped3A : memref<!tpu.dma_semaphore, #tpu.memory_space<semaphore_mem>>) src(%arg7 : memref<512x32xf32, #tpu.memory_space<vmem>>) dst(%dma_wait3A_352 : memref<512x32xf32, #tpu.memory_space<hbm>>)
        tpu.yield
      }) : () -> ()
      %dma_start3A_139 = arith.constant 0 : i32
      %dma_start3A_140 = arith.constant 0 : i32
      %dma_start3A_141 = arith.constant 0 : i32
      %dma_start3A_142 = tpu.memref_slice %arg7[%dma_start3A_140, %dma_start3A_141] : memref<512x32xf32, #tpu.memory_space<vmem>> -> memref<128x32xf32, #tpu.memory_space<vmem>>
      %dma_start3A_143 = arith.constant 0 : i32
      %dma_start3A_144 = tpu.memref_slice %arg6[%dma_start3A_139, %dma_start3A_143] : memref<8x128xi32, #tpu.memory_space<vmem>> -> memref<1x128xi32, #tpu.memory_space<vmem>>
      %dma_start3A_145 = tpu.memref_squeeze %dma_start3A_144 : memref<1x128xi32, #tpu.memory_space<vmem>> -> memref<128xi32, #tpu.memory_space<vmem>>
      %dma_start3A_146 = arith.constant 0 : i32
      %dma_start3A_147 = arith.constant 0 : i32
      %dma_start3A_148 = tpu.memref_slice %arg3[%dma_start3A_146, %dma_start3A_147] : memref<9792x32xf32, #tpu.memory_space<hbm>> -> memref<9792x32xf32, #tpu.memory_space<hbm>>
      tpu.enqueue_indirect_dma source(%dma_start3A_148 : memref<9792x32xf32, #tpu.memory_space<hbm>>) target(%dma_start3A_142 : memref<128x32xf32, #tpu.memory_space<vmem>>) offsets(%dma_start3A_145 : memref<128xi32, #tpu.memory_space<vmem>>) semaphore(%arg9 : memref<!tpu.dma_semaphore, #tpu.memory_space<semaphore_mem>>)
      %dma_start3A_149 = arith.constant 1 : i32
      %dma_start3A_150 = arith.constant 128 : i32
      %dma_start3A_151 = arith.constant 0 : i32
      %dma_start3A_152 = tpu.memref_slice %arg7[%dma_start3A_150, %dma_start3A_151] : memref<512x32xf32, #tpu.memory_space<vmem>> -> memref<128x32xf32, #tpu.memory_space<vmem>>
      %dma_start3A_153 = arith.constant 0 : i32
      %dma_start3A_154 = tpu.memref_slice %arg6[%dma_start3A_149, %dma_start3A_153] : memref<8x128xi32, #tpu.memory_space<vmem>> -> memref<1x128xi32, #tpu.memory_space<vmem>>
      %dma_start3A_155 = tpu.memref_squeeze %dma_start3A_154 : memref<1x128xi32, #tpu.memory_space<vmem>> -> memref<128xi32, #tpu.memory_space<vmem>>
      %dma_start3A_156 = arith.constant 0 : i32
      %dma_start3A_157 = arith.constant 0 : i32
      %dma_start3A_158 = tpu.memref_slice %arg3[%dma_start3A_156, %dma_start3A_157] : memref<9792x32xf32, #tpu.memory_space<hbm>> -> memref<9792x32xf32, #tpu.memory_space<hbm>>
      tpu.enqueue_indirect_dma source(%dma_start3A_158 : memref<9792x32xf32, #tpu.memory_space<hbm>>) target(%dma_start3A_152 : memref<128x32xf32, #tpu.memory_space<vmem>>) offsets(%dma_start3A_155 : memref<128xi32, #tpu.memory_space<vmem>>) semaphore(%arg9 : memref<!tpu.dma_semaphore, #tpu.memory_space<semaphore_mem>>)
      %dma_start3A_159 = arith.constant 2 : i32
      %dma_start3A_160 = arith.constant 256 : i32
      %dma_start3A_161 = arith.constant 0 : i32
      %dma_start3A_162 = tpu.memref_slice %arg7[%dma_start3A_160, %dma_start3A_161] : memref<512x32xf32, #tpu.memory_space<vmem>> -> memref<128x32xf32, #tpu.memory_space<vmem>>
      %dma_start3A_163 = arith.constant 0 : i32
      %dma_start3A_164 = tpu.memref_slice %arg6[%dma_start3A_159, %dma_start3A_163] : memref<8x128xi32, #tpu.memory_space<vmem>> -> memref<1x128xi32, #tpu.memory_space<vmem>>
      %dma_start3A_165 = tpu.memref_squeeze %dma_start3A_164 : memref<1x128xi32, #tpu.memory_space<vmem>> -> memref<128xi32, #tpu.memory_space<vmem>>
      %dma_start3A_166 = arith.constant 0 : i32
      %dma_start3A_167 = arith.constant 0 : i32
      %dma_start3A_168 = tpu.memref_slice %arg3[%dma_start3A_166, %dma_start3A_167] : memref<9792x32xf32, #tpu.memory_space<hbm>> -> memref<9792x32xf32, #tpu.memory_space<hbm>>
      tpu.enqueue_indirect_dma source(%dma_start3A_168 : memref<9792x32xf32, #tpu.memory_space<hbm>>) target(%dma_start3A_162 : memref<128x32xf32, #tpu.memory_space<vmem>>) offsets(%dma_start3A_165 : memref<128xi32, #tpu.memory_space<vmem>>) semaphore(%arg9 : memref<!tpu.dma_semaphore, #tpu.memory_space<semaphore_mem>>)
      %dma_start3A_169 = arith.constant 3 : i32
      %dma_start3A_170 = arith.constant 384 : i32
      %dma_start3A_171 = arith.constant 0 : i32
      %dma_start3A_172 = tpu.memref_slice %arg7[%dma_start3A_170, %dma_start3A_171] : memref<512x32xf32, #tpu.memory_space<vmem>> -> memref<128x32xf32, #tpu.memory_space<vmem>>
      %dma_start3A_173 = arith.constant 0 : i32
      %dma_start3A_174 = tpu.memref_slice %arg6[%dma_start3A_169, %dma_start3A_173] : memref<8x128xi32, #tpu.memory_space<vmem>> -> memref<1x128xi32, #tpu.memory_space<vmem>>
      %dma_start3A_175 = tpu.memref_squeeze %dma_start3A_174 : memref<1x128xi32, #tpu.memory_space<vmem>> -> memref<128xi32, #tpu.memory_space<vmem>>
      %dma_start3A_176 = arith.constant 0 : i32
      %dma_start3A_177 = arith.constant 0 : i32
      %dma_start3A_178 = tpu.memref_slice %arg3[%dma_start3A_176, %dma_start3A_177] : memref<9792x32xf32, #tpu.memory_space<hbm>> -> memref<9792x32xf32, #tpu.memory_space<hbm>>
      tpu.enqueue_indirect_dma source(%dma_start3A_178 : memref<9792x32xf32, #tpu.memory_space<hbm>>) target(%dma_start3A_172 : memref<128x32xf32, #tpu.memory_space<vmem>>) offsets(%dma_start3A_175 : memref<128xi32, #tpu.memory_space<vmem>>) semaphore(%arg9 : memref<!tpu.dma_semaphore, #tpu.memory_space<semaphore_mem>>)
      %dma_wait3A_179 = arith.constant 0 : i32
      %dma_wait3A_180 = arith.constant 0 : i32
      %dma_wait3A_181 = tpu.memref_slice %arg3[%dma_wait3A_179, %dma_wait3A_180] : memref<9792x32xf32, #tpu.memory_space<hbm>> -> memref<512x32xf32, #tpu.memory_space<hbm>>
      %dma_wait3A_182 = arith.constant 0 : i32
      %dma_wait3A_183 = arith.constant 0 : i32
      %dma_wait3A_184 = tpu.memref_slice %arg3[%dma_wait3A_182, %dma_wait3A_183] : memref<9792x32xf32, #tpu.memory_space<hbm>> -> memref<512x32xf32, #tpu.memory_space<hbm>>
      tpu.wait_dma2 semaphore(%arg10 : memref<!tpu.dma_semaphore, #tpu.memory_space<semaphore_mem>>) src(%dma_wait3A_184 : memref<512x32xf32, #tpu.memory_space<hbm>>) dst(%arg8 : memref<512x32xf32, #tpu.memory_space<vmem>>)
      %mul3A_185 = arith.constant 32768 : i32
      %mul3A_186 = arith.muli %mul3A_114, %mul3A_185 : i32
      %mul3A_187 = arith.constant 1024 : i32
      %mul3A_188 = arith.muli %add3A, %mul3A_187 : i32
      %add3A_189 = arith.addi %mul3A_186, %mul3A_188 : i32
      %add3A_190 = arith.constant 512 : i32
      %add3A_191 = arith.addi %add3A_189, %add3A_190 : i32
      "tpu.region"() ({
        %run_scoped3A = tpu.sem_alloc : memref<!tpu.dma_semaphore, #tpu.memory_space<semaphore_mem>>
        %dma_start3A_345 = arith.constant 0 : i32
        %dma_start3A_346 = tpu.memref_slice %arg4[%add3A_191, %dma_start3A_345] : memref<294912x32xf32, #tpu.memory_space<hbm>> -> memref<512x32xf32, #tpu.memory_space<hbm>>
        %dma_start3A_347 = arith.constant 0 : i32
        %dma_start3A_348 = tpu.memref_slice %arg4[%add3A_191, %dma_start3A_347] : memref<294912x32xf32, #tpu.memory_space<hbm>> -> memref<512x32xf32, #tpu.memory_space<hbm>>
        tpu.enqueue_dma source(%arg8 : memref<512x32xf32, #tpu.memory_space<vmem>>) target(%dma_start3A_348 : memref<512x32xf32, #tpu.memory_space<hbm>>) target_semaphore(%run_scoped3A : memref<!tpu.dma_semaphore, #tpu.memory_space<semaphore_mem>>)
        %dma_wait3A_349 = arith.constant 0 : i32
        %dma_wait3A_350 = tpu.memref_slice %arg4[%add3A_191, %dma_wait3A_349] : memref<294912x32xf32, #tpu.memory_space<hbm>> -> memref<512x32xf32, #tpu.memory_space<hbm>>
        %dma_wait3A_351 = arith.constant 0 : i32
        %dma_wait3A_352 = tpu.memref_slice %arg4[%add3A_191, %dma_wait3A_351] : memref<294912x32xf32, #tpu.memory_space<hbm>> -> memref<512x32xf32, #tpu.memory_space<hbm>>
        tpu.wait_dma2 semaphore(%run_scoped3A : memref<!tpu.dma_semaphore, #tpu.memory_space<semaphore_mem>>) src(%arg8 : memref<512x32xf32, #tpu.memory_space<vmem>>) dst(%dma_wait3A_352 : memref<512x32xf32, #tpu.memory_space<hbm>>)
        tpu.yield
      }) : () -> ()
      %dma_start3A_192 = arith.constant 4 : i32
      %dma_start3A_193 = arith.constant 0 : i32
      %dma_start3A_194 = arith.constant 0 : i32
      %dma_start3A_195 = tpu.memref_slice %arg8[%dma_start3A_193, %dma_start3A_194] : memref<512x32xf32, #tpu.memory_space<vmem>> -> memref<128x32xf32, #tpu.memory_space<vmem>>
      %dma_start3A_196 = arith.constant 0 : i32
      %dma_start3A_197 = tpu.memref_slice %arg6[%dma_start3A_192, %dma_start3A_196] : memref<8x128xi32, #tpu.memory_space<vmem>> -> memref<1x128xi32, #tpu.memory_space<vmem>>
      %dma_start3A_198 = tpu.memref_squeeze %dma_start3A_197 : memref<1x128xi32, #tpu.memory_space<vmem>> -> memref<128xi32, #tpu.memory_space<vmem>>
      %dma_start3A_199 = arith.constant 0 : i32
      %dma_start3A_200 = arith.constant 0 : i32
      %dma_start3A_201 = tpu.memref_slice %arg3[%dma_start3A_199, %dma_start3A_200] : memref<9792x32xf32, #tpu.memory_space<hbm>> -> memref<9792x32xf32, #tpu.memory_space<hbm>>
      tpu.enqueue_indirect_dma source(%dma_start3A_201 : memref<9792x32xf32, #tpu.memory_space<hbm>>) target(%dma_start3A_195 : memref<128x32xf32, #tpu.memory_space<vmem>>) offsets(%dma_start3A_198 : memref<128xi32, #tpu.memory_space<vmem>>) semaphore(%arg10 : memref<!tpu.dma_semaphore, #tpu.memory_space<semaphore_mem>>)
      %dma_start3A_202 = arith.constant 5 : i32
      %dma_start3A_203 = arith.constant 128 : i32
      %dma_start3A_204 = arith.constant 0 : i32
      %dma_start3A_205 = tpu.memref_slice %arg8[%dma_start3A_203, %dma_start3A_204] : memref<512x32xf32, #tpu.memory_space<vmem>> -> memref<128x32xf32, #tpu.memory_space<vmem>>
      %dma_start3A_206 = arith.constant 0 : i32
      %dma_start3A_207 = tpu.memref_slice %arg6[%dma_start3A_202, %dma_start3A_206] : memref<8x128xi32, #tpu.memory_space<vmem>> -> memref<1x128xi32, #tpu.memory_space<vmem>>
      %dma_start3A_208 = tpu.memref_squeeze %dma_start3A_207 : memref<1x128xi32, #tpu.memory_space<vmem>> -> memref<128xi32, #tpu.memory_space<vmem>>
      %dma_start3A_209 = arith.constant 0 : i32
      %dma_start3A_210 = arith.constant 0 : i32
      %dma_start3A_211 = tpu.memref_slice %arg3[%dma_start3A_209, %dma_start3A_210] : memref<9792x32xf32, #tpu.memory_space<hbm>> -> memref<9792x32xf32, #tpu.memory_space<hbm>>
      tpu.enqueue_indirect_dma source(%dma_start3A_211 : memref<9792x32xf32, #tpu.memory_space<hbm>>) target(%dma_start3A_205 : memref<128x32xf32, #tpu.memory_space<vmem>>) offsets(%dma_start3A_208 : memref<128xi32, #tpu.memory_space<vmem>>) semaphore(%arg10 : memref<!tpu.dma_semaphore, #tpu.memory_space<semaphore_mem>>)
      %dma_start3A_212 = arith.constant 6 : i32
      %dma_start3A_213 = arith.constant 256 : i32
      %dma_start3A_214 = arith.constant 0 : i32
      %dma_start3A_215 = tpu.memref_slice %arg8[%dma_start3A_213, %dma_start3A_214] : memref<512x32xf32, #tpu.memory_space<vmem>> -> memref<128x32xf32, #tpu.memory_space<vmem>>
      %dma_start3A_216 = arith.constant 0 : i32
      %dma_start3A_217 = tpu.memref_slice %arg6[%dma_start3A_212, %dma_start3A_216] : memref<8x128xi32, #tpu.memory_space<vmem>> -> memref<1x128xi32, #tpu.memory_space<vmem>>
      %dma_start3A_218 = tpu.memref_squeeze %dma_start3A_217 : memref<1x128xi32, #tpu.memory_space<vmem>> -> memref<128xi32, #tpu.memory_space<vmem>>
      %dma_start3A_219 = arith.constant 0 : i32
      %dma_start3A_220 = arith.constant 0 : i32
      %dma_start3A_221 = tpu.memref_slice %arg3[%dma_start3A_219, %dma_start3A_220] : memref<9792x32xf32, #tpu.memory_space<hbm>> -> memref<9792x32xf32, #tpu.memory_space<hbm>>
      tpu.enqueue_indirect_dma source(%dma_start3A_221 : memref<9792x32xf32, #tpu.memory_space<hbm>>) target(%dma_start3A_215 : memref<128x32xf32, #tpu.memory_space<vmem>>) offsets(%dma_start3A_218 : memref<128xi32, #tpu.memory_space<vmem>>) semaphore(%arg10 : memref<!tpu.dma_semaphore, #tpu.memory_space<semaphore_mem>>)
      %dma_start3A_222 = arith.constant 7 : i32
      %dma_start3A_223 = arith.constant 384 : i32
      %dma_start3A_224 = arith.constant 0 : i32
      %dma_start3A_225 = tpu.memref_slice %arg8[%dma_start3A_223, %dma_start3A_224] : memref<512x32xf32, #tpu.memory_space<vmem>> -> memref<128x32xf32, #tpu.memory_space<vmem>>
      %dma_start3A_226 = arith.constant 0 : i32
      %dma_start3A_227 = tpu.memref_slice %arg6[%dma_start3A_222, %dma_start3A_226] : memref<8x128xi32, #tpu.memory_space<vmem>> -> memref<1x128xi32, #tpu.memory_space<vmem>>
      %dma_start3A_228 = tpu.memref_squeeze %dma_start3A_227 : memref<1x128xi32, #tpu.memory_space<vmem>> -> memref<128xi32, #tpu.memory_space<vmem>>
      %dma_start3A_229 = arith.constant 0 : i32
      %dma_start3A_230 = arith.constant 0 : i32
      %dma_start3A_231 = tpu.memref_slice %arg3[%dma_start3A_229, %dma_start3A_230] : memref<9792x32xf32, #tpu.memory_space<hbm>> -> memref<9792x32xf32, #tpu.memory_space<hbm>>
      tpu.enqueue_indirect_dma source(%dma_start3A_231 : memref<9792x32xf32, #tpu.memory_space<hbm>>) target(%dma_start3A_225 : memref<128x32xf32, #tpu.memory_space<vmem>>) offsets(%dma_start3A_228 : memref<128xi32, #tpu.memory_space<vmem>>) semaphore(%arg10 : memref<!tpu.dma_semaphore, #tpu.memory_space<semaphore_mem>>)
      %mul3A_232 = arith.constant 1024 : i32
      %mul3A_233 = arith.muli %add3A_118, %mul3A_232 : i32
      %add3A_234 = arith.constant 512 : i32
      %add3A_235 = arith.addi %mul3A_233, %add3A_234 : i32
      %mul3A_236 = arith.constant 8 : i32
      %mul3A_237 = arith.muli %add3A, %mul3A_236 : i32
      %add3A_238 = arith.addi %add3A_235, %mul3A_237 : i32
      "tpu.region"() ({
        %run_scoped3A = tpu.sem_alloc : memref<!tpu.dma_semaphore, #tpu.memory_space<semaphore_mem>>
        %dma_start3A_345 = arith.constant 0 : i32
        %dma_start3A_346 = tpu.memref_slice %arg2[%add3A_238, %dma_start3A_345] : memref<9216x128xi32, #tpu.memory_space<hbm>> -> memref<8x128xi32, #tpu.memory_space<hbm>>
        %dma_start3A_347 = arith.constant 0 : i32
        %dma_start3A_348 = tpu.memref_slice %arg2[%add3A_238, %dma_start3A_347] : memref<9216x128xi32, #tpu.memory_space<hbm>> -> memref<8x128xi32, #tpu.memory_space<hbm>>
        tpu.enqueue_dma source(%dma_start3A_348 : memref<8x128xi32, #tpu.memory_space<hbm>>) target(%arg5 : memref<8x128xi32, #tpu.memory_space<vmem>>) target_semaphore(%run_scoped3A : memref<!tpu.dma_semaphore, #tpu.memory_space<semaphore_mem>>)
        %dma_wait3A_349 = arith.constant 0 : i32
        %dma_wait3A_350 = tpu.memref_slice %arg2[%add3A_238, %dma_wait3A_349] : memref<9216x128xi32, #tpu.memory_space<hbm>> -> memref<8x128xi32, #tpu.memory_space<hbm>>
        %dma_wait3A_351 = arith.constant 0 : i32
        %dma_wait3A_352 = tpu.memref_slice %arg2[%add3A_238, %dma_wait3A_351] : memref<9216x128xi32, #tpu.memory_space<hbm>> -> memref<8x128xi32, #tpu.memory_space<hbm>>
        tpu.wait_dma2 semaphore(%run_scoped3A : memref<!tpu.dma_semaphore, #tpu.memory_space<semaphore_mem>>) src(%dma_wait3A_352 : memref<8x128xi32, #tpu.memory_space<hbm>>) dst(%arg5 : memref<8x128xi32, #tpu.memory_space<vmem>>)
        tpu.yield
      }) : () -> ()
      %dma_wait3A_239 = arith.constant 0 : i32
      %dma_wait3A_240 = arith.constant 0 : i32
      %dma_wait3A_241 = tpu.memref_slice %arg3[%dma_wait3A_239, %dma_wait3A_240] : memref<9792x32xf32, #tpu.memory_space<hbm>> -> memref<512x32xf32, #tpu.memory_space<hbm>>
      %dma_wait3A_242 = arith.constant 0 : i32
      %dma_wait3A_243 = arith.constant 0 : i32
      %dma_wait3A_244 = tpu.memref_slice %arg3[%dma_wait3A_242, %dma_wait3A_243] : memref<9792x32xf32, #tpu.memory_space<hbm>> -> memref<512x32xf32, #tpu.memory_space<hbm>>
      tpu.wait_dma2 semaphore(%arg9 : memref<!tpu.dma_semaphore, #tpu.memory_space<semaphore_mem>>) src(%dma_wait3A_244 : memref<512x32xf32, #tpu.memory_space<hbm>>) dst(%arg7 : memref<512x32xf32, #tpu.memory_space<vmem>>)
      %mul3A_245 = arith.constant 32768 : i32
      %mul3A_246 = arith.muli %add3A_116, %mul3A_245 : i32
      %mul3A_247 = arith.constant 1024 : i32
      %mul3A_248 = arith.muli %add3A, %mul3A_247 : i32
      %add3A_249 = arith.addi %mul3A_246, %mul3A_248 : i32
      %add3A_250 = arith.constant 0 : i32
      %add3A_251 = arith.addi %add3A_249, %add3A_250 : i32
      "tpu.region"() ({
        %run_scoped3A = tpu.sem_alloc : memref<!tpu.dma_semaphore, #tpu.memory_space<semaphore_mem>>
        %dma_start3A_345 = arith.constant 0 : i32
        %dma_start3A_346 = tpu.memref_slice %arg4[%add3A_251, %dma_start3A_345] : memref<294912x32xf32, #tpu.memory_space<hbm>> -> memref<512x32xf32, #tpu.memory_space<hbm>>
        %dma_start3A_347 = arith.constant 0 : i32
        %dma_start3A_348 = tpu.memref_slice %arg4[%add3A_251, %dma_start3A_347] : memref<294912x32xf32, #tpu.memory_space<hbm>> -> memref<512x32xf32, #tpu.memory_space<hbm>>
        tpu.enqueue_dma source(%arg7 : memref<512x32xf32, #tpu.memory_space<vmem>>) target(%dma_start3A_348 : memref<512x32xf32, #tpu.memory_space<hbm>>) target_semaphore(%run_scoped3A : memref<!tpu.dma_semaphore, #tpu.memory_space<semaphore_mem>>)
        %dma_wait3A_349 = arith.constant 0 : i32
        %dma_wait3A_350 = tpu.memref_slice %arg4[%add3A_251, %dma_wait3A_349] : memref<294912x32xf32, #tpu.memory_space<hbm>> -> memref<512x32xf32, #tpu.memory_space<hbm>>
        %dma_wait3A_351 = arith.constant 0 : i32
        %dma_wait3A_352 = tpu.memref_slice %arg4[%add3A_251, %dma_wait3A_351] : memref<294912x32xf32, #tpu.memory_space<hbm>> -> memref<512x32xf32, #tpu.memory_space<hbm>>
        tpu.wait_dma2 semaphore(%run_scoped3A : memref<!tpu.dma_semaphore, #tpu.memory_space<semaphore_mem>>) src(%arg7 : memref<512x32xf32, #tpu.memory_space<vmem>>) dst(%dma_wait3A_352 : memref<512x32xf32, #tpu.memory_space<hbm>>)
        tpu.yield
      }) : () -> ()
      %dma_start3A_252 = arith.constant 0 : i32
      %dma_start3A_253 = arith.constant 0 : i32
      %dma_start3A_254 = arith.constant 0 : i32
      %dma_start3A_255 = tpu.memref_slice %arg7[%dma_start3A_253, %dma_start3A_254] : memref<512x32xf32, #tpu.memory_space<vmem>> -> memref<128x32xf32, #tpu.memory_space<vmem>>
      %dma_start3A_256 = arith.constant 0 : i32
      %dma_start3A_257 = tpu.memref_slice %arg5[%dma_start3A_252, %dma_start3A_256] : memref<8x128xi32, #tpu.memory_space<vmem>> -> memref<1x128xi32, #tpu.memory_space<vmem>>
      %dma_start3A_258 = tpu.memref_squeeze %dma_start3A_257 : memref<1x128xi32, #tpu.memory_space<vmem>> -> memref<128xi32, #tpu.memory_space<vmem>>
      %dma_start3A_259 = arith.constant 0 : i32
      %dma_start3A_260 = arith.constant 0 : i32
      %dma_start3A_261 = tpu.memref_slice %arg3[%dma_start3A_259, %dma_start3A_260] : memref<9792x32xf32, #tpu.memory_space<hbm>> -> memref<9792x32xf32, #tpu.memory_space<hbm>>
      tpu.enqueue_indirect_dma source(%dma_start3A_261 : memref<9792x32xf32, #tpu.memory_space<hbm>>) target(%dma_start3A_255 : memref<128x32xf32, #tpu.memory_space<vmem>>) offsets(%dma_start3A_258 : memref<128xi32, #tpu.memory_space<vmem>>) semaphore(%arg9 : memref<!tpu.dma_semaphore, #tpu.memory_space<semaphore_mem>>)
      %dma_start3A_262 = arith.constant 1 : i32
      %dma_start3A_263 = arith.constant 128 : i32
      %dma_start3A_264 = arith.constant 0 : i32
      %dma_start3A_265 = tpu.memref_slice %arg7[%dma_start3A_263, %dma_start3A_264] : memref<512x32xf32, #tpu.memory_space<vmem>> -> memref<128x32xf32, #tpu.memory_space<vmem>>
      %dma_start3A_266 = arith.constant 0 : i32
      %dma_start3A_267 = tpu.memref_slice %arg5[%dma_start3A_262, %dma_start3A_266] : memref<8x128xi32, #tpu.memory_space<vmem>> -> memref<1x128xi32, #tpu.memory_space<vmem>>
      %dma_start3A_268 = tpu.memref_squeeze %dma_start3A_267 : memref<1x128xi32, #tpu.memory_space<vmem>> -> memref<128xi32, #tpu.memory_space<vmem>>
      %dma_start3A_269 = arith.constant 0 : i32
      %dma_start3A_270 = arith.constant 0 : i32
      %dma_start3A_271 = tpu.memref_slice %arg3[%dma_start3A_269, %dma_start3A_270] : memref<9792x32xf32, #tpu.memory_space<hbm>> -> memref<9792x32xf32, #tpu.memory_space<hbm>>
      tpu.enqueue_indirect_dma source(%dma_start3A_271 : memref<9792x32xf32, #tpu.memory_space<hbm>>) target(%dma_start3A_265 : memref<128x32xf32, #tpu.memory_space<vmem>>) offsets(%dma_start3A_268 : memref<128xi32, #tpu.memory_space<vmem>>) semaphore(%arg9 : memref<!tpu.dma_semaphore, #tpu.memory_space<semaphore_mem>>)
      %dma_start3A_272 = arith.constant 2 : i32
      %dma_start3A_273 = arith.constant 256 : i32
      %dma_start3A_274 = arith.constant 0 : i32
      %dma_start3A_275 = tpu.memref_slice %arg7[%dma_start3A_273, %dma_start3A_274] : memref<512x32xf32, #tpu.memory_space<vmem>> -> memref<128x32xf32, #tpu.memory_space<vmem>>
      %dma_start3A_276 = arith.constant 0 : i32
      %dma_start3A_277 = tpu.memref_slice %arg5[%dma_start3A_272, %dma_start3A_276] : memref<8x128xi32, #tpu.memory_space<vmem>> -> memref<1x128xi32, #tpu.memory_space<vmem>>
      %dma_start3A_278 = tpu.memref_squeeze %dma_start3A_277 : memref<1x128xi32, #tpu.memory_space<vmem>> -> memref<128xi32, #tpu.memory_space<vmem>>
      %dma_start3A_279 = arith.constant 0 : i32
      %dma_start3A_280 = arith.constant 0 : i32
      %dma_start3A_281 = tpu.memref_slice %arg3[%dma_start3A_279, %dma_start3A_280] : memref<9792x32xf32, #tpu.memory_space<hbm>> -> memref<9792x32xf32, #tpu.memory_space<hbm>>
      tpu.enqueue_indirect_dma source(%dma_start3A_281 : memref<9792x32xf32, #tpu.memory_space<hbm>>) target(%dma_start3A_275 : memref<128x32xf32, #tpu.memory_space<vmem>>) offsets(%dma_start3A_278 : memref<128xi32, #tpu.memory_space<vmem>>) semaphore(%arg9 : memref<!tpu.dma_semaphore, #tpu.memory_space<semaphore_mem>>)
      %dma_start3A_282 = arith.constant 3 : i32
      %dma_start3A_283 = arith.constant 384 : i32
      %dma_start3A_284 = arith.constant 0 : i32
      %dma_start3A_285 = tpu.memref_slice %arg7[%dma_start3A_283, %dma_start3A_284] : memref<512x32xf32, #tpu.memory_space<vmem>> -> memref<128x32xf32, #tpu.memory_space<vmem>>
      %dma_start3A_286 = arith.constant 0 : i32
      %dma_start3A_287 = tpu.memref_slice %arg5[%dma_start3A_282, %dma_start3A_286] : memref<8x128xi32, #tpu.memory_space<vmem>> -> memref<1x128xi32, #tpu.memory_space<vmem>>
      %dma_start3A_288 = tpu.memref_squeeze %dma_start3A_287 : memref<1x128xi32, #tpu.memory_space<vmem>> -> memref<128xi32, #tpu.memory_space<vmem>>
      %dma_start3A_289 = arith.constant 0 : i32
      %dma_start3A_290 = arith.constant 0 : i32
      %dma_start3A_291 = tpu.memref_slice %arg3[%dma_start3A_289, %dma_start3A_290] : memref<9792x32xf32, #tpu.memory_space<hbm>> -> memref<9792x32xf32, #tpu.memory_space<hbm>>
      tpu.enqueue_indirect_dma source(%dma_start3A_291 : memref<9792x32xf32, #tpu.memory_space<hbm>>) target(%dma_start3A_285 : memref<128x32xf32, #tpu.memory_space<vmem>>) offsets(%dma_start3A_288 : memref<128xi32, #tpu.memory_space<vmem>>) semaphore(%arg9 : memref<!tpu.dma_semaphore, #tpu.memory_space<semaphore_mem>>)
      %dma_wait3A_292 = arith.constant 0 : i32
      %dma_wait3A_293 = arith.constant 0 : i32
      %dma_wait3A_294 = tpu.memref_slice %arg3[%dma_wait3A_292, %dma_wait3A_293] : memref<9792x32xf32, #tpu.memory_space<hbm>> -> memref<512x32xf32, #tpu.memory_space<hbm>>
      %dma_wait3A_295 = arith.constant 0 : i32
      %dma_wait3A_296 = arith.constant 0 : i32
      %dma_wait3A_297 = tpu.memref_slice %arg3[%dma_wait3A_295, %dma_wait3A_296] : memref<9792x32xf32, #tpu.memory_space<hbm>> -> memref<512x32xf32, #tpu.memory_space<hbm>>
      tpu.wait_dma2 semaphore(%arg10 : memref<!tpu.dma_semaphore, #tpu.memory_space<semaphore_mem>>) src(%dma_wait3A_297 : memref<512x32xf32, #tpu.memory_space<hbm>>) dst(%arg8 : memref<512x32xf32, #tpu.memory_space<vmem>>)
      %mul3A_298 = arith.constant 32768 : i32
      %mul3A_299 = arith.muli %add3A_116, %mul3A_298 : i32
      %mul3A_300 = arith.constant 1024 : i32
      %mul3A_301 = arith.muli %add3A, %mul3A_300 : i32
      %add3A_302 = arith.addi %mul3A_299, %mul3A_301 : i32
      %add3A_303 = arith.constant 512 : i32
      %add3A_304 = arith.addi %add3A_302, %add3A_303 : i32
      "tpu.region"() ({
        %run_scoped3A = tpu.sem_alloc : memref<!tpu.dma_semaphore, #tpu.memory_space<semaphore_mem>>
        %dma_start3A_345 = arith.constant 0 : i32
        %dma_start3A_346 = tpu.memref_slice %arg4[%add3A_304, %dma_start3A_345] : memref<294912x32xf32, #tpu.memory_space<hbm>> -> memref<512x32xf32, #tpu.memory_space<hbm>>
        %dma_start3A_347 = arith.constant 0 : i32
        %dma_start3A_348 = tpu.memref_slice %arg4[%add3A_304, %dma_start3A_347] : memref<294912x32xf32, #tpu.memory_space<hbm>> -> memref<512x32xf32, #tpu.memory_space<hbm>>
        tpu.enqueue_dma source(%arg8 : memref<512x32xf32, #tpu.memory_space<vmem>>) target(%dma_start3A_348 : memref<512x32xf32, #tpu.memory_space<hbm>>) target_semaphore(%run_scoped3A : memref<!tpu.dma_semaphore, #tpu.memory_space<semaphore_mem>>)
        %dma_wait3A_349 = arith.constant 0 : i32
        %dma_wait3A_350 = tpu.memref_slice %arg4[%add3A_304, %dma_wait3A_349] : memref<294912x32xf32, #tpu.memory_space<hbm>> -> memref<512x32xf32, #tpu.memory_space<hbm>>
        %dma_wait3A_351 = arith.constant 0 : i32
        %dma_wait3A_352 = tpu.memref_slice %arg4[%add3A_304, %dma_wait3A_351] : memref<294912x32xf32, #tpu.memory_space<hbm>> -> memref<512x32xf32, #tpu.memory_space<hbm>>
        tpu.wait_dma2 semaphore(%run_scoped3A : memref<!tpu.dma_semaphore, #tpu.memory_space<semaphore_mem>>) src(%arg8 : memref<512x32xf32, #tpu.memory_space<vmem>>) dst(%dma_wait3A_352 : memref<512x32xf32, #tpu.memory_space<hbm>>)
        tpu.yield
      }) : () -> ()
      %dma_start3A_305 = arith.constant 4 : i32
      %dma_start3A_306 = arith.constant 0 : i32
      %dma_start3A_307 = arith.constant 0 : i32
      %dma_start3A_308 = tpu.memref_slice %arg8[%dma_start3A_306, %dma_start3A_307] : memref<512x32xf32, #tpu.memory_space<vmem>> -> memref<128x32xf32, #tpu.memory_space<vmem>>
      %dma_start3A_309 = arith.constant 0 : i32
      %dma_start3A_310 = tpu.memref_slice %arg5[%dma_start3A_305, %dma_start3A_309] : memref<8x128xi32, #tpu.memory_space<vmem>> -> memref<1x128xi32, #tpu.memory_space<vmem>>
      %dma_start3A_311 = tpu.memref_squeeze %dma_start3A_310 : memref<1x128xi32, #tpu.memory_space<vmem>> -> memref<128xi32, #tpu.memory_space<vmem>>
      %dma_start3A_312 = arith.constant 0 : i32
      %dma_start3A_313 = arith.constant 0 : i32
      %dma_start3A_314 = tpu.memref_slice %arg3[%dma_start3A_312, %dma_start3A_313] : memref<9792x32xf32, #tpu.memory_space<hbm>> -> memref<9792x32xf32, #tpu.memory_space<hbm>>
      tpu.enqueue_indirect_dma source(%dma_start3A_314 : memref<9792x32xf32, #tpu.memory_space<hbm>>) target(%dma_start3A_308 : memref<128x32xf32, #tpu.memory_space<vmem>>) offsets(%dma_start3A_311 : memref<128xi32, #tpu.memory_space<vmem>>) semaphore(%arg10 : memref<!tpu.dma_semaphore, #tpu.memory_space<semaphore_mem>>)
      %dma_start3A_315 = arith.constant 5 : i32
      %dma_start3A_316 = arith.constant 128 : i32
      %dma_start3A_317 = arith.constant 0 : i32
      %dma_start3A_318 = tpu.memref_slice %arg8[%dma_start3A_316, %dma_start3A_317] : memref<512x32xf32, #tpu.memory_space<vmem>> -> memref<128x32xf32, #tpu.memory_space<vmem>>
      %dma_start3A_319 = arith.constant 0 : i32
      %dma_start3A_320 = tpu.memref_slice %arg5[%dma_start3A_315, %dma_start3A_319] : memref<8x128xi32, #tpu.memory_space<vmem>> -> memref<1x128xi32, #tpu.memory_space<vmem>>
      %dma_start3A_321 = tpu.memref_squeeze %dma_start3A_320 : memref<1x128xi32, #tpu.memory_space<vmem>> -> memref<128xi32, #tpu.memory_space<vmem>>
      %dma_start3A_322 = arith.constant 0 : i32
      %dma_start3A_323 = arith.constant 0 : i32
      %dma_start3A_324 = tpu.memref_slice %arg3[%dma_start3A_322, %dma_start3A_323] : memref<9792x32xf32, #tpu.memory_space<hbm>> -> memref<9792x32xf32, #tpu.memory_space<hbm>>
      tpu.enqueue_indirect_dma source(%dma_start3A_324 : memref<9792x32xf32, #tpu.memory_space<hbm>>) target(%dma_start3A_318 : memref<128x32xf32, #tpu.memory_space<vmem>>) offsets(%dma_start3A_321 : memref<128xi32, #tpu.memory_space<vmem>>) semaphore(%arg10 : memref<!tpu.dma_semaphore, #tpu.memory_space<semaphore_mem>>)
      %dma_start3A_325 = arith.constant 6 : i32
      %dma_start3A_326 = arith.constant 256 : i32
      %dma_start3A_327 = arith.constant 0 : i32
      %dma_start3A_328 = tpu.memref_slice %arg8[%dma_start3A_326, %dma_start3A_327] : memref<512x32xf32, #tpu.memory_space<vmem>> -> memref<128x32xf32, #tpu.memory_space<vmem>>
      %dma_start3A_329 = arith.constant 0 : i32
      %dma_start3A_330 = tpu.memref_slice %arg5[%dma_start3A_325, %dma_start3A_329] : memref<8x128xi32, #tpu.memory_space<vmem>> -> memref<1x128xi32, #tpu.memory_space<vmem>>
      %dma_start3A_331 = tpu.memref_squeeze %dma_start3A_330 : memref<1x128xi32, #tpu.memory_space<vmem>> -> memref<128xi32, #tpu.memory_space<vmem>>
      %dma_start3A_332 = arith.constant 0 : i32
      %dma_start3A_333 = arith.constant 0 : i32
      %dma_start3A_334 = tpu.memref_slice %arg3[%dma_start3A_332, %dma_start3A_333] : memref<9792x32xf32, #tpu.memory_space<hbm>> -> memref<9792x32xf32, #tpu.memory_space<hbm>>
      tpu.enqueue_indirect_dma source(%dma_start3A_334 : memref<9792x32xf32, #tpu.memory_space<hbm>>) target(%dma_start3A_328 : memref<128x32xf32, #tpu.memory_space<vmem>>) offsets(%dma_start3A_331 : memref<128xi32, #tpu.memory_space<vmem>>) semaphore(%arg10 : memref<!tpu.dma_semaphore, #tpu.memory_space<semaphore_mem>>)
      %dma_start3A_335 = arith.constant 7 : i32
      %dma_start3A_336 = arith.constant 384 : i32
      %dma_start3A_337 = arith.constant 0 : i32
      %dma_start3A_338 = tpu.memref_slice %arg8[%dma_start3A_336, %dma_start3A_337] : memref<512x32xf32, #tpu.memory_space<vmem>> -> memref<128x32xf32, #tpu.memory_space<vmem>>
      %dma_start3A_339 = arith.constant 0 : i32
      %dma_start3A_340 = tpu.memref_slice %arg5[%dma_start3A_335, %dma_start3A_339] : memref<8x128xi32, #tpu.memory_space<vmem>> -> memref<1x128xi32, #tpu.memory_space<vmem>>
      %dma_start3A_341 = tpu.memref_squeeze %dma_start3A_340 : memref<1x128xi32, #tpu.memory_space<vmem>> -> memref<128xi32, #tpu.memory_space<vmem>>
      %dma_start3A_342 = arith.constant 0 : i32
      %dma_start3A_343 = arith.constant 0 : i32
      %dma_start3A_344 = tpu.memref_slice %arg3[%dma_start3A_342, %dma_start3A_343] : memref<9792x32xf32, #tpu.memory_space<hbm>> -> memref<9792x32xf32, #tpu.memory_space<hbm>>
      tpu.enqueue_indirect_dma source(%dma_start3A_344 : memref<9792x32xf32, #tpu.memory_space<hbm>>) target(%dma_start3A_338 : memref<128x32xf32, #tpu.memory_space<vmem>>) offsets(%dma_start3A_341 : memref<128xi32, #tpu.memory_space<vmem>>) semaphore(%arg10 : memref<!tpu.dma_semaphore, #tpu.memory_space<semaphore_mem>>)
    }
    %scan3A_88 = arith.constant 4 : i32
    %dma_wait3A = arith.constant 0 : i32
    %dma_wait3A_89 = arith.constant 0 : i32
    %dma_wait3A_90 = tpu.memref_slice %arg3[%dma_wait3A, %dma_wait3A_89] : memref<9792x32xf32, #tpu.memory_space<hbm>> -> memref<512x32xf32, #tpu.memory_space<hbm>>
    %dma_wait3A_91 = arith.constant 0 : i32
    %dma_wait3A_92 = arith.constant 0 : i32
    %dma_wait3A_93 = tpu.memref_slice %arg3[%dma_wait3A_91, %dma_wait3A_92] : memref<9792x32xf32, #tpu.memory_space<hbm>> -> memref<512x32xf32, #tpu.memory_space<hbm>>
    tpu.wait_dma2 semaphore(%arg9 : memref<!tpu.dma_semaphore, #tpu.memory_space<semaphore_mem>>) src(%dma_wait3A_93 : memref<512x32xf32, #tpu.memory_space<hbm>>) dst(%arg7 : memref<512x32xf32, #tpu.memory_space<vmem>>)
    %mul3A_94 = arith.constant 1024 : i32
    %mul3A_95 = arith.muli %add3A, %mul3A_94 : i32
    %add3A_96 = arith.constant 262144 : i32
    %add3A_97 = arith.addi %add3A_96, %mul3A_95 : i32
    %add3A_98 = arith.constant 0 : i32
    %add3A_99 = arith.addi %add3A_97, %add3A_98 : i32
    "tpu.region"() ({
      %run_scoped3A = tpu.sem_alloc : memref<!tpu.dma_semaphore, #tpu.memory_space<semaphore_mem>>
      %dma_start3A_112 = arith.constant 0 : i32
      %dma_start3A_113 = tpu.memref_slice %arg4[%add3A_99, %dma_start3A_112] : memref<294912x32xf32, #tpu.memory_space<hbm>> -> memref<512x32xf32, #tpu.memory_space<hbm>>
      %dma_start3A_114 = arith.constant 0 : i32
      %dma_start3A_115 = tpu.memref_slice %arg4[%add3A_99, %dma_start3A_114] : memref<294912x32xf32, #tpu.memory_space<hbm>> -> memref<512x32xf32, #tpu.memory_space<hbm>>
      tpu.enqueue_dma source(%arg7 : memref<512x32xf32, #tpu.memory_space<vmem>>) target(%dma_start3A_115 : memref<512x32xf32, #tpu.memory_space<hbm>>) target_semaphore(%run_scoped3A : memref<!tpu.dma_semaphore, #tpu.memory_space<semaphore_mem>>)
      %dma_wait3A_116 = arith.constant 0 : i32
      %dma_wait3A_117 = tpu.memref_slice %arg4[%add3A_99, %dma_wait3A_116] : memref<294912x32xf32, #tpu.memory_space<hbm>> -> memref<512x32xf32, #tpu.memory_space<hbm>>
      %dma_wait3A_118 = arith.constant 0 : i32
      %dma_wait3A_119 = tpu.memref_slice %arg4[%add3A_99, %dma_wait3A_118] : memref<294912x32xf32, #tpu.memory_space<hbm>> -> memref<512x32xf32, #tpu.memory_space<hbm>>
      tpu.wait_dma2 semaphore(%run_scoped3A : memref<!tpu.dma_semaphore, #tpu.memory_space<semaphore_mem>>) src(%arg7 : memref<512x32xf32, #tpu.memory_space<vmem>>) dst(%dma_wait3A_119 : memref<512x32xf32, #tpu.memory_space<hbm>>)
      tpu.yield
    }) : () -> ()
    %dma_wait3A_100 = arith.constant 0 : i32
    %dma_wait3A_101 = arith.constant 0 : i32
    %dma_wait3A_102 = tpu.memref_slice %arg3[%dma_wait3A_100, %dma_wait3A_101] : memref<9792x32xf32, #tpu.memory_space<hbm>> -> memref<512x32xf32, #tpu.memory_space<hbm>>
    %dma_wait3A_103 = arith.constant 0 : i32
    %dma_wait3A_104 = arith.constant 0 : i32
    %dma_wait3A_105 = tpu.memref_slice %arg3[%dma_wait3A_103, %dma_wait3A_104] : memref<9792x32xf32, #tpu.memory_space<hbm>> -> memref<512x32xf32, #tpu.memory_space<hbm>>
    tpu.wait_dma2 semaphore(%arg10 : memref<!tpu.dma_semaphore, #tpu.memory_space<semaphore_mem>>) src(%dma_wait3A_105 : memref<512x32xf32, #tpu.memory_space<hbm>>) dst(%arg8 : memref<512x32xf32, #tpu.memory_space<vmem>>)
    %mul3A_106 = arith.constant 1024 : i32
    %mul3A_107 = arith.muli %add3A, %mul3A_106 : i32
    %add3A_108 = arith.constant 262144 : i32
    %add3A_109 = arith.addi %add3A_108, %mul3A_107 : i32
    %add3A_110 = arith.constant 512 : i32
    %add3A_111 = arith.addi %add3A_109, %add3A_110 : i32
    "tpu.region"() ({
      %run_scoped3A = tpu.sem_alloc : memref<!tpu.dma_semaphore, #tpu.memory_space<semaphore_mem>>
      %dma_start3A_112 = arith.constant 0 : i32
      %dma_start3A_113 = tpu.memref_slice %arg4[%add3A_111, %dma_start3A_112] : memref<294912x32xf32, #tpu.memory_space<hbm>> -> memref<512x32xf32, #tpu.memory_space<hbm>>
      %dma_start3A_114 = arith.constant 0 : i32
      %dma_start3A_115 = tpu.memref_slice %arg4[%add3A_111, %dma_start3A_114] : memref<294912x32xf32, #tpu.memory_space<hbm>> -> memref<512x32xf32, #tpu.memory_space<hbm>>
      tpu.enqueue_dma source(%arg8 : memref<512x32xf32, #tpu.memory_space<vmem>>) target(%dma_start3A_115 : memref<512x32xf32, #tpu.memory_space<hbm>>) target_semaphore(%run_scoped3A : memref<!tpu.dma_semaphore, #tpu.memory_space<semaphore_mem>>)
      %dma_wait3A_116 = arith.constant 0 : i32
      %dma_wait3A_117 = tpu.memref_slice %arg4[%add3A_111, %dma_wait3A_116] : memref<294912x32xf32, #tpu.memory_space<hbm>> -> memref<512x32xf32, #tpu.memory_space<hbm>>
      %dma_wait3A_118 = arith.constant 0 : i32
      %dma_wait3A_119 = tpu.memref_slice %arg4[%add3A_111, %dma_wait3A_118] : memref<294912x32xf32, #tpu.memory_space<hbm>> -> memref<512x32xf32, #tpu.memory_space<hbm>>
      tpu.wait_dma2 semaphore(%run_scoped3A : memref<!tpu.dma_semaphore, #tpu.memory_space<semaphore_mem>>) src(%arg8 : memref<512x32xf32, #tpu.memory_space<vmem>>) dst(%dma_wait3A_119 : memref<512x32xf32, #tpu.memory_space<hbm>>)
      tpu.yield
    }) : () -> ()
    return
  }
}

#map = affine_map<(d0, d1) -> (0, 0)>
module attributes {stable_mosaic.version = 14 : i64} {
  func.func @k(%arg0: i32, %arg1: i32, %arg2: memref<9216x128xi32, #tpu.memory_space<hbm>>, %arg3: memref<9792x32xf32, #tpu.memory_space<hbm>>, %arg4: memref<294912x32xf32, #tpu.memory_space<hbm>>, %arg5: memref<8x128xi32, #tpu.memory_space<vmem>>, %arg6: memref<8x128xi32, #tpu.memory_space<vmem>>, %arg7: memref<512x32xf32, #tpu.memory_space<vmem>>, %arg8: memref<512x32xf32, #tpu.memory_space<vmem>>, %arg9: memref<!tpu.dma_semaphore, #tpu.memory_space<semaphore_mem>>, %arg10: memref<!tpu.dma_semaphore, #tpu.memory_space<semaphore_mem>>) attributes {dimension_semantics = [#tpu.dimension_semantics<core_parallel>, #tpu.dimension_semantics<subcore_parallel>], iteration_bounds = array<i64: 2, 16>, scalar_prefetch = 0 : i64, scratch_operands = 6 : i64, tpu.core_type = #tpu.core_type<sc_vector_subcore>, window_params = [{transform_indices = #map}, {transform_indices = #map}, {transform_indices = #map}]} {
    %mul3A = arith.constant 16 : i32
    %mul3A_0 = arith.muli %arg0, %mul3A : i32
    %add3A = arith.addi %mul3A_0, %arg1 : i32
    %mul3A_1 = arith.constant 8 : i32
    %mul3A_2 = arith.muli %add3A, %mul3A_1 : i32
    %add3A_3 = arith.constant 0 : i32
    %add3A_4 = arith.addi %add3A_3, %mul3A_2 : i32
    "tpu.region"() ({
      %run_scoped3A = tpu.sem_alloc : memref<!tpu.dma_semaphore, #tpu.memory_space<semaphore_mem>>
      %dma_start3A_112 = arith.constant 0 : i32
      %dma_start3A_113 = tpu.memref_slice %arg2[%add3A_4, %dma_start3A_112] : memref<9216x128xi32, #tpu.memory_space<hbm>> -> memref<8x128xi32, #tpu.memory_space<hbm>>
      %dma_start3A_114 = arith.constant 0 : i32
      %dma_start3A_115 = tpu.memref_slice %arg2[%add3A_4, %dma_start3A_114] : memref<9216x128xi32, #tpu.memory_space<hbm>> -> memref<8x128xi32, #tpu.memory_space<hbm>>
      tpu.enqueue_dma source(%dma_start3A_115 : memref<8x128xi32, #tpu.memory_space<hbm>>) target(%arg5 : memref<8x128xi32, #tpu.memory_space<vmem>>) target_semaphore(%run_scoped3A : memref<!tpu.dma_semaphore, #tpu.memory_space<semaphore_mem>>)
      %dma_wait3A_116 = arith.constant 0 : i32
      %dma_wait3A_117 = tpu.memref_slice %arg2[%add3A_4, %dma_wait3A_116] : memref<9216x128xi32, #tpu.memory_space<hbm>> -> memref<8x128xi32, #tpu.memory_space<hbm>>
      %dma_wait3A_118 = arith.constant 0 : i32
      %dma_wait3A_119 = tpu.memref_slice %arg2[%add3A_4, %dma_wait3A_118] : memref<9216x128xi32, #tpu.memory_space<hbm>> -> memref<8x128xi32, #tpu.memory_space<hbm>>
      tpu.wait_dma2 semaphore(%run_scoped3A : memref<!tpu.dma_semaphore, #tpu.memory_space<semaphore_mem>>) src(%dma_wait3A_119 : memref<8x128xi32, #tpu.memory_space<hbm>>) dst(%arg5 : memref<8x128xi32, #tpu.memory_space<vmem>>)
      tpu.yield
    }) : () -> ()
    %dma_start3A = arith.constant 0 : i32
    %dma_start3A_5 = arith.constant 0 : i32
    %dma_start3A_6 = arith.constant 0 : i32
    %dma_start3A_7 = tpu.memref_slice %arg7[%dma_start3A_5, %dma_start3A_6] : memref<512x32xf32, #tpu.memory_space<vmem>> -> memref<128x32xf32, #tpu.memory_space<vmem>>
    %dma_start3A_8 = arith.constant 0 : i32
    %dma_start3A_9 = tpu.memref_slice %arg5[%dma_start3A, %dma_start3A_8] : memref<8x128xi32, #tpu.memory_space<vmem>> -> memref<1x128xi32, #tpu.memory_space<vmem>>
    %dma_start3A_10 = tpu.memref_squeeze %dma_start3A_9 : memref<1x128xi32, #tpu.memory_space<vmem>> -> memref<128xi32, #tpu.memory_space<vmem>>
    %dma_start3A_11 = arith.constant 0 : i32
    %dma_start3A_12 = arith.constant 0 : i32
    %dma_start3A_13 = tpu.memref_slice %arg3[%dma_start3A_11, %dma_start3A_12] : memref<9792x32xf32, #tpu.memory_space<hbm>> -> memref<9792x32xf32, #tpu.memory_space<hbm>>
    tpu.enqueue_indirect_dma source(%dma_start3A_13 : memref<9792x32xf32, #tpu.memory_space<hbm>>) target(%dma_start3A_7 : memref<128x32xf32, #tpu.memory_space<vmem>>) offsets(%dma_start3A_10 : memref<128xi32, #tpu.memory_space<vmem>>) semaphore(%arg9 : memref<!tpu.dma_semaphore, #tpu.memory_space<semaphore_mem>>)
    %dma_start3A_14 = arith.constant 1 : i32
    %dma_start3A_15 = arith.constant 128 : i32
    %dma_start3A_16 = arith.constant 0 : i32
    %dma_start3A_17 = tpu.memref_slice %arg7[%dma_start3A_15, %dma_start3A_16] : memref<512x32xf32, #tpu.memory_space<vmem>> -> memref<128x32xf32, #tpu.memory_space<vmem>>
    %dma_start3A_18 = arith.constant 0 : i32
    %dma_start3A_19 = tpu.memref_slice %arg5[%dma_start3A_14, %dma_start3A_18] : memref<8x128xi32, #tpu.memory_space<vmem>> -> memref<1x128xi32, #tpu.memory_space<vmem>>
    %dma_start3A_20 = tpu.memref_squeeze %dma_start3A_19 : memref<1x128xi32, #tpu.memory_space<vmem>> -> memref<128xi32, #tpu.memory_space<vmem>>
    %dma_start3A_21 = arith.constant 0 : i32
    %dma_start3A_22 = arith.constant 0 : i32
    %dma_start3A_23 = tpu.memref_slice %arg3[%dma_start3A_21, %dma_start3A_22] : memref<9792x32xf32, #tpu.memory_space<hbm>> -> memref<9792x32xf32, #tpu.memory_space<hbm>>
    tpu.enqueue_indirect_dma source(%dma_start3A_23 : memref<9792x32xf32, #tpu.memory_space<hbm>>) target(%dma_start3A_17 : memref<128x32xf32, #tpu.memory_space<vmem>>) offsets(%dma_start3A_20 : memref<128xi32, #tpu.memory_space<vmem>>) semaphore(%arg9 : memref<!tpu.dma_semaphore, #tpu.memory_space<semaphore_mem>>)
    %dma_start3A_24 = arith.constant 2 : i32
    %dma_start3A_25 = arith.constant 256 : i32
    %dma_start3A_26 = arith.constant 0 : i32
    %dma_start3A_27 = tpu.memref_slice %arg7[%dma_start3A_25, %dma_start3A_26] : memref<512x32xf32, #tpu.memory_space<vmem>> -> memref<128x32xf32, #tpu.memory_space<vmem>>
    %dma_start3A_28 = arith.constant 0 : i32
    %dma_start3A_29 = tpu.memref_slice %arg5[%dma_start3A_24, %dma_start3A_28] : memref<8x128xi32, #tpu.memory_space<vmem>> -> memref<1x128xi32, #tpu.memory_space<vmem>>
    %dma_start3A_30 = tpu.memref_squeeze %dma_start3A_29 : memref<1x128xi32, #tpu.memory_space<vmem>> -> memref<128xi32, #tpu.memory_space<vmem>>
    %dma_start3A_31 = arith.constant 0 : i32
    %dma_start3A_32 = arith.constant 0 : i32
    %dma_start3A_33 = tpu.memref_slice %arg3[%dma_start3A_31, %dma_start3A_32] : memref<9792x32xf32, #tpu.memory_space<hbm>> -> memref<9792x32xf32, #tpu.memory_space<hbm>>
    tpu.enqueue_indirect_dma source(%dma_start3A_33 : memref<9792x32xf32, #tpu.memory_space<hbm>>) target(%dma_start3A_27 : memref<128x32xf32, #tpu.memory_space<vmem>>) offsets(%dma_start3A_30 : memref<128xi32, #tpu.memory_space<vmem>>) semaphore(%arg9 : memref<!tpu.dma_semaphore, #tpu.memory_space<semaphore_mem>>)
    %dma_start3A_34 = arith.constant 3 : i32
    %dma_start3A_35 = arith.constant 384 : i32
    %dma_start3A_36 = arith.constant 0 : i32
    %dma_start3A_37 = tpu.memref_slice %arg7[%dma_start3A_35, %dma_start3A_36] : memref<512x32xf32, #tpu.memory_space<vmem>> -> memref<128x32xf32, #tpu.memory_space<vmem>>
    %dma_start3A_38 = arith.constant 0 : i32
    %dma_start3A_39 = tpu.memref_slice %arg5[%dma_start3A_34, %dma_start3A_38] : memref<8x128xi32, #tpu.memory_space<vmem>> -> memref<1x128xi32, #tpu.memory_space<vmem>>
    %dma_start3A_40 = tpu.memref_squeeze %dma_start3A_39 : memref<1x128xi32, #tpu.memory_space<vmem>> -> memref<128xi32, #tpu.memory_space<vmem>>
    %dma_start3A_41 = arith.constant 0 : i32
    %dma_start3A_42 = arith.constant 0 : i32
    %dma_start3A_43 = tpu.memref_slice %arg3[%dma_start3A_41, %dma_start3A_42] : memref<9792x32xf32, #tpu.memory_space<hbm>> -> memref<9792x32xf32, #tpu.memory_space<hbm>>
    tpu.enqueue_indirect_dma source(%dma_start3A_43 : memref<9792x32xf32, #tpu.memory_space<hbm>>) target(%dma_start3A_37 : memref<128x32xf32, #tpu.memory_space<vmem>>) offsets(%dma_start3A_40 : memref<128xi32, #tpu.memory_space<vmem>>) semaphore(%arg9 : memref<!tpu.dma_semaphore, #tpu.memory_space<semaphore_mem>>)
    %dma_start3A_44 = arith.constant 4 : i32
    %dma_start3A_45 = arith.constant 0 : i32
    %dma_start3A_46 = arith.constant 0 : i32
    %dma_start3A_47 = tpu.memref_slice %arg8[%dma_start3A_45, %dma_start3A_46] : memref<512x32xf32, #tpu.memory_space<vmem>> -> memref<128x32xf32, #tpu.memory_space<vmem>>
    %dma_start3A_48 = arith.constant 0 : i32
    %dma_start3A_49 = tpu.memref_slice %arg5[%dma_start3A_44, %dma_start3A_48] : memref<8x128xi32, #tpu.memory_space<vmem>> -> memref<1x128xi32, #tpu.memory_space<vmem>>
    %dma_start3A_50 = tpu.memref_squeeze %dma_start3A_49 : memref<1x128xi32, #tpu.memory_space<vmem>> -> memref<128xi32, #tpu.memory_space<vmem>>
    %dma_start3A_51 = arith.constant 0 : i32
    %dma_start3A_52 = arith.constant 0 : i32
    %dma_start3A_53 = tpu.memref_slice %arg3[%dma_start3A_51, %dma_start3A_52] : memref<9792x32xf32, #tpu.memory_space<hbm>> -> memref<9792x32xf32, #tpu.memory_space<hbm>>
    tpu.enqueue_indirect_dma source(%dma_start3A_53 : memref<9792x32xf32, #tpu.memory_space<hbm>>) target(%dma_start3A_47 : memref<128x32xf32, #tpu.memory_space<vmem>>) offsets(%dma_start3A_50 : memref<128xi32, #tpu.memory_space<vmem>>) semaphore(%arg10 : memref<!tpu.dma_semaphore, #tpu.memory_space<semaphore_mem>>)
    %dma_start3A_54 = arith.constant 5 : i32
    %dma_start3A_55 = arith.constant 128 : i32
    %dma_start3A_56 = arith.constant 0 : i32
    %dma_start3A_57 = tpu.memref_slice %arg8[%dma_start3A_55, %dma_start3A_56] : memref<512x32xf32, #tpu.memory_space<vmem>> -> memref<128x32xf32, #tpu.memory_space<vmem>>
    %dma_start3A_58 = arith.constant 0 : i32
    %dma_start3A_59 = tpu.memref_slice %arg5[%dma_start3A_54, %dma_start3A_58] : memref<8x128xi32, #tpu.memory_space<vmem>> -> memref<1x128xi32, #tpu.memory_space<vmem>>
    %dma_start3A_60 = tpu.memref_squeeze %dma_start3A_59 : memref<1x128xi32, #tpu.memory_space<vmem>> -> memref<128xi32, #tpu.memory_space<vmem>>
    %dma_start3A_61 = arith.constant 0 : i32
    %dma_start3A_62 = arith.constant 0 : i32
    %dma_start3A_63 = tpu.memref_slice %arg3[%dma_start3A_61, %dma_start3A_62] : memref<9792x32xf32, #tpu.memory_space<hbm>> -> memref<9792x32xf32, #tpu.memory_space<hbm>>
    tpu.enqueue_indirect_dma source(%dma_start3A_63 : memref<9792x32xf32, #tpu.memory_space<hbm>>) target(%dma_start3A_57 : memref<128x32xf32, #tpu.memory_space<vmem>>) offsets(%dma_start3A_60 : memref<128xi32, #tpu.memory_space<vmem>>) semaphore(%arg10 : memref<!tpu.dma_semaphore, #tpu.memory_space<semaphore_mem>>)
    %dma_start3A_64 = arith.constant 6 : i32
    %dma_start3A_65 = arith.constant 256 : i32
    %dma_start3A_66 = arith.constant 0 : i32
    %dma_start3A_67 = tpu.memref_slice %arg8[%dma_start3A_65, %dma_start3A_66] : memref<512x32xf32, #tpu.memory_space<vmem>> -> memref<128x32xf32, #tpu.memory_space<vmem>>
    %dma_start3A_68 = arith.constant 0 : i32
    %dma_start3A_69 = tpu.memref_slice %arg5[%dma_start3A_64, %dma_start3A_68] : memref<8x128xi32, #tpu.memory_space<vmem>> -> memref<1x128xi32, #tpu.memory_space<vmem>>
    %dma_start3A_70 = tpu.memref_squeeze %dma_start3A_69 : memref<1x128xi32, #tpu.memory_space<vmem>> -> memref<128xi32, #tpu.memory_space<vmem>>
    %dma_start3A_71 = arith.constant 0 : i32
    %dma_start3A_72 = arith.constant 0 : i32
    %dma_start3A_73 = tpu.memref_slice %arg3[%dma_start3A_71, %dma_start3A_72] : memref<9792x32xf32, #tpu.memory_space<hbm>> -> memref<9792x32xf32, #tpu.memory_space<hbm>>
    tpu.enqueue_indirect_dma source(%dma_start3A_73 : memref<9792x32xf32, #tpu.memory_space<hbm>>) target(%dma_start3A_67 : memref<128x32xf32, #tpu.memory_space<vmem>>) offsets(%dma_start3A_70 : memref<128xi32, #tpu.memory_space<vmem>>) semaphore(%arg10 : memref<!tpu.dma_semaphore, #tpu.memory_space<semaphore_mem>>)
    %dma_start3A_74 = arith.constant 7 : i32
    %dma_start3A_75 = arith.constant 384 : i32
    %dma_start3A_76 = arith.constant 0 : i32
    %dma_start3A_77 = tpu.memref_slice %arg8[%dma_start3A_75, %dma_start3A_76] : memref<512x32xf32, #tpu.memory_space<vmem>> -> memref<128x32xf32, #tpu.memory_space<vmem>>
    %dma_start3A_78 = arith.constant 0 : i32
    %dma_start3A_79 = tpu.memref_slice %arg5[%dma_start3A_74, %dma_start3A_78] : memref<8x128xi32, #tpu.memory_space<vmem>> -> memref<1x128xi32, #tpu.memory_space<vmem>>
    %dma_start3A_80 = tpu.memref_squeeze %dma_start3A_79 : memref<1x128xi32, #tpu.memory_space<vmem>> -> memref<128xi32, #tpu.memory_space<vmem>>
    %dma_start3A_81 = arith.constant 0 : i32
    %dma_start3A_82 = arith.constant 0 : i32
    %dma_start3A_83 = tpu.memref_slice %arg3[%dma_start3A_81, %dma_start3A_82] : memref<9792x32xf32, #tpu.memory_space<hbm>> -> memref<9792x32xf32, #tpu.memory_space<hbm>>
    tpu.enqueue_indirect_dma source(%dma_start3A_83 : memref<9792x32xf32, #tpu.memory_space<hbm>>) target(%dma_start3A_77 : memref<128x32xf32, #tpu.memory_space<vmem>>) offsets(%dma_start3A_80 : memref<128xi32, #tpu.memory_space<vmem>>) semaphore(%arg10 : memref<!tpu.dma_semaphore, #tpu.memory_space<semaphore_mem>>)
    %scan3A = arith.constant 0 : i32
    %scan3A_84 = arith.constant 0 : i32
    %scan3A_85 = arith.constant 4 : i32
    %scan3A_86 = arith.addi %scan3A_84, %scan3A_85 : i32
    %scan3A_87 = arith.constant 1 : i32
    scf.for %scan3A_112 = %scan3A_84 to %scan3A_86 step %scan3A_87  : i32 {
      %mul3A_113 = arith.constant 2 : i32
      %mul3A_114 = arith.muli %mul3A_113, %scan3A_112 : i32
      %add3A_115 = arith.constant 1 : i32
      %add3A_116 = arith.addi %mul3A_114, %add3A_115 : i32
      %add3A_117 = arith.constant 2 : i32
      %add3A_118 = arith.addi %mul3A_114, %add3A_117 : i32
      %mul3A_119 = arith.constant 1024 : i32
      %mul3A_120 = arith.muli %add3A_116, %mul3A_119 : i32
      %add3A_121 = arith.constant 0 : i32
      %add3A_122 = arith.addi %mul3A_120, %add3A_121 : i32
      %mul3A_123 = arith.constant 8 : i32
      %mul3A_124 = arith.muli %add3A, %mul3A_123 : i32
      %add3A_125 = arith.addi %add3A_122, %mul3A_124 : i32
      "tpu.region"() ({
        %run_scoped3A = tpu.sem_alloc : memref<!tpu.dma_semaphore, #tpu.memory_space<semaphore_mem>>
        %dma_start3A_345 = arith.constant 0 : i32
        %dma_start3A_346 = tpu.memref_slice %arg2[%add3A_125, %dma_start3A_345] : memref<9216x128xi32, #tpu.memory_space<hbm>> -> memref<8x128xi32, #tpu.memory_space<hbm>>
        %dma_start3A_347 = arith.constant 0 : i32
        %dma_start3A_348 = tpu.memref_slice %arg2[%add3A_125, %dma_start3A_347] : memref<9216x128xi32, #tpu.memory_space<hbm>> -> memref<8x128xi32, #tpu.memory_space<hbm>>
        tpu.enqueue_dma source(%dma_start3A_348 : memref<8x128xi32, #tpu.memory_space<hbm>>) target(%arg6 : memref<8x128xi32, #tpu.memory_space<vmem>>) target_semaphore(%run_scoped3A : memref<!tpu.dma_semaphore, #tpu.memory_space<semaphore_mem>>)
        %dma_wait3A_349 = arith.constant 0 : i32
        %dma_wait3A_350 = tpu.memref_slice %arg2[%add3A_125, %dma_wait3A_349] : memref<9216x128xi32, #tpu.memory_space<hbm>> -> memref<8x128xi32, #tpu.memory_space<hbm>>
        %dma_wait3A_351 = arith.constant 0 : i32
        %dma_wait3A_352 = tpu.memref_slice %arg2[%add3A_125, %dma_wait3A_351] : memref<9216x128xi32, #tpu.memory_space<hbm>> -> memref<8x128xi32, #tpu.memory_space<hbm>>
        tpu.wait_dma2 semaphore(%run_scoped3A : memref<!tpu.dma_semaphore, #tpu.memory_space<semaphore_mem>>) src(%dma_wait3A_352 : memref<8x128xi32, #tpu.memory_space<hbm>>) dst(%arg6 : memref<8x128xi32, #tpu.memory_space<vmem>>)
        tpu.yield
      }) : () -> ()
      %dma_wait3A_126 = arith.constant 0 : i32
      %dma_wait3A_127 = arith.constant 0 : i32
      %dma_wait3A_128 = tpu.memref_slice %arg3[%dma_wait3A_126, %dma_wait3A_127] : memref<9792x32xf32, #tpu.memory_space<hbm>> -> memref<512x32xf32, #tpu.memory_space<hbm>>
      %dma_wait3A_129 = arith.constant 0 : i32
      %dma_wait3A_130 = arith.constant 0 : i32
      %dma_wait3A_131 = tpu.memref_slice %arg3[%dma_wait3A_129, %dma_wait3A_130] : memref<9792x32xf32, #tpu.memory_space<hbm>> -> memref<512x32xf32, #tpu.memory_space<hbm>>
      tpu.wait_dma2 semaphore(%arg9 : memref<!tpu.dma_semaphore, #tpu.memory_space<semaphore_mem>>) src(%dma_wait3A_131 : memref<512x32xf32, #tpu.memory_space<hbm>>) dst(%arg7 : memref<512x32xf32, #tpu.memory_space<vmem>>)
      %mul3A_132 = arith.constant 32768 : i32
      %mul3A_133 = arith.muli %mul3A_114, %mul3A_132 : i32
      %mul3A_134 = arith.constant 1024 : i32
      %mul3A_135 = arith.muli %add3A, %mul3A_134 : i32
      %add3A_136 = arith.addi %mul3A_133, %mul3A_135 : i32
      %add3A_137 = arith.constant 0 : i32
      %add3A_138 = arith.addi %add3A_136, %add3A_137 : i32
      "tpu.region"() ({
        %run_scoped3A = tpu.sem_alloc : memref<!tpu.dma_semaphore, #tpu.memory_space<semaphore_mem>>
        %dma_start3A_345 = arith.constant 0 : i32
        %dma_start3A_346 = tpu.memref_slice %arg4[%add3A_138, %dma_start3A_345] : memref<294912x32xf32, #tpu.memory_space<hbm>> -> memref<512x32xf32, #tpu.memory_space<hbm>>
        %dma_start3A_347 = arith.constant 0 : i32
        %dma_start3A_348 = tpu.memref_slice %arg4[%add3A_138, %dma_start3A_347] : memref<294912x32xf32, #tpu.memory_space<hbm>> -> memref<512x32xf32, #tpu.memory_space<hbm>>
        tpu.enqueue_dma source(%arg7 : memref<512x32xf32, #tpu.memory_space<vmem>>) target(%dma_start3A_348 : memref<512x32xf32, #tpu.memory_space<hbm>>) target_semaphore(%run_scoped3A : memref<!tpu.dma_semaphore, #tpu.memory_space<semaphore_mem>>)
        %dma_wait3A_349 = arith.constant 0 : i32
        %dma_wait3A_350 = tpu.memref_slice %arg4[%add3A_138, %dma_wait3A_349] : memref<294912x32xf32, #tpu.memory_space<hbm>> -> memref<512x32xf32, #tpu.memory_space<hbm>>
        %dma_wait3A_351 = arith.constant 0 : i32
        %dma_wait3A_352 = tpu.memref_slice %arg4[%add3A_138, %dma_wait3A_351] : memref<294912x32xf32, #tpu.memory_space<hbm>> -> memref<512x32xf32, #tpu.memory_space<hbm>>
        tpu.wait_dma2 semaphore(%run_scoped3A : memref<!tpu.dma_semaphore, #tpu.memory_space<semaphore_mem>>) src(%arg7 : memref<512x32xf32, #tpu.memory_space<vmem>>) dst(%dma_wait3A_352 : memref<512x32xf32, #tpu.memory_space<hbm>>)
        tpu.yield
      }) : () -> ()
      %dma_start3A_139 = arith.constant 0 : i32
      %dma_start3A_140 = arith.constant 0 : i32
      %dma_start3A_141 = arith.constant 0 : i32
      %dma_start3A_142 = tpu.memref_slice %arg7[%dma_start3A_140, %dma_start3A_141] : memref<512x32xf32, #tpu.memory_space<vmem>> -> memref<128x32xf32, #tpu.memory_space<vmem>>
      %dma_start3A_143 = arith.constant 0 : i32
      %dma_start3A_144 = tpu.memref_slice %arg6[%dma_start3A_139, %dma_start3A_143] : memref<8x128xi32, #tpu.memory_space<vmem>> -> memref<1x128xi32, #tpu.memory_space<vmem>>
      %dma_start3A_145 = tpu.memref_squeeze %dma_start3A_144 : memref<1x128xi32, #tpu.memory_space<vmem>> -> memref<128xi32, #tpu.memory_space<vmem>>
      %dma_start3A_146 = arith.constant 0 : i32
      %dma_start3A_147 = arith.constant 0 : i32
      %dma_start3A_148 = tpu.memref_slice %arg3[%dma_start3A_146, %dma_start3A_147] : memref<9792x32xf32, #tpu.memory_space<hbm>> -> memref<9792x32xf32, #tpu.memory_space<hbm>>
      tpu.enqueue_indirect_dma source(%dma_start3A_148 : memref<9792x32xf32, #tpu.memory_space<hbm>>) target(%dma_start3A_142 : memref<128x32xf32, #tpu.memory_space<vmem>>) offsets(%dma_start3A_145 : memref<128xi32, #tpu.memory_space<vmem>>) semaphore(%arg9 : memref<!tpu.dma_semaphore, #tpu.memory_space<semaphore_mem>>)
      %dma_start3A_149 = arith.constant 1 : i32
      %dma_start3A_150 = arith.constant 128 : i32
      %dma_start3A_151 = arith.constant 0 : i32
      %dma_start3A_152 = tpu.memref_slice %arg7[%dma_start3A_150, %dma_start3A_151] : memref<512x32xf32, #tpu.memory_space<vmem>> -> memref<128x32xf32, #tpu.memory_space<vmem>>
      %dma_start3A_153 = arith.constant 0 : i32
      %dma_start3A_154 = tpu.memref_slice %arg6[%dma_start3A_149, %dma_start3A_153] : memref<8x128xi32, #tpu.memory_space<vmem>> -> memref<1x128xi32, #tpu.memory_space<vmem>>
      %dma_start3A_155 = tpu.memref_squeeze %dma_start3A_154 : memref<1x128xi32, #tpu.memory_space<vmem>> -> memref<128xi32, #tpu.memory_space<vmem>>
      %dma_start3A_156 = arith.constant 0 : i32
      %dma_start3A_157 = arith.constant 0 : i32
      %dma_start3A_158 = tpu.memref_slice %arg3[%dma_start3A_156, %dma_start3A_157] : memref<9792x32xf32, #tpu.memory_space<hbm>> -> memref<9792x32xf32, #tpu.memory_space<hbm>>
      tpu.enqueue_indirect_dma source(%dma_start3A_158 : memref<9792x32xf32, #tpu.memory_space<hbm>>) target(%dma_start3A_152 : memref<128x32xf32, #tpu.memory_space<vmem>>) offsets(%dma_start3A_155 : memref<128xi32, #tpu.memory_space<vmem>>) semaphore(%arg9 : memref<!tpu.dma_semaphore, #tpu.memory_space<semaphore_mem>>)
      %dma_start3A_159 = arith.constant 2 : i32
      %dma_start3A_160 = arith.constant 256 : i32
      %dma_start3A_161 = arith.constant 0 : i32
      %dma_start3A_162 = tpu.memref_slice %arg7[%dma_start3A_160, %dma_start3A_161] : memref<512x32xf32, #tpu.memory_space<vmem>> -> memref<128x32xf32, #tpu.memory_space<vmem>>
      %dma_start3A_163 = arith.constant 0 : i32
      %dma_start3A_164 = tpu.memref_slice %arg6[%dma_start3A_159, %dma_start3A_163] : memref<8x128xi32, #tpu.memory_space<vmem>> -> memref<1x128xi32, #tpu.memory_space<vmem>>
      %dma_start3A_165 = tpu.memref_squeeze %dma_start3A_164 : memref<1x128xi32, #tpu.memory_space<vmem>> -> memref<128xi32, #tpu.memory_space<vmem>>
      %dma_start3A_166 = arith.constant 0 : i32
      %dma_start3A_167 = arith.constant 0 : i32
      %dma_start3A_168 = tpu.memref_slice %arg3[%dma_start3A_166, %dma_start3A_167] : memref<9792x32xf32, #tpu.memory_space<hbm>> -> memref<9792x32xf32, #tpu.memory_space<hbm>>
      tpu.enqueue_indirect_dma source(%dma_start3A_168 : memref<9792x32xf32, #tpu.memory_space<hbm>>) target(%dma_start3A_162 : memref<128x32xf32, #tpu.memory_space<vmem>>) offsets(%dma_start3A_165 : memref<128xi32, #tpu.memory_space<vmem>>) semaphore(%arg9 : memref<!tpu.dma_semaphore, #tpu.memory_space<semaphore_mem>>)
      %dma_start3A_169 = arith.constant 3 : i32
      %dma_start3A_170 = arith.constant 384 : i32
      %dma_start3A_171 = arith.constant 0 : i32
      %dma_start3A_172 = tpu.memref_slice %arg7[%dma_start3A_170, %dma_start3A_171] : memref<512x32xf32, #tpu.memory_space<vmem>> -> memref<128x32xf32, #tpu.memory_space<vmem>>
      %dma_start3A_173 = arith.constant 0 : i32
      %dma_start3A_174 = tpu.memref_slice %arg6[%dma_start3A_169, %dma_start3A_173] : memref<8x128xi32, #tpu.memory_space<vmem>> -> memref<1x128xi32, #tpu.memory_space<vmem>>
      %dma_start3A_175 = tpu.memref_squeeze %dma_start3A_174 : memref<1x128xi32, #tpu.memory_space<vmem>> -> memref<128xi32, #tpu.memory_space<vmem>>
      %dma_start3A_176 = arith.constant 0 : i32
      %dma_start3A_177 = arith.constant 0 : i32
      %dma_start3A_178 = tpu.memref_slice %arg3[%dma_start3A_176, %dma_start3A_177] : memref<9792x32xf32, #tpu.memory_space<hbm>> -> memref<9792x32xf32, #tpu.memory_space<hbm>>
      tpu.enqueue_indirect_dma source(%dma_start3A_178 : memref<9792x32xf32, #tpu.memory_space<hbm>>) target(%dma_start3A_172 : memref<128x32xf32, #tpu.memory_space<vmem>>) offsets(%dma_start3A_175 : memref<128xi32, #tpu.memory_space<vmem>>) semaphore(%arg9 : memref<!tpu.dma_semaphore, #tpu.memory_space<semaphore_mem>>)
      %dma_wait3A_179 = arith.constant 0 : i32
      %dma_wait3A_180 = arith.constant 0 : i32
      %dma_wait3A_181 = tpu.memref_slice %arg3[%dma_wait3A_179, %dma_wait3A_180] : memref<9792x32xf32, #tpu.memory_space<hbm>> -> memref<512x32xf32, #tpu.memory_space<hbm>>
      %dma_wait3A_182 = arith.constant 0 : i32
      %dma_wait3A_183 = arith.constant 0 : i32
      %dma_wait3A_184 = tpu.memref_slice %arg3[%dma_wait3A_182, %dma_wait3A_183] : memref<9792x32xf32, #tpu.memory_space<hbm>> -> memref<512x32xf32, #tpu.memory_space<hbm>>
      tpu.wait_dma2 semaphore(%arg10 : memref<!tpu.dma_semaphore, #tpu.memory_space<semaphore_mem>>) src(%dma_wait3A_184 : memref<512x32xf32, #tpu.memory_space<hbm>>) dst(%arg8 : memref<512x32xf32, #tpu.memory_space<vmem>>)
      %mul3A_185 = arith.constant 32768 : i32
      %mul3A_186 = arith.muli %mul3A_114, %mul3A_185 : i32
      %mul3A_187 = arith.constant 1024 : i32
      %mul3A_188 = arith.muli %add3A, %mul3A_187 : i32
      %add3A_189 = arith.addi %mul3A_186, %mul3A_188 : i32
      %add3A_190 = arith.constant 512 : i32
      %add3A_191 = arith.addi %add3A_189, %add3A_190 : i32
      "tpu.region"() ({
        %run_scoped3A = tpu.sem_alloc : memref<!tpu.dma_semaphore, #tpu.memory_space<semaphore_mem>>
        %dma_start3A_345 = arith.constant 0 : i32
        %dma_start3A_346 = tpu.memref_slice %arg4[%add3A_191, %dma_start3A_345] : memref<294912x32xf32, #tpu.memory_space<hbm>> -> memref<512x32xf32, #tpu.memory_space<hbm>>
        %dma_start3A_347 = arith.constant 0 : i32
        %dma_start3A_348 = tpu.memref_slice %arg4[%add3A_191, %dma_start3A_347] : memref<294912x32xf32, #tpu.memory_space<hbm>> -> memref<512x32xf32, #tpu.memory_space<hbm>>
        tpu.enqueue_dma source(%arg8 : memref<512x32xf32, #tpu.memory_space<vmem>>) target(%dma_start3A_348 : memref<512x32xf32, #tpu.memory_space<hbm>>) target_semaphore(%run_scoped3A : memref<!tpu.dma_semaphore, #tpu.memory_space<semaphore_mem>>)
        %dma_wait3A_349 = arith.constant 0 : i32
        %dma_wait3A_350 = tpu.memref_slice %arg4[%add3A_191, %dma_wait3A_349] : memref<294912x32xf32, #tpu.memory_space<hbm>> -> memref<512x32xf32, #tpu.memory_space<hbm>>
        %dma_wait3A_351 = arith.constant 0 : i32
        %dma_wait3A_352 = tpu.memref_slice %arg4[%add3A_191, %dma_wait3A_351] : memref<294912x32xf32, #tpu.memory_space<hbm>> -> memref<512x32xf32, #tpu.memory_space<hbm>>
        tpu.wait_dma2 semaphore(%run_scoped3A : memref<!tpu.dma_semaphore, #tpu.memory_space<semaphore_mem>>) src(%arg8 : memref<512x32xf32, #tpu.memory_space<vmem>>) dst(%dma_wait3A_352 : memref<512x32xf32, #tpu.memory_space<hbm>>)
        tpu.yield
      }) : () -> ()
      %dma_start3A_192 = arith.constant 4 : i32
      %dma_start3A_193 = arith.constant 0 : i32
      %dma_start3A_194 = arith.constant 0 : i32
      %dma_start3A_195 = tpu.memref_slice %arg8[%dma_start3A_193, %dma_start3A_194] : memref<512x32xf32, #tpu.memory_space<vmem>> -> memref<128x32xf32, #tpu.memory_space<vmem>>
      %dma_start3A_196 = arith.constant 0 : i32
      %dma_start3A_197 = tpu.memref_slice %arg6[%dma_start3A_192, %dma_start3A_196] : memref<8x128xi32, #tpu.memory_space<vmem>> -> memref<1x128xi32, #tpu.memory_space<vmem>>
      %dma_start3A_198 = tpu.memref_squeeze %dma_start3A_197 : memref<1x128xi32, #tpu.memory_space<vmem>> -> memref<128xi32, #tpu.memory_space<vmem>>
      %dma_start3A_199 = arith.constant 0 : i32
      %dma_start3A_200 = arith.constant 0 : i32
      %dma_start3A_201 = tpu.memref_slice %arg3[%dma_start3A_199, %dma_start3A_200] : memref<9792x32xf32, #tpu.memory_space<hbm>> -> memref<9792x32xf32, #tpu.memory_space<hbm>>
      tpu.enqueue_indirect_dma source(%dma_start3A_201 : memref<9792x32xf32, #tpu.memory_space<hbm>>) target(%dma_start3A_195 : memref<128x32xf32, #tpu.memory_space<vmem>>) offsets(%dma_start3A_198 : memref<128xi32, #tpu.memory_space<vmem>>) semaphore(%arg10 : memref<!tpu.dma_semaphore, #tpu.memory_space<semaphore_mem>>)
      %dma_start3A_202 = arith.constant 5 : i32
      %dma_start3A_203 = arith.constant 128 : i32
      %dma_start3A_204 = arith.constant 0 : i32
      %dma_start3A_205 = tpu.memref_slice %arg8[%dma_start3A_203, %dma_start3A_204] : memref<512x32xf32, #tpu.memory_space<vmem>> -> memref<128x32xf32, #tpu.memory_space<vmem>>
      %dma_start3A_206 = arith.constant 0 : i32
      %dma_start3A_207 = tpu.memref_slice %arg6[%dma_start3A_202, %dma_start3A_206] : memref<8x128xi32, #tpu.memory_space<vmem>> -> memref<1x128xi32, #tpu.memory_space<vmem>>
      %dma_start3A_208 = tpu.memref_squeeze %dma_start3A_207 : memref<1x128xi32, #tpu.memory_space<vmem>> -> memref<128xi32, #tpu.memory_space<vmem>>
      %dma_start3A_209 = arith.constant 0 : i32
      %dma_start3A_210 = arith.constant 0 : i32
      %dma_start3A_211 = tpu.memref_slice %arg3[%dma_start3A_209, %dma_start3A_210] : memref<9792x32xf32, #tpu.memory_space<hbm>> -> memref<9792x32xf32, #tpu.memory_space<hbm>>
      tpu.enqueue_indirect_dma source(%dma_start3A_211 : memref<9792x32xf32, #tpu.memory_space<hbm>>) target(%dma_start3A_205 : memref<128x32xf32, #tpu.memory_space<vmem>>) offsets(%dma_start3A_208 : memref<128xi32, #tpu.memory_space<vmem>>) semaphore(%arg10 : memref<!tpu.dma_semaphore, #tpu.memory_space<semaphore_mem>>)
      %dma_start3A_212 = arith.constant 6 : i32
      %dma_start3A_213 = arith.constant 256 : i32
      %dma_start3A_214 = arith.constant 0 : i32
      %dma_start3A_215 = tpu.memref_slice %arg8[%dma_start3A_213, %dma_start3A_214] : memref<512x32xf32, #tpu.memory_space<vmem>> -> memref<128x32xf32, #tpu.memory_space<vmem>>
      %dma_start3A_216 = arith.constant 0 : i32
      %dma_start3A_217 = tpu.memref_slice %arg6[%dma_start3A_212, %dma_start3A_216] : memref<8x128xi32, #tpu.memory_space<vmem>> -> memref<1x128xi32, #tpu.memory_space<vmem>>
      %dma_start3A_218 = tpu.memref_squeeze %dma_start3A_217 : memref<1x128xi32, #tpu.memory_space<vmem>> -> memref<128xi32, #tpu.memory_space<vmem>>
      %dma_start3A_219 = arith.constant 0 : i32
      %dma_start3A_220 = arith.constant 0 : i32
      %dma_start3A_221 = tpu.memref_slice %arg3[%dma_start3A_219, %dma_start3A_220] : memref<9792x32xf32, #tpu.memory_space<hbm>> -> memref<9792x32xf32, #tpu.memory_space<hbm>>
      tpu.enqueue_indirect_dma source(%dma_start3A_221 : memref<9792x32xf32, #tpu.memory_space<hbm>>) target(%dma_start3A_215 : memref<128x32xf32, #tpu.memory_space<vmem>>) offsets(%dma_start3A_218 : memref<128xi32, #tpu.memory_space<vmem>>) semaphore(%arg10 : memref<!tpu.dma_semaphore, #tpu.memory_space<semaphore_mem>>)
      %dma_start3A_222 = arith.constant 7 : i32
      %dma_start3A_223 = arith.constant 384 : i32
      %dma_start3A_224 = arith.constant 0 : i32
      %dma_start3A_225 = tpu.memref_slice %arg8[%dma_start3A_223, %dma_start3A_224] : memref<512x32xf32, #tpu.memory_space<vmem>> -> memref<128x32xf32, #tpu.memory_space<vmem>>
      %dma_start3A_226 = arith.constant 0 : i32
      %dma_start3A_227 = tpu.memref_slice %arg6[%dma_start3A_222, %dma_start3A_226] : memref<8x128xi32, #tpu.memory_space<vmem>> -> memref<1x128xi32, #tpu.memory_space<vmem>>
      %dma_start3A_228 = tpu.memref_squeeze %dma_start3A_227 : memref<1x128xi32, #tpu.memory_space<vmem>> -> memref<128xi32, #tpu.memory_space<vmem>>
      %dma_start3A_229 = arith.constant 0 : i32
      %dma_start3A_230 = arith.constant 0 : i32
      %dma_start3A_231 = tpu.memref_slice %arg3[%dma_start3A_229, %dma_start3A_230] : memref<9792x32xf32, #tpu.memory_space<hbm>> -> memref<9792x32xf32, #tpu.memory_space<hbm>>
      tpu.enqueue_indirect_dma source(%dma_start3A_231 : memref<9792x32xf32, #tpu.memory_space<hbm>>) target(%dma_start3A_225 : memref<128x32xf32, #tpu.memory_space<vmem>>) offsets(%dma_start3A_228 : memref<128xi32, #tpu.memory_space<vmem>>) semaphore(%arg10 : memref<!tpu.dma_semaphore, #tpu.memory_space<semaphore_mem>>)
      %mul3A_232 = arith.constant 1024 : i32
      %mul3A_233 = arith.muli %add3A_118, %mul3A_232 : i32
      %add3A_234 = arith.constant 0 : i32
      %add3A_235 = arith.addi %mul3A_233, %add3A_234 : i32
      %mul3A_236 = arith.constant 8 : i32
      %mul3A_237 = arith.muli %add3A, %mul3A_236 : i32
      %add3A_238 = arith.addi %add3A_235, %mul3A_237 : i32
      "tpu.region"() ({
        %run_scoped3A = tpu.sem_alloc : memref<!tpu.dma_semaphore, #tpu.memory_space<semaphore_mem>>
        %dma_start3A_345 = arith.constant 0 : i32
        %dma_start3A_346 = tpu.memref_slice %arg2[%add3A_238, %dma_start3A_345] : memref<9216x128xi32, #tpu.memory_space<hbm>> -> memref<8x128xi32, #tpu.memory_space<hbm>>
        %dma_start3A_347 = arith.constant 0 : i32
        %dma_start3A_348 = tpu.memref_slice %arg2[%add3A_238, %dma_start3A_347] : memref<9216x128xi32, #tpu.memory_space<hbm>> -> memref<8x128xi32, #tpu.memory_space<hbm>>
        tpu.enqueue_dma source(%dma_start3A_348 : memref<8x128xi32, #tpu.memory_space<hbm>>) target(%arg5 : memref<8x128xi32, #tpu.memory_space<vmem>>) target_semaphore(%run_scoped3A : memref<!tpu.dma_semaphore, #tpu.memory_space<semaphore_mem>>)
        %dma_wait3A_349 = arith.constant 0 : i32
        %dma_wait3A_350 = tpu.memref_slice %arg2[%add3A_238, %dma_wait3A_349] : memref<9216x128xi32, #tpu.memory_space<hbm>> -> memref<8x128xi32, #tpu.memory_space<hbm>>
        %dma_wait3A_351 = arith.constant 0 : i32
        %dma_wait3A_352 = tpu.memref_slice %arg2[%add3A_238, %dma_wait3A_351] : memref<9216x128xi32, #tpu.memory_space<hbm>> -> memref<8x128xi32, #tpu.memory_space<hbm>>
        tpu.wait_dma2 semaphore(%run_scoped3A : memref<!tpu.dma_semaphore, #tpu.memory_space<semaphore_mem>>) src(%dma_wait3A_352 : memref<8x128xi32, #tpu.memory_space<hbm>>) dst(%arg5 : memref<8x128xi32, #tpu.memory_space<vmem>>)
        tpu.yield
      }) : () -> ()
      %dma_wait3A_239 = arith.constant 0 : i32
      %dma_wait3A_240 = arith.constant 0 : i32
      %dma_wait3A_241 = tpu.memref_slice %arg3[%dma_wait3A_239, %dma_wait3A_240] : memref<9792x32xf32, #tpu.memory_space<hbm>> -> memref<512x32xf32, #tpu.memory_space<hbm>>
      %dma_wait3A_242 = arith.constant 0 : i32
      %dma_wait3A_243 = arith.constant 0 : i32
      %dma_wait3A_244 = tpu.memref_slice %arg3[%dma_wait3A_242, %dma_wait3A_243] : memref<9792x32xf32, #tpu.memory_space<hbm>> -> memref<512x32xf32, #tpu.memory_space<hbm>>
      tpu.wait_dma2 semaphore(%arg9 : memref<!tpu.dma_semaphore, #tpu.memory_space<semaphore_mem>>) src(%dma_wait3A_244 : memref<512x32xf32, #tpu.memory_space<hbm>>) dst(%arg7 : memref<512x32xf32, #tpu.memory_space<vmem>>)
      %mul3A_245 = arith.constant 32768 : i32
      %mul3A_246 = arith.muli %add3A_116, %mul3A_245 : i32
      %mul3A_247 = arith.constant 1024 : i32
      %mul3A_248 = arith.muli %add3A, %mul3A_247 : i32
      %add3A_249 = arith.addi %mul3A_246, %mul3A_248 : i32
      %add3A_250 = arith.constant 0 : i32
      %add3A_251 = arith.addi %add3A_249, %add3A_250 : i32
      "tpu.region"() ({
        %run_scoped3A = tpu.sem_alloc : memref<!tpu.dma_semaphore, #tpu.memory_space<semaphore_mem>>
        %dma_start3A_345 = arith.constant 0 : i32
        %dma_start3A_346 = tpu.memref_slice %arg4[%add3A_251, %dma_start3A_345] : memref<294912x32xf32, #tpu.memory_space<hbm>> -> memref<512x32xf32, #tpu.memory_space<hbm>>
        %dma_start3A_347 = arith.constant 0 : i32
        %dma_start3A_348 = tpu.memref_slice %arg4[%add3A_251, %dma_start3A_347] : memref<294912x32xf32, #tpu.memory_space<hbm>> -> memref<512x32xf32, #tpu.memory_space<hbm>>
        tpu.enqueue_dma source(%arg7 : memref<512x32xf32, #tpu.memory_space<vmem>>) target(%dma_start3A_348 : memref<512x32xf32, #tpu.memory_space<hbm>>) target_semaphore(%run_scoped3A : memref<!tpu.dma_semaphore, #tpu.memory_space<semaphore_mem>>)
        %dma_wait3A_349 = arith.constant 0 : i32
        %dma_wait3A_350 = tpu.memref_slice %arg4[%add3A_251, %dma_wait3A_349] : memref<294912x32xf32, #tpu.memory_space<hbm>> -> memref<512x32xf32, #tpu.memory_space<hbm>>
        %dma_wait3A_351 = arith.constant 0 : i32
        %dma_wait3A_352 = tpu.memref_slice %arg4[%add3A_251, %dma_wait3A_351] : memref<294912x32xf32, #tpu.memory_space<hbm>> -> memref<512x32xf32, #tpu.memory_space<hbm>>
        tpu.wait_dma2 semaphore(%run_scoped3A : memref<!tpu.dma_semaphore, #tpu.memory_space<semaphore_mem>>) src(%arg7 : memref<512x32xf32, #tpu.memory_space<vmem>>) dst(%dma_wait3A_352 : memref<512x32xf32, #tpu.memory_space<hbm>>)
        tpu.yield
      }) : () -> ()
      %dma_start3A_252 = arith.constant 0 : i32
      %dma_start3A_253 = arith.constant 0 : i32
      %dma_start3A_254 = arith.constant 0 : i32
      %dma_start3A_255 = tpu.memref_slice %arg7[%dma_start3A_253, %dma_start3A_254] : memref<512x32xf32, #tpu.memory_space<vmem>> -> memref<128x32xf32, #tpu.memory_space<vmem>>
      %dma_start3A_256 = arith.constant 0 : i32
      %dma_start3A_257 = tpu.memref_slice %arg5[%dma_start3A_252, %dma_start3A_256] : memref<8x128xi32, #tpu.memory_space<vmem>> -> memref<1x128xi32, #tpu.memory_space<vmem>>
      %dma_start3A_258 = tpu.memref_squeeze %dma_start3A_257 : memref<1x128xi32, #tpu.memory_space<vmem>> -> memref<128xi32, #tpu.memory_space<vmem>>
      %dma_start3A_259 = arith.constant 0 : i32
      %dma_start3A_260 = arith.constant 0 : i32
      %dma_start3A_261 = tpu.memref_slice %arg3[%dma_start3A_259, %dma_start3A_260] : memref<9792x32xf32, #tpu.memory_space<hbm>> -> memref<9792x32xf32, #tpu.memory_space<hbm>>
      tpu.enqueue_indirect_dma source(%dma_start3A_261 : memref<9792x32xf32, #tpu.memory_space<hbm>>) target(%dma_start3A_255 : memref<128x32xf32, #tpu.memory_space<vmem>>) offsets(%dma_start3A_258 : memref<128xi32, #tpu.memory_space<vmem>>) semaphore(%arg9 : memref<!tpu.dma_semaphore, #tpu.memory_space<semaphore_mem>>)
      %dma_start3A_262 = arith.constant 1 : i32
      %dma_start3A_263 = arith.constant 128 : i32
      %dma_start3A_264 = arith.constant 0 : i32
      %dma_start3A_265 = tpu.memref_slice %arg7[%dma_start3A_263, %dma_start3A_264] : memref<512x32xf32, #tpu.memory_space<vmem>> -> memref<128x32xf32, #tpu.memory_space<vmem>>
      %dma_start3A_266 = arith.constant 0 : i32
      %dma_start3A_267 = tpu.memref_slice %arg5[%dma_start3A_262, %dma_start3A_266] : memref<8x128xi32, #tpu.memory_space<vmem>> -> memref<1x128xi32, #tpu.memory_space<vmem>>
      %dma_start3A_268 = tpu.memref_squeeze %dma_start3A_267 : memref<1x128xi32, #tpu.memory_space<vmem>> -> memref<128xi32, #tpu.memory_space<vmem>>
      %dma_start3A_269 = arith.constant 0 : i32
      %dma_start3A_270 = arith.constant 0 : i32
      %dma_start3A_271 = tpu.memref_slice %arg3[%dma_start3A_269, %dma_start3A_270] : memref<9792x32xf32, #tpu.memory_space<hbm>> -> memref<9792x32xf32, #tpu.memory_space<hbm>>
      tpu.enqueue_indirect_dma source(%dma_start3A_271 : memref<9792x32xf32, #tpu.memory_space<hbm>>) target(%dma_start3A_265 : memref<128x32xf32, #tpu.memory_space<vmem>>) offsets(%dma_start3A_268 : memref<128xi32, #tpu.memory_space<vmem>>) semaphore(%arg9 : memref<!tpu.dma_semaphore, #tpu.memory_space<semaphore_mem>>)
      %dma_start3A_272 = arith.constant 2 : i32
      %dma_start3A_273 = arith.constant 256 : i32
      %dma_start3A_274 = arith.constant 0 : i32
      %dma_start3A_275 = tpu.memref_slice %arg7[%dma_start3A_273, %dma_start3A_274] : memref<512x32xf32, #tpu.memory_space<vmem>> -> memref<128x32xf32, #tpu.memory_space<vmem>>
      %dma_start3A_276 = arith.constant 0 : i32
      %dma_start3A_277 = tpu.memref_slice %arg5[%dma_start3A_272, %dma_start3A_276] : memref<8x128xi32, #tpu.memory_space<vmem>> -> memref<1x128xi32, #tpu.memory_space<vmem>>
      %dma_start3A_278 = tpu.memref_squeeze %dma_start3A_277 : memref<1x128xi32, #tpu.memory_space<vmem>> -> memref<128xi32, #tpu.memory_space<vmem>>
      %dma_start3A_279 = arith.constant 0 : i32
      %dma_start3A_280 = arith.constant 0 : i32
      %dma_start3A_281 = tpu.memref_slice %arg3[%dma_start3A_279, %dma_start3A_280] : memref<9792x32xf32, #tpu.memory_space<hbm>> -> memref<9792x32xf32, #tpu.memory_space<hbm>>
      tpu.enqueue_indirect_dma source(%dma_start3A_281 : memref<9792x32xf32, #tpu.memory_space<hbm>>) target(%dma_start3A_275 : memref<128x32xf32, #tpu.memory_space<vmem>>) offsets(%dma_start3A_278 : memref<128xi32, #tpu.memory_space<vmem>>) semaphore(%arg9 : memref<!tpu.dma_semaphore, #tpu.memory_space<semaphore_mem>>)
      %dma_start3A_282 = arith.constant 3 : i32
      %dma_start3A_283 = arith.constant 384 : i32
      %dma_start3A_284 = arith.constant 0 : i32
      %dma_start3A_285 = tpu.memref_slice %arg7[%dma_start3A_283, %dma_start3A_284] : memref<512x32xf32, #tpu.memory_space<vmem>> -> memref<128x32xf32, #tpu.memory_space<vmem>>
      %dma_start3A_286 = arith.constant 0 : i32
      %dma_start3A_287 = tpu.memref_slice %arg5[%dma_start3A_282, %dma_start3A_286] : memref<8x128xi32, #tpu.memory_space<vmem>> -> memref<1x128xi32, #tpu.memory_space<vmem>>
      %dma_start3A_288 = tpu.memref_squeeze %dma_start3A_287 : memref<1x128xi32, #tpu.memory_space<vmem>> -> memref<128xi32, #tpu.memory_space<vmem>>
      %dma_start3A_289 = arith.constant 0 : i32
      %dma_start3A_290 = arith.constant 0 : i32
      %dma_start3A_291 = tpu.memref_slice %arg3[%dma_start3A_289, %dma_start3A_290] : memref<9792x32xf32, #tpu.memory_space<hbm>> -> memref<9792x32xf32, #tpu.memory_space<hbm>>
      tpu.enqueue_indirect_dma source(%dma_start3A_291 : memref<9792x32xf32, #tpu.memory_space<hbm>>) target(%dma_start3A_285 : memref<128x32xf32, #tpu.memory_space<vmem>>) offsets(%dma_start3A_288 : memref<128xi32, #tpu.memory_space<vmem>>) semaphore(%arg9 : memref<!tpu.dma_semaphore, #tpu.memory_space<semaphore_mem>>)
      %dma_wait3A_292 = arith.constant 0 : i32
      %dma_wait3A_293 = arith.constant 0 : i32
      %dma_wait3A_294 = tpu.memref_slice %arg3[%dma_wait3A_292, %dma_wait3A_293] : memref<9792x32xf32, #tpu.memory_space<hbm>> -> memref<512x32xf32, #tpu.memory_space<hbm>>
      %dma_wait3A_295 = arith.constant 0 : i32
      %dma_wait3A_296 = arith.constant 0 : i32
      %dma_wait3A_297 = tpu.memref_slice %arg3[%dma_wait3A_295, %dma_wait3A_296] : memref<9792x32xf32, #tpu.memory_space<hbm>> -> memref<512x32xf32, #tpu.memory_space<hbm>>
      tpu.wait_dma2 semaphore(%arg10 : memref<!tpu.dma_semaphore, #tpu.memory_space<semaphore_mem>>) src(%dma_wait3A_297 : memref<512x32xf32, #tpu.memory_space<hbm>>) dst(%arg8 : memref<512x32xf32, #tpu.memory_space<vmem>>)
      %mul3A_298 = arith.constant 32768 : i32
      %mul3A_299 = arith.muli %add3A_116, %mul3A_298 : i32
      %mul3A_300 = arith.constant 1024 : i32
      %mul3A_301 = arith.muli %add3A, %mul3A_300 : i32
      %add3A_302 = arith.addi %mul3A_299, %mul3A_301 : i32
      %add3A_303 = arith.constant 512 : i32
      %add3A_304 = arith.addi %add3A_302, %add3A_303 : i32
      "tpu.region"() ({
        %run_scoped3A = tpu.sem_alloc : memref<!tpu.dma_semaphore, #tpu.memory_space<semaphore_mem>>
        %dma_start3A_345 = arith.constant 0 : i32
        %dma_start3A_346 = tpu.memref_slice %arg4[%add3A_304, %dma_start3A_345] : memref<294912x32xf32, #tpu.memory_space<hbm>> -> memref<512x32xf32, #tpu.memory_space<hbm>>
        %dma_start3A_347 = arith.constant 0 : i32
        %dma_start3A_348 = tpu.memref_slice %arg4[%add3A_304, %dma_start3A_347] : memref<294912x32xf32, #tpu.memory_space<hbm>> -> memref<512x32xf32, #tpu.memory_space<hbm>>
        tpu.enqueue_dma source(%arg8 : memref<512x32xf32, #tpu.memory_space<vmem>>) target(%dma_start3A_348 : memref<512x32xf32, #tpu.memory_space<hbm>>) target_semaphore(%run_scoped3A : memref<!tpu.dma_semaphore, #tpu.memory_space<semaphore_mem>>)
        %dma_wait3A_349 = arith.constant 0 : i32
        %dma_wait3A_350 = tpu.memref_slice %arg4[%add3A_304, %dma_wait3A_349] : memref<294912x32xf32, #tpu.memory_space<hbm>> -> memref<512x32xf32, #tpu.memory_space<hbm>>
        %dma_wait3A_351 = arith.constant 0 : i32
        %dma_wait3A_352 = tpu.memref_slice %arg4[%add3A_304, %dma_wait3A_351] : memref<294912x32xf32, #tpu.memory_space<hbm>> -> memref<512x32xf32, #tpu.memory_space<hbm>>
        tpu.wait_dma2 semaphore(%run_scoped3A : memref<!tpu.dma_semaphore, #tpu.memory_space<semaphore_mem>>) src(%arg8 : memref<512x32xf32, #tpu.memory_space<vmem>>) dst(%dma_wait3A_352 : memref<512x32xf32, #tpu.memory_space<hbm>>)
        tpu.yield
      }) : () -> ()
      %dma_start3A_305 = arith.constant 4 : i32
      %dma_start3A_306 = arith.constant 0 : i32
      %dma_start3A_307 = arith.constant 0 : i32
      %dma_start3A_308 = tpu.memref_slice %arg8[%dma_start3A_306, %dma_start3A_307] : memref<512x32xf32, #tpu.memory_space<vmem>> -> memref<128x32xf32, #tpu.memory_space<vmem>>
      %dma_start3A_309 = arith.constant 0 : i32
      %dma_start3A_310 = tpu.memref_slice %arg5[%dma_start3A_305, %dma_start3A_309] : memref<8x128xi32, #tpu.memory_space<vmem>> -> memref<1x128xi32, #tpu.memory_space<vmem>>
      %dma_start3A_311 = tpu.memref_squeeze %dma_start3A_310 : memref<1x128xi32, #tpu.memory_space<vmem>> -> memref<128xi32, #tpu.memory_space<vmem>>
      %dma_start3A_312 = arith.constant 0 : i32
      %dma_start3A_313 = arith.constant 0 : i32
      %dma_start3A_314 = tpu.memref_slice %arg3[%dma_start3A_312, %dma_start3A_313] : memref<9792x32xf32, #tpu.memory_space<hbm>> -> memref<9792x32xf32, #tpu.memory_space<hbm>>
      tpu.enqueue_indirect_dma source(%dma_start3A_314 : memref<9792x32xf32, #tpu.memory_space<hbm>>) target(%dma_start3A_308 : memref<128x32xf32, #tpu.memory_space<vmem>>) offsets(%dma_start3A_311 : memref<128xi32, #tpu.memory_space<vmem>>) semaphore(%arg10 : memref<!tpu.dma_semaphore, #tpu.memory_space<semaphore_mem>>)
      %dma_start3A_315 = arith.constant 5 : i32
      %dma_start3A_316 = arith.constant 128 : i32
      %dma_start3A_317 = arith.constant 0 : i32
      %dma_start3A_318 = tpu.memref_slice %arg8[%dma_start3A_316, %dma_start3A_317] : memref<512x32xf32, #tpu.memory_space<vmem>> -> memref<128x32xf32, #tpu.memory_space<vmem>>
      %dma_start3A_319 = arith.constant 0 : i32
      %dma_start3A_320 = tpu.memref_slice %arg5[%dma_start3A_315, %dma_start3A_319] : memref<8x128xi32, #tpu.memory_space<vmem>> -> memref<1x128xi32, #tpu.memory_space<vmem>>
      %dma_start3A_321 = tpu.memref_squeeze %dma_start3A_320 : memref<1x128xi32, #tpu.memory_space<vmem>> -> memref<128xi32, #tpu.memory_space<vmem>>
      %dma_start3A_322 = arith.constant 0 : i32
      %dma_start3A_323 = arith.constant 0 : i32
      %dma_start3A_324 = tpu.memref_slice %arg3[%dma_start3A_322, %dma_start3A_323] : memref<9792x32xf32, #tpu.memory_space<hbm>> -> memref<9792x32xf32, #tpu.memory_space<hbm>>
      tpu.enqueue_indirect_dma source(%dma_start3A_324 : memref<9792x32xf32, #tpu.memory_space<hbm>>) target(%dma_start3A_318 : memref<128x32xf32, #tpu.memory_space<vmem>>) offsets(%dma_start3A_321 : memref<128xi32, #tpu.memory_space<vmem>>) semaphore(%arg10 : memref<!tpu.dma_semaphore, #tpu.memory_space<semaphore_mem>>)
      %dma_start3A_325 = arith.constant 6 : i32
      %dma_start3A_326 = arith.constant 256 : i32
      %dma_start3A_327 = arith.constant 0 : i32
      %dma_start3A_328 = tpu.memref_slice %arg8[%dma_start3A_326, %dma_start3A_327] : memref<512x32xf32, #tpu.memory_space<vmem>> -> memref<128x32xf32, #tpu.memory_space<vmem>>
      %dma_start3A_329 = arith.constant 0 : i32
      %dma_start3A_330 = tpu.memref_slice %arg5[%dma_start3A_325, %dma_start3A_329] : memref<8x128xi32, #tpu.memory_space<vmem>> -> memref<1x128xi32, #tpu.memory_space<vmem>>
      %dma_start3A_331 = tpu.memref_squeeze %dma_start3A_330 : memref<1x128xi32, #tpu.memory_space<vmem>> -> memref<128xi32, #tpu.memory_space<vmem>>
      %dma_start3A_332 = arith.constant 0 : i32
      %dma_start3A_333 = arith.constant 0 : i32
      %dma_start3A_334 = tpu.memref_slice %arg3[%dma_start3A_332, %dma_start3A_333] : memref<9792x32xf32, #tpu.memory_space<hbm>> -> memref<9792x32xf32, #tpu.memory_space<hbm>>
      tpu.enqueue_indirect_dma source(%dma_start3A_334 : memref<9792x32xf32, #tpu.memory_space<hbm>>) target(%dma_start3A_328 : memref<128x32xf32, #tpu.memory_space<vmem>>) offsets(%dma_start3A_331 : memref<128xi32, #tpu.memory_space<vmem>>) semaphore(%arg10 : memref<!tpu.dma_semaphore, #tpu.memory_space<semaphore_mem>>)
      %dma_start3A_335 = arith.constant 7 : i32
      %dma_start3A_336 = arith.constant 384 : i32
      %dma_start3A_337 = arith.constant 0 : i32
      %dma_start3A_338 = tpu.memref_slice %arg8[%dma_start3A_336, %dma_start3A_337] : memref<512x32xf32, #tpu.memory_space<vmem>> -> memref<128x32xf32, #tpu.memory_space<vmem>>
      %dma_start3A_339 = arith.constant 0 : i32
      %dma_start3A_340 = tpu.memref_slice %arg5[%dma_start3A_335, %dma_start3A_339] : memref<8x128xi32, #tpu.memory_space<vmem>> -> memref<1x128xi32, #tpu.memory_space<vmem>>
      %dma_start3A_341 = tpu.memref_squeeze %dma_start3A_340 : memref<1x128xi32, #tpu.memory_space<vmem>> -> memref<128xi32, #tpu.memory_space<vmem>>
      %dma_start3A_342 = arith.constant 0 : i32
      %dma_start3A_343 = arith.constant 0 : i32
      %dma_start3A_344 = tpu.memref_slice %arg3[%dma_start3A_342, %dma_start3A_343] : memref<9792x32xf32, #tpu.memory_space<hbm>> -> memref<9792x32xf32, #tpu.memory_space<hbm>>
      tpu.enqueue_indirect_dma source(%dma_start3A_344 : memref<9792x32xf32, #tpu.memory_space<hbm>>) target(%dma_start3A_338 : memref<128x32xf32, #tpu.memory_space<vmem>>) offsets(%dma_start3A_341 : memref<128xi32, #tpu.memory_space<vmem>>) semaphore(%arg10 : memref<!tpu.dma_semaphore, #tpu.memory_space<semaphore_mem>>)
    }
    %scan3A_88 = arith.constant 4 : i32
    %dma_wait3A = arith.constant 0 : i32
    %dma_wait3A_89 = arith.constant 0 : i32
    %dma_wait3A_90 = tpu.memref_slice %arg3[%dma_wait3A, %dma_wait3A_89] : memref<9792x32xf32, #tpu.memory_space<hbm>> -> memref<512x32xf32, #tpu.memory_space<hbm>>
    %dma_wait3A_91 = arith.constant 0 : i32
    %dma_wait3A_92 = arith.constant 0 : i32
    %dma_wait3A_93 = tpu.memref_slice %arg3[%dma_wait3A_91, %dma_wait3A_92] : memref<9792x32xf32, #tpu.memory_space<hbm>> -> memref<512x32xf32, #tpu.memory_space<hbm>>
    tpu.wait_dma2 semaphore(%arg9 : memref<!tpu.dma_semaphore, #tpu.memory_space<semaphore_mem>>) src(%dma_wait3A_93 : memref<512x32xf32, #tpu.memory_space<hbm>>) dst(%arg7 : memref<512x32xf32, #tpu.memory_space<vmem>>)
    %mul3A_94 = arith.constant 1024 : i32
    %mul3A_95 = arith.muli %add3A, %mul3A_94 : i32
    %add3A_96 = arith.constant 262144 : i32
    %add3A_97 = arith.addi %add3A_96, %mul3A_95 : i32
    %add3A_98 = arith.constant 0 : i32
    %add3A_99 = arith.addi %add3A_97, %add3A_98 : i32
    "tpu.region"() ({
      %run_scoped3A = tpu.sem_alloc : memref<!tpu.dma_semaphore, #tpu.memory_space<semaphore_mem>>
      %dma_start3A_112 = arith.constant 0 : i32
      %dma_start3A_113 = tpu.memref_slice %arg4[%add3A_99, %dma_start3A_112] : memref<294912x32xf32, #tpu.memory_space<hbm>> -> memref<512x32xf32, #tpu.memory_space<hbm>>
      %dma_start3A_114 = arith.constant 0 : i32
      %dma_start3A_115 = tpu.memref_slice %arg4[%add3A_99, %dma_start3A_114] : memref<294912x32xf32, #tpu.memory_space<hbm>> -> memref<512x32xf32, #tpu.memory_space<hbm>>
      tpu.enqueue_dma source(%arg7 : memref<512x32xf32, #tpu.memory_space<vmem>>) target(%dma_start3A_115 : memref<512x32xf32, #tpu.memory_space<hbm>>) target_semaphore(%run_scoped3A : memref<!tpu.dma_semaphore, #tpu.memory_space<semaphore_mem>>)
      %dma_wait3A_116 = arith.constant 0 : i32
      %dma_wait3A_117 = tpu.memref_slice %arg4[%add3A_99, %dma_wait3A_116] : memref<294912x32xf32, #tpu.memory_space<hbm>> -> memref<512x32xf32, #tpu.memory_space<hbm>>
      %dma_wait3A_118 = arith.constant 0 : i32
      %dma_wait3A_119 = tpu.memref_slice %arg4[%add3A_99, %dma_wait3A_118] : memref<294912x32xf32, #tpu.memory_space<hbm>> -> memref<512x32xf32, #tpu.memory_space<hbm>>
      tpu.wait_dma2 semaphore(%run_scoped3A : memref<!tpu.dma_semaphore, #tpu.memory_space<semaphore_mem>>) src(%arg7 : memref<512x32xf32, #tpu.memory_space<vmem>>) dst(%dma_wait3A_119 : memref<512x32xf32, #tpu.memory_space<hbm>>)
      tpu.yield
    }) : () -> ()
    %dma_wait3A_100 = arith.constant 0 : i32
    %dma_wait3A_101 = arith.constant 0 : i32
    %dma_wait3A_102 = tpu.memref_slice %arg3[%dma_wait3A_100, %dma_wait3A_101] : memref<9792x32xf32, #tpu.memory_space<hbm>> -> memref<512x32xf32, #tpu.memory_space<hbm>>
    %dma_wait3A_103 = arith.constant 0 : i32
    %dma_wait3A_104 = arith.constant 0 : i32
    %dma_wait3A_105 = tpu.memref_slice %arg3[%dma_wait3A_103, %dma_wait3A_104] : memref<9792x32xf32, #tpu.memory_space<hbm>> -> memref<512x32xf32, #tpu.memory_space<hbm>>
    tpu.wait_dma2 semaphore(%arg10 : memref<!tpu.dma_semaphore, #tpu.memory_space<semaphore_mem>>) src(%dma_wait3A_105 : memref<512x32xf32, #tpu.memory_space<hbm>>) dst(%arg8 : memref<512x32xf32, #tpu.memory_space<vmem>>)
    %mul3A_106 = arith.constant 1024 : i32
    %mul3A_107 = arith.muli %add3A, %mul3A_106 : i32
    %add3A_108 = arith.constant 262144 : i32
    %add3A_109 = arith.addi %add3A_108, %mul3A_107 : i32
    %add3A_110 = arith.constant 512 : i32
    %add3A_111 = arith.addi %add3A_109, %add3A_110 : i32
    "tpu.region"() ({
      %run_scoped3A = tpu.sem_alloc : memref<!tpu.dma_semaphore, #tpu.memory_space<semaphore_mem>>
      %dma_start3A_112 = arith.constant 0 : i32
      %dma_start3A_113 = tpu.memref_slice %arg4[%add3A_111, %dma_start3A_112] : memref<294912x32xf32, #tpu.memory_space<hbm>> -> memref<512x32xf32, #tpu.memory_space<hbm>>
      %dma_start3A_114 = arith.constant 0 : i32
      %dma_start3A_115 = tpu.memref_slice %arg4[%add3A_111, %dma_start3A_114] : memref<294912x32xf32, #tpu.memory_space<hbm>> -> memref<512x32xf32, #tpu.memory_space<hbm>>
      tpu.enqueue_dma source(%arg8 : memref<512x32xf32, #tpu.memory_space<vmem>>) target(%dma_start3A_115 : memref<512x32xf32, #tpu.memory_space<hbm>>) target_semaphore(%run_scoped3A : memref<!tpu.dma_semaphore, #tpu.memory_space<semaphore_mem>>)
      %dma_wait3A_116 = arith.constant 0 : i32
      %dma_wait3A_117 = tpu.memref_slice %arg4[%add3A_111, %dma_wait3A_116] : memref<294912x32xf32, #tpu.memory_space<hbm>> -> memref<512x32xf32, #tpu.memory_space<hbm>>
      %dma_wait3A_118 = arith.constant 0 : i32
      %dma_wait3A_119 = tpu.memref_slice %arg4[%add3A_111, %dma_wait3A_118] : memref<294912x32xf32, #tpu.memory_space<hbm>> -> memref<512x32xf32, #tpu.memory_space<hbm>>
      tpu.wait_dma2 semaphore(%run_scoped3A : memref<!tpu.dma_semaphore, #tpu.memory_space<semaphore_mem>>) src(%arg8 : memref<512x32xf32, #tpu.memory_space<vmem>>) dst(%dma_wait3A_119 : memref<512x32xf32, #tpu.memory_space<hbm>>)
      tpu.yield
    }) : () -> ()
    return
  }
}

#map = affine_map<(d0, d1) -> (0, 0)>
module attributes {stable_mosaic.version = 14 : i64} {
  func.func @k(%arg0: i32, %arg1: i32, %arg2: memref<9216x128xi32, #tpu.memory_space<hbm>>, %arg3: memref<9792x32xf32, #tpu.memory_space<hbm>>, %arg4: memref<294912x32xf32, #tpu.memory_space<hbm>>, %arg5: memref<8x128xi32, #tpu.memory_space<vmem>>, %arg6: memref<8x128xi32, #tpu.memory_space<vmem>>, %arg7: memref<512x32xf32, #tpu.memory_space<vmem>>, %arg8: memref<512x32xf32, #tpu.memory_space<vmem>>, %arg9: memref<!tpu.dma_semaphore, #tpu.memory_space<semaphore_mem>>, %arg10: memref<!tpu.dma_semaphore, #tpu.memory_space<semaphore_mem>>) attributes {dimension_semantics = [#tpu.dimension_semantics<core_parallel>, #tpu.dimension_semantics<subcore_parallel>], iteration_bounds = array<i64: 2, 16>, scalar_prefetch = 0 : i64, scratch_operands = 6 : i64, tpu.core_type = #tpu.core_type<sc_vector_subcore>, window_params = [{transform_indices = #map}, {transform_indices = #map}, {transform_indices = #map}]} {
    %mul3A = arith.constant 16 : i32
    %mul3A_0 = arith.muli %arg0, %mul3A : i32
    %add3A = arith.addi %mul3A_0, %arg1 : i32
    %mul3A_1 = arith.constant 8 : i32
    %mul3A_2 = arith.muli %add3A, %mul3A_1 : i32
    %add3A_3 = arith.constant 256 : i32
    %add3A_4 = arith.addi %add3A_3, %mul3A_2 : i32
    "tpu.region"() ({
      %run_scoped3A = tpu.sem_alloc : memref<!tpu.dma_semaphore, #tpu.memory_space<semaphore_mem>>
      %dma_start3A_112 = arith.constant 0 : i32
      %dma_start3A_113 = tpu.memref_slice %arg2[%add3A_4, %dma_start3A_112] : memref<9216x128xi32, #tpu.memory_space<hbm>> -> memref<8x128xi32, #tpu.memory_space<hbm>>
      %dma_start3A_114 = arith.constant 0 : i32
      %dma_start3A_115 = tpu.memref_slice %arg2[%add3A_4, %dma_start3A_114] : memref<9216x128xi32, #tpu.memory_space<hbm>> -> memref<8x128xi32, #tpu.memory_space<hbm>>
      tpu.enqueue_dma source(%dma_start3A_115 : memref<8x128xi32, #tpu.memory_space<hbm>>) target(%arg5 : memref<8x128xi32, #tpu.memory_space<vmem>>) target_semaphore(%run_scoped3A : memref<!tpu.dma_semaphore, #tpu.memory_space<semaphore_mem>>)
      %dma_wait3A_116 = arith.constant 0 : i32
      %dma_wait3A_117 = tpu.memref_slice %arg2[%add3A_4, %dma_wait3A_116] : memref<9216x128xi32, #tpu.memory_space<hbm>> -> memref<8x128xi32, #tpu.memory_space<hbm>>
      %dma_wait3A_118 = arith.constant 0 : i32
      %dma_wait3A_119 = tpu.memref_slice %arg2[%add3A_4, %dma_wait3A_118] : memref<9216x128xi32, #tpu.memory_space<hbm>> -> memref<8x128xi32, #tpu.memory_space<hbm>>
      tpu.wait_dma2 semaphore(%run_scoped3A : memref<!tpu.dma_semaphore, #tpu.memory_space<semaphore_mem>>) src(%dma_wait3A_119 : memref<8x128xi32, #tpu.memory_space<hbm>>) dst(%arg5 : memref<8x128xi32, #tpu.memory_space<vmem>>)
      tpu.yield
    }) : () -> ()
    %dma_start3A = arith.constant 0 : i32
    %dma_start3A_5 = arith.constant 0 : i32
    %dma_start3A_6 = arith.constant 0 : i32
    %dma_start3A_7 = tpu.memref_slice %arg7[%dma_start3A_5, %dma_start3A_6] : memref<512x32xf32, #tpu.memory_space<vmem>> -> memref<128x32xf32, #tpu.memory_space<vmem>>
    %dma_start3A_8 = arith.constant 0 : i32
    %dma_start3A_9 = tpu.memref_slice %arg5[%dma_start3A, %dma_start3A_8] : memref<8x128xi32, #tpu.memory_space<vmem>> -> memref<1x128xi32, #tpu.memory_space<vmem>>
    %dma_start3A_10 = tpu.memref_squeeze %dma_start3A_9 : memref<1x128xi32, #tpu.memory_space<vmem>> -> memref<128xi32, #tpu.memory_space<vmem>>
    %dma_start3A_11 = arith.constant 0 : i32
    %dma_start3A_12 = arith.constant 0 : i32
    %dma_start3A_13 = tpu.memref_slice %arg3[%dma_start3A_11, %dma_start3A_12] : memref<9792x32xf32, #tpu.memory_space<hbm>> -> memref<9792x32xf32, #tpu.memory_space<hbm>>
    tpu.enqueue_indirect_dma source(%dma_start3A_13 : memref<9792x32xf32, #tpu.memory_space<hbm>>) target(%dma_start3A_7 : memref<128x32xf32, #tpu.memory_space<vmem>>) offsets(%dma_start3A_10 : memref<128xi32, #tpu.memory_space<vmem>>) semaphore(%arg9 : memref<!tpu.dma_semaphore, #tpu.memory_space<semaphore_mem>>)
    %dma_start3A_14 = arith.constant 1 : i32
    %dma_start3A_15 = arith.constant 128 : i32
    %dma_start3A_16 = arith.constant 0 : i32
    %dma_start3A_17 = tpu.memref_slice %arg7[%dma_start3A_15, %dma_start3A_16] : memref<512x32xf32, #tpu.memory_space<vmem>> -> memref<128x32xf32, #tpu.memory_space<vmem>>
    %dma_start3A_18 = arith.constant 0 : i32
    %dma_start3A_19 = tpu.memref_slice %arg5[%dma_start3A_14, %dma_start3A_18] : memref<8x128xi32, #tpu.memory_space<vmem>> -> memref<1x128xi32, #tpu.memory_space<vmem>>
    %dma_start3A_20 = tpu.memref_squeeze %dma_start3A_19 : memref<1x128xi32, #tpu.memory_space<vmem>> -> memref<128xi32, #tpu.memory_space<vmem>>
    %dma_start3A_21 = arith.constant 0 : i32
    %dma_start3A_22 = arith.constant 0 : i32
    %dma_start3A_23 = tpu.memref_slice %arg3[%dma_start3A_21, %dma_start3A_22] : memref<9792x32xf32, #tpu.memory_space<hbm>> -> memref<9792x32xf32, #tpu.memory_space<hbm>>
    tpu.enqueue_indirect_dma source(%dma_start3A_23 : memref<9792x32xf32, #tpu.memory_space<hbm>>) target(%dma_start3A_17 : memref<128x32xf32, #tpu.memory_space<vmem>>) offsets(%dma_start3A_20 : memref<128xi32, #tpu.memory_space<vmem>>) semaphore(%arg9 : memref<!tpu.dma_semaphore, #tpu.memory_space<semaphore_mem>>)
    %dma_start3A_24 = arith.constant 2 : i32
    %dma_start3A_25 = arith.constant 256 : i32
    %dma_start3A_26 = arith.constant 0 : i32
    %dma_start3A_27 = tpu.memref_slice %arg7[%dma_start3A_25, %dma_start3A_26] : memref<512x32xf32, #tpu.memory_space<vmem>> -> memref<128x32xf32, #tpu.memory_space<vmem>>
    %dma_start3A_28 = arith.constant 0 : i32
    %dma_start3A_29 = tpu.memref_slice %arg5[%dma_start3A_24, %dma_start3A_28] : memref<8x128xi32, #tpu.memory_space<vmem>> -> memref<1x128xi32, #tpu.memory_space<vmem>>
    %dma_start3A_30 = tpu.memref_squeeze %dma_start3A_29 : memref<1x128xi32, #tpu.memory_space<vmem>> -> memref<128xi32, #tpu.memory_space<vmem>>
    %dma_start3A_31 = arith.constant 0 : i32
    %dma_start3A_32 = arith.constant 0 : i32
    %dma_start3A_33 = tpu.memref_slice %arg3[%dma_start3A_31, %dma_start3A_32] : memref<9792x32xf32, #tpu.memory_space<hbm>> -> memref<9792x32xf32, #tpu.memory_space<hbm>>
    tpu.enqueue_indirect_dma source(%dma_start3A_33 : memref<9792x32xf32, #tpu.memory_space<hbm>>) target(%dma_start3A_27 : memref<128x32xf32, #tpu.memory_space<vmem>>) offsets(%dma_start3A_30 : memref<128xi32, #tpu.memory_space<vmem>>) semaphore(%arg9 : memref<!tpu.dma_semaphore, #tpu.memory_space<semaphore_mem>>)
    %dma_start3A_34 = arith.constant 3 : i32
    %dma_start3A_35 = arith.constant 384 : i32
    %dma_start3A_36 = arith.constant 0 : i32
    %dma_start3A_37 = tpu.memref_slice %arg7[%dma_start3A_35, %dma_start3A_36] : memref<512x32xf32, #tpu.memory_space<vmem>> -> memref<128x32xf32, #tpu.memory_space<vmem>>
    %dma_start3A_38 = arith.constant 0 : i32
    %dma_start3A_39 = tpu.memref_slice %arg5[%dma_start3A_34, %dma_start3A_38] : memref<8x128xi32, #tpu.memory_space<vmem>> -> memref<1x128xi32, #tpu.memory_space<vmem>>
    %dma_start3A_40 = tpu.memref_squeeze %dma_start3A_39 : memref<1x128xi32, #tpu.memory_space<vmem>> -> memref<128xi32, #tpu.memory_space<vmem>>
    %dma_start3A_41 = arith.constant 0 : i32
    %dma_start3A_42 = arith.constant 0 : i32
    %dma_start3A_43 = tpu.memref_slice %arg3[%dma_start3A_41, %dma_start3A_42] : memref<9792x32xf32, #tpu.memory_space<hbm>> -> memref<9792x32xf32, #tpu.memory_space<hbm>>
    tpu.enqueue_indirect_dma source(%dma_start3A_43 : memref<9792x32xf32, #tpu.memory_space<hbm>>) target(%dma_start3A_37 : memref<128x32xf32, #tpu.memory_space<vmem>>) offsets(%dma_start3A_40 : memref<128xi32, #tpu.memory_space<vmem>>) semaphore(%arg9 : memref<!tpu.dma_semaphore, #tpu.memory_space<semaphore_mem>>)
    %dma_start3A_44 = arith.constant 4 : i32
    %dma_start3A_45 = arith.constant 0 : i32
    %dma_start3A_46 = arith.constant 0 : i32
    %dma_start3A_47 = tpu.memref_slice %arg8[%dma_start3A_45, %dma_start3A_46] : memref<512x32xf32, #tpu.memory_space<vmem>> -> memref<128x32xf32, #tpu.memory_space<vmem>>
    %dma_start3A_48 = arith.constant 0 : i32
    %dma_start3A_49 = tpu.memref_slice %arg5[%dma_start3A_44, %dma_start3A_48] : memref<8x128xi32, #tpu.memory_space<vmem>> -> memref<1x128xi32, #tpu.memory_space<vmem>>
    %dma_start3A_50 = tpu.memref_squeeze %dma_start3A_49 : memref<1x128xi32, #tpu.memory_space<vmem>> -> memref<128xi32, #tpu.memory_space<vmem>>
    %dma_start3A_51 = arith.constant 0 : i32
    %dma_start3A_52 = arith.constant 0 : i32
    %dma_start3A_53 = tpu.memref_slice %arg3[%dma_start3A_51, %dma_start3A_52] : memref<9792x32xf32, #tpu.memory_space<hbm>> -> memref<9792x32xf32, #tpu.memory_space<hbm>>
    tpu.enqueue_indirect_dma source(%dma_start3A_53 : memref<9792x32xf32, #tpu.memory_space<hbm>>) target(%dma_start3A_47 : memref<128x32xf32, #tpu.memory_space<vmem>>) offsets(%dma_start3A_50 : memref<128xi32, #tpu.memory_space<vmem>>) semaphore(%arg10 : memref<!tpu.dma_semaphore, #tpu.memory_space<semaphore_mem>>)
    %dma_start3A_54 = arith.constant 5 : i32
    %dma_start3A_55 = arith.constant 128 : i32
    %dma_start3A_56 = arith.constant 0 : i32
    %dma_start3A_57 = tpu.memref_slice %arg8[%dma_start3A_55, %dma_start3A_56] : memref<512x32xf32, #tpu.memory_space<vmem>> -> memref<128x32xf32, #tpu.memory_space<vmem>>
    %dma_start3A_58 = arith.constant 0 : i32
    %dma_start3A_59 = tpu.memref_slice %arg5[%dma_start3A_54, %dma_start3A_58] : memref<8x128xi32, #tpu.memory_space<vmem>> -> memref<1x128xi32, #tpu.memory_space<vmem>>
    %dma_start3A_60 = tpu.memref_squeeze %dma_start3A_59 : memref<1x128xi32, #tpu.memory_space<vmem>> -> memref<128xi32, #tpu.memory_space<vmem>>
    %dma_start3A_61 = arith.constant 0 : i32
    %dma_start3A_62 = arith.constant 0 : i32
    %dma_start3A_63 = tpu.memref_slice %arg3[%dma_start3A_61, %dma_start3A_62] : memref<9792x32xf32, #tpu.memory_space<hbm>> -> memref<9792x32xf32, #tpu.memory_space<hbm>>
    tpu.enqueue_indirect_dma source(%dma_start3A_63 : memref<9792x32xf32, #tpu.memory_space<hbm>>) target(%dma_start3A_57 : memref<128x32xf32, #tpu.memory_space<vmem>>) offsets(%dma_start3A_60 : memref<128xi32, #tpu.memory_space<vmem>>) semaphore(%arg10 : memref<!tpu.dma_semaphore, #tpu.memory_space<semaphore_mem>>)
    %dma_start3A_64 = arith.constant 6 : i32
    %dma_start3A_65 = arith.constant 256 : i32
    %dma_start3A_66 = arith.constant 0 : i32
    %dma_start3A_67 = tpu.memref_slice %arg8[%dma_start3A_65, %dma_start3A_66] : memref<512x32xf32, #tpu.memory_space<vmem>> -> memref<128x32xf32, #tpu.memory_space<vmem>>
    %dma_start3A_68 = arith.constant 0 : i32
    %dma_start3A_69 = tpu.memref_slice %arg5[%dma_start3A_64, %dma_start3A_68] : memref<8x128xi32, #tpu.memory_space<vmem>> -> memref<1x128xi32, #tpu.memory_space<vmem>>
    %dma_start3A_70 = tpu.memref_squeeze %dma_start3A_69 : memref<1x128xi32, #tpu.memory_space<vmem>> -> memref<128xi32, #tpu.memory_space<vmem>>
    %dma_start3A_71 = arith.constant 0 : i32
    %dma_start3A_72 = arith.constant 0 : i32
    %dma_start3A_73 = tpu.memref_slice %arg3[%dma_start3A_71, %dma_start3A_72] : memref<9792x32xf32, #tpu.memory_space<hbm>> -> memref<9792x32xf32, #tpu.memory_space<hbm>>
    tpu.enqueue_indirect_dma source(%dma_start3A_73 : memref<9792x32xf32, #tpu.memory_space<hbm>>) target(%dma_start3A_67 : memref<128x32xf32, #tpu.memory_space<vmem>>) offsets(%dma_start3A_70 : memref<128xi32, #tpu.memory_space<vmem>>) semaphore(%arg10 : memref<!tpu.dma_semaphore, #tpu.memory_space<semaphore_mem>>)
    %dma_start3A_74 = arith.constant 7 : i32
    %dma_start3A_75 = arith.constant 384 : i32
    %dma_start3A_76 = arith.constant 0 : i32
    %dma_start3A_77 = tpu.memref_slice %arg8[%dma_start3A_75, %dma_start3A_76] : memref<512x32xf32, #tpu.memory_space<vmem>> -> memref<128x32xf32, #tpu.memory_space<vmem>>
    %dma_start3A_78 = arith.constant 0 : i32
    %dma_start3A_79 = tpu.memref_slice %arg5[%dma_start3A_74, %dma_start3A_78] : memref<8x128xi32, #tpu.memory_space<vmem>> -> memref<1x128xi32, #tpu.memory_space<vmem>>
    %dma_start3A_80 = tpu.memref_squeeze %dma_start3A_79 : memref<1x128xi32, #tpu.memory_space<vmem>> -> memref<128xi32, #tpu.memory_space<vmem>>
    %dma_start3A_81 = arith.constant 0 : i32
    %dma_start3A_82 = arith.constant 0 : i32
    %dma_start3A_83 = tpu.memref_slice %arg3[%dma_start3A_81, %dma_start3A_82] : memref<9792x32xf32, #tpu.memory_space<hbm>> -> memref<9792x32xf32, #tpu.memory_space<hbm>>
    tpu.enqueue_indirect_dma source(%dma_start3A_83 : memref<9792x32xf32, #tpu.memory_space<hbm>>) target(%dma_start3A_77 : memref<128x32xf32, #tpu.memory_space<vmem>>) offsets(%dma_start3A_80 : memref<128xi32, #tpu.memory_space<vmem>>) semaphore(%arg10 : memref<!tpu.dma_semaphore, #tpu.memory_space<semaphore_mem>>)
    %scan3A = arith.constant 0 : i32
    %scan3A_84 = arith.constant 0 : i32
    %scan3A_85 = arith.constant 4 : i32
    %scan3A_86 = arith.addi %scan3A_84, %scan3A_85 : i32
    %scan3A_87 = arith.constant 1 : i32
    scf.for %scan3A_112 = %scan3A_84 to %scan3A_86 step %scan3A_87  : i32 {
      %mul3A_113 = arith.constant 2 : i32
      %mul3A_114 = arith.muli %mul3A_113, %scan3A_112 : i32
      %add3A_115 = arith.constant 1 : i32
      %add3A_116 = arith.addi %mul3A_114, %add3A_115 : i32
      %add3A_117 = arith.constant 2 : i32
      %add3A_118 = arith.addi %mul3A_114, %add3A_117 : i32
      %mul3A_119 = arith.constant 1024 : i32
      %mul3A_120 = arith.muli %add3A_116, %mul3A_119 : i32
      %add3A_121 = arith.constant 256 : i32
      %add3A_122 = arith.addi %mul3A_120, %add3A_121 : i32
      %mul3A_123 = arith.constant 8 : i32
      %mul3A_124 = arith.muli %add3A, %mul3A_123 : i32
      %add3A_125 = arith.addi %add3A_122, %mul3A_124 : i32
      "tpu.region"() ({
        %run_scoped3A = tpu.sem_alloc : memref<!tpu.dma_semaphore, #tpu.memory_space<semaphore_mem>>
        %dma_start3A_345 = arith.constant 0 : i32
        %dma_start3A_346 = tpu.memref_slice %arg2[%add3A_125, %dma_start3A_345] : memref<9216x128xi32, #tpu.memory_space<hbm>> -> memref<8x128xi32, #tpu.memory_space<hbm>>
        %dma_start3A_347 = arith.constant 0 : i32
        %dma_start3A_348 = tpu.memref_slice %arg2[%add3A_125, %dma_start3A_347] : memref<9216x128xi32, #tpu.memory_space<hbm>> -> memref<8x128xi32, #tpu.memory_space<hbm>>
        tpu.enqueue_dma source(%dma_start3A_348 : memref<8x128xi32, #tpu.memory_space<hbm>>) target(%arg6 : memref<8x128xi32, #tpu.memory_space<vmem>>) target_semaphore(%run_scoped3A : memref<!tpu.dma_semaphore, #tpu.memory_space<semaphore_mem>>)
        %dma_wait3A_349 = arith.constant 0 : i32
        %dma_wait3A_350 = tpu.memref_slice %arg2[%add3A_125, %dma_wait3A_349] : memref<9216x128xi32, #tpu.memory_space<hbm>> -> memref<8x128xi32, #tpu.memory_space<hbm>>
        %dma_wait3A_351 = arith.constant 0 : i32
        %dma_wait3A_352 = tpu.memref_slice %arg2[%add3A_125, %dma_wait3A_351] : memref<9216x128xi32, #tpu.memory_space<hbm>> -> memref<8x128xi32, #tpu.memory_space<hbm>>
        tpu.wait_dma2 semaphore(%run_scoped3A : memref<!tpu.dma_semaphore, #tpu.memory_space<semaphore_mem>>) src(%dma_wait3A_352 : memref<8x128xi32, #tpu.memory_space<hbm>>) dst(%arg6 : memref<8x128xi32, #tpu.memory_space<vmem>>)
        tpu.yield
      }) : () -> ()
      %dma_wait3A_126 = arith.constant 0 : i32
      %dma_wait3A_127 = arith.constant 0 : i32
      %dma_wait3A_128 = tpu.memref_slice %arg3[%dma_wait3A_126, %dma_wait3A_127] : memref<9792x32xf32, #tpu.memory_space<hbm>> -> memref<512x32xf32, #tpu.memory_space<hbm>>
      %dma_wait3A_129 = arith.constant 0 : i32
      %dma_wait3A_130 = arith.constant 0 : i32
      %dma_wait3A_131 = tpu.memref_slice %arg3[%dma_wait3A_129, %dma_wait3A_130] : memref<9792x32xf32, #tpu.memory_space<hbm>> -> memref<512x32xf32, #tpu.memory_space<hbm>>
      tpu.wait_dma2 semaphore(%arg9 : memref<!tpu.dma_semaphore, #tpu.memory_space<semaphore_mem>>) src(%dma_wait3A_131 : memref<512x32xf32, #tpu.memory_space<hbm>>) dst(%arg7 : memref<512x32xf32, #tpu.memory_space<vmem>>)
      %mul3A_132 = arith.constant 32768 : i32
      %mul3A_133 = arith.muli %mul3A_114, %mul3A_132 : i32
      %mul3A_134 = arith.constant 1024 : i32
      %mul3A_135 = arith.muli %add3A, %mul3A_134 : i32
      %add3A_136 = arith.addi %mul3A_133, %mul3A_135 : i32
      %add3A_137 = arith.constant 0 : i32
      %add3A_138 = arith.addi %add3A_136, %add3A_137 : i32
      "tpu.region"() ({
        %run_scoped3A = tpu.sem_alloc : memref<!tpu.dma_semaphore, #tpu.memory_space<semaphore_mem>>
        %dma_start3A_345 = arith.constant 0 : i32
        %dma_start3A_346 = tpu.memref_slice %arg4[%add3A_138, %dma_start3A_345] : memref<294912x32xf32, #tpu.memory_space<hbm>> -> memref<512x32xf32, #tpu.memory_space<hbm>>
        %dma_start3A_347 = arith.constant 0 : i32
        %dma_start3A_348 = tpu.memref_slice %arg4[%add3A_138, %dma_start3A_347] : memref<294912x32xf32, #tpu.memory_space<hbm>> -> memref<512x32xf32, #tpu.memory_space<hbm>>
        tpu.enqueue_dma source(%arg7 : memref<512x32xf32, #tpu.memory_space<vmem>>) target(%dma_start3A_348 : memref<512x32xf32, #tpu.memory_space<hbm>>) target_semaphore(%run_scoped3A : memref<!tpu.dma_semaphore, #tpu.memory_space<semaphore_mem>>)
        %dma_wait3A_349 = arith.constant 0 : i32
        %dma_wait3A_350 = tpu.memref_slice %arg4[%add3A_138, %dma_wait3A_349] : memref<294912x32xf32, #tpu.memory_space<hbm>> -> memref<512x32xf32, #tpu.memory_space<hbm>>
        %dma_wait3A_351 = arith.constant 0 : i32
        %dma_wait3A_352 = tpu.memref_slice %arg4[%add3A_138, %dma_wait3A_351] : memref<294912x32xf32, #tpu.memory_space<hbm>> -> memref<512x32xf32, #tpu.memory_space<hbm>>
        tpu.wait_dma2 semaphore(%run_scoped3A : memref<!tpu.dma_semaphore, #tpu.memory_space<semaphore_mem>>) src(%arg7 : memref<512x32xf32, #tpu.memory_space<vmem>>) dst(%dma_wait3A_352 : memref<512x32xf32, #tpu.memory_space<hbm>>)
        tpu.yield
      }) : () -> ()
      %dma_start3A_139 = arith.constant 0 : i32
      %dma_start3A_140 = arith.constant 0 : i32
      %dma_start3A_141 = arith.constant 0 : i32
      %dma_start3A_142 = tpu.memref_slice %arg7[%dma_start3A_140, %dma_start3A_141] : memref<512x32xf32, #tpu.memory_space<vmem>> -> memref<128x32xf32, #tpu.memory_space<vmem>>
      %dma_start3A_143 = arith.constant 0 : i32
      %dma_start3A_144 = tpu.memref_slice %arg6[%dma_start3A_139, %dma_start3A_143] : memref<8x128xi32, #tpu.memory_space<vmem>> -> memref<1x128xi32, #tpu.memory_space<vmem>>
      %dma_start3A_145 = tpu.memref_squeeze %dma_start3A_144 : memref<1x128xi32, #tpu.memory_space<vmem>> -> memref<128xi32, #tpu.memory_space<vmem>>
      %dma_start3A_146 = arith.constant 0 : i32
      %dma_start3A_147 = arith.constant 0 : i32
      %dma_start3A_148 = tpu.memref_slice %arg3[%dma_start3A_146, %dma_start3A_147] : memref<9792x32xf32, #tpu.memory_space<hbm>> -> memref<9792x32xf32, #tpu.memory_space<hbm>>
      tpu.enqueue_indirect_dma source(%dma_start3A_148 : memref<9792x32xf32, #tpu.memory_space<hbm>>) target(%dma_start3A_142 : memref<128x32xf32, #tpu.memory_space<vmem>>) offsets(%dma_start3A_145 : memref<128xi32, #tpu.memory_space<vmem>>) semaphore(%arg9 : memref<!tpu.dma_semaphore, #tpu.memory_space<semaphore_mem>>)
      %dma_start3A_149 = arith.constant 1 : i32
      %dma_start3A_150 = arith.constant 128 : i32
      %dma_start3A_151 = arith.constant 0 : i32
      %dma_start3A_152 = tpu.memref_slice %arg7[%dma_start3A_150, %dma_start3A_151] : memref<512x32xf32, #tpu.memory_space<vmem>> -> memref<128x32xf32, #tpu.memory_space<vmem>>
      %dma_start3A_153 = arith.constant 0 : i32
      %dma_start3A_154 = tpu.memref_slice %arg6[%dma_start3A_149, %dma_start3A_153] : memref<8x128xi32, #tpu.memory_space<vmem>> -> memref<1x128xi32, #tpu.memory_space<vmem>>
      %dma_start3A_155 = tpu.memref_squeeze %dma_start3A_154 : memref<1x128xi32, #tpu.memory_space<vmem>> -> memref<128xi32, #tpu.memory_space<vmem>>
      %dma_start3A_156 = arith.constant 0 : i32
      %dma_start3A_157 = arith.constant 0 : i32
      %dma_start3A_158 = tpu.memref_slice %arg3[%dma_start3A_156, %dma_start3A_157] : memref<9792x32xf32, #tpu.memory_space<hbm>> -> memref<9792x32xf32, #tpu.memory_space<hbm>>
      tpu.enqueue_indirect_dma source(%dma_start3A_158 : memref<9792x32xf32, #tpu.memory_space<hbm>>) target(%dma_start3A_152 : memref<128x32xf32, #tpu.memory_space<vmem>>) offsets(%dma_start3A_155 : memref<128xi32, #tpu.memory_space<vmem>>) semaphore(%arg9 : memref<!tpu.dma_semaphore, #tpu.memory_space<semaphore_mem>>)
      %dma_start3A_159 = arith.constant 2 : i32
      %dma_start3A_160 = arith.constant 256 : i32
      %dma_start3A_161 = arith.constant 0 : i32
      %dma_start3A_162 = tpu.memref_slice %arg7[%dma_start3A_160, %dma_start3A_161] : memref<512x32xf32, #tpu.memory_space<vmem>> -> memref<128x32xf32, #tpu.memory_space<vmem>>
      %dma_start3A_163 = arith.constant 0 : i32
      %dma_start3A_164 = tpu.memref_slice %arg6[%dma_start3A_159, %dma_start3A_163] : memref<8x128xi32, #tpu.memory_space<vmem>> -> memref<1x128xi32, #tpu.memory_space<vmem>>
      %dma_start3A_165 = tpu.memref_squeeze %dma_start3A_164 : memref<1x128xi32, #tpu.memory_space<vmem>> -> memref<128xi32, #tpu.memory_space<vmem>>
      %dma_start3A_166 = arith.constant 0 : i32
      %dma_start3A_167 = arith.constant 0 : i32
      %dma_start3A_168 = tpu.memref_slice %arg3[%dma_start3A_166, %dma_start3A_167] : memref<9792x32xf32, #tpu.memory_space<hbm>> -> memref<9792x32xf32, #tpu.memory_space<hbm>>
      tpu.enqueue_indirect_dma source(%dma_start3A_168 : memref<9792x32xf32, #tpu.memory_space<hbm>>) target(%dma_start3A_162 : memref<128x32xf32, #tpu.memory_space<vmem>>) offsets(%dma_start3A_165 : memref<128xi32, #tpu.memory_space<vmem>>) semaphore(%arg9 : memref<!tpu.dma_semaphore, #tpu.memory_space<semaphore_mem>>)
      %dma_start3A_169 = arith.constant 3 : i32
      %dma_start3A_170 = arith.constant 384 : i32
      %dma_start3A_171 = arith.constant 0 : i32
      %dma_start3A_172 = tpu.memref_slice %arg7[%dma_start3A_170, %dma_start3A_171] : memref<512x32xf32, #tpu.memory_space<vmem>> -> memref<128x32xf32, #tpu.memory_space<vmem>>
      %dma_start3A_173 = arith.constant 0 : i32
      %dma_start3A_174 = tpu.memref_slice %arg6[%dma_start3A_169, %dma_start3A_173] : memref<8x128xi32, #tpu.memory_space<vmem>> -> memref<1x128xi32, #tpu.memory_space<vmem>>
      %dma_start3A_175 = tpu.memref_squeeze %dma_start3A_174 : memref<1x128xi32, #tpu.memory_space<vmem>> -> memref<128xi32, #tpu.memory_space<vmem>>
      %dma_start3A_176 = arith.constant 0 : i32
      %dma_start3A_177 = arith.constant 0 : i32
      %dma_start3A_178 = tpu.memref_slice %arg3[%dma_start3A_176, %dma_start3A_177] : memref<9792x32xf32, #tpu.memory_space<hbm>> -> memref<9792x32xf32, #tpu.memory_space<hbm>>
      tpu.enqueue_indirect_dma source(%dma_start3A_178 : memref<9792x32xf32, #tpu.memory_space<hbm>>) target(%dma_start3A_172 : memref<128x32xf32, #tpu.memory_space<vmem>>) offsets(%dma_start3A_175 : memref<128xi32, #tpu.memory_space<vmem>>) semaphore(%arg9 : memref<!tpu.dma_semaphore, #tpu.memory_space<semaphore_mem>>)
      %dma_wait3A_179 = arith.constant 0 : i32
      %dma_wait3A_180 = arith.constant 0 : i32
      %dma_wait3A_181 = tpu.memref_slice %arg3[%dma_wait3A_179, %dma_wait3A_180] : memref<9792x32xf32, #tpu.memory_space<hbm>> -> memref<512x32xf32, #tpu.memory_space<hbm>>
      %dma_wait3A_182 = arith.constant 0 : i32
      %dma_wait3A_183 = arith.constant 0 : i32
      %dma_wait3A_184 = tpu.memref_slice %arg3[%dma_wait3A_182, %dma_wait3A_183] : memref<9792x32xf32, #tpu.memory_space<hbm>> -> memref<512x32xf32, #tpu.memory_space<hbm>>
      tpu.wait_dma2 semaphore(%arg10 : memref<!tpu.dma_semaphore, #tpu.memory_space<semaphore_mem>>) src(%dma_wait3A_184 : memref<512x32xf32, #tpu.memory_space<hbm>>) dst(%arg8 : memref<512x32xf32, #tpu.memory_space<vmem>>)
      %mul3A_185 = arith.constant 32768 : i32
      %mul3A_186 = arith.muli %mul3A_114, %mul3A_185 : i32
      %mul3A_187 = arith.constant 1024 : i32
      %mul3A_188 = arith.muli %add3A, %mul3A_187 : i32
      %add3A_189 = arith.addi %mul3A_186, %mul3A_188 : i32
      %add3A_190 = arith.constant 512 : i32
      %add3A_191 = arith.addi %add3A_189, %add3A_190 : i32
      "tpu.region"() ({
        %run_scoped3A = tpu.sem_alloc : memref<!tpu.dma_semaphore, #tpu.memory_space<semaphore_mem>>
        %dma_start3A_345 = arith.constant 0 : i32
        %dma_start3A_346 = tpu.memref_slice %arg4[%add3A_191, %dma_start3A_345] : memref<294912x32xf32, #tpu.memory_space<hbm>> -> memref<512x32xf32, #tpu.memory_space<hbm>>
        %dma_start3A_347 = arith.constant 0 : i32
        %dma_start3A_348 = tpu.memref_slice %arg4[%add3A_191, %dma_start3A_347] : memref<294912x32xf32, #tpu.memory_space<hbm>> -> memref<512x32xf32, #tpu.memory_space<hbm>>
        tpu.enqueue_dma source(%arg8 : memref<512x32xf32, #tpu.memory_space<vmem>>) target(%dma_start3A_348 : memref<512x32xf32, #tpu.memory_space<hbm>>) target_semaphore(%run_scoped3A : memref<!tpu.dma_semaphore, #tpu.memory_space<semaphore_mem>>)
        %dma_wait3A_349 = arith.constant 0 : i32
        %dma_wait3A_350 = tpu.memref_slice %arg4[%add3A_191, %dma_wait3A_349] : memref<294912x32xf32, #tpu.memory_space<hbm>> -> memref<512x32xf32, #tpu.memory_space<hbm>>
        %dma_wait3A_351 = arith.constant 0 : i32
        %dma_wait3A_352 = tpu.memref_slice %arg4[%add3A_191, %dma_wait3A_351] : memref<294912x32xf32, #tpu.memory_space<hbm>> -> memref<512x32xf32, #tpu.memory_space<hbm>>
        tpu.wait_dma2 semaphore(%run_scoped3A : memref<!tpu.dma_semaphore, #tpu.memory_space<semaphore_mem>>) src(%arg8 : memref<512x32xf32, #tpu.memory_space<vmem>>) dst(%dma_wait3A_352 : memref<512x32xf32, #tpu.memory_space<hbm>>)
        tpu.yield
      }) : () -> ()
      %dma_start3A_192 = arith.constant 4 : i32
      %dma_start3A_193 = arith.constant 0 : i32
      %dma_start3A_194 = arith.constant 0 : i32
      %dma_start3A_195 = tpu.memref_slice %arg8[%dma_start3A_193, %dma_start3A_194] : memref<512x32xf32, #tpu.memory_space<vmem>> -> memref<128x32xf32, #tpu.memory_space<vmem>>
      %dma_start3A_196 = arith.constant 0 : i32
      %dma_start3A_197 = tpu.memref_slice %arg6[%dma_start3A_192, %dma_start3A_196] : memref<8x128xi32, #tpu.memory_space<vmem>> -> memref<1x128xi32, #tpu.memory_space<vmem>>
      %dma_start3A_198 = tpu.memref_squeeze %dma_start3A_197 : memref<1x128xi32, #tpu.memory_space<vmem>> -> memref<128xi32, #tpu.memory_space<vmem>>
      %dma_start3A_199 = arith.constant 0 : i32
      %dma_start3A_200 = arith.constant 0 : i32
      %dma_start3A_201 = tpu.memref_slice %arg3[%dma_start3A_199, %dma_start3A_200] : memref<9792x32xf32, #tpu.memory_space<hbm>> -> memref<9792x32xf32, #tpu.memory_space<hbm>>
      tpu.enqueue_indirect_dma source(%dma_start3A_201 : memref<9792x32xf32, #tpu.memory_space<hbm>>) target(%dma_start3A_195 : memref<128x32xf32, #tpu.memory_space<vmem>>) offsets(%dma_start3A_198 : memref<128xi32, #tpu.memory_space<vmem>>) semaphore(%arg10 : memref<!tpu.dma_semaphore, #tpu.memory_space<semaphore_mem>>)
      %dma_start3A_202 = arith.constant 5 : i32
      %dma_start3A_203 = arith.constant 128 : i32
      %dma_start3A_204 = arith.constant 0 : i32
      %dma_start3A_205 = tpu.memref_slice %arg8[%dma_start3A_203, %dma_start3A_204] : memref<512x32xf32, #tpu.memory_space<vmem>> -> memref<128x32xf32, #tpu.memory_space<vmem>>
      %dma_start3A_206 = arith.constant 0 : i32
      %dma_start3A_207 = tpu.memref_slice %arg6[%dma_start3A_202, %dma_start3A_206] : memref<8x128xi32, #tpu.memory_space<vmem>> -> memref<1x128xi32, #tpu.memory_space<vmem>>
      %dma_start3A_208 = tpu.memref_squeeze %dma_start3A_207 : memref<1x128xi32, #tpu.memory_space<vmem>> -> memref<128xi32, #tpu.memory_space<vmem>>
      %dma_start3A_209 = arith.constant 0 : i32
      %dma_start3A_210 = arith.constant 0 : i32
      %dma_start3A_211 = tpu.memref_slice %arg3[%dma_start3A_209, %dma_start3A_210] : memref<9792x32xf32, #tpu.memory_space<hbm>> -> memref<9792x32xf32, #tpu.memory_space<hbm>>
      tpu.enqueue_indirect_dma source(%dma_start3A_211 : memref<9792x32xf32, #tpu.memory_space<hbm>>) target(%dma_start3A_205 : memref<128x32xf32, #tpu.memory_space<vmem>>) offsets(%dma_start3A_208 : memref<128xi32, #tpu.memory_space<vmem>>) semaphore(%arg10 : memref<!tpu.dma_semaphore, #tpu.memory_space<semaphore_mem>>)
      %dma_start3A_212 = arith.constant 6 : i32
      %dma_start3A_213 = arith.constant 256 : i32
      %dma_start3A_214 = arith.constant 0 : i32
      %dma_start3A_215 = tpu.memref_slice %arg8[%dma_start3A_213, %dma_start3A_214] : memref<512x32xf32, #tpu.memory_space<vmem>> -> memref<128x32xf32, #tpu.memory_space<vmem>>
      %dma_start3A_216 = arith.constant 0 : i32
      %dma_start3A_217 = tpu.memref_slice %arg6[%dma_start3A_212, %dma_start3A_216] : memref<8x128xi32, #tpu.memory_space<vmem>> -> memref<1x128xi32, #tpu.memory_space<vmem>>
      %dma_start3A_218 = tpu.memref_squeeze %dma_start3A_217 : memref<1x128xi32, #tpu.memory_space<vmem>> -> memref<128xi32, #tpu.memory_space<vmem>>
      %dma_start3A_219 = arith.constant 0 : i32
      %dma_start3A_220 = arith.constant 0 : i32
      %dma_start3A_221 = tpu.memref_slice %arg3[%dma_start3A_219, %dma_start3A_220] : memref<9792x32xf32, #tpu.memory_space<hbm>> -> memref<9792x32xf32, #tpu.memory_space<hbm>>
      tpu.enqueue_indirect_dma source(%dma_start3A_221 : memref<9792x32xf32, #tpu.memory_space<hbm>>) target(%dma_start3A_215 : memref<128x32xf32, #tpu.memory_space<vmem>>) offsets(%dma_start3A_218 : memref<128xi32, #tpu.memory_space<vmem>>) semaphore(%arg10 : memref<!tpu.dma_semaphore, #tpu.memory_space<semaphore_mem>>)
      %dma_start3A_222 = arith.constant 7 : i32
      %dma_start3A_223 = arith.constant 384 : i32
      %dma_start3A_224 = arith.constant 0 : i32
      %dma_start3A_225 = tpu.memref_slice %arg8[%dma_start3A_223, %dma_start3A_224] : memref<512x32xf32, #tpu.memory_space<vmem>> -> memref<128x32xf32, #tpu.memory_space<vmem>>
      %dma_start3A_226 = arith.constant 0 : i32
      %dma_start3A_227 = tpu.memref_slice %arg6[%dma_start3A_222, %dma_start3A_226] : memref<8x128xi32, #tpu.memory_space<vmem>> -> memref<1x128xi32, #tpu.memory_space<vmem>>
      %dma_start3A_228 = tpu.memref_squeeze %dma_start3A_227 : memref<1x128xi32, #tpu.memory_space<vmem>> -> memref<128xi32, #tpu.memory_space<vmem>>
      %dma_start3A_229 = arith.constant 0 : i32
      %dma_start3A_230 = arith.constant 0 : i32
      %dma_start3A_231 = tpu.memref_slice %arg3[%dma_start3A_229, %dma_start3A_230] : memref<9792x32xf32, #tpu.memory_space<hbm>> -> memref<9792x32xf32, #tpu.memory_space<hbm>>
      tpu.enqueue_indirect_dma source(%dma_start3A_231 : memref<9792x32xf32, #tpu.memory_space<hbm>>) target(%dma_start3A_225 : memref<128x32xf32, #tpu.memory_space<vmem>>) offsets(%dma_start3A_228 : memref<128xi32, #tpu.memory_space<vmem>>) semaphore(%arg10 : memref<!tpu.dma_semaphore, #tpu.memory_space<semaphore_mem>>)
      %mul3A_232 = arith.constant 1024 : i32
      %mul3A_233 = arith.muli %add3A_118, %mul3A_232 : i32
      %add3A_234 = arith.constant 256 : i32
      %add3A_235 = arith.addi %mul3A_233, %add3A_234 : i32
      %mul3A_236 = arith.constant 8 : i32
      %mul3A_237 = arith.muli %add3A, %mul3A_236 : i32
      %add3A_238 = arith.addi %add3A_235, %mul3A_237 : i32
      "tpu.region"() ({
        %run_scoped3A = tpu.sem_alloc : memref<!tpu.dma_semaphore, #tpu.memory_space<semaphore_mem>>
        %dma_start3A_345 = arith.constant 0 : i32
        %dma_start3A_346 = tpu.memref_slice %arg2[%add3A_238, %dma_start3A_345] : memref<9216x128xi32, #tpu.memory_space<hbm>> -> memref<8x128xi32, #tpu.memory_space<hbm>>
        %dma_start3A_347 = arith.constant 0 : i32
        %dma_start3A_348 = tpu.memref_slice %arg2[%add3A_238, %dma_start3A_347] : memref<9216x128xi32, #tpu.memory_space<hbm>> -> memref<8x128xi32, #tpu.memory_space<hbm>>
        tpu.enqueue_dma source(%dma_start3A_348 : memref<8x128xi32, #tpu.memory_space<hbm>>) target(%arg5 : memref<8x128xi32, #tpu.memory_space<vmem>>) target_semaphore(%run_scoped3A : memref<!tpu.dma_semaphore, #tpu.memory_space<semaphore_mem>>)
        %dma_wait3A_349 = arith.constant 0 : i32
        %dma_wait3A_350 = tpu.memref_slice %arg2[%add3A_238, %dma_wait3A_349] : memref<9216x128xi32, #tpu.memory_space<hbm>> -> memref<8x128xi32, #tpu.memory_space<hbm>>
        %dma_wait3A_351 = arith.constant 0 : i32
        %dma_wait3A_352 = tpu.memref_slice %arg2[%add3A_238, %dma_wait3A_351] : memref<9216x128xi32, #tpu.memory_space<hbm>> -> memref<8x128xi32, #tpu.memory_space<hbm>>
        tpu.wait_dma2 semaphore(%run_scoped3A : memref<!tpu.dma_semaphore, #tpu.memory_space<semaphore_mem>>) src(%dma_wait3A_352 : memref<8x128xi32, #tpu.memory_space<hbm>>) dst(%arg5 : memref<8x128xi32, #tpu.memory_space<vmem>>)
        tpu.yield
      }) : () -> ()
      %dma_wait3A_239 = arith.constant 0 : i32
      %dma_wait3A_240 = arith.constant 0 : i32
      %dma_wait3A_241 = tpu.memref_slice %arg3[%dma_wait3A_239, %dma_wait3A_240] : memref<9792x32xf32, #tpu.memory_space<hbm>> -> memref<512x32xf32, #tpu.memory_space<hbm>>
      %dma_wait3A_242 = arith.constant 0 : i32
      %dma_wait3A_243 = arith.constant 0 : i32
      %dma_wait3A_244 = tpu.memref_slice %arg3[%dma_wait3A_242, %dma_wait3A_243] : memref<9792x32xf32, #tpu.memory_space<hbm>> -> memref<512x32xf32, #tpu.memory_space<hbm>>
      tpu.wait_dma2 semaphore(%arg9 : memref<!tpu.dma_semaphore, #tpu.memory_space<semaphore_mem>>) src(%dma_wait3A_244 : memref<512x32xf32, #tpu.memory_space<hbm>>) dst(%arg7 : memref<512x32xf32, #tpu.memory_space<vmem>>)
      %mul3A_245 = arith.constant 32768 : i32
      %mul3A_246 = arith.muli %add3A_116, %mul3A_245 : i32
      %mul3A_247 = arith.constant 1024 : i32
      %mul3A_248 = arith.muli %add3A, %mul3A_247 : i32
      %add3A_249 = arith.addi %mul3A_246, %mul3A_248 : i32
      %add3A_250 = arith.constant 0 : i32
      %add3A_251 = arith.addi %add3A_249, %add3A_250 : i32
      "tpu.region"() ({
        %run_scoped3A = tpu.sem_alloc : memref<!tpu.dma_semaphore, #tpu.memory_space<semaphore_mem>>
        %dma_start3A_345 = arith.constant 0 : i32
        %dma_start3A_346 = tpu.memref_slice %arg4[%add3A_251, %dma_start3A_345] : memref<294912x32xf32, #tpu.memory_space<hbm>> -> memref<512x32xf32, #tpu.memory_space<hbm>>
        %dma_start3A_347 = arith.constant 0 : i32
        %dma_start3A_348 = tpu.memref_slice %arg4[%add3A_251, %dma_start3A_347] : memref<294912x32xf32, #tpu.memory_space<hbm>> -> memref<512x32xf32, #tpu.memory_space<hbm>>
        tpu.enqueue_dma source(%arg7 : memref<512x32xf32, #tpu.memory_space<vmem>>) target(%dma_start3A_348 : memref<512x32xf32, #tpu.memory_space<hbm>>) target_semaphore(%run_scoped3A : memref<!tpu.dma_semaphore, #tpu.memory_space<semaphore_mem>>)
        %dma_wait3A_349 = arith.constant 0 : i32
        %dma_wait3A_350 = tpu.memref_slice %arg4[%add3A_251, %dma_wait3A_349] : memref<294912x32xf32, #tpu.memory_space<hbm>> -> memref<512x32xf32, #tpu.memory_space<hbm>>
        %dma_wait3A_351 = arith.constant 0 : i32
        %dma_wait3A_352 = tpu.memref_slice %arg4[%add3A_251, %dma_wait3A_351] : memref<294912x32xf32, #tpu.memory_space<hbm>> -> memref<512x32xf32, #tpu.memory_space<hbm>>
        tpu.wait_dma2 semaphore(%run_scoped3A : memref<!tpu.dma_semaphore, #tpu.memory_space<semaphore_mem>>) src(%arg7 : memref<512x32xf32, #tpu.memory_space<vmem>>) dst(%dma_wait3A_352 : memref<512x32xf32, #tpu.memory_space<hbm>>)
        tpu.yield
      }) : () -> ()
      %dma_start3A_252 = arith.constant 0 : i32
      %dma_start3A_253 = arith.constant 0 : i32
      %dma_start3A_254 = arith.constant 0 : i32
      %dma_start3A_255 = tpu.memref_slice %arg7[%dma_start3A_253, %dma_start3A_254] : memref<512x32xf32, #tpu.memory_space<vmem>> -> memref<128x32xf32, #tpu.memory_space<vmem>>
      %dma_start3A_256 = arith.constant 0 : i32
      %dma_start3A_257 = tpu.memref_slice %arg5[%dma_start3A_252, %dma_start3A_256] : memref<8x128xi32, #tpu.memory_space<vmem>> -> memref<1x128xi32, #tpu.memory_space<vmem>>
      %dma_start3A_258 = tpu.memref_squeeze %dma_start3A_257 : memref<1x128xi32, #tpu.memory_space<vmem>> -> memref<128xi32, #tpu.memory_space<vmem>>
      %dma_start3A_259 = arith.constant 0 : i32
      %dma_start3A_260 = arith.constant 0 : i32
      %dma_start3A_261 = tpu.memref_slice %arg3[%dma_start3A_259, %dma_start3A_260] : memref<9792x32xf32, #tpu.memory_space<hbm>> -> memref<9792x32xf32, #tpu.memory_space<hbm>>
      tpu.enqueue_indirect_dma source(%dma_start3A_261 : memref<9792x32xf32, #tpu.memory_space<hbm>>) target(%dma_start3A_255 : memref<128x32xf32, #tpu.memory_space<vmem>>) offsets(%dma_start3A_258 : memref<128xi32, #tpu.memory_space<vmem>>) semaphore(%arg9 : memref<!tpu.dma_semaphore, #tpu.memory_space<semaphore_mem>>)
      %dma_start3A_262 = arith.constant 1 : i32
      %dma_start3A_263 = arith.constant 128 : i32
      %dma_start3A_264 = arith.constant 0 : i32
      %dma_start3A_265 = tpu.memref_slice %arg7[%dma_start3A_263, %dma_start3A_264] : memref<512x32xf32, #tpu.memory_space<vmem>> -> memref<128x32xf32, #tpu.memory_space<vmem>>
      %dma_start3A_266 = arith.constant 0 : i32
      %dma_start3A_267 = tpu.memref_slice %arg5[%dma_start3A_262, %dma_start3A_266] : memref<8x128xi32, #tpu.memory_space<vmem>> -> memref<1x128xi32, #tpu.memory_space<vmem>>
      %dma_start3A_268 = tpu.memref_squeeze %dma_start3A_267 : memref<1x128xi32, #tpu.memory_space<vmem>> -> memref<128xi32, #tpu.memory_space<vmem>>
      %dma_start3A_269 = arith.constant 0 : i32
      %dma_start3A_270 = arith.constant 0 : i32
      %dma_start3A_271 = tpu.memref_slice %arg3[%dma_start3A_269, %dma_start3A_270] : memref<9792x32xf32, #tpu.memory_space<hbm>> -> memref<9792x32xf32, #tpu.memory_space<hbm>>
      tpu.enqueue_indirect_dma source(%dma_start3A_271 : memref<9792x32xf32, #tpu.memory_space<hbm>>) target(%dma_start3A_265 : memref<128x32xf32, #tpu.memory_space<vmem>>) offsets(%dma_start3A_268 : memref<128xi32, #tpu.memory_space<vmem>>) semaphore(%arg9 : memref<!tpu.dma_semaphore, #tpu.memory_space<semaphore_mem>>)
      %dma_start3A_272 = arith.constant 2 : i32
      %dma_start3A_273 = arith.constant 256 : i32
      %dma_start3A_274 = arith.constant 0 : i32
      %dma_start3A_275 = tpu.memref_slice %arg7[%dma_start3A_273, %dma_start3A_274] : memref<512x32xf32, #tpu.memory_space<vmem>> -> memref<128x32xf32, #tpu.memory_space<vmem>>
      %dma_start3A_276 = arith.constant 0 : i32
      %dma_start3A_277 = tpu.memref_slice %arg5[%dma_start3A_272, %dma_start3A_276] : memref<8x128xi32, #tpu.memory_space<vmem>> -> memref<1x128xi32, #tpu.memory_space<vmem>>
      %dma_start3A_278 = tpu.memref_squeeze %dma_start3A_277 : memref<1x128xi32, #tpu.memory_space<vmem>> -> memref<128xi32, #tpu.memory_space<vmem>>
      %dma_start3A_279 = arith.constant 0 : i32
      %dma_start3A_280 = arith.constant 0 : i32
      %dma_start3A_281 = tpu.memref_slice %arg3[%dma_start3A_279, %dma_start3A_280] : memref<9792x32xf32, #tpu.memory_space<hbm>> -> memref<9792x32xf32, #tpu.memory_space<hbm>>
      tpu.enqueue_indirect_dma source(%dma_start3A_281 : memref<9792x32xf32, #tpu.memory_space<hbm>>) target(%dma_start3A_275 : memref<128x32xf32, #tpu.memory_space<vmem>>) offsets(%dma_start3A_278 : memref<128xi32, #tpu.memory_space<vmem>>) semaphore(%arg9 : memref<!tpu.dma_semaphore, #tpu.memory_space<semaphore_mem>>)
      %dma_start3A_282 = arith.constant 3 : i32
      %dma_start3A_283 = arith.constant 384 : i32
      %dma_start3A_284 = arith.constant 0 : i32
      %dma_start3A_285 = tpu.memref_slice %arg7[%dma_start3A_283, %dma_start3A_284] : memref<512x32xf32, #tpu.memory_space<vmem>> -> memref<128x32xf32, #tpu.memory_space<vmem>>
      %dma_start3A_286 = arith.constant 0 : i32
      %dma_start3A_287 = tpu.memref_slice %arg5[%dma_start3A_282, %dma_start3A_286] : memref<8x128xi32, #tpu.memory_space<vmem>> -> memref<1x128xi32, #tpu.memory_space<vmem>>
      %dma_start3A_288 = tpu.memref_squeeze %dma_start3A_287 : memref<1x128xi32, #tpu.memory_space<vmem>> -> memref<128xi32, #tpu.memory_space<vmem>>
      %dma_start3A_289 = arith.constant 0 : i32
      %dma_start3A_290 = arith.constant 0 : i32
      %dma_start3A_291 = tpu.memref_slice %arg3[%dma_start3A_289, %dma_start3A_290] : memref<9792x32xf32, #tpu.memory_space<hbm>> -> memref<9792x32xf32, #tpu.memory_space<hbm>>
      tpu.enqueue_indirect_dma source(%dma_start3A_291 : memref<9792x32xf32, #tpu.memory_space<hbm>>) target(%dma_start3A_285 : memref<128x32xf32, #tpu.memory_space<vmem>>) offsets(%dma_start3A_288 : memref<128xi32, #tpu.memory_space<vmem>>) semaphore(%arg9 : memref<!tpu.dma_semaphore, #tpu.memory_space<semaphore_mem>>)
      %dma_wait3A_292 = arith.constant 0 : i32
      %dma_wait3A_293 = arith.constant 0 : i32
      %dma_wait3A_294 = tpu.memref_slice %arg3[%dma_wait3A_292, %dma_wait3A_293] : memref<9792x32xf32, #tpu.memory_space<hbm>> -> memref<512x32xf32, #tpu.memory_space<hbm>>
      %dma_wait3A_295 = arith.constant 0 : i32
      %dma_wait3A_296 = arith.constant 0 : i32
      %dma_wait3A_297 = tpu.memref_slice %arg3[%dma_wait3A_295, %dma_wait3A_296] : memref<9792x32xf32, #tpu.memory_space<hbm>> -> memref<512x32xf32, #tpu.memory_space<hbm>>
      tpu.wait_dma2 semaphore(%arg10 : memref<!tpu.dma_semaphore, #tpu.memory_space<semaphore_mem>>) src(%dma_wait3A_297 : memref<512x32xf32, #tpu.memory_space<hbm>>) dst(%arg8 : memref<512x32xf32, #tpu.memory_space<vmem>>)
      %mul3A_298 = arith.constant 32768 : i32
      %mul3A_299 = arith.muli %add3A_116, %mul3A_298 : i32
      %mul3A_300 = arith.constant 1024 : i32
      %mul3A_301 = arith.muli %add3A, %mul3A_300 : i32
      %add3A_302 = arith.addi %mul3A_299, %mul3A_301 : i32
      %add3A_303 = arith.constant 512 : i32
      %add3A_304 = arith.addi %add3A_302, %add3A_303 : i32
      "tpu.region"() ({
        %run_scoped3A = tpu.sem_alloc : memref<!tpu.dma_semaphore, #tpu.memory_space<semaphore_mem>>
        %dma_start3A_345 = arith.constant 0 : i32
        %dma_start3A_346 = tpu.memref_slice %arg4[%add3A_304, %dma_start3A_345] : memref<294912x32xf32, #tpu.memory_space<hbm>> -> memref<512x32xf32, #tpu.memory_space<hbm>>
        %dma_start3A_347 = arith.constant 0 : i32
        %dma_start3A_348 = tpu.memref_slice %arg4[%add3A_304, %dma_start3A_347] : memref<294912x32xf32, #tpu.memory_space<hbm>> -> memref<512x32xf32, #tpu.memory_space<hbm>>
        tpu.enqueue_dma source(%arg8 : memref<512x32xf32, #tpu.memory_space<vmem>>) target(%dma_start3A_348 : memref<512x32xf32, #tpu.memory_space<hbm>>) target_semaphore(%run_scoped3A : memref<!tpu.dma_semaphore, #tpu.memory_space<semaphore_mem>>)
        %dma_wait3A_349 = arith.constant 0 : i32
        %dma_wait3A_350 = tpu.memref_slice %arg4[%add3A_304, %dma_wait3A_349] : memref<294912x32xf32, #tpu.memory_space<hbm>> -> memref<512x32xf32, #tpu.memory_space<hbm>>
        %dma_wait3A_351 = arith.constant 0 : i32
        %dma_wait3A_352 = tpu.memref_slice %arg4[%add3A_304, %dma_wait3A_351] : memref<294912x32xf32, #tpu.memory_space<hbm>> -> memref<512x32xf32, #tpu.memory_space<hbm>>
        tpu.wait_dma2 semaphore(%run_scoped3A : memref<!tpu.dma_semaphore, #tpu.memory_space<semaphore_mem>>) src(%arg8 : memref<512x32xf32, #tpu.memory_space<vmem>>) dst(%dma_wait3A_352 : memref<512x32xf32, #tpu.memory_space<hbm>>)
        tpu.yield
      }) : () -> ()
      %dma_start3A_305 = arith.constant 4 : i32
      %dma_start3A_306 = arith.constant 0 : i32
      %dma_start3A_307 = arith.constant 0 : i32
      %dma_start3A_308 = tpu.memref_slice %arg8[%dma_start3A_306, %dma_start3A_307] : memref<512x32xf32, #tpu.memory_space<vmem>> -> memref<128x32xf32, #tpu.memory_space<vmem>>
      %dma_start3A_309 = arith.constant 0 : i32
      %dma_start3A_310 = tpu.memref_slice %arg5[%dma_start3A_305, %dma_start3A_309] : memref<8x128xi32, #tpu.memory_space<vmem>> -> memref<1x128xi32, #tpu.memory_space<vmem>>
      %dma_start3A_311 = tpu.memref_squeeze %dma_start3A_310 : memref<1x128xi32, #tpu.memory_space<vmem>> -> memref<128xi32, #tpu.memory_space<vmem>>
      %dma_start3A_312 = arith.constant 0 : i32
      %dma_start3A_313 = arith.constant 0 : i32
      %dma_start3A_314 = tpu.memref_slice %arg3[%dma_start3A_312, %dma_start3A_313] : memref<9792x32xf32, #tpu.memory_space<hbm>> -> memref<9792x32xf32, #tpu.memory_space<hbm>>
      tpu.enqueue_indirect_dma source(%dma_start3A_314 : memref<9792x32xf32, #tpu.memory_space<hbm>>) target(%dma_start3A_308 : memref<128x32xf32, #tpu.memory_space<vmem>>) offsets(%dma_start3A_311 : memref<128xi32, #tpu.memory_space<vmem>>) semaphore(%arg10 : memref<!tpu.dma_semaphore, #tpu.memory_space<semaphore_mem>>)
      %dma_start3A_315 = arith.constant 5 : i32
      %dma_start3A_316 = arith.constant 128 : i32
      %dma_start3A_317 = arith.constant 0 : i32
      %dma_start3A_318 = tpu.memref_slice %arg8[%dma_start3A_316, %dma_start3A_317] : memref<512x32xf32, #tpu.memory_space<vmem>> -> memref<128x32xf32, #tpu.memory_space<vmem>>
      %dma_start3A_319 = arith.constant 0 : i32
      %dma_start3A_320 = tpu.memref_slice %arg5[%dma_start3A_315, %dma_start3A_319] : memref<8x128xi32, #tpu.memory_space<vmem>> -> memref<1x128xi32, #tpu.memory_space<vmem>>
      %dma_start3A_321 = tpu.memref_squeeze %dma_start3A_320 : memref<1x128xi32, #tpu.memory_space<vmem>> -> memref<128xi32, #tpu.memory_space<vmem>>
      %dma_start3A_322 = arith.constant 0 : i32
      %dma_start3A_323 = arith.constant 0 : i32
      %dma_start3A_324 = tpu.memref_slice %arg3[%dma_start3A_322, %dma_start3A_323] : memref<9792x32xf32, #tpu.memory_space<hbm>> -> memref<9792x32xf32, #tpu.memory_space<hbm>>
      tpu.enqueue_indirect_dma source(%dma_start3A_324 : memref<9792x32xf32, #tpu.memory_space<hbm>>) target(%dma_start3A_318 : memref<128x32xf32, #tpu.memory_space<vmem>>) offsets(%dma_start3A_321 : memref<128xi32, #tpu.memory_space<vmem>>) semaphore(%arg10 : memref<!tpu.dma_semaphore, #tpu.memory_space<semaphore_mem>>)
      %dma_start3A_325 = arith.constant 6 : i32
      %dma_start3A_326 = arith.constant 256 : i32
      %dma_start3A_327 = arith.constant 0 : i32
      %dma_start3A_328 = tpu.memref_slice %arg8[%dma_start3A_326, %dma_start3A_327] : memref<512x32xf32, #tpu.memory_space<vmem>> -> memref<128x32xf32, #tpu.memory_space<vmem>>
      %dma_start3A_329 = arith.constant 0 : i32
      %dma_start3A_330 = tpu.memref_slice %arg5[%dma_start3A_325, %dma_start3A_329] : memref<8x128xi32, #tpu.memory_space<vmem>> -> memref<1x128xi32, #tpu.memory_space<vmem>>
      %dma_start3A_331 = tpu.memref_squeeze %dma_start3A_330 : memref<1x128xi32, #tpu.memory_space<vmem>> -> memref<128xi32, #tpu.memory_space<vmem>>
      %dma_start3A_332 = arith.constant 0 : i32
      %dma_start3A_333 = arith.constant 0 : i32
      %dma_start3A_334 = tpu.memref_slice %arg3[%dma_start3A_332, %dma_start3A_333] : memref<9792x32xf32, #tpu.memory_space<hbm>> -> memref<9792x32xf32, #tpu.memory_space<hbm>>
      tpu.enqueue_indirect_dma source(%dma_start3A_334 : memref<9792x32xf32, #tpu.memory_space<hbm>>) target(%dma_start3A_328 : memref<128x32xf32, #tpu.memory_space<vmem>>) offsets(%dma_start3A_331 : memref<128xi32, #tpu.memory_space<vmem>>) semaphore(%arg10 : memref<!tpu.dma_semaphore, #tpu.memory_space<semaphore_mem>>)
      %dma_start3A_335 = arith.constant 7 : i32
      %dma_start3A_336 = arith.constant 384 : i32
      %dma_start3A_337 = arith.constant 0 : i32
      %dma_start3A_338 = tpu.memref_slice %arg8[%dma_start3A_336, %dma_start3A_337] : memref<512x32xf32, #tpu.memory_space<vmem>> -> memref<128x32xf32, #tpu.memory_space<vmem>>
      %dma_start3A_339 = arith.constant 0 : i32
      %dma_start3A_340 = tpu.memref_slice %arg5[%dma_start3A_335, %dma_start3A_339] : memref<8x128xi32, #tpu.memory_space<vmem>> -> memref<1x128xi32, #tpu.memory_space<vmem>>
      %dma_start3A_341 = tpu.memref_squeeze %dma_start3A_340 : memref<1x128xi32, #tpu.memory_space<vmem>> -> memref<128xi32, #tpu.memory_space<vmem>>
      %dma_start3A_342 = arith.constant 0 : i32
      %dma_start3A_343 = arith.constant 0 : i32
      %dma_start3A_344 = tpu.memref_slice %arg3[%dma_start3A_342, %dma_start3A_343] : memref<9792x32xf32, #tpu.memory_space<hbm>> -> memref<9792x32xf32, #tpu.memory_space<hbm>>
      tpu.enqueue_indirect_dma source(%dma_start3A_344 : memref<9792x32xf32, #tpu.memory_space<hbm>>) target(%dma_start3A_338 : memref<128x32xf32, #tpu.memory_space<vmem>>) offsets(%dma_start3A_341 : memref<128xi32, #tpu.memory_space<vmem>>) semaphore(%arg10 : memref<!tpu.dma_semaphore, #tpu.memory_space<semaphore_mem>>)
    }
    %scan3A_88 = arith.constant 4 : i32
    %dma_wait3A = arith.constant 0 : i32
    %dma_wait3A_89 = arith.constant 0 : i32
    %dma_wait3A_90 = tpu.memref_slice %arg3[%dma_wait3A, %dma_wait3A_89] : memref<9792x32xf32, #tpu.memory_space<hbm>> -> memref<512x32xf32, #tpu.memory_space<hbm>>
    %dma_wait3A_91 = arith.constant 0 : i32
    %dma_wait3A_92 = arith.constant 0 : i32
    %dma_wait3A_93 = tpu.memref_slice %arg3[%dma_wait3A_91, %dma_wait3A_92] : memref<9792x32xf32, #tpu.memory_space<hbm>> -> memref<512x32xf32, #tpu.memory_space<hbm>>
    tpu.wait_dma2 semaphore(%arg9 : memref<!tpu.dma_semaphore, #tpu.memory_space<semaphore_mem>>) src(%dma_wait3A_93 : memref<512x32xf32, #tpu.memory_space<hbm>>) dst(%arg7 : memref<512x32xf32, #tpu.memory_space<vmem>>)
    %mul3A_94 = arith.constant 1024 : i32
    %mul3A_95 = arith.muli %add3A, %mul3A_94 : i32
    %add3A_96 = arith.constant 262144 : i32
    %add3A_97 = arith.addi %add3A_96, %mul3A_95 : i32
    %add3A_98 = arith.constant 0 : i32
    %add3A_99 = arith.addi %add3A_97, %add3A_98 : i32
    "tpu.region"() ({
      %run_scoped3A = tpu.sem_alloc : memref<!tpu.dma_semaphore, #tpu.memory_space<semaphore_mem>>
      %dma_start3A_112 = arith.constant 0 : i32
      %dma_start3A_113 = tpu.memref_slice %arg4[%add3A_99, %dma_start3A_112] : memref<294912x32xf32, #tpu.memory_space<hbm>> -> memref<512x32xf32, #tpu.memory_space<hbm>>
      %dma_start3A_114 = arith.constant 0 : i32
      %dma_start3A_115 = tpu.memref_slice %arg4[%add3A_99, %dma_start3A_114] : memref<294912x32xf32, #tpu.memory_space<hbm>> -> memref<512x32xf32, #tpu.memory_space<hbm>>
      tpu.enqueue_dma source(%arg7 : memref<512x32xf32, #tpu.memory_space<vmem>>) target(%dma_start3A_115 : memref<512x32xf32, #tpu.memory_space<hbm>>) target_semaphore(%run_scoped3A : memref<!tpu.dma_semaphore, #tpu.memory_space<semaphore_mem>>)
      %dma_wait3A_116 = arith.constant 0 : i32
      %dma_wait3A_117 = tpu.memref_slice %arg4[%add3A_99, %dma_wait3A_116] : memref<294912x32xf32, #tpu.memory_space<hbm>> -> memref<512x32xf32, #tpu.memory_space<hbm>>
      %dma_wait3A_118 = arith.constant 0 : i32
      %dma_wait3A_119 = tpu.memref_slice %arg4[%add3A_99, %dma_wait3A_118] : memref<294912x32xf32, #tpu.memory_space<hbm>> -> memref<512x32xf32, #tpu.memory_space<hbm>>
      tpu.wait_dma2 semaphore(%run_scoped3A : memref<!tpu.dma_semaphore, #tpu.memory_space<semaphore_mem>>) src(%arg7 : memref<512x32xf32, #tpu.memory_space<vmem>>) dst(%dma_wait3A_119 : memref<512x32xf32, #tpu.memory_space<hbm>>)
      tpu.yield
    }) : () -> ()
    %dma_wait3A_100 = arith.constant 0 : i32
    %dma_wait3A_101 = arith.constant 0 : i32
    %dma_wait3A_102 = tpu.memref_slice %arg3[%dma_wait3A_100, %dma_wait3A_101] : memref<9792x32xf32, #tpu.memory_space<hbm>> -> memref<512x32xf32, #tpu.memory_space<hbm>>
    %dma_wait3A_103 = arith.constant 0 : i32
    %dma_wait3A_104 = arith.constant 0 : i32
    %dma_wait3A_105 = tpu.memref_slice %arg3[%dma_wait3A_103, %dma_wait3A_104] : memref<9792x32xf32, #tpu.memory_space<hbm>> -> memref<512x32xf32, #tpu.memory_space<hbm>>
    tpu.wait_dma2 semaphore(%arg10 : memref<!tpu.dma_semaphore, #tpu.memory_space<semaphore_mem>>) src(%dma_wait3A_105 : memref<512x32xf32, #tpu.memory_space<hbm>>) dst(%arg8 : memref<512x32xf32, #tpu.memory_space<vmem>>)
    %mul3A_106 = arith.constant 1024 : i32
    %mul3A_107 = arith.muli %add3A, %mul3A_106 : i32
    %add3A_108 = arith.constant 262144 : i32
    %add3A_109 = arith.addi %add3A_108, %mul3A_107 : i32
    %add3A_110 = arith.constant 512 : i32
    %add3A_111 = arith.addi %add3A_109, %add3A_110 : i32
    "tpu.region"() ({
      %run_scoped3A = tpu.sem_alloc : memref<!tpu.dma_semaphore, #tpu.memory_space<semaphore_mem>>
      %dma_start3A_112 = arith.constant 0 : i32
      %dma_start3A_113 = tpu.memref_slice %arg4[%add3A_111, %dma_start3A_112] : memref<294912x32xf32, #tpu.memory_space<hbm>> -> memref<512x32xf32, #tpu.memory_space<hbm>>
      %dma_start3A_114 = arith.constant 0 : i32
      %dma_start3A_115 = tpu.memref_slice %arg4[%add3A_111, %dma_start3A_114] : memref<294912x32xf32, #tpu.memory_space<hbm>> -> memref<512x32xf32, #tpu.memory_space<hbm>>
      tpu.enqueue_dma source(%arg8 : memref<512x32xf32, #tpu.memory_space<vmem>>) target(%dma_start3A_115 : memref<512x32xf32, #tpu.memory_space<hbm>>) target_semaphore(%run_scoped3A : memref<!tpu.dma_semaphore, #tpu.memory_space<semaphore_mem>>)
      %dma_wait3A_116 = arith.constant 0 : i32
      %dma_wait3A_117 = tpu.memref_slice %arg4[%add3A_111, %dma_wait3A_116] : memref<294912x32xf32, #tpu.memory_space<hbm>> -> memref<512x32xf32, #tpu.memory_space<hbm>>
      %dma_wait3A_118 = arith.constant 0 : i32
      %dma_wait3A_119 = tpu.memref_slice %arg4[%add3A_111, %dma_wait3A_118] : memref<294912x32xf32, #tpu.memory_space<hbm>> -> memref<512x32xf32, #tpu.memory_space<hbm>>
      tpu.wait_dma2 semaphore(%run_scoped3A : memref<!tpu.dma_semaphore, #tpu.memory_space<semaphore_mem>>) src(%arg8 : memref<512x32xf32, #tpu.memory_space<vmem>>) dst(%dma_wait3A_119 : memref<512x32xf32, #tpu.memory_space<hbm>>)
      tpu.yield
    }) : () -> ()
    return
  }
}

#map = affine_map<(d0, d1) -> (0, 0)>
module attributes {stable_mosaic.version = 14 : i64} {
  func.func @k(%arg0: i32, %arg1: i32, %arg2: memref<9216x128xi32, #tpu.memory_space<hbm>>, %arg3: memref<9792x32xf32, #tpu.memory_space<hbm>>, %arg4: memref<294912x32xf32, #tpu.memory_space<hbm>>, %arg5: memref<8x128xi32, #tpu.memory_space<vmem>>, %arg6: memref<8x128xi32, #tpu.memory_space<vmem>>, %arg7: memref<512x32xf32, #tpu.memory_space<vmem>>, %arg8: memref<512x32xf32, #tpu.memory_space<vmem>>, %arg9: memref<!tpu.dma_semaphore, #tpu.memory_space<semaphore_mem>>, %arg10: memref<!tpu.dma_semaphore, #tpu.memory_space<semaphore_mem>>) attributes {dimension_semantics = [#tpu.dimension_semantics<core_parallel>, #tpu.dimension_semantics<subcore_parallel>], iteration_bounds = array<i64: 2, 16>, scalar_prefetch = 0 : i64, scratch_operands = 6 : i64, tpu.core_type = #tpu.core_type<sc_vector_subcore>, window_params = [{transform_indices = #map}, {transform_indices = #map}, {transform_indices = #map}]} {
    %mul3A = arith.constant 16 : i32
    %mul3A_0 = arith.muli %arg0, %mul3A : i32
    %add3A = arith.addi %mul3A_0, %arg1 : i32
    %mul3A_1 = arith.constant 8 : i32
    %mul3A_2 = arith.muli %add3A, %mul3A_1 : i32
    %add3A_3 = arith.constant 768 : i32
    %add3A_4 = arith.addi %add3A_3, %mul3A_2 : i32
    "tpu.region"() ({
      %run_scoped3A = tpu.sem_alloc : memref<!tpu.dma_semaphore, #tpu.memory_space<semaphore_mem>>
      %dma_start3A_112 = arith.constant 0 : i32
      %dma_start3A_113 = tpu.memref_slice %arg2[%add3A_4, %dma_start3A_112] : memref<9216x128xi32, #tpu.memory_space<hbm>> -> memref<8x128xi32, #tpu.memory_space<hbm>>
      %dma_start3A_114 = arith.constant 0 : i32
      %dma_start3A_115 = tpu.memref_slice %arg2[%add3A_4, %dma_start3A_114] : memref<9216x128xi32, #tpu.memory_space<hbm>> -> memref<8x128xi32, #tpu.memory_space<hbm>>
      tpu.enqueue_dma source(%dma_start3A_115 : memref<8x128xi32, #tpu.memory_space<hbm>>) target(%arg5 : memref<8x128xi32, #tpu.memory_space<vmem>>) target_semaphore(%run_scoped3A : memref<!tpu.dma_semaphore, #tpu.memory_space<semaphore_mem>>)
      %dma_wait3A_116 = arith.constant 0 : i32
      %dma_wait3A_117 = tpu.memref_slice %arg2[%add3A_4, %dma_wait3A_116] : memref<9216x128xi32, #tpu.memory_space<hbm>> -> memref<8x128xi32, #tpu.memory_space<hbm>>
      %dma_wait3A_118 = arith.constant 0 : i32
      %dma_wait3A_119 = tpu.memref_slice %arg2[%add3A_4, %dma_wait3A_118] : memref<9216x128xi32, #tpu.memory_space<hbm>> -> memref<8x128xi32, #tpu.memory_space<hbm>>
      tpu.wait_dma2 semaphore(%run_scoped3A : memref<!tpu.dma_semaphore, #tpu.memory_space<semaphore_mem>>) src(%dma_wait3A_119 : memref<8x128xi32, #tpu.memory_space<hbm>>) dst(%arg5 : memref<8x128xi32, #tpu.memory_space<vmem>>)
      tpu.yield
    }) : () -> ()
    %dma_start3A = arith.constant 0 : i32
    %dma_start3A_5 = arith.constant 0 : i32
    %dma_start3A_6 = arith.constant 0 : i32
    %dma_start3A_7 = tpu.memref_slice %arg7[%dma_start3A_5, %dma_start3A_6] : memref<512x32xf32, #tpu.memory_space<vmem>> -> memref<128x32xf32, #tpu.memory_space<vmem>>
    %dma_start3A_8 = arith.constant 0 : i32
    %dma_start3A_9 = tpu.memref_slice %arg5[%dma_start3A, %dma_start3A_8] : memref<8x128xi32, #tpu.memory_space<vmem>> -> memref<1x128xi32, #tpu.memory_space<vmem>>
    %dma_start3A_10 = tpu.memref_squeeze %dma_start3A_9 : memref<1x128xi32, #tpu.memory_space<vmem>> -> memref<128xi32, #tpu.memory_space<vmem>>
    %dma_start3A_11 = arith.constant 0 : i32
    %dma_start3A_12 = arith.constant 0 : i32
    %dma_start3A_13 = tpu.memref_slice %arg3[%dma_start3A_11, %dma_start3A_12] : memref<9792x32xf32, #tpu.memory_space<hbm>> -> memref<9792x32xf32, #tpu.memory_space<hbm>>
    tpu.enqueue_indirect_dma source(%dma_start3A_13 : memref<9792x32xf32, #tpu.memory_space<hbm>>) target(%dma_start3A_7 : memref<128x32xf32, #tpu.memory_space<vmem>>) offsets(%dma_start3A_10 : memref<128xi32, #tpu.memory_space<vmem>>) semaphore(%arg9 : memref<!tpu.dma_semaphore, #tpu.memory_space<semaphore_mem>>)
    %dma_start3A_14 = arith.constant 1 : i32
    %dma_start3A_15 = arith.constant 128 : i32
    %dma_start3A_16 = arith.constant 0 : i32
    %dma_start3A_17 = tpu.memref_slice %arg7[%dma_start3A_15, %dma_start3A_16] : memref<512x32xf32, #tpu.memory_space<vmem>> -> memref<128x32xf32, #tpu.memory_space<vmem>>
    %dma_start3A_18 = arith.constant 0 : i32
    %dma_start3A_19 = tpu.memref_slice %arg5[%dma_start3A_14, %dma_start3A_18] : memref<8x128xi32, #tpu.memory_space<vmem>> -> memref<1x128xi32, #tpu.memory_space<vmem>>
    %dma_start3A_20 = tpu.memref_squeeze %dma_start3A_19 : memref<1x128xi32, #tpu.memory_space<vmem>> -> memref<128xi32, #tpu.memory_space<vmem>>
    %dma_start3A_21 = arith.constant 0 : i32
    %dma_start3A_22 = arith.constant 0 : i32
    %dma_start3A_23 = tpu.memref_slice %arg3[%dma_start3A_21, %dma_start3A_22] : memref<9792x32xf32, #tpu.memory_space<hbm>> -> memref<9792x32xf32, #tpu.memory_space<hbm>>
    tpu.enqueue_indirect_dma source(%dma_start3A_23 : memref<9792x32xf32, #tpu.memory_space<hbm>>) target(%dma_start3A_17 : memref<128x32xf32, #tpu.memory_space<vmem>>) offsets(%dma_start3A_20 : memref<128xi32, #tpu.memory_space<vmem>>) semaphore(%arg9 : memref<!tpu.dma_semaphore, #tpu.memory_space<semaphore_mem>>)
    %dma_start3A_24 = arith.constant 2 : i32
    %dma_start3A_25 = arith.constant 256 : i32
    %dma_start3A_26 = arith.constant 0 : i32
    %dma_start3A_27 = tpu.memref_slice %arg7[%dma_start3A_25, %dma_start3A_26] : memref<512x32xf32, #tpu.memory_space<vmem>> -> memref<128x32xf32, #tpu.memory_space<vmem>>
    %dma_start3A_28 = arith.constant 0 : i32
    %dma_start3A_29 = tpu.memref_slice %arg5[%dma_start3A_24, %dma_start3A_28] : memref<8x128xi32, #tpu.memory_space<vmem>> -> memref<1x128xi32, #tpu.memory_space<vmem>>
    %dma_start3A_30 = tpu.memref_squeeze %dma_start3A_29 : memref<1x128xi32, #tpu.memory_space<vmem>> -> memref<128xi32, #tpu.memory_space<vmem>>
    %dma_start3A_31 = arith.constant 0 : i32
    %dma_start3A_32 = arith.constant 0 : i32
    %dma_start3A_33 = tpu.memref_slice %arg3[%dma_start3A_31, %dma_start3A_32] : memref<9792x32xf32, #tpu.memory_space<hbm>> -> memref<9792x32xf32, #tpu.memory_space<hbm>>
    tpu.enqueue_indirect_dma source(%dma_start3A_33 : memref<9792x32xf32, #tpu.memory_space<hbm>>) target(%dma_start3A_27 : memref<128x32xf32, #tpu.memory_space<vmem>>) offsets(%dma_start3A_30 : memref<128xi32, #tpu.memory_space<vmem>>) semaphore(%arg9 : memref<!tpu.dma_semaphore, #tpu.memory_space<semaphore_mem>>)
    %dma_start3A_34 = arith.constant 3 : i32
    %dma_start3A_35 = arith.constant 384 : i32
    %dma_start3A_36 = arith.constant 0 : i32
    %dma_start3A_37 = tpu.memref_slice %arg7[%dma_start3A_35, %dma_start3A_36] : memref<512x32xf32, #tpu.memory_space<vmem>> -> memref<128x32xf32, #tpu.memory_space<vmem>>
    %dma_start3A_38 = arith.constant 0 : i32
    %dma_start3A_39 = tpu.memref_slice %arg5[%dma_start3A_34, %dma_start3A_38] : memref<8x128xi32, #tpu.memory_space<vmem>> -> memref<1x128xi32, #tpu.memory_space<vmem>>
    %dma_start3A_40 = tpu.memref_squeeze %dma_start3A_39 : memref<1x128xi32, #tpu.memory_space<vmem>> -> memref<128xi32, #tpu.memory_space<vmem>>
    %dma_start3A_41 = arith.constant 0 : i32
    %dma_start3A_42 = arith.constant 0 : i32
    %dma_start3A_43 = tpu.memref_slice %arg3[%dma_start3A_41, %dma_start3A_42] : memref<9792x32xf32, #tpu.memory_space<hbm>> -> memref<9792x32xf32, #tpu.memory_space<hbm>>
    tpu.enqueue_indirect_dma source(%dma_start3A_43 : memref<9792x32xf32, #tpu.memory_space<hbm>>) target(%dma_start3A_37 : memref<128x32xf32, #tpu.memory_space<vmem>>) offsets(%dma_start3A_40 : memref<128xi32, #tpu.memory_space<vmem>>) semaphore(%arg9 : memref<!tpu.dma_semaphore, #tpu.memory_space<semaphore_mem>>)
    %dma_start3A_44 = arith.constant 4 : i32
    %dma_start3A_45 = arith.constant 0 : i32
    %dma_start3A_46 = arith.constant 0 : i32
    %dma_start3A_47 = tpu.memref_slice %arg8[%dma_start3A_45, %dma_start3A_46] : memref<512x32xf32, #tpu.memory_space<vmem>> -> memref<128x32xf32, #tpu.memory_space<vmem>>
    %dma_start3A_48 = arith.constant 0 : i32
    %dma_start3A_49 = tpu.memref_slice %arg5[%dma_start3A_44, %dma_start3A_48] : memref<8x128xi32, #tpu.memory_space<vmem>> -> memref<1x128xi32, #tpu.memory_space<vmem>>
    %dma_start3A_50 = tpu.memref_squeeze %dma_start3A_49 : memref<1x128xi32, #tpu.memory_space<vmem>> -> memref<128xi32, #tpu.memory_space<vmem>>
    %dma_start3A_51 = arith.constant 0 : i32
    %dma_start3A_52 = arith.constant 0 : i32
    %dma_start3A_53 = tpu.memref_slice %arg3[%dma_start3A_51, %dma_start3A_52] : memref<9792x32xf32, #tpu.memory_space<hbm>> -> memref<9792x32xf32, #tpu.memory_space<hbm>>
    tpu.enqueue_indirect_dma source(%dma_start3A_53 : memref<9792x32xf32, #tpu.memory_space<hbm>>) target(%dma_start3A_47 : memref<128x32xf32, #tpu.memory_space<vmem>>) offsets(%dma_start3A_50 : memref<128xi32, #tpu.memory_space<vmem>>) semaphore(%arg10 : memref<!tpu.dma_semaphore, #tpu.memory_space<semaphore_mem>>)
    %dma_start3A_54 = arith.constant 5 : i32
    %dma_start3A_55 = arith.constant 128 : i32
    %dma_start3A_56 = arith.constant 0 : i32
    %dma_start3A_57 = tpu.memref_slice %arg8[%dma_start3A_55, %dma_start3A_56] : memref<512x32xf32, #tpu.memory_space<vmem>> -> memref<128x32xf32, #tpu.memory_space<vmem>>
    %dma_start3A_58 = arith.constant 0 : i32
    %dma_start3A_59 = tpu.memref_slice %arg5[%dma_start3A_54, %dma_start3A_58] : memref<8x128xi32, #tpu.memory_space<vmem>> -> memref<1x128xi32, #tpu.memory_space<vmem>>
    %dma_start3A_60 = tpu.memref_squeeze %dma_start3A_59 : memref<1x128xi32, #tpu.memory_space<vmem>> -> memref<128xi32, #tpu.memory_space<vmem>>
    %dma_start3A_61 = arith.constant 0 : i32
    %dma_start3A_62 = arith.constant 0 : i32
    %dma_start3A_63 = tpu.memref_slice %arg3[%dma_start3A_61, %dma_start3A_62] : memref<9792x32xf32, #tpu.memory_space<hbm>> -> memref<9792x32xf32, #tpu.memory_space<hbm>>
    tpu.enqueue_indirect_dma source(%dma_start3A_63 : memref<9792x32xf32, #tpu.memory_space<hbm>>) target(%dma_start3A_57 : memref<128x32xf32, #tpu.memory_space<vmem>>) offsets(%dma_start3A_60 : memref<128xi32, #tpu.memory_space<vmem>>) semaphore(%arg10 : memref<!tpu.dma_semaphore, #tpu.memory_space<semaphore_mem>>)
    %dma_start3A_64 = arith.constant 6 : i32
    %dma_start3A_65 = arith.constant 256 : i32
    %dma_start3A_66 = arith.constant 0 : i32
    %dma_start3A_67 = tpu.memref_slice %arg8[%dma_start3A_65, %dma_start3A_66] : memref<512x32xf32, #tpu.memory_space<vmem>> -> memref<128x32xf32, #tpu.memory_space<vmem>>
    %dma_start3A_68 = arith.constant 0 : i32
    %dma_start3A_69 = tpu.memref_slice %arg5[%dma_start3A_64, %dma_start3A_68] : memref<8x128xi32, #tpu.memory_space<vmem>> -> memref<1x128xi32, #tpu.memory_space<vmem>>
    %dma_start3A_70 = tpu.memref_squeeze %dma_start3A_69 : memref<1x128xi32, #tpu.memory_space<vmem>> -> memref<128xi32, #tpu.memory_space<vmem>>
    %dma_start3A_71 = arith.constant 0 : i32
    %dma_start3A_72 = arith.constant 0 : i32
    %dma_start3A_73 = tpu.memref_slice %arg3[%dma_start3A_71, %dma_start3A_72] : memref<9792x32xf32, #tpu.memory_space<hbm>> -> memref<9792x32xf32, #tpu.memory_space<hbm>>
    tpu.enqueue_indirect_dma source(%dma_start3A_73 : memref<9792x32xf32, #tpu.memory_space<hbm>>) target(%dma_start3A_67 : memref<128x32xf32, #tpu.memory_space<vmem>>) offsets(%dma_start3A_70 : memref<128xi32, #tpu.memory_space<vmem>>) semaphore(%arg10 : memref<!tpu.dma_semaphore, #tpu.memory_space<semaphore_mem>>)
    %dma_start3A_74 = arith.constant 7 : i32
    %dma_start3A_75 = arith.constant 384 : i32
    %dma_start3A_76 = arith.constant 0 : i32
    %dma_start3A_77 = tpu.memref_slice %arg8[%dma_start3A_75, %dma_start3A_76] : memref<512x32xf32, #tpu.memory_space<vmem>> -> memref<128x32xf32, #tpu.memory_space<vmem>>
    %dma_start3A_78 = arith.constant 0 : i32
    %dma_start3A_79 = tpu.memref_slice %arg5[%dma_start3A_74, %dma_start3A_78] : memref<8x128xi32, #tpu.memory_space<vmem>> -> memref<1x128xi32, #tpu.memory_space<vmem>>
    %dma_start3A_80 = tpu.memref_squeeze %dma_start3A_79 : memref<1x128xi32, #tpu.memory_space<vmem>> -> memref<128xi32, #tpu.memory_space<vmem>>
    %dma_start3A_81 = arith.constant 0 : i32
    %dma_start3A_82 = arith.constant 0 : i32
    %dma_start3A_83 = tpu.memref_slice %arg3[%dma_start3A_81, %dma_start3A_82] : memref<9792x32xf32, #tpu.memory_space<hbm>> -> memref<9792x32xf32, #tpu.memory_space<hbm>>
    tpu.enqueue_indirect_dma source(%dma_start3A_83 : memref<9792x32xf32, #tpu.memory_space<hbm>>) target(%dma_start3A_77 : memref<128x32xf32, #tpu.memory_space<vmem>>) offsets(%dma_start3A_80 : memref<128xi32, #tpu.memory_space<vmem>>) semaphore(%arg10 : memref<!tpu.dma_semaphore, #tpu.memory_space<semaphore_mem>>)
    %scan3A = arith.constant 0 : i32
    %scan3A_84 = arith.constant 0 : i32
    %scan3A_85 = arith.constant 4 : i32
    %scan3A_86 = arith.addi %scan3A_84, %scan3A_85 : i32
    %scan3A_87 = arith.constant 1 : i32
    scf.for %scan3A_112 = %scan3A_84 to %scan3A_86 step %scan3A_87  : i32 {
      %mul3A_113 = arith.constant 2 : i32
      %mul3A_114 = arith.muli %mul3A_113, %scan3A_112 : i32
      %add3A_115 = arith.constant 1 : i32
      %add3A_116 = arith.addi %mul3A_114, %add3A_115 : i32
      %add3A_117 = arith.constant 2 : i32
      %add3A_118 = arith.addi %mul3A_114, %add3A_117 : i32
      %mul3A_119 = arith.constant 1024 : i32
      %mul3A_120 = arith.muli %add3A_116, %mul3A_119 : i32
      %add3A_121 = arith.constant 768 : i32
      %add3A_122 = arith.addi %mul3A_120, %add3A_121 : i32
      %mul3A_123 = arith.constant 8 : i32
      %mul3A_124 = arith.muli %add3A, %mul3A_123 : i32
      %add3A_125 = arith.addi %add3A_122, %mul3A_124 : i32
      "tpu.region"() ({
        %run_scoped3A = tpu.sem_alloc : memref<!tpu.dma_semaphore, #tpu.memory_space<semaphore_mem>>
        %dma_start3A_345 = arith.constant 0 : i32
        %dma_start3A_346 = tpu.memref_slice %arg2[%add3A_125, %dma_start3A_345] : memref<9216x128xi32, #tpu.memory_space<hbm>> -> memref<8x128xi32, #tpu.memory_space<hbm>>
        %dma_start3A_347 = arith.constant 0 : i32
        %dma_start3A_348 = tpu.memref_slice %arg2[%add3A_125, %dma_start3A_347] : memref<9216x128xi32, #tpu.memory_space<hbm>> -> memref<8x128xi32, #tpu.memory_space<hbm>>
        tpu.enqueue_dma source(%dma_start3A_348 : memref<8x128xi32, #tpu.memory_space<hbm>>) target(%arg6 : memref<8x128xi32, #tpu.memory_space<vmem>>) target_semaphore(%run_scoped3A : memref<!tpu.dma_semaphore, #tpu.memory_space<semaphore_mem>>)
        %dma_wait3A_349 = arith.constant 0 : i32
        %dma_wait3A_350 = tpu.memref_slice %arg2[%add3A_125, %dma_wait3A_349] : memref<9216x128xi32, #tpu.memory_space<hbm>> -> memref<8x128xi32, #tpu.memory_space<hbm>>
        %dma_wait3A_351 = arith.constant 0 : i32
        %dma_wait3A_352 = tpu.memref_slice %arg2[%add3A_125, %dma_wait3A_351] : memref<9216x128xi32, #tpu.memory_space<hbm>> -> memref<8x128xi32, #tpu.memory_space<hbm>>
        tpu.wait_dma2 semaphore(%run_scoped3A : memref<!tpu.dma_semaphore, #tpu.memory_space<semaphore_mem>>) src(%dma_wait3A_352 : memref<8x128xi32, #tpu.memory_space<hbm>>) dst(%arg6 : memref<8x128xi32, #tpu.memory_space<vmem>>)
        tpu.yield
      }) : () -> ()
      %dma_wait3A_126 = arith.constant 0 : i32
      %dma_wait3A_127 = arith.constant 0 : i32
      %dma_wait3A_128 = tpu.memref_slice %arg3[%dma_wait3A_126, %dma_wait3A_127] : memref<9792x32xf32, #tpu.memory_space<hbm>> -> memref<512x32xf32, #tpu.memory_space<hbm>>
      %dma_wait3A_129 = arith.constant 0 : i32
      %dma_wait3A_130 = arith.constant 0 : i32
      %dma_wait3A_131 = tpu.memref_slice %arg3[%dma_wait3A_129, %dma_wait3A_130] : memref<9792x32xf32, #tpu.memory_space<hbm>> -> memref<512x32xf32, #tpu.memory_space<hbm>>
      tpu.wait_dma2 semaphore(%arg9 : memref<!tpu.dma_semaphore, #tpu.memory_space<semaphore_mem>>) src(%dma_wait3A_131 : memref<512x32xf32, #tpu.memory_space<hbm>>) dst(%arg7 : memref<512x32xf32, #tpu.memory_space<vmem>>)
      %mul3A_132 = arith.constant 32768 : i32
      %mul3A_133 = arith.muli %mul3A_114, %mul3A_132 : i32
      %mul3A_134 = arith.constant 1024 : i32
      %mul3A_135 = arith.muli %add3A, %mul3A_134 : i32
      %add3A_136 = arith.addi %mul3A_133, %mul3A_135 : i32
      %add3A_137 = arith.constant 0 : i32
      %add3A_138 = arith.addi %add3A_136, %add3A_137 : i32
      "tpu.region"() ({
        %run_scoped3A = tpu.sem_alloc : memref<!tpu.dma_semaphore, #tpu.memory_space<semaphore_mem>>
        %dma_start3A_345 = arith.constant 0 : i32
        %dma_start3A_346 = tpu.memref_slice %arg4[%add3A_138, %dma_start3A_345] : memref<294912x32xf32, #tpu.memory_space<hbm>> -> memref<512x32xf32, #tpu.memory_space<hbm>>
        %dma_start3A_347 = arith.constant 0 : i32
        %dma_start3A_348 = tpu.memref_slice %arg4[%add3A_138, %dma_start3A_347] : memref<294912x32xf32, #tpu.memory_space<hbm>> -> memref<512x32xf32, #tpu.memory_space<hbm>>
        tpu.enqueue_dma source(%arg7 : memref<512x32xf32, #tpu.memory_space<vmem>>) target(%dma_start3A_348 : memref<512x32xf32, #tpu.memory_space<hbm>>) target_semaphore(%run_scoped3A : memref<!tpu.dma_semaphore, #tpu.memory_space<semaphore_mem>>)
        %dma_wait3A_349 = arith.constant 0 : i32
        %dma_wait3A_350 = tpu.memref_slice %arg4[%add3A_138, %dma_wait3A_349] : memref<294912x32xf32, #tpu.memory_space<hbm>> -> memref<512x32xf32, #tpu.memory_space<hbm>>
        %dma_wait3A_351 = arith.constant 0 : i32
        %dma_wait3A_352 = tpu.memref_slice %arg4[%add3A_138, %dma_wait3A_351] : memref<294912x32xf32, #tpu.memory_space<hbm>> -> memref<512x32xf32, #tpu.memory_space<hbm>>
        tpu.wait_dma2 semaphore(%run_scoped3A : memref<!tpu.dma_semaphore, #tpu.memory_space<semaphore_mem>>) src(%arg7 : memref<512x32xf32, #tpu.memory_space<vmem>>) dst(%dma_wait3A_352 : memref<512x32xf32, #tpu.memory_space<hbm>>)
        tpu.yield
      }) : () -> ()
      %dma_start3A_139 = arith.constant 0 : i32
      %dma_start3A_140 = arith.constant 0 : i32
      %dma_start3A_141 = arith.constant 0 : i32
      %dma_start3A_142 = tpu.memref_slice %arg7[%dma_start3A_140, %dma_start3A_141] : memref<512x32xf32, #tpu.memory_space<vmem>> -> memref<128x32xf32, #tpu.memory_space<vmem>>
      %dma_start3A_143 = arith.constant 0 : i32
      %dma_start3A_144 = tpu.memref_slice %arg6[%dma_start3A_139, %dma_start3A_143] : memref<8x128xi32, #tpu.memory_space<vmem>> -> memref<1x128xi32, #tpu.memory_space<vmem>>
      %dma_start3A_145 = tpu.memref_squeeze %dma_start3A_144 : memref<1x128xi32, #tpu.memory_space<vmem>> -> memref<128xi32, #tpu.memory_space<vmem>>
      %dma_start3A_146 = arith.constant 0 : i32
      %dma_start3A_147 = arith.constant 0 : i32
      %dma_start3A_148 = tpu.memref_slice %arg3[%dma_start3A_146, %dma_start3A_147] : memref<9792x32xf32, #tpu.memory_space<hbm>> -> memref<9792x32xf32, #tpu.memory_space<hbm>>
      tpu.enqueue_indirect_dma source(%dma_start3A_148 : memref<9792x32xf32, #tpu.memory_space<hbm>>) target(%dma_start3A_142 : memref<128x32xf32, #tpu.memory_space<vmem>>) offsets(%dma_start3A_145 : memref<128xi32, #tpu.memory_space<vmem>>) semaphore(%arg9 : memref<!tpu.dma_semaphore, #tpu.memory_space<semaphore_mem>>)
      %dma_start3A_149 = arith.constant 1 : i32
      %dma_start3A_150 = arith.constant 128 : i32
      %dma_start3A_151 = arith.constant 0 : i32
      %dma_start3A_152 = tpu.memref_slice %arg7[%dma_start3A_150, %dma_start3A_151] : memref<512x32xf32, #tpu.memory_space<vmem>> -> memref<128x32xf32, #tpu.memory_space<vmem>>
      %dma_start3A_153 = arith.constant 0 : i32
      %dma_start3A_154 = tpu.memref_slice %arg6[%dma_start3A_149, %dma_start3A_153] : memref<8x128xi32, #tpu.memory_space<vmem>> -> memref<1x128xi32, #tpu.memory_space<vmem>>
      %dma_start3A_155 = tpu.memref_squeeze %dma_start3A_154 : memref<1x128xi32, #tpu.memory_space<vmem>> -> memref<128xi32, #tpu.memory_space<vmem>>
      %dma_start3A_156 = arith.constant 0 : i32
      %dma_start3A_157 = arith.constant 0 : i32
      %dma_start3A_158 = tpu.memref_slice %arg3[%dma_start3A_156, %dma_start3A_157] : memref<9792x32xf32, #tpu.memory_space<hbm>> -> memref<9792x32xf32, #tpu.memory_space<hbm>>
      tpu.enqueue_indirect_dma source(%dma_start3A_158 : memref<9792x32xf32, #tpu.memory_space<hbm>>) target(%dma_start3A_152 : memref<128x32xf32, #tpu.memory_space<vmem>>) offsets(%dma_start3A_155 : memref<128xi32, #tpu.memory_space<vmem>>) semaphore(%arg9 : memref<!tpu.dma_semaphore, #tpu.memory_space<semaphore_mem>>)
      %dma_start3A_159 = arith.constant 2 : i32
      %dma_start3A_160 = arith.constant 256 : i32
      %dma_start3A_161 = arith.constant 0 : i32
      %dma_start3A_162 = tpu.memref_slice %arg7[%dma_start3A_160, %dma_start3A_161] : memref<512x32xf32, #tpu.memory_space<vmem>> -> memref<128x32xf32, #tpu.memory_space<vmem>>
      %dma_start3A_163 = arith.constant 0 : i32
      %dma_start3A_164 = tpu.memref_slice %arg6[%dma_start3A_159, %dma_start3A_163] : memref<8x128xi32, #tpu.memory_space<vmem>> -> memref<1x128xi32, #tpu.memory_space<vmem>>
      %dma_start3A_165 = tpu.memref_squeeze %dma_start3A_164 : memref<1x128xi32, #tpu.memory_space<vmem>> -> memref<128xi32, #tpu.memory_space<vmem>>
      %dma_start3A_166 = arith.constant 0 : i32
      %dma_start3A_167 = arith.constant 0 : i32
      %dma_start3A_168 = tpu.memref_slice %arg3[%dma_start3A_166, %dma_start3A_167] : memref<9792x32xf32, #tpu.memory_space<hbm>> -> memref<9792x32xf32, #tpu.memory_space<hbm>>
      tpu.enqueue_indirect_dma source(%dma_start3A_168 : memref<9792x32xf32, #tpu.memory_space<hbm>>) target(%dma_start3A_162 : memref<128x32xf32, #tpu.memory_space<vmem>>) offsets(%dma_start3A_165 : memref<128xi32, #tpu.memory_space<vmem>>) semaphore(%arg9 : memref<!tpu.dma_semaphore, #tpu.memory_space<semaphore_mem>>)
      %dma_start3A_169 = arith.constant 3 : i32
      %dma_start3A_170 = arith.constant 384 : i32
      %dma_start3A_171 = arith.constant 0 : i32
      %dma_start3A_172 = tpu.memref_slice %arg7[%dma_start3A_170, %dma_start3A_171] : memref<512x32xf32, #tpu.memory_space<vmem>> -> memref<128x32xf32, #tpu.memory_space<vmem>>
      %dma_start3A_173 = arith.constant 0 : i32
      %dma_start3A_174 = tpu.memref_slice %arg6[%dma_start3A_169, %dma_start3A_173] : memref<8x128xi32, #tpu.memory_space<vmem>> -> memref<1x128xi32, #tpu.memory_space<vmem>>
      %dma_start3A_175 = tpu.memref_squeeze %dma_start3A_174 : memref<1x128xi32, #tpu.memory_space<vmem>> -> memref<128xi32, #tpu.memory_space<vmem>>
      %dma_start3A_176 = arith.constant 0 : i32
      %dma_start3A_177 = arith.constant 0 : i32
      %dma_start3A_178 = tpu.memref_slice %arg3[%dma_start3A_176, %dma_start3A_177] : memref<9792x32xf32, #tpu.memory_space<hbm>> -> memref<9792x32xf32, #tpu.memory_space<hbm>>
      tpu.enqueue_indirect_dma source(%dma_start3A_178 : memref<9792x32xf32, #tpu.memory_space<hbm>>) target(%dma_start3A_172 : memref<128x32xf32, #tpu.memory_space<vmem>>) offsets(%dma_start3A_175 : memref<128xi32, #tpu.memory_space<vmem>>) semaphore(%arg9 : memref<!tpu.dma_semaphore, #tpu.memory_space<semaphore_mem>>)
      %dma_wait3A_179 = arith.constant 0 : i32
      %dma_wait3A_180 = arith.constant 0 : i32
      %dma_wait3A_181 = tpu.memref_slice %arg3[%dma_wait3A_179, %dma_wait3A_180] : memref<9792x32xf32, #tpu.memory_space<hbm>> -> memref<512x32xf32, #tpu.memory_space<hbm>>
      %dma_wait3A_182 = arith.constant 0 : i32
      %dma_wait3A_183 = arith.constant 0 : i32
      %dma_wait3A_184 = tpu.memref_slice %arg3[%dma_wait3A_182, %dma_wait3A_183] : memref<9792x32xf32, #tpu.memory_space<hbm>> -> memref<512x32xf32, #tpu.memory_space<hbm>>
      tpu.wait_dma2 semaphore(%arg10 : memref<!tpu.dma_semaphore, #tpu.memory_space<semaphore_mem>>) src(%dma_wait3A_184 : memref<512x32xf32, #tpu.memory_space<hbm>>) dst(%arg8 : memref<512x32xf32, #tpu.memory_space<vmem>>)
      %mul3A_185 = arith.constant 32768 : i32
      %mul3A_186 = arith.muli %mul3A_114, %mul3A_185 : i32
      %mul3A_187 = arith.constant 1024 : i32
      %mul3A_188 = arith.muli %add3A, %mul3A_187 : i32
      %add3A_189 = arith.addi %mul3A_186, %mul3A_188 : i32
      %add3A_190 = arith.constant 512 : i32
      %add3A_191 = arith.addi %add3A_189, %add3A_190 : i32
      "tpu.region"() ({
        %run_scoped3A = tpu.sem_alloc : memref<!tpu.dma_semaphore, #tpu.memory_space<semaphore_mem>>
        %dma_start3A_345 = arith.constant 0 : i32
        %dma_start3A_346 = tpu.memref_slice %arg4[%add3A_191, %dma_start3A_345] : memref<294912x32xf32, #tpu.memory_space<hbm>> -> memref<512x32xf32, #tpu.memory_space<hbm>>
        %dma_start3A_347 = arith.constant 0 : i32
        %dma_start3A_348 = tpu.memref_slice %arg4[%add3A_191, %dma_start3A_347] : memref<294912x32xf32, #tpu.memory_space<hbm>> -> memref<512x32xf32, #tpu.memory_space<hbm>>
        tpu.enqueue_dma source(%arg8 : memref<512x32xf32, #tpu.memory_space<vmem>>) target(%dma_start3A_348 : memref<512x32xf32, #tpu.memory_space<hbm>>) target_semaphore(%run_scoped3A : memref<!tpu.dma_semaphore, #tpu.memory_space<semaphore_mem>>)
        %dma_wait3A_349 = arith.constant 0 : i32
        %dma_wait3A_350 = tpu.memref_slice %arg4[%add3A_191, %dma_wait3A_349] : memref<294912x32xf32, #tpu.memory_space<hbm>> -> memref<512x32xf32, #tpu.memory_space<hbm>>
        %dma_wait3A_351 = arith.constant 0 : i32
        %dma_wait3A_352 = tpu.memref_slice %arg4[%add3A_191, %dma_wait3A_351] : memref<294912x32xf32, #tpu.memory_space<hbm>> -> memref<512x32xf32, #tpu.memory_space<hbm>>
        tpu.wait_dma2 semaphore(%run_scoped3A : memref<!tpu.dma_semaphore, #tpu.memory_space<semaphore_mem>>) src(%arg8 : memref<512x32xf32, #tpu.memory_space<vmem>>) dst(%dma_wait3A_352 : memref<512x32xf32, #tpu.memory_space<hbm>>)
        tpu.yield
      }) : () -> ()
      %dma_start3A_192 = arith.constant 4 : i32
      %dma_start3A_193 = arith.constant 0 : i32
      %dma_start3A_194 = arith.constant 0 : i32
      %dma_start3A_195 = tpu.memref_slice %arg8[%dma_start3A_193, %dma_start3A_194] : memref<512x32xf32, #tpu.memory_space<vmem>> -> memref<128x32xf32, #tpu.memory_space<vmem>>
      %dma_start3A_196 = arith.constant 0 : i32
      %dma_start3A_197 = tpu.memref_slice %arg6[%dma_start3A_192, %dma_start3A_196] : memref<8x128xi32, #tpu.memory_space<vmem>> -> memref<1x128xi32, #tpu.memory_space<vmem>>
      %dma_start3A_198 = tpu.memref_squeeze %dma_start3A_197 : memref<1x128xi32, #tpu.memory_space<vmem>> -> memref<128xi32, #tpu.memory_space<vmem>>
      %dma_start3A_199 = arith.constant 0 : i32
      %dma_start3A_200 = arith.constant 0 : i32
      %dma_start3A_201 = tpu.memref_slice %arg3[%dma_start3A_199, %dma_start3A_200] : memref<9792x32xf32, #tpu.memory_space<hbm>> -> memref<9792x32xf32, #tpu.memory_space<hbm>>
      tpu.enqueue_indirect_dma source(%dma_start3A_201 : memref<9792x32xf32, #tpu.memory_space<hbm>>) target(%dma_start3A_195 : memref<128x32xf32, #tpu.memory_space<vmem>>) offsets(%dma_start3A_198 : memref<128xi32, #tpu.memory_space<vmem>>) semaphore(%arg10 : memref<!tpu.dma_semaphore, #tpu.memory_space<semaphore_mem>>)
      %dma_start3A_202 = arith.constant 5 : i32
      %dma_start3A_203 = arith.constant 128 : i32
      %dma_start3A_204 = arith.constant 0 : i32
      %dma_start3A_205 = tpu.memref_slice %arg8[%dma_start3A_203, %dma_start3A_204] : memref<512x32xf32, #tpu.memory_space<vmem>> -> memref<128x32xf32, #tpu.memory_space<vmem>>
      %dma_start3A_206 = arith.constant 0 : i32
      %dma_start3A_207 = tpu.memref_slice %arg6[%dma_start3A_202, %dma_start3A_206] : memref<8x128xi32, #tpu.memory_space<vmem>> -> memref<1x128xi32, #tpu.memory_space<vmem>>
      %dma_start3A_208 = tpu.memref_squeeze %dma_start3A_207 : memref<1x128xi32, #tpu.memory_space<vmem>> -> memref<128xi32, #tpu.memory_space<vmem>>
      %dma_start3A_209 = arith.constant 0 : i32
      %dma_start3A_210 = arith.constant 0 : i32
      %dma_start3A_211 = tpu.memref_slice %arg3[%dma_start3A_209, %dma_start3A_210] : memref<9792x32xf32, #tpu.memory_space<hbm>> -> memref<9792x32xf32, #tpu.memory_space<hbm>>
      tpu.enqueue_indirect_dma source(%dma_start3A_211 : memref<9792x32xf32, #tpu.memory_space<hbm>>) target(%dma_start3A_205 : memref<128x32xf32, #tpu.memory_space<vmem>>) offsets(%dma_start3A_208 : memref<128xi32, #tpu.memory_space<vmem>>) semaphore(%arg10 : memref<!tpu.dma_semaphore, #tpu.memory_space<semaphore_mem>>)
      %dma_start3A_212 = arith.constant 6 : i32
      %dma_start3A_213 = arith.constant 256 : i32
      %dma_start3A_214 = arith.constant 0 : i32
      %dma_start3A_215 = tpu.memref_slice %arg8[%dma_start3A_213, %dma_start3A_214] : memref<512x32xf32, #tpu.memory_space<vmem>> -> memref<128x32xf32, #tpu.memory_space<vmem>>
      %dma_start3A_216 = arith.constant 0 : i32
      %dma_start3A_217 = tpu.memref_slice %arg6[%dma_start3A_212, %dma_start3A_216] : memref<8x128xi32, #tpu.memory_space<vmem>> -> memref<1x128xi32, #tpu.memory_space<vmem>>
      %dma_start3A_218 = tpu.memref_squeeze %dma_start3A_217 : memref<1x128xi32, #tpu.memory_space<vmem>> -> memref<128xi32, #tpu.memory_space<vmem>>
      %dma_start3A_219 = arith.constant 0 : i32
      %dma_start3A_220 = arith.constant 0 : i32
      %dma_start3A_221 = tpu.memref_slice %arg3[%dma_start3A_219, %dma_start3A_220] : memref<9792x32xf32, #tpu.memory_space<hbm>> -> memref<9792x32xf32, #tpu.memory_space<hbm>>
      tpu.enqueue_indirect_dma source(%dma_start3A_221 : memref<9792x32xf32, #tpu.memory_space<hbm>>) target(%dma_start3A_215 : memref<128x32xf32, #tpu.memory_space<vmem>>) offsets(%dma_start3A_218 : memref<128xi32, #tpu.memory_space<vmem>>) semaphore(%arg10 : memref<!tpu.dma_semaphore, #tpu.memory_space<semaphore_mem>>)
      %dma_start3A_222 = arith.constant 7 : i32
      %dma_start3A_223 = arith.constant 384 : i32
      %dma_start3A_224 = arith.constant 0 : i32
      %dma_start3A_225 = tpu.memref_slice %arg8[%dma_start3A_223, %dma_start3A_224] : memref<512x32xf32, #tpu.memory_space<vmem>> -> memref<128x32xf32, #tpu.memory_space<vmem>>
      %dma_start3A_226 = arith.constant 0 : i32
      %dma_start3A_227 = tpu.memref_slice %arg6[%dma_start3A_222, %dma_start3A_226] : memref<8x128xi32, #tpu.memory_space<vmem>> -> memref<1x128xi32, #tpu.memory_space<vmem>>
      %dma_start3A_228 = tpu.memref_squeeze %dma_start3A_227 : memref<1x128xi32, #tpu.memory_space<vmem>> -> memref<128xi32, #tpu.memory_space<vmem>>
      %dma_start3A_229 = arith.constant 0 : i32
      %dma_start3A_230 = arith.constant 0 : i32
      %dma_start3A_231 = tpu.memref_slice %arg3[%dma_start3A_229, %dma_start3A_230] : memref<9792x32xf32, #tpu.memory_space<hbm>> -> memref<9792x32xf32, #tpu.memory_space<hbm>>
      tpu.enqueue_indirect_dma source(%dma_start3A_231 : memref<9792x32xf32, #tpu.memory_space<hbm>>) target(%dma_start3A_225 : memref<128x32xf32, #tpu.memory_space<vmem>>) offsets(%dma_start3A_228 : memref<128xi32, #tpu.memory_space<vmem>>) semaphore(%arg10 : memref<!tpu.dma_semaphore, #tpu.memory_space<semaphore_mem>>)
      %mul3A_232 = arith.constant 1024 : i32
      %mul3A_233 = arith.muli %add3A_118, %mul3A_232 : i32
      %add3A_234 = arith.constant 768 : i32
      %add3A_235 = arith.addi %mul3A_233, %add3A_234 : i32
      %mul3A_236 = arith.constant 8 : i32
      %mul3A_237 = arith.muli %add3A, %mul3A_236 : i32
      %add3A_238 = arith.addi %add3A_235, %mul3A_237 : i32
      "tpu.region"() ({
        %run_scoped3A = tpu.sem_alloc : memref<!tpu.dma_semaphore, #tpu.memory_space<semaphore_mem>>
        %dma_start3A_345 = arith.constant 0 : i32
        %dma_start3A_346 = tpu.memref_slice %arg2[%add3A_238, %dma_start3A_345] : memref<9216x128xi32, #tpu.memory_space<hbm>> -> memref<8x128xi32, #tpu.memory_space<hbm>>
        %dma_start3A_347 = arith.constant 0 : i32
        %dma_start3A_348 = tpu.memref_slice %arg2[%add3A_238, %dma_start3A_347] : memref<9216x128xi32, #tpu.memory_space<hbm>> -> memref<8x128xi32, #tpu.memory_space<hbm>>
        tpu.enqueue_dma source(%dma_start3A_348 : memref<8x128xi32, #tpu.memory_space<hbm>>) target(%arg5 : memref<8x128xi32, #tpu.memory_space<vmem>>) target_semaphore(%run_scoped3A : memref<!tpu.dma_semaphore, #tpu.memory_space<semaphore_mem>>)
        %dma_wait3A_349 = arith.constant 0 : i32
        %dma_wait3A_350 = tpu.memref_slice %arg2[%add3A_238, %dma_wait3A_349] : memref<9216x128xi32, #tpu.memory_space<hbm>> -> memref<8x128xi32, #tpu.memory_space<hbm>>
        %dma_wait3A_351 = arith.constant 0 : i32
        %dma_wait3A_352 = tpu.memref_slice %arg2[%add3A_238, %dma_wait3A_351] : memref<9216x128xi32, #tpu.memory_space<hbm>> -> memref<8x128xi32, #tpu.memory_space<hbm>>
        tpu.wait_dma2 semaphore(%run_scoped3A : memref<!tpu.dma_semaphore, #tpu.memory_space<semaphore_mem>>) src(%dma_wait3A_352 : memref<8x128xi32, #tpu.memory_space<hbm>>) dst(%arg5 : memref<8x128xi32, #tpu.memory_space<vmem>>)
        tpu.yield
      }) : () -> ()
      %dma_wait3A_239 = arith.constant 0 : i32
      %dma_wait3A_240 = arith.constant 0 : i32
      %dma_wait3A_241 = tpu.memref_slice %arg3[%dma_wait3A_239, %dma_wait3A_240] : memref<9792x32xf32, #tpu.memory_space<hbm>> -> memref<512x32xf32, #tpu.memory_space<hbm>>
      %dma_wait3A_242 = arith.constant 0 : i32
      %dma_wait3A_243 = arith.constant 0 : i32
      %dma_wait3A_244 = tpu.memref_slice %arg3[%dma_wait3A_242, %dma_wait3A_243] : memref<9792x32xf32, #tpu.memory_space<hbm>> -> memref<512x32xf32, #tpu.memory_space<hbm>>
      tpu.wait_dma2 semaphore(%arg9 : memref<!tpu.dma_semaphore, #tpu.memory_space<semaphore_mem>>) src(%dma_wait3A_244 : memref<512x32xf32, #tpu.memory_space<hbm>>) dst(%arg7 : memref<512x32xf32, #tpu.memory_space<vmem>>)
      %mul3A_245 = arith.constant 32768 : i32
      %mul3A_246 = arith.muli %add3A_116, %mul3A_245 : i32
      %mul3A_247 = arith.constant 1024 : i32
      %mul3A_248 = arith.muli %add3A, %mul3A_247 : i32
      %add3A_249 = arith.addi %mul3A_246, %mul3A_248 : i32
      %add3A_250 = arith.constant 0 : i32
      %add3A_251 = arith.addi %add3A_249, %add3A_250 : i32
      "tpu.region"() ({
        %run_scoped3A = tpu.sem_alloc : memref<!tpu.dma_semaphore, #tpu.memory_space<semaphore_mem>>
        %dma_start3A_345 = arith.constant 0 : i32
        %dma_start3A_346 = tpu.memref_slice %arg4[%add3A_251, %dma_start3A_345] : memref<294912x32xf32, #tpu.memory_space<hbm>> -> memref<512x32xf32, #tpu.memory_space<hbm>>
        %dma_start3A_347 = arith.constant 0 : i32
        %dma_start3A_348 = tpu.memref_slice %arg4[%add3A_251, %dma_start3A_347] : memref<294912x32xf32, #tpu.memory_space<hbm>> -> memref<512x32xf32, #tpu.memory_space<hbm>>
        tpu.enqueue_dma source(%arg7 : memref<512x32xf32, #tpu.memory_space<vmem>>) target(%dma_start3A_348 : memref<512x32xf32, #tpu.memory_space<hbm>>) target_semaphore(%run_scoped3A : memref<!tpu.dma_semaphore, #tpu.memory_space<semaphore_mem>>)
        %dma_wait3A_349 = arith.constant 0 : i32
        %dma_wait3A_350 = tpu.memref_slice %arg4[%add3A_251, %dma_wait3A_349] : memref<294912x32xf32, #tpu.memory_space<hbm>> -> memref<512x32xf32, #tpu.memory_space<hbm>>
        %dma_wait3A_351 = arith.constant 0 : i32
        %dma_wait3A_352 = tpu.memref_slice %arg4[%add3A_251, %dma_wait3A_351] : memref<294912x32xf32, #tpu.memory_space<hbm>> -> memref<512x32xf32, #tpu.memory_space<hbm>>
        tpu.wait_dma2 semaphore(%run_scoped3A : memref<!tpu.dma_semaphore, #tpu.memory_space<semaphore_mem>>) src(%arg7 : memref<512x32xf32, #tpu.memory_space<vmem>>) dst(%dma_wait3A_352 : memref<512x32xf32, #tpu.memory_space<hbm>>)
        tpu.yield
      }) : () -> ()
      %dma_start3A_252 = arith.constant 0 : i32
      %dma_start3A_253 = arith.constant 0 : i32
      %dma_start3A_254 = arith.constant 0 : i32
      %dma_start3A_255 = tpu.memref_slice %arg7[%dma_start3A_253, %dma_start3A_254] : memref<512x32xf32, #tpu.memory_space<vmem>> -> memref<128x32xf32, #tpu.memory_space<vmem>>
      %dma_start3A_256 = arith.constant 0 : i32
      %dma_start3A_257 = tpu.memref_slice %arg5[%dma_start3A_252, %dma_start3A_256] : memref<8x128xi32, #tpu.memory_space<vmem>> -> memref<1x128xi32, #tpu.memory_space<vmem>>
      %dma_start3A_258 = tpu.memref_squeeze %dma_start3A_257 : memref<1x128xi32, #tpu.memory_space<vmem>> -> memref<128xi32, #tpu.memory_space<vmem>>
      %dma_start3A_259 = arith.constant 0 : i32
      %dma_start3A_260 = arith.constant 0 : i32
      %dma_start3A_261 = tpu.memref_slice %arg3[%dma_start3A_259, %dma_start3A_260] : memref<9792x32xf32, #tpu.memory_space<hbm>> -> memref<9792x32xf32, #tpu.memory_space<hbm>>
      tpu.enqueue_indirect_dma source(%dma_start3A_261 : memref<9792x32xf32, #tpu.memory_space<hbm>>) target(%dma_start3A_255 : memref<128x32xf32, #tpu.memory_space<vmem>>) offsets(%dma_start3A_258 : memref<128xi32, #tpu.memory_space<vmem>>) semaphore(%arg9 : memref<!tpu.dma_semaphore, #tpu.memory_space<semaphore_mem>>)
      %dma_start3A_262 = arith.constant 1 : i32
      %dma_start3A_263 = arith.constant 128 : i32
      %dma_start3A_264 = arith.constant 0 : i32
      %dma_start3A_265 = tpu.memref_slice %arg7[%dma_start3A_263, %dma_start3A_264] : memref<512x32xf32, #tpu.memory_space<vmem>> -> memref<128x32xf32, #tpu.memory_space<vmem>>
      %dma_start3A_266 = arith.constant 0 : i32
      %dma_start3A_267 = tpu.memref_slice %arg5[%dma_start3A_262, %dma_start3A_266] : memref<8x128xi32, #tpu.memory_space<vmem>> -> memref<1x128xi32, #tpu.memory_space<vmem>>
      %dma_start3A_268 = tpu.memref_squeeze %dma_start3A_267 : memref<1x128xi32, #tpu.memory_space<vmem>> -> memref<128xi32, #tpu.memory_space<vmem>>
      %dma_start3A_269 = arith.constant 0 : i32
      %dma_start3A_270 = arith.constant 0 : i32
      %dma_start3A_271 = tpu.memref_slice %arg3[%dma_start3A_269, %dma_start3A_270] : memref<9792x32xf32, #tpu.memory_space<hbm>> -> memref<9792x32xf32, #tpu.memory_space<hbm>>
      tpu.enqueue_indirect_dma source(%dma_start3A_271 : memref<9792x32xf32, #tpu.memory_space<hbm>>) target(%dma_start3A_265 : memref<128x32xf32, #tpu.memory_space<vmem>>) offsets(%dma_start3A_268 : memref<128xi32, #tpu.memory_space<vmem>>) semaphore(%arg9 : memref<!tpu.dma_semaphore, #tpu.memory_space<semaphore_mem>>)
      %dma_start3A_272 = arith.constant 2 : i32
      %dma_start3A_273 = arith.constant 256 : i32
      %dma_start3A_274 = arith.constant 0 : i32
      %dma_start3A_275 = tpu.memref_slice %arg7[%dma_start3A_273, %dma_start3A_274] : memref<512x32xf32, #tpu.memory_space<vmem>> -> memref<128x32xf32, #tpu.memory_space<vmem>>
      %dma_start3A_276 = arith.constant 0 : i32
      %dma_start3A_277 = tpu.memref_slice %arg5[%dma_start3A_272, %dma_start3A_276] : memref<8x128xi32, #tpu.memory_space<vmem>> -> memref<1x128xi32, #tpu.memory_space<vmem>>
      %dma_start3A_278 = tpu.memref_squeeze %dma_start3A_277 : memref<1x128xi32, #tpu.memory_space<vmem>> -> memref<128xi32, #tpu.memory_space<vmem>>
      %dma_start3A_279 = arith.constant 0 : i32
      %dma_start3A_280 = arith.constant 0 : i32
      %dma_start3A_281 = tpu.memref_slice %arg3[%dma_start3A_279, %dma_start3A_280] : memref<9792x32xf32, #tpu.memory_space<hbm>> -> memref<9792x32xf32, #tpu.memory_space<hbm>>
      tpu.enqueue_indirect_dma source(%dma_start3A_281 : memref<9792x32xf32, #tpu.memory_space<hbm>>) target(%dma_start3A_275 : memref<128x32xf32, #tpu.memory_space<vmem>>) offsets(%dma_start3A_278 : memref<128xi32, #tpu.memory_space<vmem>>) semaphore(%arg9 : memref<!tpu.dma_semaphore, #tpu.memory_space<semaphore_mem>>)
      %dma_start3A_282 = arith.constant 3 : i32
      %dma_start3A_283 = arith.constant 384 : i32
      %dma_start3A_284 = arith.constant 0 : i32
      %dma_start3A_285 = tpu.memref_slice %arg7[%dma_start3A_283, %dma_start3A_284] : memref<512x32xf32, #tpu.memory_space<vmem>> -> memref<128x32xf32, #tpu.memory_space<vmem>>
      %dma_start3A_286 = arith.constant 0 : i32
      %dma_start3A_287 = tpu.memref_slice %arg5[%dma_start3A_282, %dma_start3A_286] : memref<8x128xi32, #tpu.memory_space<vmem>> -> memref<1x128xi32, #tpu.memory_space<vmem>>
      %dma_start3A_288 = tpu.memref_squeeze %dma_start3A_287 : memref<1x128xi32, #tpu.memory_space<vmem>> -> memref<128xi32, #tpu.memory_space<vmem>>
      %dma_start3A_289 = arith.constant 0 : i32
      %dma_start3A_290 = arith.constant 0 : i32
      %dma_start3A_291 = tpu.memref_slice %arg3[%dma_start3A_289, %dma_start3A_290] : memref<9792x32xf32, #tpu.memory_space<hbm>> -> memref<9792x32xf32, #tpu.memory_space<hbm>>
      tpu.enqueue_indirect_dma source(%dma_start3A_291 : memref<9792x32xf32, #tpu.memory_space<hbm>>) target(%dma_start3A_285 : memref<128x32xf32, #tpu.memory_space<vmem>>) offsets(%dma_start3A_288 : memref<128xi32, #tpu.memory_space<vmem>>) semaphore(%arg9 : memref<!tpu.dma_semaphore, #tpu.memory_space<semaphore_mem>>)
      %dma_wait3A_292 = arith.constant 0 : i32
      %dma_wait3A_293 = arith.constant 0 : i32
      %dma_wait3A_294 = tpu.memref_slice %arg3[%dma_wait3A_292, %dma_wait3A_293] : memref<9792x32xf32, #tpu.memory_space<hbm>> -> memref<512x32xf32, #tpu.memory_space<hbm>>
      %dma_wait3A_295 = arith.constant 0 : i32
      %dma_wait3A_296 = arith.constant 0 : i32
      %dma_wait3A_297 = tpu.memref_slice %arg3[%dma_wait3A_295, %dma_wait3A_296] : memref<9792x32xf32, #tpu.memory_space<hbm>> -> memref<512x32xf32, #tpu.memory_space<hbm>>
      tpu.wait_dma2 semaphore(%arg10 : memref<!tpu.dma_semaphore, #tpu.memory_space<semaphore_mem>>) src(%dma_wait3A_297 : memref<512x32xf32, #tpu.memory_space<hbm>>) dst(%arg8 : memref<512x32xf32, #tpu.memory_space<vmem>>)
      %mul3A_298 = arith.constant 32768 : i32
      %mul3A_299 = arith.muli %add3A_116, %mul3A_298 : i32
      %mul3A_300 = arith.constant 1024 : i32
      %mul3A_301 = arith.muli %add3A, %mul3A_300 : i32
      %add3A_302 = arith.addi %mul3A_299, %mul3A_301 : i32
      %add3A_303 = arith.constant 512 : i32
      %add3A_304 = arith.addi %add3A_302, %add3A_303 : i32
      "tpu.region"() ({
        %run_scoped3A = tpu.sem_alloc : memref<!tpu.dma_semaphore, #tpu.memory_space<semaphore_mem>>
        %dma_start3A_345 = arith.constant 0 : i32
        %dma_start3A_346 = tpu.memref_slice %arg4[%add3A_304, %dma_start3A_345] : memref<294912x32xf32, #tpu.memory_space<hbm>> -> memref<512x32xf32, #tpu.memory_space<hbm>>
        %dma_start3A_347 = arith.constant 0 : i32
        %dma_start3A_348 = tpu.memref_slice %arg4[%add3A_304, %dma_start3A_347] : memref<294912x32xf32, #tpu.memory_space<hbm>> -> memref<512x32xf32, #tpu.memory_space<hbm>>
        tpu.enqueue_dma source(%arg8 : memref<512x32xf32, #tpu.memory_space<vmem>>) target(%dma_start3A_348 : memref<512x32xf32, #tpu.memory_space<hbm>>) target_semaphore(%run_scoped3A : memref<!tpu.dma_semaphore, #tpu.memory_space<semaphore_mem>>)
        %dma_wait3A_349 = arith.constant 0 : i32
        %dma_wait3A_350 = tpu.memref_slice %arg4[%add3A_304, %dma_wait3A_349] : memref<294912x32xf32, #tpu.memory_space<hbm>> -> memref<512x32xf32, #tpu.memory_space<hbm>>
        %dma_wait3A_351 = arith.constant 0 : i32
        %dma_wait3A_352 = tpu.memref_slice %arg4[%add3A_304, %dma_wait3A_351] : memref<294912x32xf32, #tpu.memory_space<hbm>> -> memref<512x32xf32, #tpu.memory_space<hbm>>
        tpu.wait_dma2 semaphore(%run_scoped3A : memref<!tpu.dma_semaphore, #tpu.memory_space<semaphore_mem>>) src(%arg8 : memref<512x32xf32, #tpu.memory_space<vmem>>) dst(%dma_wait3A_352 : memref<512x32xf32, #tpu.memory_space<hbm>>)
        tpu.yield
      }) : () -> ()
      %dma_start3A_305 = arith.constant 4 : i32
      %dma_start3A_306 = arith.constant 0 : i32
      %dma_start3A_307 = arith.constant 0 : i32
      %dma_start3A_308 = tpu.memref_slice %arg8[%dma_start3A_306, %dma_start3A_307] : memref<512x32xf32, #tpu.memory_space<vmem>> -> memref<128x32xf32, #tpu.memory_space<vmem>>
      %dma_start3A_309 = arith.constant 0 : i32
      %dma_start3A_310 = tpu.memref_slice %arg5[%dma_start3A_305, %dma_start3A_309] : memref<8x128xi32, #tpu.memory_space<vmem>> -> memref<1x128xi32, #tpu.memory_space<vmem>>
      %dma_start3A_311 = tpu.memref_squeeze %dma_start3A_310 : memref<1x128xi32, #tpu.memory_space<vmem>> -> memref<128xi32, #tpu.memory_space<vmem>>
      %dma_start3A_312 = arith.constant 0 : i32
      %dma_start3A_313 = arith.constant 0 : i32
      %dma_start3A_314 = tpu.memref_slice %arg3[%dma_start3A_312, %dma_start3A_313] : memref<9792x32xf32, #tpu.memory_space<hbm>> -> memref<9792x32xf32, #tpu.memory_space<hbm>>
      tpu.enqueue_indirect_dma source(%dma_start3A_314 : memref<9792x32xf32, #tpu.memory_space<hbm>>) target(%dma_start3A_308 : memref<128x32xf32, #tpu.memory_space<vmem>>) offsets(%dma_start3A_311 : memref<128xi32, #tpu.memory_space<vmem>>) semaphore(%arg10 : memref<!tpu.dma_semaphore, #tpu.memory_space<semaphore_mem>>)
      %dma_start3A_315 = arith.constant 5 : i32
      %dma_start3A_316 = arith.constant 128 : i32
      %dma_start3A_317 = arith.constant 0 : i32
      %dma_start3A_318 = tpu.memref_slice %arg8[%dma_start3A_316, %dma_start3A_317] : memref<512x32xf32, #tpu.memory_space<vmem>> -> memref<128x32xf32, #tpu.memory_space<vmem>>
      %dma_start3A_319 = arith.constant 0 : i32
      %dma_start3A_320 = tpu.memref_slice %arg5[%dma_start3A_315, %dma_start3A_319] : memref<8x128xi32, #tpu.memory_space<vmem>> -> memref<1x128xi32, #tpu.memory_space<vmem>>
      %dma_start3A_321 = tpu.memref_squeeze %dma_start3A_320 : memref<1x128xi32, #tpu.memory_space<vmem>> -> memref<128xi32, #tpu.memory_space<vmem>>
      %dma_start3A_322 = arith.constant 0 : i32
      %dma_start3A_323 = arith.constant 0 : i32
      %dma_start3A_324 = tpu.memref_slice %arg3[%dma_start3A_322, %dma_start3A_323] : memref<9792x32xf32, #tpu.memory_space<hbm>> -> memref<9792x32xf32, #tpu.memory_space<hbm>>
      tpu.enqueue_indirect_dma source(%dma_start3A_324 : memref<9792x32xf32, #tpu.memory_space<hbm>>) target(%dma_start3A_318 : memref<128x32xf32, #tpu.memory_space<vmem>>) offsets(%dma_start3A_321 : memref<128xi32, #tpu.memory_space<vmem>>) semaphore(%arg10 : memref<!tpu.dma_semaphore, #tpu.memory_space<semaphore_mem>>)
      %dma_start3A_325 = arith.constant 6 : i32
      %dma_start3A_326 = arith.constant 256 : i32
      %dma_start3A_327 = arith.constant 0 : i32
      %dma_start3A_328 = tpu.memref_slice %arg8[%dma_start3A_326, %dma_start3A_327] : memref<512x32xf32, #tpu.memory_space<vmem>> -> memref<128x32xf32, #tpu.memory_space<vmem>>
      %dma_start3A_329 = arith.constant 0 : i32
      %dma_start3A_330 = tpu.memref_slice %arg5[%dma_start3A_325, %dma_start3A_329] : memref<8x128xi32, #tpu.memory_space<vmem>> -> memref<1x128xi32, #tpu.memory_space<vmem>>
      %dma_start3A_331 = tpu.memref_squeeze %dma_start3A_330 : memref<1x128xi32, #tpu.memory_space<vmem>> -> memref<128xi32, #tpu.memory_space<vmem>>
      %dma_start3A_332 = arith.constant 0 : i32
      %dma_start3A_333 = arith.constant 0 : i32
      %dma_start3A_334 = tpu.memref_slice %arg3[%dma_start3A_332, %dma_start3A_333] : memref<9792x32xf32, #tpu.memory_space<hbm>> -> memref<9792x32xf32, #tpu.memory_space<hbm>>
      tpu.enqueue_indirect_dma source(%dma_start3A_334 : memref<9792x32xf32, #tpu.memory_space<hbm>>) target(%dma_start3A_328 : memref<128x32xf32, #tpu.memory_space<vmem>>) offsets(%dma_start3A_331 : memref<128xi32, #tpu.memory_space<vmem>>) semaphore(%arg10 : memref<!tpu.dma_semaphore, #tpu.memory_space<semaphore_mem>>)
      %dma_start3A_335 = arith.constant 7 : i32
      %dma_start3A_336 = arith.constant 384 : i32
      %dma_start3A_337 = arith.constant 0 : i32
      %dma_start3A_338 = tpu.memref_slice %arg8[%dma_start3A_336, %dma_start3A_337] : memref<512x32xf32, #tpu.memory_space<vmem>> -> memref<128x32xf32, #tpu.memory_space<vmem>>
      %dma_start3A_339 = arith.constant 0 : i32
      %dma_start3A_340 = tpu.memref_slice %arg5[%dma_start3A_335, %dma_start3A_339] : memref<8x128xi32, #tpu.memory_space<vmem>> -> memref<1x128xi32, #tpu.memory_space<vmem>>
      %dma_start3A_341 = tpu.memref_squeeze %dma_start3A_340 : memref<1x128xi32, #tpu.memory_space<vmem>> -> memref<128xi32, #tpu.memory_space<vmem>>
      %dma_start3A_342 = arith.constant 0 : i32
      %dma_start3A_343 = arith.constant 0 : i32
      %dma_start3A_344 = tpu.memref_slice %arg3[%dma_start3A_342, %dma_start3A_343] : memref<9792x32xf32, #tpu.memory_space<hbm>> -> memref<9792x32xf32, #tpu.memory_space<hbm>>
      tpu.enqueue_indirect_dma source(%dma_start3A_344 : memref<9792x32xf32, #tpu.memory_space<hbm>>) target(%dma_start3A_338 : memref<128x32xf32, #tpu.memory_space<vmem>>) offsets(%dma_start3A_341 : memref<128xi32, #tpu.memory_space<vmem>>) semaphore(%arg10 : memref<!tpu.dma_semaphore, #tpu.memory_space<semaphore_mem>>)
    }
    %scan3A_88 = arith.constant 4 : i32
    %dma_wait3A = arith.constant 0 : i32
    %dma_wait3A_89 = arith.constant 0 : i32
    %dma_wait3A_90 = tpu.memref_slice %arg3[%dma_wait3A, %dma_wait3A_89] : memref<9792x32xf32, #tpu.memory_space<hbm>> -> memref<512x32xf32, #tpu.memory_space<hbm>>
    %dma_wait3A_91 = arith.constant 0 : i32
    %dma_wait3A_92 = arith.constant 0 : i32
    %dma_wait3A_93 = tpu.memref_slice %arg3[%dma_wait3A_91, %dma_wait3A_92] : memref<9792x32xf32, #tpu.memory_space<hbm>> -> memref<512x32xf32, #tpu.memory_space<hbm>>
    tpu.wait_dma2 semaphore(%arg9 : memref<!tpu.dma_semaphore, #tpu.memory_space<semaphore_mem>>) src(%dma_wait3A_93 : memref<512x32xf32, #tpu.memory_space<hbm>>) dst(%arg7 : memref<512x32xf32, #tpu.memory_space<vmem>>)
    %mul3A_94 = arith.constant 1024 : i32
    %mul3A_95 = arith.muli %add3A, %mul3A_94 : i32
    %add3A_96 = arith.constant 262144 : i32
    %add3A_97 = arith.addi %add3A_96, %mul3A_95 : i32
    %add3A_98 = arith.constant 0 : i32
    %add3A_99 = arith.addi %add3A_97, %add3A_98 : i32
    "tpu.region"() ({
      %run_scoped3A = tpu.sem_alloc : memref<!tpu.dma_semaphore, #tpu.memory_space<semaphore_mem>>
      %dma_start3A_112 = arith.constant 0 : i32
      %dma_start3A_113 = tpu.memref_slice %arg4[%add3A_99, %dma_start3A_112] : memref<294912x32xf32, #tpu.memory_space<hbm>> -> memref<512x32xf32, #tpu.memory_space<hbm>>
      %dma_start3A_114 = arith.constant 0 : i32
      %dma_start3A_115 = tpu.memref_slice %arg4[%add3A_99, %dma_start3A_114] : memref<294912x32xf32, #tpu.memory_space<hbm>> -> memref<512x32xf32, #tpu.memory_space<hbm>>
      tpu.enqueue_dma source(%arg7 : memref<512x32xf32, #tpu.memory_space<vmem>>) target(%dma_start3A_115 : memref<512x32xf32, #tpu.memory_space<hbm>>) target_semaphore(%run_scoped3A : memref<!tpu.dma_semaphore, #tpu.memory_space<semaphore_mem>>)
      %dma_wait3A_116 = arith.constant 0 : i32
      %dma_wait3A_117 = tpu.memref_slice %arg4[%add3A_99, %dma_wait3A_116] : memref<294912x32xf32, #tpu.memory_space<hbm>> -> memref<512x32xf32, #tpu.memory_space<hbm>>
      %dma_wait3A_118 = arith.constant 0 : i32
      %dma_wait3A_119 = tpu.memref_slice %arg4[%add3A_99, %dma_wait3A_118] : memref<294912x32xf32, #tpu.memory_space<hbm>> -> memref<512x32xf32, #tpu.memory_space<hbm>>
      tpu.wait_dma2 semaphore(%run_scoped3A : memref<!tpu.dma_semaphore, #tpu.memory_space<semaphore_mem>>) src(%arg7 : memref<512x32xf32, #tpu.memory_space<vmem>>) dst(%dma_wait3A_119 : memref<512x32xf32, #tpu.memory_space<hbm>>)
      tpu.yield
    }) : () -> ()
    %dma_wait3A_100 = arith.constant 0 : i32
    %dma_wait3A_101 = arith.constant 0 : i32
    %dma_wait3A_102 = tpu.memref_slice %arg3[%dma_wait3A_100, %dma_wait3A_101] : memref<9792x32xf32, #tpu.memory_space<hbm>> -> memref<512x32xf32, #tpu.memory_space<hbm>>
    %dma_wait3A_103 = arith.constant 0 : i32
    %dma_wait3A_104 = arith.constant 0 : i32
    %dma_wait3A_105 = tpu.memref_slice %arg3[%dma_wait3A_103, %dma_wait3A_104] : memref<9792x32xf32, #tpu.memory_space<hbm>> -> memref<512x32xf32, #tpu.memory_space<hbm>>
    tpu.wait_dma2 semaphore(%arg10 : memref<!tpu.dma_semaphore, #tpu.memory_space<semaphore_mem>>) src(%dma_wait3A_105 : memref<512x32xf32, #tpu.memory_space<hbm>>) dst(%arg8 : memref<512x32xf32, #tpu.memory_space<vmem>>)
    %mul3A_106 = arith.constant 1024 : i32
    %mul3A_107 = arith.muli %add3A, %mul3A_106 : i32
    %add3A_108 = arith.constant 262144 : i32
    %add3A_109 = arith.addi %add3A_108, %mul3A_107 : i32
    %add3A_110 = arith.constant 512 : i32
    %add3A_111 = arith.addi %add3A_109, %add3A_110 : i32
    "tpu.region"() ({
      %run_scoped3A = tpu.sem_alloc : memref<!tpu.dma_semaphore, #tpu.memory_space<semaphore_mem>>
      %dma_start3A_112 = arith.constant 0 : i32
      %dma_start3A_113 = tpu.memref_slice %arg4[%add3A_111, %dma_start3A_112] : memref<294912x32xf32, #tpu.memory_space<hbm>> -> memref<512x32xf32, #tpu.memory_space<hbm>>
      %dma_start3A_114 = arith.constant 0 : i32
      %dma_start3A_115 = tpu.memref_slice %arg4[%add3A_111, %dma_start3A_114] : memref<294912x32xf32, #tpu.memory_space<hbm>> -> memref<512x32xf32, #tpu.memory_space<hbm>>
      tpu.enqueue_dma source(%arg8 : memref<512x32xf32, #tpu.memory_space<vmem>>) target(%dma_start3A_115 : memref<512x32xf32, #tpu.memory_space<hbm>>) target_semaphore(%run_scoped3A : memref<!tpu.dma_semaphore, #tpu.memory_space<semaphore_mem>>)
      %dma_wait3A_116 = arith.constant 0 : i32
      %dma_wait3A_117 = tpu.memref_slice %arg4[%add3A_111, %dma_wait3A_116] : memref<294912x32xf32, #tpu.memory_space<hbm>> -> memref<512x32xf32, #tpu.memory_space<hbm>>
      %dma_wait3A_118 = arith.constant 0 : i32
      %dma_wait3A_119 = tpu.memref_slice %arg4[%add3A_111, %dma_wait3A_118] : memref<294912x32xf32, #tpu.memory_space<hbm>> -> memref<512x32xf32, #tpu.memory_space<hbm>>
      tpu.wait_dma2 semaphore(%run_scoped3A : memref<!tpu.dma_semaphore, #tpu.memory_space<semaphore_mem>>) src(%arg8 : memref<512x32xf32, #tpu.memory_space<vmem>>) dst(%dma_wait3A_119 : memref<512x32xf32, #tpu.memory_space<hbm>>)
      tpu.yield
    }) : () -> ()
    return
  }
}

module attributes {stable_mosaic.version = 14 : i64} {
  func.func @_mlp_body(%arg0: i32, %arg1: memref<9x1024x128xf32, #tpu.memory_space<vmem>>, %arg2: memref<576x512xbf16, #tpu.memory_space<vmem>>, %arg3: memref<1x512xf32, #tpu.memory_space<vmem>>, %arg4: memref<512x256xbf16, #tpu.memory_space<vmem>>, %arg5: memref<1x256xf32, #tpu.memory_space<vmem>>, %arg6: memref<256x128xbf16, #tpu.memory_space<vmem>>, %arg7: memref<1x128xf32, #tpu.memory_space<vmem>>, %arg8: memref<128x1xf32, #tpu.memory_space<vmem>>, %arg9: memref<1x1xf32, #tpu.memory_space<vmem>>, %arg10: memref<1024x4xf32, #tpu.memory_space<vmem>>) attributes {dimension_semantics = [#tpu.dimension_semantics<arbitrary>], iteration_bounds = array<i64: 8>, scalar_prefetch = 0 : i64, scratch_operands = 0 : i64, tpu.core_type = #tpu.core_type<tc>, window_params = [{transform_indices = @transform_0, window_bounds = array<i64: 9, 1024, 128>}, {pipeline_mode = #tpu.pipeline_mode<synchronous>, transform_indices = @transform_1, window_bounds = array<i64: 576, 512>}, {pipeline_mode = #tpu.pipeline_mode<synchronous>, transform_indices = @transform_2, window_bounds = array<i64: 1, 512>}, {pipeline_mode = #tpu.pipeline_mode<synchronous>, transform_indices = @transform_3, window_bounds = array<i64: 512, 256>}, {pipeline_mode = #tpu.pipeline_mode<synchronous>, transform_indices = @transform_4, window_bounds = array<i64: 1, 256>}, {pipeline_mode = #tpu.pipeline_mode<synchronous>, transform_indices = @transform_5, window_bounds = array<i64: 256, 128>}, {pipeline_mode = #tpu.pipeline_mode<synchronous>, transform_indices = @transform_6, window_bounds = array<i64: 1, 128>}, {pipeline_mode = #tpu.pipeline_mode<synchronous>, transform_indices = @transform_7, window_bounds = array<i64: 128, 1>}, {pipeline_mode = #tpu.pipeline_mode<synchronous>, transform_indices = @transform_8, window_bounds = array<i64: 1, 1>}, {transform_indices = @transform_9, window_bounds = array<i64: 1024, 4>}]} {
    %get3A = arith.constant 0 : index
    %get3A_0 = arith.constant 0 : index
    %get3A_1 = arith.constant 0 : index
    %get3A_2 = vector.load %arg1[%get3A, %get3A_0, %get3A_1] : memref<9x1024x128xf32, #tpu.memory_space<vmem>>, vector<1x1024x128xf32>
    %get3A_3 = vector.shape_cast %get3A_2 : vector<1x1024x128xf32> to vector<1024x128xf32>
    %bitcast3A = tpu.bitcast %get3A_3 : vector<1024x128xf32> -> vector<1024x128xi32>
    %shift_left3A = arith.constant 16 : i32
    %shift_left3A_4 = vector.broadcast %shift_left3A : i32 to vector<1024x128xi32>
    %shift_left3A_5 = arith.shli %bitcast3A, %shift_left3A_4 : vector<1024x128xi32>
    %bitcast3A_6 = tpu.bitcast %shift_left3A_5 : vector<1024x128xi32> -> vector<1024x128xf32>
    %and3A = arith.constant -65536 : i32
    %and3A_7 = vector.broadcast %and3A : i32 to vector<1024x128xi32>
    %and3A_8 = arith.andi %bitcast3A, %and3A_7 : vector<1024x128xi32>
    %bitcast3A_9 = tpu.bitcast %and3A_8 : vector<1024x128xi32> -> vector<1024x128xf32>
    %get3A_10 = arith.constant 1 : index
    %get3A_11 = arith.constant 0 : index
    %get3A_12 = arith.constant 0 : index
    %get3A_13 = vector.load %arg1[%get3A_10, %get3A_11, %get3A_12] : memref<9x1024x128xf32, #tpu.memory_space<vmem>>, vector<1x1024x128xf32>
    %get3A_14 = vector.shape_cast %get3A_13 : vector<1x1024x128xf32> to vector<1024x128xf32>
    %bitcast3A_15 = tpu.bitcast %get3A_14 : vector<1024x128xf32> -> vector<1024x128xi32>
    %shift_left3A_16 = arith.constant 16 : i32
    %shift_left3A_17 = vector.broadcast %shift_left3A_16 : i32 to vector<1024x128xi32>
    %shift_left3A_18 = arith.shli %bitcast3A_15, %shift_left3A_17 : vector<1024x128xi32>
    %bitcast3A_19 = tpu.bitcast %shift_left3A_18 : vector<1024x128xi32> -> vector<1024x128xf32>
    %and3A_20 = arith.constant -65536 : i32
    %and3A_21 = vector.broadcast %and3A_20 : i32 to vector<1024x128xi32>
    %and3A_22 = arith.andi %bitcast3A_15, %and3A_21 : vector<1024x128xi32>
    %bitcast3A_23 = tpu.bitcast %and3A_22 : vector<1024x128xi32> -> vector<1024x128xf32>
    %get3A_24 = arith.constant 2 : index
    %get3A_25 = arith.constant 0 : index
    %get3A_26 = arith.constant 0 : index
    %get3A_27 = vector.load %arg1[%get3A_24, %get3A_25, %get3A_26] : memref<9x1024x128xf32, #tpu.memory_space<vmem>>, vector<1x1024x128xf32>
    %get3A_28 = vector.shape_cast %get3A_27 : vector<1x1024x128xf32> to vector<1024x128xf32>
    %bitcast3A_29 = tpu.bitcast %get3A_28 : vector<1024x128xf32> -> vector<1024x128xi32>
    %shift_left3A_30 = arith.constant 16 : i32
    %shift_left3A_31 = vector.broadcast %shift_left3A_30 : i32 to vector<1024x128xi32>
    %shift_left3A_32 = arith.shli %bitcast3A_29, %shift_left3A_31 : vector<1024x128xi32>
    %bitcast3A_33 = tpu.bitcast %shift_left3A_32 : vector<1024x128xi32> -> vector<1024x128xf32>
    %and3A_34 = arith.constant -65536 : i32
    %and3A_35 = vector.broadcast %and3A_34 : i32 to vector<1024x128xi32>
    %and3A_36 = arith.andi %bitcast3A_29, %and3A_35 : vector<1024x128xi32>
    %bitcast3A_37 = tpu.bitcast %and3A_36 : vector<1024x128xi32> -> vector<1024x128xf32>
    %get3A_38 = arith.constant 3 : index
    %get3A_39 = arith.constant 0 : index
    %get3A_40 = arith.constant 0 : index
    %get3A_41 = vector.load %arg1[%get3A_38, %get3A_39, %get3A_40] : memref<9x1024x128xf32, #tpu.memory_space<vmem>>, vector<1x1024x128xf32>
    %get3A_42 = vector.shape_cast %get3A_41 : vector<1x1024x128xf32> to vector<1024x128xf32>
    %bitcast3A_43 = tpu.bitcast %get3A_42 : vector<1024x128xf32> -> vector<1024x128xi32>
    %shift_left3A_44 = arith.constant 16 : i32
    %shift_left3A_45 = vector.broadcast %shift_left3A_44 : i32 to vector<1024x128xi32>
    %shift_left3A_46 = arith.shli %bitcast3A_43, %shift_left3A_45 : vector<1024x128xi32>
    %bitcast3A_47 = tpu.bitcast %shift_left3A_46 : vector<1024x128xi32> -> vector<1024x128xf32>
    %and3A_48 = arith.constant -65536 : i32
    %and3A_49 = vector.broadcast %and3A_48 : i32 to vector<1024x128xi32>
    %and3A_50 = arith.andi %bitcast3A_43, %and3A_49 : vector<1024x128xi32>
    %bitcast3A_51 = tpu.bitcast %and3A_50 : vector<1024x128xi32> -> vector<1024x128xf32>
    %get3A_52 = arith.constant 4 : index
    %get3A_53 = arith.constant 0 : index
    %get3A_54 = arith.constant 0 : index
    %get3A_55 = vector.load %arg1[%get3A_52, %get3A_53, %get3A_54] : memref<9x1024x128xf32, #tpu.memory_space<vmem>>, vector<1x1024x128xf32>
    %get3A_56 = vector.shape_cast %get3A_55 : vector<1x1024x128xf32> to vector<1024x128xf32>
    %bitcast3A_57 = tpu.bitcast %get3A_56 : vector<1024x128xf32> -> vector<1024x128xi32>
    %shift_left3A_58 = arith.constant 16 : i32
    %shift_left3A_59 = vector.broadcast %shift_left3A_58 : i32 to vector<1024x128xi32>
    %shift_left3A_60 = arith.shli %bitcast3A_57, %shift_left3A_59 : vector<1024x128xi32>
    %bitcast3A_61 = tpu.bitcast %shift_left3A_60 : vector<1024x128xi32> -> vector<1024x128xf32>
    %and3A_62 = arith.constant -65536 : i32
    %and3A_63 = vector.broadcast %and3A_62 : i32 to vector<1024x128xi32>
    %and3A_64 = arith.andi %bitcast3A_57, %and3A_63 : vector<1024x128xi32>
    %bitcast3A_65 = tpu.bitcast %and3A_64 : vector<1024x128xi32> -> vector<1024x128xf32>
    %get3A_66 = arith.constant 5 : index
    %get3A_67 = arith.constant 0 : index
    %get3A_68 = arith.constant 0 : index
    %get3A_69 = vector.load %arg1[%get3A_66, %get3A_67, %get3A_68] : memref<9x1024x128xf32, #tpu.memory_space<vmem>>, vector<1x1024x128xf32>
    %get3A_70 = vector.shape_cast %get3A_69 : vector<1x1024x128xf32> to vector<1024x128xf32>
    %bitcast3A_71 = tpu.bitcast %get3A_70 : vector<1024x128xf32> -> vector<1024x128xi32>
    %shift_left3A_72 = arith.constant 16 : i32
    %shift_left3A_73 = vector.broadcast %shift_left3A_72 : i32 to vector<1024x128xi32>
    %shift_left3A_74 = arith.shli %bitcast3A_71, %shift_left3A_73 : vector<1024x128xi32>
    %bitcast3A_75 = tpu.bitcast %shift_left3A_74 : vector<1024x128xi32> -> vector<1024x128xf32>
    %and3A_76 = arith.constant -65536 : i32
    %and3A_77 = vector.broadcast %and3A_76 : i32 to vector<1024x128xi32>
    %and3A_78 = arith.andi %bitcast3A_71, %and3A_77 : vector<1024x128xi32>
    %bitcast3A_79 = tpu.bitcast %and3A_78 : vector<1024x128xi32> -> vector<1024x128xf32>
    %get3A_80 = arith.constant 6 : index
    %get3A_81 = arith.constant 0 : index
    %get3A_82 = arith.constant 0 : index
    %get3A_83 = vector.load %arg1[%get3A_80, %get3A_81, %get3A_82] : memref<9x1024x128xf32, #tpu.memory_space<vmem>>, vector<1x1024x128xf32>
    %get3A_84 = vector.shape_cast %get3A_83 : vector<1x1024x128xf32> to vector<1024x128xf32>
    %bitcast3A_85 = tpu.bitcast %get3A_84 : vector<1024x128xf32> -> vector<1024x128xi32>
    %shift_left3A_86 = arith.constant 16 : i32
    %shift_left3A_87 = vector.broadcast %shift_left3A_86 : i32 to vector<1024x128xi32>
    %shift_left3A_88 = arith.shli %bitcast3A_85, %shift_left3A_87 : vector<1024x128xi32>
    %bitcast3A_89 = tpu.bitcast %shift_left3A_88 : vector<1024x128xi32> -> vector<1024x128xf32>
    %and3A_90 = arith.constant -65536 : i32
    %and3A_91 = vector.broadcast %and3A_90 : i32 to vector<1024x128xi32>
    %and3A_92 = arith.andi %bitcast3A_85, %and3A_91 : vector<1024x128xi32>
    %bitcast3A_93 = tpu.bitcast %and3A_92 : vector<1024x128xi32> -> vector<1024x128xf32>
    %get3A_94 = arith.constant 7 : index
    %get3A_95 = arith.constant 0 : index
    %get3A_96 = arith.constant 0 : index
    %get3A_97 = vector.load %arg1[%get3A_94, %get3A_95, %get3A_96] : memref<9x1024x128xf32, #tpu.memory_space<vmem>>, vector<1x1024x128xf32>
    %get3A_98 = vector.shape_cast %get3A_97 : vector<1x1024x128xf32> to vector<1024x128xf32>
    %bitcast3A_99 = tpu.bitcast %get3A_98 : vector<1024x128xf32> -> vector<1024x128xi32>
    %shift_left3A_100 = arith.constant 16 : i32
    %shift_left3A_101 = vector.broadcast %shift_left3A_100 : i32 to vector<1024x128xi32>
    %shift_left3A_102 = arith.shli %bitcast3A_99, %shift_left3A_101 : vector<1024x128xi32>
    %bitcast3A_103 = tpu.bitcast %shift_left3A_102 : vector<1024x128xi32> -> vector<1024x128xf32>
    %and3A_104 = arith.constant -65536 : i32
    %and3A_105 = vector.broadcast %and3A_104 : i32 to vector<1024x128xi32>
    %and3A_106 = arith.andi %bitcast3A_99, %and3A_105 : vector<1024x128xi32>
    %bitcast3A_107 = tpu.bitcast %and3A_106 : vector<1024x128xi32> -> vector<1024x128xf32>
    %get3A_108 = arith.constant 8 : index
    %get3A_109 = arith.constant 0 : index
    %get3A_110 = arith.constant 0 : index
    %get3A_111 = vector.load %arg1[%get3A_108, %get3A_109, %get3A_110] : memref<9x1024x128xf32, #tpu.memory_space<vmem>>, vector<1x1024x128xf32>
    %get3A_112 = vector.shape_cast %get3A_111 : vector<1x1024x128xf32> to vector<1024x128xf32>
    %bitcast3A_113 = tpu.bitcast %get3A_112 : vector<1024x128xf32> -> vector<1024x128xi32>
    %shift_left3A_114 = arith.constant 16 : i32
    %shift_left3A_115 = vector.broadcast %shift_left3A_114 : i32 to vector<1024x128xi32>
    %shift_left3A_116 = arith.shli %bitcast3A_113, %shift_left3A_115 : vector<1024x128xi32>
    %bitcast3A_117 = tpu.bitcast %shift_left3A_116 : vector<1024x128xi32> -> vector<1024x128xf32>
    %and3A_118 = arith.constant -65536 : i32
    %and3A_119 = vector.broadcast %and3A_118 : i32 to vector<1024x128xi32>
    %and3A_120 = arith.andi %bitcast3A_113, %and3A_119 : vector<1024x128xi32>
    %bitcast3A_121 = tpu.bitcast %and3A_120 : vector<1024x128xi32> -> vector<1024x128xf32>
    %slice3A = vector.extract_strided_slice %bitcast3A_6 {offsets = [0, 0], sizes = [1024, 32], strides = [1, 1]} : vector<1024x128xf32> to vector<1024x32xf32>
    %slice3A_122 = vector.extract_strided_slice %bitcast3A_9 {offsets = [0, 0], sizes = [1024, 32], strides = [1, 1]} : vector<1024x128xf32> to vector<1024x32xf32>
    %slice3A_123 = vector.extract_strided_slice %bitcast3A_19 {offsets = [0, 0], sizes = [1024, 32], strides = [1, 1]} : vector<1024x128xf32> to vector<1024x32xf32>
    %slice3A_124 = vector.extract_strided_slice %bitcast3A_23 {offsets = [0, 0], sizes = [1024, 32], strides = [1, 1]} : vector<1024x128xf32> to vector<1024x32xf32>
    %slice3A_125 = vector.extract_strided_slice %bitcast3A_33 {offsets = [0, 0], sizes = [1024, 32], strides = [1, 1]} : vector<1024x128xf32> to vector<1024x32xf32>
    %slice3A_126 = vector.extract_strided_slice %bitcast3A_37 {offsets = [0, 0], sizes = [1024, 32], strides = [1, 1]} : vector<1024x128xf32> to vector<1024x32xf32>
    %slice3A_127 = vector.extract_strided_slice %bitcast3A_47 {offsets = [0, 0], sizes = [1024, 32], strides = [1, 1]} : vector<1024x128xf32> to vector<1024x32xf32>
    %slice3A_128 = vector.extract_strided_slice %bitcast3A_51 {offsets = [0, 0], sizes = [1024, 32], strides = [1, 1]} : vector<1024x128xf32> to vector<1024x32xf32>
    %slice3A_129 = vector.extract_strided_slice %bitcast3A_61 {offsets = [0, 0], sizes = [1024, 32], strides = [1, 1]} : vector<1024x128xf32> to vector<1024x32xf32>
    %slice3A_130 = vector.extract_strided_slice %bitcast3A_65 {offsets = [0, 0], sizes = [1024, 32], strides = [1, 1]} : vector<1024x128xf32> to vector<1024x32xf32>
    %slice3A_131 = vector.extract_strided_slice %bitcast3A_75 {offsets = [0, 0], sizes = [1024, 32], strides = [1, 1]} : vector<1024x128xf32> to vector<1024x32xf32>
    %slice3A_132 = vector.extract_strided_slice %bitcast3A_79 {offsets = [0, 0], sizes = [1024, 32], strides = [1, 1]} : vector<1024x128xf32> to vector<1024x32xf32>
    %slice3A_133 = vector.extract_strided_slice %bitcast3A_89 {offsets = [0, 0], sizes = [1024, 32], strides = [1, 1]} : vector<1024x128xf32> to vector<1024x32xf32>
    %slice3A_134 = vector.extract_strided_slice %bitcast3A_93 {offsets = [0, 0], sizes = [1024, 32], strides = [1, 1]} : vector<1024x128xf32> to vector<1024x32xf32>
    %slice3A_135 = vector.extract_strided_slice %bitcast3A_103 {offsets = [0, 0], sizes = [1024, 32], strides = [1, 1]} : vector<1024x128xf32> to vector<1024x32xf32>
    %slice3A_136 = vector.extract_strided_slice %bitcast3A_107 {offsets = [0, 0], sizes = [1024, 32], strides = [1, 1]} : vector<1024x128xf32> to vector<1024x32xf32>
    %slice3A_137 = vector.extract_strided_slice %bitcast3A_117 {offsets = [0, 0], sizes = [1024, 32], strides = [1, 1]} : vector<1024x128xf32> to vector<1024x32xf32>
    %slice3A_138 = vector.extract_strided_slice %bitcast3A_121 {offsets = [0, 0], sizes = [1024, 32], strides = [1, 1]} : vector<1024x128xf32> to vector<1024x32xf32>
    %concatenate3A = tpu.concatenate %slice3A, %slice3A_122, %slice3A_123, %slice3A_124, %slice3A_125, %slice3A_126, %slice3A_127, %slice3A_128, %slice3A_129, %slice3A_130, %slice3A_131, %slice3A_132, %slice3A_133, %slice3A_134, %slice3A_135, %slice3A_136, %slice3A_137, %slice3A_138 in 1 : vector<1024x32xf32>, vector<1024x32xf32>, vector<1024x32xf32>, vector<1024x32xf32>, vector<1024x32xf32>, vector<1024x32xf32>, vector<1024x32xf32>, vector<1024x32xf32>, vector<1024x32xf32>, vector<1024x32xf32>, vector<1024x32xf32>, vector<1024x32xf32>, vector<1024x32xf32>, vector<1024x32xf32>, vector<1024x32xf32>, vector<1024x32xf32>, vector<1024x32xf32>, vector<1024x32xf32> -> vector<1024x576xf32>
    %convert_element_type3A = arith.truncf %concatenate3A : vector<1024x576xf32> to vector<1024x576xbf16>
    %get3A_139 = arith.constant 0 : index
    %get3A_140 = arith.constant 0 : index
    %get3A_141 = vector.load %arg2[%get3A_139, %get3A_140] : memref<576x512xbf16, #tpu.memory_space<vmem>>, vector<576x512xbf16>
    %dot_general3A = arith.constant dense<0.000000e+00> : vector<1024x512xf32>
    %dot_general3A_142 = tpu.matmul %convert_element_type3A, %get3A_141, %dot_general3A {dimension_numbers = #tpu.dot_dimension_numbers<[1], [0], [0], [1], [0, 0, 1, 1], [], []>, transpose_lhs_hint = false} : vector<1024x576xbf16>, vector<576x512xbf16>, vector<1024x512xf32> -> vector<1024x512xf32>
    %get3A_143 = arith.constant 0 : index
    %get3A_144 = arith.constant 0 : index
    %get3A_145 = vector.load %arg3[%get3A_143, %get3A_144] : memref<1x512xf32, #tpu.memory_space<vmem>>, vector<1x512xf32>
    %add3A = vector.broadcast %get3A_145 : vector<1x512xf32> to vector<1024x512xf32>
    %add3A_146 = arith.addf %dot_general3A_142, %add3A : vector<1024x512xf32>
    %max3A = arith.constant 0.000000e+00 : f32
    %max3A_147 = vector.broadcast %max3A : f32 to vector<1024x512xf32>
    %max3A_148 = arith.maximumf %add3A_146, %max3A_147 : vector<1024x512xf32>
    %convert_element_type3A_149 = arith.truncf %max3A_148 : vector<1024x512xf32> to vector<1024x512xbf16>
    %get3A_150 = arith.constant 0 : index
    %get3A_151 = arith.constant 0 : index
    %get3A_152 = vector.load %arg4[%get3A_150, %get3A_151] : memref<512x256xbf16, #tpu.memory_space<vmem>>, vector<512x256xbf16>
    %dot_general3A_153 = arith.constant dense<0.000000e+00> : vector<1024x256xf32>
    %dot_general3A_154 = tpu.matmul %convert_element_type3A_149, %get3A_152, %dot_general3A_153 {dimension_numbers = #tpu.dot_dimension_numbers<[1], [0], [0], [1], [0, 0, 1, 1], [], []>, transpose_lhs_hint = false} : vector<1024x512xbf16>, vector<512x256xbf16>, vector<1024x256xf32> -> vector<1024x256xf32>
    %get3A_155 = arith.constant 0 : index
    %get3A_156 = arith.constant 0 : index
    %get3A_157 = vector.load %arg5[%get3A_155, %get3A_156] : memref<1x256xf32, #tpu.memory_space<vmem>>, vector<1x256xf32>
    %add3A_158 = vector.broadcast %get3A_157 : vector<1x256xf32> to vector<1024x256xf32>
    %add3A_159 = arith.addf %dot_general3A_154, %add3A_158 : vector<1024x256xf32>
    %max3A_160 = arith.constant 0.000000e+00 : f32
    %max3A_161 = vector.broadcast %max3A_160 : f32 to vector<1024x256xf32>
    %max3A_162 = arith.maximumf %add3A_159, %max3A_161 : vector<1024x256xf32>
    %convert_element_type3A_163 = arith.truncf %max3A_162 : vector<1024x256xf32> to vector<1024x256xbf16>
    %get3A_164 = arith.constant 0 : index
    %get3A_165 = arith.constant 0 : index
    %get3A_166 = vector.load %arg6[%get3A_164, %get3A_165] : memref<256x128xbf16, #tpu.memory_space<vmem>>, vector<256x128xbf16>
    %dot_general3A_167 = arith.constant dense<0.000000e+00> : vector<1024x128xf32>
    %dot_general3A_168 = tpu.matmul %convert_element_type3A_163, %get3A_166, %dot_general3A_167 {dimension_numbers = #tpu.dot_dimension_numbers<[1], [0], [0], [1], [0, 0, 1, 1], [], []>, transpose_lhs_hint = false} : vector<1024x256xbf16>, vector<256x128xbf16>, vector<1024x128xf32> -> vector<1024x128xf32>
    %get3A_169 = arith.constant 0 : index
    %get3A_170 = arith.constant 0 : index
    %get3A_171 = vector.load %arg7[%get3A_169, %get3A_170] : memref<1x128xf32, #tpu.memory_space<vmem>>, vector<1x128xf32>
    %add3A_172 = vector.broadcast %get3A_171 : vector<1x128xf32> to vector<1024x128xf32>
    %add3A_173 = arith.addf %dot_general3A_168, %add3A_172 : vector<1024x128xf32>
    %max3A_174 = arith.constant 0.000000e+00 : f32
    %max3A_175 = vector.broadcast %max3A_174 : f32 to vector<1024x128xf32>
    %max3A_176 = arith.maximumf %add3A_173, %max3A_175 : vector<1024x128xf32>
    %get3A_177 = arith.constant 0 : index
    %get3A_178 = arith.constant 0 : index
    %get3A_179 = vector.load %arg8[%get3A_177, %get3A_178] : memref<128x1xf32, #tpu.memory_space<vmem>>, vector<128x1xf32>
    %dot_general3A_180 = arith.constant dense<0.000000e+00> : vector<1024x1xf32>
    %dot_general3A_181 = tpu.matmul %max3A_176, %get3A_179, %dot_general3A_180 {dimension_numbers = #tpu.dot_dimension_numbers<[1], [0], [0], [1], [0, 0, 1, 1], [], []>, transpose_lhs_hint = false} : vector<1024x128xf32>, vector<128x1xf32>, vector<1024x1xf32> -> vector<1024x1xf32>
    %get3A_182 = arith.constant 0 : index
    %get3A_183 = arith.constant 0 : index
    %get3A_184 = vector.load %arg9[%get3A_182, %get3A_183] : memref<1x1xf32, #tpu.memory_space<vmem>>, vector<1x1xf32>
    %add3A_185 = vector.broadcast %get3A_184 : vector<1x1xf32> to vector<1024x1xf32>
    %add3A_186 = arith.addf %dot_general3A_181, %add3A_185 : vector<1024x1xf32>
    %tanh3A = math.tanh %add3A_186 : vector<1024x1xf32>
    %squeeze3A = vector.shape_cast %tanh3A : vector<1024x1xf32> to vector<1024xf32>
    %swap3A = arith.constant 0 : index
    %swap3A_187 = arith.constant 0 : index
    %swap3A_188 = vector.load %arg10[%swap3A, %swap3A_187] : memref<1024x4xf32, #tpu.memory_space<vmem>>, vector<1024x1xf32>
    %swap3A_189 = vector.shape_cast %swap3A_188 : vector<1024x1xf32> to vector<1024xf32>
    %swap3A_190 = vector.shape_cast %squeeze3A : vector<1024xf32> to vector<1024x1xf32>
    tpu.vector_store %arg10[%swap3A, %swap3A_187], %swap3A_190 {strides = array<i32>} : memref<1024x4xf32, #tpu.memory_space<vmem>>, vector<1024x1xf32>,
    %slice3A_191 = vector.extract_strided_slice %bitcast3A_6 {offsets = [0, 32], sizes = [1024, 32], strides = [1, 1]} : vector<1024x128xf32> to vector<1024x32xf32>
    %slice3A_192 = vector.extract_strided_slice %bitcast3A_9 {offsets = [0, 32], sizes = [1024, 32], strides = [1, 1]} : vector<1024x128xf32> to vector<1024x32xf32>
    %slice3A_193 = vector.extract_strided_slice %bitcast3A_19 {offsets = [0, 32], sizes = [1024, 32], strides = [1, 1]} : vector<1024x128xf32> to vector<1024x32xf32>
    %slice3A_194 = vector.extract_strided_slice %bitcast3A_23 {offsets = [0, 32], sizes = [1024, 32], strides = [1, 1]} : vector<1024x128xf32> to vector<1024x32xf32>
    %slice3A_195 = vector.extract_strided_slice %bitcast3A_33 {offsets = [0, 32], sizes = [1024, 32], strides = [1, 1]} : vector<1024x128xf32> to vector<1024x32xf32>
    %slice3A_196 = vector.extract_strided_slice %bitcast3A_37 {offsets = [0, 32], sizes = [1024, 32], strides = [1, 1]} : vector<1024x128xf32> to vector<1024x32xf32>
    %slice3A_197 = vector.extract_strided_slice %bitcast3A_47 {offsets = [0, 32], sizes = [1024, 32], strides = [1, 1]} : vector<1024x128xf32> to vector<1024x32xf32>
    %slice3A_198 = vector.extract_strided_slice %bitcast3A_51 {offsets = [0, 32], sizes = [1024, 32], strides = [1, 1]} : vector<1024x128xf32> to vector<1024x32xf32>
    %slice3A_199 = vector.extract_strided_slice %bitcast3A_61 {offsets = [0, 32], sizes = [1024, 32], strides = [1, 1]} : vector<1024x128xf32> to vector<1024x32xf32>
    %slice3A_200 = vector.extract_strided_slice %bitcast3A_65 {offsets = [0, 32], sizes = [1024, 32], strides = [1, 1]} : vector<1024x128xf32> to vector<1024x32xf32>
    %slice3A_201 = vector.extract_strided_slice %bitcast3A_75 {offsets = [0, 32], sizes = [1024, 32], strides = [1, 1]} : vector<1024x128xf32> to vector<1024x32xf32>
    %slice3A_202 = vector.extract_strided_slice %bitcast3A_79 {offsets = [0, 32], sizes = [1024, 32], strides = [1, 1]} : vector<1024x128xf32> to vector<1024x32xf32>
    %slice3A_203 = vector.extract_strided_slice %bitcast3A_89 {offsets = [0, 32], sizes = [1024, 32], strides = [1, 1]} : vector<1024x128xf32> to vector<1024x32xf32>
    %slice3A_204 = vector.extract_strided_slice %bitcast3A_93 {offsets = [0, 32], sizes = [1024, 32], strides = [1, 1]} : vector<1024x128xf32> to vector<1024x32xf32>
    %slice3A_205 = vector.extract_strided_slice %bitcast3A_103 {offsets = [0, 32], sizes = [1024, 32], strides = [1, 1]} : vector<1024x128xf32> to vector<1024x32xf32>
    %slice3A_206 = vector.extract_strided_slice %bitcast3A_107 {offsets = [0, 32], sizes = [1024, 32], strides = [1, 1]} : vector<1024x128xf32> to vector<1024x32xf32>
    %slice3A_207 = vector.extract_strided_slice %bitcast3A_117 {offsets = [0, 32], sizes = [1024, 32], strides = [1, 1]} : vector<1024x128xf32> to vector<1024x32xf32>
    %slice3A_208 = vector.extract_strided_slice %bitcast3A_121 {offsets = [0, 32], sizes = [1024, 32], strides = [1, 1]} : vector<1024x128xf32> to vector<1024x32xf32>
    %concatenate3A_209 = tpu.concatenate %slice3A_191, %slice3A_192, %slice3A_193, %slice3A_194, %slice3A_195, %slice3A_196, %slice3A_197, %slice3A_198, %slice3A_199, %slice3A_200, %slice3A_201, %slice3A_202, %slice3A_203, %slice3A_204, %slice3A_205, %slice3A_206, %slice3A_207, %slice3A_208 in 1 : vector<1024x32xf32>, vector<1024x32xf32>, vector<1024x32xf32>, vector<1024x32xf32>, vector<1024x32xf32>, vector<1024x32xf32>, vector<1024x32xf32>, vector<1024x32xf32>, vector<1024x32xf32>, vector<1024x32xf32>, vector<1024x32xf32>, vector<1024x32xf32>, vector<1024x32xf32>, vector<1024x32xf32>, vector<1024x32xf32>, vector<1024x32xf32>, vector<1024x32xf32>, vector<1024x32xf32> -> vector<1024x576xf32>
    %convert_element_type3A_210 = arith.truncf %concatenate3A_209 : vector<1024x576xf32> to vector<1024x576xbf16>
    %get3A_211 = arith.constant 0 : index
    %get3A_212 = arith.constant 0 : index
    %get3A_213 = vector.load %arg2[%get3A_211, %get3A_212] : memref<576x512xbf16, #tpu.memory_space<vmem>>, vector<576x512xbf16>
    %dot_general3A_214 = arith.constant dense<0.000000e+00> : vector<1024x512xf32>
    %dot_general3A_215 = tpu.matmul %convert_element_type3A_210, %get3A_213, %dot_general3A_214 {dimension_numbers = #tpu.dot_dimension_numbers<[1], [0], [0], [1], [0, 0, 1, 1], [], []>, transpose_lhs_hint = false} : vector<1024x576xbf16>, vector<576x512xbf16>, vector<1024x512xf32> -> vector<1024x512xf32>
    %get3A_216 = arith.constant 0 : index
    %get3A_217 = arith.constant 0 : index
    %get3A_218 = vector.load %arg3[%get3A_216, %get3A_217] : memref<1x512xf32, #tpu.memory_space<vmem>>, vector<1x512xf32>
    %add3A_219 = vector.broadcast %get3A_218 : vector<1x512xf32> to vector<1024x512xf32>
    %add3A_220 = arith.addf %dot_general3A_215, %add3A_219 : vector<1024x512xf32>
    %max3A_221 = arith.constant 0.000000e+00 : f32
    %max3A_222 = vector.broadcast %max3A_221 : f32 to vector<1024x512xf32>
    %max3A_223 = arith.maximumf %add3A_220, %max3A_222 : vector<1024x512xf32>
    %convert_element_type3A_224 = arith.truncf %max3A_223 : vector<1024x512xf32> to vector<1024x512xbf16>
    %get3A_225 = arith.constant 0 : index
    %get3A_226 = arith.constant 0 : index
    %get3A_227 = vector.load %arg4[%get3A_225, %get3A_226] : memref<512x256xbf16, #tpu.memory_space<vmem>>, vector<512x256xbf16>
    %dot_general3A_228 = arith.constant dense<0.000000e+00> : vector<1024x256xf32>
    %dot_general3A_229 = tpu.matmul %convert_element_type3A_224, %get3A_227, %dot_general3A_228 {dimension_numbers = #tpu.dot_dimension_numbers<[1], [0], [0], [1], [0, 0, 1, 1], [], []>, transpose_lhs_hint = false} : vector<1024x512xbf16>, vector<512x256xbf16>, vector<1024x256xf32> -> vector<1024x256xf32>
    %get3A_230 = arith.constant 0 : index
    %get3A_231 = arith.constant 0 : index
    %get3A_232 = vector.load %arg5[%get3A_230, %get3A_231] : memref<1x256xf32, #tpu.memory_space<vmem>>, vector<1x256xf32>
    %add3A_233 = vector.broadcast %get3A_232 : vector<1x256xf32> to vector<1024x256xf32>
    %add3A_234 = arith.addf %dot_general3A_229, %add3A_233 : vector<1024x256xf32>
    %max3A_235 = arith.constant 0.000000e+00 : f32
    %max3A_236 = vector.broadcast %max3A_235 : f32 to vector<1024x256xf32>
    %max3A_237 = arith.maximumf %add3A_234, %max3A_236 : vector<1024x256xf32>
    %convert_element_type3A_238 = arith.truncf %max3A_237 : vector<1024x256xf32> to vector<1024x256xbf16>
    %get3A_239 = arith.constant 0 : index
    %get3A_240 = arith.constant 0 : index
    %get3A_241 = vector.load %arg6[%get3A_239, %get3A_240] : memref<256x128xbf16, #tpu.memory_space<vmem>>, vector<256x128xbf16>
    %dot_general3A_242 = arith.constant dense<0.000000e+00> : vector<1024x128xf32>
    %dot_general3A_243 = tpu.matmul %convert_element_type3A_238, %get3A_241, %dot_general3A_242 {dimension_numbers = #tpu.dot_dimension_numbers<[1], [0], [0], [1], [0, 0, 1, 1], [], []>, transpose_lhs_hint = false} : vector<1024x256xbf16>, vector<256x128xbf16>, vector<1024x128xf32> -> vector<1024x128xf32>
    %get3A_244 = arith.constant 0 : index
    %get3A_245 = arith.constant 0 : index
    %get3A_246 = vector.load %arg7[%get3A_244, %get3A_245] : memref<1x128xf32, #tpu.memory_space<vmem>>, vector<1x128xf32>
    %add3A_247 = vector.broadcast %get3A_246 : vector<1x128xf32> to vector<1024x128xf32>
    %add3A_248 = arith.addf %dot_general3A_243, %add3A_247 : vector<1024x128xf32>
    %max3A_249 = arith.constant 0.000000e+00 : f32
    %max3A_250 = vector.broadcast %max3A_249 : f32 to vector<1024x128xf32>
    %max3A_251 = arith.maximumf %add3A_248, %max3A_250 : vector<1024x128xf32>
    %get3A_252 = arith.constant 0 : index
    %get3A_253 = arith.constant 0 : index
    %get3A_254 = vector.load %arg8[%get3A_252, %get3A_253] : memref<128x1xf32, #tpu.memory_space<vmem>>, vector<128x1xf32>
    %dot_general3A_255 = arith.constant dense<0.000000e+00> : vector<1024x1xf32>
    %dot_general3A_256 = tpu.matmul %max3A_251, %get3A_254, %dot_general3A_255 {dimension_numbers = #tpu.dot_dimension_numbers<[1], [0], [0], [1], [0, 0, 1, 1], [], []>, transpose_lhs_hint = false} : vector<1024x128xf32>, vector<128x1xf32>, vector<1024x1xf32> -> vector<1024x1xf32>
    %get3A_257 = arith.constant 0 : index
    %get3A_258 = arith.constant 0 : index
    %get3A_259 = vector.load %arg9[%get3A_257, %get3A_258] : memref<1x1xf32, #tpu.memory_space<vmem>>, vector<1x1xf32>
    %add3A_260 = vector.broadcast %get3A_259 : vector<1x1xf32> to vector<1024x1xf32>
    %add3A_261 = arith.addf %dot_general3A_256, %add3A_260 : vector<1024x1xf32>
    %tanh3A_262 = math.tanh %add3A_261 : vector<1024x1xf32>
    %squeeze3A_263 = vector.shape_cast %tanh3A_262 : vector<1024x1xf32> to vector<1024xf32>
    %swap3A_264 = arith.constant 0 : index
    %swap3A_265 = arith.constant 1 : index
    %swap3A_266 = vector.load %arg10[%swap3A_264, %swap3A_265] : memref<1024x4xf32, #tpu.memory_space<vmem>>, vector<1024x1xf32>
    %swap3A_267 = vector.shape_cast %swap3A_266 : vector<1024x1xf32> to vector<1024xf32>
    %swap3A_268 = vector.shape_cast %squeeze3A_263 : vector<1024xf32> to vector<1024x1xf32>
    tpu.vector_store %arg10[%swap3A_264, %swap3A_265], %swap3A_268 {strides = array<i32>} : memref<1024x4xf32, #tpu.memory_space<vmem>>, vector<1024x1xf32>,
    %slice3A_269 = vector.extract_strided_slice %bitcast3A_6 {offsets = [0, 64], sizes = [1024, 32], strides = [1, 1]} : vector<1024x128xf32> to vector<1024x32xf32>
    %slice3A_270 = vector.extract_strided_slice %bitcast3A_9 {offsets = [0, 64], sizes = [1024, 32], strides = [1, 1]} : vector<1024x128xf32> to vector<1024x32xf32>
    %slice3A_271 = vector.extract_strided_slice %bitcast3A_19 {offsets = [0, 64], sizes = [1024, 32], strides = [1, 1]} : vector<1024x128xf32> to vector<1024x32xf32>
    %slice3A_272 = vector.extract_strided_slice %bitcast3A_23 {offsets = [0, 64], sizes = [1024, 32], strides = [1, 1]} : vector<1024x128xf32> to vector<1024x32xf32>
    %slice3A_273 = vector.extract_strided_slice %bitcast3A_33 {offsets = [0, 64], sizes = [1024, 32], strides = [1, 1]} : vector<1024x128xf32> to vector<1024x32xf32>
    %slice3A_274 = vector.extract_strided_slice %bitcast3A_37 {offsets = [0, 64], sizes = [1024, 32], strides = [1, 1]} : vector<1024x128xf32> to vector<1024x32xf32>
    %slice3A_275 = vector.extract_strided_slice %bitcast3A_47 {offsets = [0, 64], sizes = [1024, 32], strides = [1, 1]} : vector<1024x128xf32> to vector<1024x32xf32>
    %slice3A_276 = vector.extract_strided_slice %bitcast3A_51 {offsets = [0, 64], sizes = [1024, 32], strides = [1, 1]} : vector<1024x128xf32> to vector<1024x32xf32>
    %slice3A_277 = vector.extract_strided_slice %bitcast3A_61 {offsets = [0, 64], sizes = [1024, 32], strides = [1, 1]} : vector<1024x128xf32> to vector<1024x32xf32>
    %slice3A_278 = vector.extract_strided_slice %bitcast3A_65 {offsets = [0, 64], sizes = [1024, 32], strides = [1, 1]} : vector<1024x128xf32> to vector<1024x32xf32>
    %slice3A_279 = vector.extract_strided_slice %bitcast3A_75 {offsets = [0, 64], sizes = [1024, 32], strides = [1, 1]} : vector<1024x128xf32> to vector<1024x32xf32>
    %slice3A_280 = vector.extract_strided_slice %bitcast3A_79 {offsets = [0, 64], sizes = [1024, 32], strides = [1, 1]} : vector<1024x128xf32> to vector<1024x32xf32>
    %slice3A_281 = vector.extract_strided_slice %bitcast3A_89 {offsets = [0, 64], sizes = [1024, 32], strides = [1, 1]} : vector<1024x128xf32> to vector<1024x32xf32>
    %slice3A_282 = vector.extract_strided_slice %bitcast3A_93 {offsets = [0, 64], sizes = [1024, 32], strides = [1, 1]} : vector<1024x128xf32> to vector<1024x32xf32>
    %slice3A_283 = vector.extract_strided_slice %bitcast3A_103 {offsets = [0, 64], sizes = [1024, 32], strides = [1, 1]} : vector<1024x128xf32> to vector<1024x32xf32>
    %slice3A_284 = vector.extract_strided_slice %bitcast3A_107 {offsets = [0, 64], sizes = [1024, 32], strides = [1, 1]} : vector<1024x128xf32> to vector<1024x32xf32>
    %slice3A_285 = vector.extract_strided_slice %bitcast3A_117 {offsets = [0, 64], sizes = [1024, 32], strides = [1, 1]} : vector<1024x128xf32> to vector<1024x32xf32>
    %slice3A_286 = vector.extract_strided_slice %bitcast3A_121 {offsets = [0, 64], sizes = [1024, 32], strides = [1, 1]} : vector<1024x128xf32> to vector<1024x32xf32>
    %concatenate3A_287 = tpu.concatenate %slice3A_269, %slice3A_270, %slice3A_271, %slice3A_272, %slice3A_273, %slice3A_274, %slice3A_275, %slice3A_276, %slice3A_277, %slice3A_278, %slice3A_279, %slice3A_280, %slice3A_281, %slice3A_282, %slice3A_283, %slice3A_284, %slice3A_285, %slice3A_286 in 1 : vector<1024x32xf32>, vector<1024x32xf32>, vector<1024x32xf32>, vector<1024x32xf32>, vector<1024x32xf32>, vector<1024x32xf32>, vector<1024x32xf32>, vector<1024x32xf32>, vector<1024x32xf32>, vector<1024x32xf32>, vector<1024x32xf32>, vector<1024x32xf32>, vector<1024x32xf32>, vector<1024x32xf32>, vector<1024x32xf32>, vector<1024x32xf32>, vector<1024x32xf32>, vector<1024x32xf32> -> vector<1024x576xf32>
    %convert_element_type3A_288 = arith.truncf %concatenate3A_287 : vector<1024x576xf32> to vector<1024x576xbf16>
    %get3A_289 = arith.constant 0 : index
    %get3A_290 = arith.constant 0 : index
    %get3A_291 = vector.load %arg2[%get3A_289, %get3A_290] : memref<576x512xbf16, #tpu.memory_space<vmem>>, vector<576x512xbf16>
    %dot_general3A_292 = arith.constant dense<0.000000e+00> : vector<1024x512xf32>
    %dot_general3A_293 = tpu.matmul %convert_element_type3A_288, %get3A_291, %dot_general3A_292 {dimension_numbers = #tpu.dot_dimension_numbers<[1], [0], [0], [1], [0, 0, 1, 1], [], []>, transpose_lhs_hint = false} : vector<1024x576xbf16>, vector<576x512xbf16>, vector<1024x512xf32> -> vector<1024x512xf32>
    %get3A_294 = arith.constant 0 : index
    %get3A_295 = arith.constant 0 : index
    %get3A_296 = vector.load %arg3[%get3A_294, %get3A_295] : memref<1x512xf32, #tpu.memory_space<vmem>>, vector<1x512xf32>
    %add3A_297 = vector.broadcast %get3A_296 : vector<1x512xf32> to vector<1024x512xf32>
    %add3A_298 = arith.addf %dot_general3A_293, %add3A_297 : vector<1024x512xf32>
    %max3A_299 = arith.constant 0.000000e+00 : f32
    %max3A_300 = vector.broadcast %max3A_299 : f32 to vector<1024x512xf32>
    %max3A_301 = arith.maximumf %add3A_298, %max3A_300 : vector<1024x512xf32>
    %convert_element_type3A_302 = arith.truncf %max3A_301 : vector<1024x512xf32> to vector<1024x512xbf16>
    %get3A_303 = arith.constant 0 : index
    %get3A_304 = arith.constant 0 : index
    %get3A_305 = vector.load %arg4[%get3A_303, %get3A_304] : memref<512x256xbf16, #tpu.memory_space<vmem>>, vector<512x256xbf16>
    %dot_general3A_306 = arith.constant dense<0.000000e+00> : vector<1024x256xf32>
    %dot_general3A_307 = tpu.matmul %convert_element_type3A_302, %get3A_305, %dot_general3A_306 {dimension_numbers = #tpu.dot_dimension_numbers<[1], [0], [0], [1], [0, 0, 1, 1], [], []>, transpose_lhs_hint = false} : vector<1024x512xbf16>, vector<512x256xbf16>, vector<1024x256xf32> -> vector<1024x256xf32>
    %get3A_308 = arith.constant 0 : index
    %get3A_309 = arith.constant 0 : index
    %get3A_310 = vector.load %arg5[%get3A_308, %get3A_309] : memref<1x256xf32, #tpu.memory_space<vmem>>, vector<1x256xf32>
    %add3A_311 = vector.broadcast %get3A_310 : vector<1x256xf32> to vector<1024x256xf32>
    %add3A_312 = arith.addf %dot_general3A_307, %add3A_311 : vector<1024x256xf32>
    %max3A_313 = arith.constant 0.000000e+00 : f32
    %max3A_314 = vector.broadcast %max3A_313 : f32 to vector<1024x256xf32>
    %max3A_315 = arith.maximumf %add3A_312, %max3A_314 : vector<1024x256xf32>
    %convert_element_type3A_316 = arith.truncf %max3A_315 : vector<1024x256xf32> to vector<1024x256xbf16>
    %get3A_317 = arith.constant 0 : index
    %get3A_318 = arith.constant 0 : index
    %get3A_319 = vector.load %arg6[%get3A_317, %get3A_318] : memref<256x128xbf16, #tpu.memory_space<vmem>>, vector<256x128xbf16>
    %dot_general3A_320 = arith.constant dense<0.000000e+00> : vector<1024x128xf32>
    %dot_general3A_321 = tpu.matmul %convert_element_type3A_316, %get3A_319, %dot_general3A_320 {dimension_numbers = #tpu.dot_dimension_numbers<[1], [0], [0], [1], [0, 0, 1, 1], [], []>, transpose_lhs_hint = false} : vector<1024x256xbf16>, vector<256x128xbf16>, vector<1024x128xf32> -> vector<1024x128xf32>
    %get3A_322 = arith.constant 0 : index
    %get3A_323 = arith.constant 0 : index
    %get3A_324 = vector.load %arg7[%get3A_322, %get3A_323] : memref<1x128xf32, #tpu.memory_space<vmem>>, vector<1x128xf32>
    %add3A_325 = vector.broadcast %get3A_324 : vector<1x128xf32> to vector<1024x128xf32>
    %add3A_326 = arith.addf %dot_general3A_321, %add3A_325 : vector<1024x128xf32>
    %max3A_327 = arith.constant 0.000000e+00 : f32
    %max3A_328 = vector.broadcast %max3A_327 : f32 to vector<1024x128xf32>
    %max3A_329 = arith.maximumf %add3A_326, %max3A_328 : vector<1024x128xf32>
    %get3A_330 = arith.constant 0 : index
    %get3A_331 = arith.constant 0 : index
    %get3A_332 = vector.load %arg8[%get3A_330, %get3A_331] : memref<128x1xf32, #tpu.memory_space<vmem>>, vector<128x1xf32>
    %dot_general3A_333 = arith.constant dense<0.000000e+00> : vector<1024x1xf32>
    %dot_general3A_334 = tpu.matmul %max3A_329, %get3A_332, %dot_general3A_333 {dimension_numbers = #tpu.dot_dimension_numbers<[1], [0], [0], [1], [0, 0, 1, 1], [], []>, transpose_lhs_hint = false} : vector<1024x128xf32>, vector<128x1xf32>, vector<1024x1xf32> -> vector<1024x1xf32>
    %get3A_335 = arith.constant 0 : index
    %get3A_336 = arith.constant 0 : index
    %get3A_337 = vector.load %arg9[%get3A_335, %get3A_336] : memref<1x1xf32, #tpu.memory_space<vmem>>, vector<1x1xf32>
    %add3A_338 = vector.broadcast %get3A_337 : vector<1x1xf32> to vector<1024x1xf32>
    %add3A_339 = arith.addf %dot_general3A_334, %add3A_338 : vector<1024x1xf32>
    %tanh3A_340 = math.tanh %add3A_339 : vector<1024x1xf32>
    %squeeze3A_341 = vector.shape_cast %tanh3A_340 : vector<1024x1xf32> to vector<1024xf32>
    %swap3A_342 = arith.constant 0 : index
    %swap3A_343 = arith.constant 2 : index
    %swap3A_344 = vector.load %arg10[%swap3A_342, %swap3A_343] : memref<1024x4xf32, #tpu.memory_space<vmem>>, vector<1024x1xf32>
    %swap3A_345 = vector.shape_cast %swap3A_344 : vector<1024x1xf32> to vector<1024xf32>
    %swap3A_346 = vector.shape_cast %squeeze3A_341 : vector<1024xf32> to vector<1024x1xf32>
    tpu.vector_store %arg10[%swap3A_342, %swap3A_343], %swap3A_346 {strides = array<i32>} : memref<1024x4xf32, #tpu.memory_space<vmem>>, vector<1024x1xf32>,
    %slice3A_347 = vector.extract_strided_slice %bitcast3A_6 {offsets = [0, 96], sizes = [1024, 32], strides = [1, 1]} : vector<1024x128xf32> to vector<1024x32xf32>
    %slice3A_348 = vector.extract_strided_slice %bitcast3A_9 {offsets = [0, 96], sizes = [1024, 32], strides = [1, 1]} : vector<1024x128xf32> to vector<1024x32xf32>
    %slice3A_349 = vector.extract_strided_slice %bitcast3A_19 {offsets = [0, 96], sizes = [1024, 32], strides = [1, 1]} : vector<1024x128xf32> to vector<1024x32xf32>
    %slice3A_350 = vector.extract_strided_slice %bitcast3A_23 {offsets = [0, 96], sizes = [1024, 32], strides = [1, 1]} : vector<1024x128xf32> to vector<1024x32xf32>
    %slice3A_351 = vector.extract_strided_slice %bitcast3A_33 {offsets = [0, 96], sizes = [1024, 32], strides = [1, 1]} : vector<1024x128xf32> to vector<1024x32xf32>
    %slice3A_352 = vector.extract_strided_slice %bitcast3A_37 {offsets = [0, 96], sizes = [1024, 32], strides = [1, 1]} : vector<1024x128xf32> to vector<1024x32xf32>
    %slice3A_353 = vector.extract_strided_slice %bitcast3A_47 {offsets = [0, 96], sizes = [1024, 32], strides = [1, 1]} : vector<1024x128xf32> to vector<1024x32xf32>
    %slice3A_354 = vector.extract_strided_slice %bitcast3A_51 {offsets = [0, 96], sizes = [1024, 32], strides = [1, 1]} : vector<1024x128xf32> to vector<1024x32xf32>
    %slice3A_355 = vector.extract_strided_slice %bitcast3A_61 {offsets = [0, 96], sizes = [1024, 32], strides = [1, 1]} : vector<1024x128xf32> to vector<1024x32xf32>
    %slice3A_356 = vector.extract_strided_slice %bitcast3A_65 {offsets = [0, 96], sizes = [1024, 32], strides = [1, 1]} : vector<1024x128xf32> to vector<1024x32xf32>
    %slice3A_357 = vector.extract_strided_slice %bitcast3A_75 {offsets = [0, 96], sizes = [1024, 32], strides = [1, 1]} : vector<1024x128xf32> to vector<1024x32xf32>
    %slice3A_358 = vector.extract_strided_slice %bitcast3A_79 {offsets = [0, 96], sizes = [1024, 32], strides = [1, 1]} : vector<1024x128xf32> to vector<1024x32xf32>
    %slice3A_359 = vector.extract_strided_slice %bitcast3A_89 {offsets = [0, 96], sizes = [1024, 32], strides = [1, 1]} : vector<1024x128xf32> to vector<1024x32xf32>
    %slice3A_360 = vector.extract_strided_slice %bitcast3A_93 {offsets = [0, 96], sizes = [1024, 32], strides = [1, 1]} : vector<1024x128xf32> to vector<1024x32xf32>
    %slice3A_361 = vector.extract_strided_slice %bitcast3A_103 {offsets = [0, 96], sizes = [1024, 32], strides = [1, 1]} : vector<1024x128xf32> to vector<1024x32xf32>
    %slice3A_362 = vector.extract_strided_slice %bitcast3A_107 {offsets = [0, 96], sizes = [1024, 32], strides = [1, 1]} : vector<1024x128xf32> to vector<1024x32xf32>
    %slice3A_363 = vector.extract_strided_slice %bitcast3A_117 {offsets = [0, 96], sizes = [1024, 32], strides = [1, 1]} : vector<1024x128xf32> to vector<1024x32xf32>
    %slice3A_364 = vector.extract_strided_slice %bitcast3A_121 {offsets = [0, 96], sizes = [1024, 32], strides = [1, 1]} : vector<1024x128xf32> to vector<1024x32xf32>
    %concatenate3A_365 = tpu.concatenate %slice3A_347, %slice3A_348, %slice3A_349, %slice3A_350, %slice3A_351, %slice3A_352, %slice3A_353, %slice3A_354, %slice3A_355, %slice3A_356, %slice3A_357, %slice3A_358, %slice3A_359, %slice3A_360, %slice3A_361, %slice3A_362, %slice3A_363, %slice3A_364 in 1 : vector<1024x32xf32>, vector<1024x32xf32>, vector<1024x32xf32>, vector<1024x32xf32>, vector<1024x32xf32>, vector<1024x32xf32>, vector<1024x32xf32>, vector<1024x32xf32>, vector<1024x32xf32>, vector<1024x32xf32>, vector<1024x32xf32>, vector<1024x32xf32>, vector<1024x32xf32>, vector<1024x32xf32>, vector<1024x32xf32>, vector<1024x32xf32>, vector<1024x32xf32>, vector<1024x32xf32> -> vector<1024x576xf32>
    %convert_element_type3A_366 = arith.truncf %concatenate3A_365 : vector<1024x576xf32> to vector<1024x576xbf16>
    %get3A_367 = arith.constant 0 : index
    %get3A_368 = arith.constant 0 : index
    %get3A_369 = vector.load %arg2[%get3A_367, %get3A_368] : memref<576x512xbf16, #tpu.memory_space<vmem>>, vector<576x512xbf16>
    %dot_general3A_370 = arith.constant dense<0.000000e+00> : vector<1024x512xf32>
    %dot_general3A_371 = tpu.matmul %convert_element_type3A_366, %get3A_369, %dot_general3A_370 {dimension_numbers = #tpu.dot_dimension_numbers<[1], [0], [0], [1], [0, 0, 1, 1], [], []>, transpose_lhs_hint = false} : vector<1024x576xbf16>, vector<576x512xbf16>, vector<1024x512xf32> -> vector<1024x512xf32>
    %get3A_372 = arith.constant 0 : index
    %get3A_373 = arith.constant 0 : index
    %get3A_374 = vector.load %arg3[%get3A_372, %get3A_373] : memref<1x512xf32, #tpu.memory_space<vmem>>, vector<1x512xf32>
    %add3A_375 = vector.broadcast %get3A_374 : vector<1x512xf32> to vector<1024x512xf32>
    %add3A_376 = arith.addf %dot_general3A_371, %add3A_375 : vector<1024x512xf32>
    %max3A_377 = arith.constant 0.000000e+00 : f32
    %max3A_378 = vector.broadcast %max3A_377 : f32 to vector<1024x512xf32>
    %max3A_379 = arith.maximumf %add3A_376, %max3A_378 : vector<1024x512xf32>
    %convert_element_type3A_380 = arith.truncf %max3A_379 : vector<1024x512xf32> to vector<1024x512xbf16>
    %get3A_381 = arith.constant 0 : index
    %get3A_382 = arith.constant 0 : index
    %get3A_383 = vector.load %arg4[%get3A_381, %get3A_382] : memref<512x256xbf16, #tpu.memory_space<vmem>>, vector<512x256xbf16>
    %dot_general3A_384 = arith.constant dense<0.000000e+00> : vector<1024x256xf32>
    %dot_general3A_385 = tpu.matmul %convert_element_type3A_380, %get3A_383, %dot_general3A_384 {dimension_numbers = #tpu.dot_dimension_numbers<[1], [0], [0], [1], [0, 0, 1, 1], [], []>, transpose_lhs_hint = false} : vector<1024x512xbf16>, vector<512x256xbf16>, vector<1024x256xf32> -> vector<1024x256xf32>
    %get3A_386 = arith.constant 0 : index
    %get3A_387 = arith.constant 0 : index
    %get3A_388 = vector.load %arg5[%get3A_386, %get3A_387] : memref<1x256xf32, #tpu.memory_space<vmem>>, vector<1x256xf32>
    %add3A_389 = vector.broadcast %get3A_388 : vector<1x256xf32> to vector<1024x256xf32>
    %add3A_390 = arith.addf %dot_general3A_385, %add3A_389 : vector<1024x256xf32>
    %max3A_391 = arith.constant 0.000000e+00 : f32
    %max3A_392 = vector.broadcast %max3A_391 : f32 to vector<1024x256xf32>
    %max3A_393 = arith.maximumf %add3A_390, %max3A_392 : vector<1024x256xf32>
    %convert_element_type3A_394 = arith.truncf %max3A_393 : vector<1024x256xf32> to vector<1024x256xbf16>
    %get3A_395 = arith.constant 0 : index
    %get3A_396 = arith.constant 0 : index
    %get3A_397 = vector.load %arg6[%get3A_395, %get3A_396] : memref<256x128xbf16, #tpu.memory_space<vmem>>, vector<256x128xbf16>
    %dot_general3A_398 = arith.constant dense<0.000000e+00> : vector<1024x128xf32>
    %dot_general3A_399 = tpu.matmul %convert_element_type3A_394, %get3A_397, %dot_general3A_398 {dimension_numbers = #tpu.dot_dimension_numbers<[1], [0], [0], [1], [0, 0, 1, 1], [], []>, transpose_lhs_hint = false} : vector<1024x256xbf16>, vector<256x128xbf16>, vector<1024x128xf32> -> vector<1024x128xf32>
    %get3A_400 = arith.constant 0 : index
    %get3A_401 = arith.constant 0 : index
    %get3A_402 = vector.load %arg7[%get3A_400, %get3A_401] : memref<1x128xf32, #tpu.memory_space<vmem>>, vector<1x128xf32>
    %add3A_403 = vector.broadcast %get3A_402 : vector<1x128xf32> to vector<1024x128xf32>
    %add3A_404 = arith.addf %dot_general3A_399, %add3A_403 : vector<1024x128xf32>
    %max3A_405 = arith.constant 0.000000e+00 : f32
    %max3A_406 = vector.broadcast %max3A_405 : f32 to vector<1024x128xf32>
    %max3A_407 = arith.maximumf %add3A_404, %max3A_406 : vector<1024x128xf32>
    %get3A_408 = arith.constant 0 : index
    %get3A_409 = arith.constant 0 : index
    %get3A_410 = vector.load %arg8[%get3A_408, %get3A_409] : memref<128x1xf32, #tpu.memory_space<vmem>>, vector<128x1xf32>
    %dot_general3A_411 = arith.constant dense<0.000000e+00> : vector<1024x1xf32>
    %dot_general3A_412 = tpu.matmul %max3A_407, %get3A_410, %dot_general3A_411 {dimension_numbers = #tpu.dot_dimension_numbers<[1], [0], [0], [1], [0, 0, 1, 1], [], []>, transpose_lhs_hint = false} : vector<1024x128xf32>, vector<128x1xf32>, vector<1024x1xf32> -> vector<1024x1xf32>
    %get3A_413 = arith.constant 0 : index
    %get3A_414 = arith.constant 0 : index
    %get3A_415 = vector.load %arg9[%get3A_413, %get3A_414] : memref<1x1xf32, #tpu.memory_space<vmem>>, vector<1x1xf32>
    %add3A_416 = vector.broadcast %get3A_415 : vector<1x1xf32> to vector<1024x1xf32>
    %add3A_417 = arith.addf %dot_general3A_412, %add3A_416 : vector<1024x1xf32>
    %tanh3A_418 = math.tanh %add3A_417 : vector<1024x1xf32>
    %squeeze3A_419 = vector.shape_cast %tanh3A_418 : vector<1024x1xf32> to vector<1024xf32>
    %swap3A_420 = arith.constant 0 : index
    %swap3A_421 = arith.constant 3 : index
    %swap3A_422 = vector.load %arg10[%swap3A_420, %swap3A_421] : memref<1024x4xf32, #tpu.memory_space<vmem>>, vector<1024x1xf32>
    %swap3A_423 = vector.shape_cast %swap3A_422 : vector<1024x1xf32> to vector<1024xf32>
    %swap3A_424 = vector.shape_cast %squeeze3A_419 : vector<1024xf32> to vector<1024x1xf32>
    tpu.vector_store %arg10[%swap3A_420, %swap3A_421], %swap3A_424 {strides = array<i32>} : memref<1024x4xf32, #tpu.memory_space<vmem>>, vector<1024x1xf32>,
    return
  }
  func.func @transform_0(%arg0: i32) -> (i32, i32, i32) {
    %c0_i32 = arith.constant 0 : i32
    %c0_i32_0 = arith.constant 0 : i32
    %c0_i32_1 = arith.constant 0 : i32
    return %c0_i32, %arg0, %c0_i32_0 : i32, i32, i32
  }
  func.func @transform_1(%arg0: i32) -> (i32, i32) {
    %c0_i32 = arith.constant 0 : i32
    %c0_i32_0 = arith.constant 0 : i32
    %c0_i32_1 = arith.constant 0 : i32
    return %c0_i32, %c0_i32_0 : i32, i32
  }
  func.func @transform_2(%arg0: i32) -> (i32, i32) {
    %c0_i32 = arith.constant 0 : i32
    %c0_i32_0 = arith.constant 0 : i32
    %c0_i32_1 = arith.constant 0 : i32
    return %c0_i32, %c0_i32_0 : i32, i32
  }
  func.func @transform_3(%arg0: i32) -> (i32, i32) {
    %c0_i32 = arith.constant 0 : i32
    %c0_i32_0 = arith.constant 0 : i32
    %c0_i32_1 = arith.constant 0 : i32
    return %c0_i32, %c0_i32_0 : i32, i32
  }
  func.func @transform_4(%arg0: i32) -> (i32, i32) {
    %c0_i32 = arith.constant 0 : i32
    %c0_i32_0 = arith.constant 0 : i32
    %c0_i32_1 = arith.constant 0 : i32
    return %c0_i32, %c0_i32_0 : i32, i32
  }
  func.func @transform_5(%arg0: i32) -> (i32, i32) {
    %c0_i32 = arith.constant 0 : i32
    %c0_i32_0 = arith.constant 0 : i32
    %c0_i32_1 = arith.constant 0 : i32
    return %c0_i32, %c0_i32_0 : i32, i32
  }
  func.func @transform_6(%arg0: i32) -> (i32, i32) {
    %c0_i32 = arith.constant 0 : i32
    %c0_i32_0 = arith.constant 0 : i32
    %c0_i32_1 = arith.constant 0 : i32
    return %c0_i32, %c0_i32_0 : i32, i32
  }
  func.func @transform_7(%arg0: i32) -> (i32, i32) {
    %c0_i32 = arith.constant 0 : i32
    %c0_i32_0 = arith.constant 0 : i32
    %c0_i32_1 = arith.constant 0 : i32
    return %c0_i32, %c0_i32_0 : i32, i32
  }
  func.func @transform_8(%arg0: i32) -> (i32, i32) {
    %c0_i32 = arith.constant 0 : i32
    %c0_i32_0 = arith.constant 0 : i32
    %c0_i32_1 = arith.constant 0 : i32
    return %c0_i32, %c0_i32_0 : i32, i32
  }
  func.func @transform_9(%arg0: i32) -> (i32, i32) {
    %c0_i32 = arith.constant 0 : i32
    %c0_i32_0 = arith.constant 0 : i32
    return %arg0, %c0_i32 : i32, i32
  }
}

</mosaic_0001>

<sc_bundles>
// kernel: kernel.10.cloned.1.call-start
scs
__scs_entry_jumppad:
0x0: {  	(pc) =	sbr.rel $0x88, $3  }
0x1: {  	(tag) =	ssettag $0x0;
	lr =	simm.s32 $0x1  }
0x2: {  	[smem:$0x3F97] =	sst lr;
	_ =	strace $0xD0000000  }
0x3: {  	_ = 	snop  }
0x4: {  	_ = 	snop  }
0x5: {  	_ = 	snop  }
0x6: {  	_ = 	snop  }
0x7: {  	_ = 	snop  }
__scs_overlays_trampoline_lowered:
0x8: {  	[smem:$0x3FA6] =	sst s0  }
0x9: {  	[smem:$0x3FA7] =	sst s1  }
0xa: {  	[smem:$0x3FA8] =	sst s2  }
0xb: {  	[smem:$0x3FA9] =	sst s3  }
0xc: {  	[smem:$0x3FAA] =	sst s4  }
0xd: {  	[smem:$0x3FAB] =	sst s5  }
0xe: {  	[smem:$0x3FAC] =	sst s6  }
0xf: {  	[smem:$0x3FAD] =	sst s7  }
0x10: {  	[smem:$0x3FAE] =	sst s8  }
0x11: {  	[smem:$0x3FAF] =	sst s9;
	s0 =	simm.s32 @!p0 $0x0  }
0x12: {  	s1 =	sld [smem:$0x3F95];
	s0 =	simm.s32 @p0 $0x1  }
0x13: {  	[smem:$0x3FB0] =	sst s0;
	s0 =	simm.s32 @!p1 $0x0  }
0x14: {  	s2 =	sld [smem:$0x3F94];
	s0 =	simm.s32 @p1 $0x1  }
0x15: {  	[smem:$0x3FB1] =	sst s0;
	s0 =	simm.s32 @!p2 $0x0  }
0x16: {  	s3 =	sld [smem:$0x3FDB];
	s0 =	simm.s32 @p2 $0x1  }
0x17: {  	s4 =	simm.s32 $0x1BF5;
	[smem:$0x3FB3] =	sst s0  }
0x18: {  	s0 =	sld [smem:$0x3F96];
	_ =	swait.ge [sflag:s4], $0x0  }
0x19: {  	s7 =	sld [smem:$0x3F97]  }
0x1a: {  	s8 =	sadd.s32 $0xFFFFE003, lr  }
0x1b: {  	s9 =	sadd.s32 $0xFFFFFEF7, lr;
	s5 =	simm.s32 $0xFFFFFFFF;
	p2 =	slt.u32 s8, $0xFFFFF086  }
0x1c: {  	p1 =	slt.u32 s9, $0xF7A;
	s5 =	simm.s32 @!p2 $0x0  }
0x1d: {  	s5 =	simm.s32 @p1 $0x1;
	p0 =	seq.s32 s7, s2  }
0x1e: {  	s7 =	smul.u32 @!p0 $0xF7A, s2;
	p2 =	seq.s32 @!p0 s5, $0x0  }
0x1f: {  	s9 =	smul.u32 $0xF7A, s1;
	s8 =	simm.s32 @!p0 $0x1BF5;
	p2 =	por !p2, p0  }
0x20: {  	[sflag:s8] =	ssyncset.s32 @!p0 $0xFFFFF086;
	s6 =	sadd.s32 @!p0 s3, s7;
	s7 =	simm.s32 @!p0 $0x108  }
0x21: {  	s3 =	sadd.s32 s3, s9;
	s6 =	sadd.s32 @!p0 $0x88, s6;
	s7 =	simm.s32 @p2 $0x1082  }
0x22: {  	[simem:s7], [sflag:s8] =	dma.local @!p0 [hbm:s6], $0xF7A  }
0x23: {  	s9 =	sor.u32 $0xD0000000, s2;
	s6 =	simm.s32 $0x108;
	_ =	swait.ge @!p0 [sflag:s8], $0x0  }
0x24: {  	s3 =	sadd.s32 $0x88, s3;
	s6 =	simm.s32 @!p1 $0x1082;
	[sflag:s4] =	ssyncset.s32 $0xFFFFF086  }
0x25: {  	[simem:s6], [sflag:s4] =	dma.local [hbm:s3], $0xF7A  }
0x26: {  	[smem:$0x3F97] =	sst s1;
	(tag) =	ssettag s2;
	_ =	strace s9  }
0x27: {  	s1 =	sld [smem:$0x3FA7]  }
0x28: {  	s2 =	sld [smem:$0x3FA8]  }
0x29: {  	s4 =	sld [smem:$0x3FAA]  }
0x2a: {  	p0 =	seq.s32 s5, $0x0;
	s5 =	sld [smem:$0x3FAB]  }
0x2b: {  	s6 =	sld [smem:$0x3FAC]  }
0x2c: {  	s7 =	sld [smem:$0x3FAD]  }
0x2d: {  	s3 =	simm.s32 $0x108;
	s8 =	sld [smem:$0x3FAE]  }
0x2e: {  	s3 =	simm.s32 @!p0 $0x1082;
	s9 =	sld [smem:$0x3FAF]  }
0x2f: {  	lr =	sadd.s32 s0, s3;
	s0 =	sld [smem:$0x3FA6]  }
0x30: {  	s3 =	sld [smem:$0x3FA9]  }
0x31: {  	[smem:$0x3FB2] =	sst s10  }
0x32: {  	s10 =	sld [smem:$0x3FB0];
	_ =	sdelay $0x3  }
0x33: {  	p0 =	seq.s32 s10, $0x1;
	s10 =	sld [smem:$0x3FB2];
	_ =	sdelay $0x3  }
0x34: {  	[smem:$0x3FB2] =	sst s10  }
0x35: {  	s10 =	sld [smem:$0x3FB1];
	_ =	sdelay $0x3  }
0x36: {  	p1 =	seq.s32 s10, $0x1;
	s10 =	sld [smem:$0x3FB2];
	_ =	sdelay $0x3  }
0x37: {  	[smem:$0x3FB2] =	sst s10  }
0x38: {  	s10 =	sld [smem:$0x3FB3]  }
0x39: {  	_ = 	snop;
	(pc) =	sbr.ind lr, $3  }
0x3a: {  	_ = 	snop  }
0x3b: {  	_ = 	snop  }
0x3c: {  	p2 =	seq.s32 s10, $0x1;
	s10 =	sld [smem:$0x3FB2]  }
0x3d: {  	_ =	shalt  }
0x3e: {  	_ =	shalt  }
0x3f: {  	_ =	shalt  }
0x40: {  	_ =	shalt  }
0x41: {  	_ =	shalt  }
0x42: {  	_ =	shalt  }
0x43: {  	_ =	shalt  }
0x44: {  	_ =	shalt  }
0x45: {  	_ =	shalt  }
0x46: {  	_ =	shalt  }
0x47: {  	_ =	shalt  }
0x48: {  	_ =	shalt  }
0x49: {  	_ =	shalt  }
0x4a: {  	_ =	shalt  }
0x4b: {  	_ =	shalt  }
0x4c: {  	_ =	shalt  }
0x4d: {  	_ =	shalt  }
0x4e: {  	_ =	shalt  }
0x4f: {  	_ =	shalt  }
0x50: {  	_ =	shalt  }
0x51: {  	_ =	shalt  }
0x52: {  	_ =	shalt  }
0x53: {  	_ =	shalt  }
0x54: {  	_ =	shalt  }
0x55: {  	_ =	shalt  }
0x56: {  	_ =	shalt  }
0x57: {  	_ =	shalt  }
0x58: {  	_ =	shalt  }
0x59: {  	_ =	shalt  }
0x5a: {  	_ =	shalt  }
0x5b: {  	_ =	shalt  }
0x5c: {  	_ =	shalt  }
0x5d: {  	_ =	shalt  }
0x5e: {  	_ =	shalt  }
0x5f: {  	_ =	shalt  }
0x60: {  	_ =	shalt  }
0x61: {  	_ =	shalt  }
0x62: {  	_ =	shalt  }
0x63: {  	_ =	shalt  }
0x64: {  	_ =	shalt  }
0x65: {  	_ =	shalt  }
0x66: {  	_ =	shalt  }
0x67: {  	_ =	shalt  }
0x68: {  	_ =	shalt  }
0x69: {  	_ =	shalt  }
0x6a: {  	_ =	shalt  }
0x6b: {  	_ =	shalt  }
0x6c: {  	_ =	shalt  }
0x6d: {  	_ =	shalt  }
0x6e: {  	_ =	shalt  }
0x6f: {  	_ =	shalt  }
0x70: {  	_ =	shalt  }
0x71: {  	_ =	shalt  }
0x72: {  	_ =	shalt  }
0x73: {  	_ =	shalt  }
0x74: {  	_ =	shalt  }
0x75: {  	_ =	shalt  }
0x76: {  	_ =	shalt  }
0x77: {  	_ =	shalt  }
0x78: {  	_ =	shalt  }
0x79: {  	_ =	shalt  }
0x7a: {  	_ =	shalt  }
0x7b: {  	_ =	shalt  }
0x7c: {  	_ =	shalt  }
0x7d: {  	_ =	shalt  }
0x7e: {  	_ =	shalt  }
0x7f: {  	_ =	shalt  }
0x80: {  	_ =	shalt  }
0x81: {  	_ =	shalt  }
0x82: {  	_ =	shalt  }
0x83: {  	_ =	shalt  }
0x84: {  	_ =	shalt  }
0x85: {  	_ =	shalt  }
0x86: {  	_ =	shalt  }
0x87: {  	_ =	shalt  }
.Lfunc_end0:
.L_simem_size_0:
called_computation_lowered:
.L_overlay_start_0:
0x88: {  	s2 =	sld [smem:$0x3FD9]  }
0x89: {  	s3 =	sld [smem:$0x3FFE];
	_ =	sdelay $0x1  }
0x8a: {  	s1 =	srdreg.scid  }
0x8b: {  	s0 =	sand.u32 $0x1, s1  }
0x8c: {  	s17 =	sshll.u32 s0, $0xA;
	s2 =	sadd.s32 s3, s2  }
0x8d: {  	s2 =	sadd.s32 s2, s17  }
0x8e: {  	[smem:$0x3FBE] =	sst s2  }
0x8f: {  	_ = 	snop  }
0x90: {  	(tm) =	ssettm $0x1  }
0x91: {  	s18 =	sld [smem:$0x3FFB];
	_ =	sdelay $0x3  }
0x92: {  	_ =	strace s18  }
0x93: {  	s2 =	sld [smem:$0x3FFC];
	_ =	sdelay $0x3  }
0x94: {  	_ =	strace s2  }
0x95: {  	s2 =	sld [smem:$0x3FFD];
	_ =	sdelay $0x3  }
0x96: {  	_ =	strace s2  }
0x97: {  	_ =	strace $0x8FFFFFFF  }
0x98: {  	s19 =	sld [smem:$0x3FDB];
	_ =	sdelay $0x1  }
0x99: {  	s20 =	simm.s32 $_scs_section_size  }
0x9a: {  	s4 =	simm.s32 $_size__tile_overlayer_lowered;
	s5 =	simm.s32 $_tile_overlayer_lowered  }
0x9b: {  	s6 =	simm.s32 $0x1BFF;
	s21 =	sshll.u32 s5, $0x1;
	s3 =	sadd.s32 s20, s19  }
0x9c: {  	s22 =	simm.s32 $0x0;
	s4 =	sshll.u32 s4, $0x1;
	s5 =	sadd.s32 s21, s3  }
0x9d: {  	[timem:s22], [sflag:s6] =	dma.local [hbm:s5], s4  }
0x9e: {  	_ =	swait.ge [sflag:s6], s4  }
0x9f: {  	s4 =	ssub.s32 $0x0, s4;
	[sflag:s6] =	ssyncset.done $0x0  }
0xa0: {  	[sflag:s6] =	ssyncadd.s32 s4;
	_ =	sdelay $0x1  }
0xa1: {  	s23 =	simm.s32 $0x1B8B  }
0xa2: {  	_ =	swait.ge [sflag:s23], $0x1  }
0xa3: {  	[sflag:s23] =	ssyncset.done $0x0  }
0xa4: {  	[sflag:s23] =	ssyncadd.s32 $0xFFFFFFFF  }
0xa5: {  	s4 =	sld [smem:$0x0]  }
0xa6: {  	s5 =	sand.u32 $0xFFFFFFFE, s1  }
0xa7: {  	p0 =	sne.s32 s1, s5  }
0xa8: {  	s5 =	sshll.u32 @p0 s5, $0xE  }
0xa9: {  	s5 =	sadd.s32 @p0 $0x11B8D, s5;
	s6 =	sshll.u32 @p0 s4, $0x11  }
0xaa: {  	s5 =	sor.u32 @p0 s6, s5  }
0xab: {  	[sflag:s5] =	ssyncadd.remote.s32 @p0 $0x1;
	_ =	sdelay $0x1  }
0xac: {  	s5 =	simm.s32 @p0 $0x1B8D  }
0xad: {  	_ =	swait.eq @p0 [sflag:s5], $0x1  }
0xae: {  	[sflag:s5] =	ssyncadd.s32 @p0 $0xFFFFFFFF  }
0xaf: {  	s6 =	sshll.u32 @!p0 s1, $0xE  }
0xb0: {  	s6 =	sor.u32 @!p0 $0x4000, s6;
	s5 =	simm.s32 @!p0 $0x1B8D  }
0xb1: {  	s4 =	sshll.u32 @!p0 s4, $0x11;
	s6 =	sadd.s32 @!p0 $0x11B8D, s6;
	_ =	swait.eq @!p0 [sflag:s5], $0x1  }
0xb2: {  	s4 =	sor.u32 @!p0 s4, s6;
	[sflag:s5] =	ssyncadd.s32 @!p0 $0xFFFFFFFF  }
0xb3: {  	s25 =	simm.s32 $0x1B8E;
	s24 =	sld [smem:$0x3FFE];
	[sflag:s4] =	ssyncadd.remote.s32 @!p0 $0x1  }
0xb4: {  	s26 =	simm.s32 $execute0_lowered;
	[smem:$0x3FD2] =	sst s25  }
0xb5: {  	s5 =	sshll.u32 s26, $0x1;
	_ =	strace $0x8000004F;
	[dreg:$0x1] =	wrdreg $0xFFFFFFFF  }
0xb6: {  	s28 =	simm.s32 $_size_execute0_lowered;
	s3 =	sadd.s32 s3, s5;
	[dreg:$0x0] =	wrdreg $0x0  }
0xb7: {  	s5 =	sshll.u32 s28, $0x1;
	[dreg:$0x2] =	wrdreg s3  }
0xb8: {  	[dreg:$0x3] =	wrdreg s5  }
0xb9: {  	[dreg:$0x4] =	wrdreg $0xC0  }
0xba: {  	_ =	task [dreg:s22], $0x5FFFF  }
0xbb: {  	[dreg:$0x1] =	wrdreg $0xFFFFFFFF  }
0xbc: {  	[dreg:$0x0] =	wrdreg $0x60  }
0xbd: {  	[dreg:$0x2] =	wrdreg s24  }
0xbe: {  	[dreg:$0x3] =	wrdreg $0x9  }
0xbf: {  	_ =	task.clear_ibuf [dreg:s22], $0x4FFFF;
	_ =	strace $0x9000004F  }
0xc0: {  	s29 =	simm.s32 $0x9;
	_ =	strace $0x80000051  }
0xc1: {  	_ =	swait.ge [sflag:s29], $0x1  }
0xc2: {  	[sflag:s29] =	ssyncadd.s32 $0xFFFFFFFF  }
0xc3: {  	_ =	strace $0x90000051  }
0xc4: {  	_ =	sfence  }
0xc5: {  	s30 =	sld [smem:$0x0];
	_ =	sdelay $0x2  }
0xc6: {  	s31 =	sshll.u32 s1, $0xD;
	s1 =	sshrl.u32 s1, $0x2  }
0xc7: {  	s4 =	sand.u32 $0x4000, s31;
	s1 =	sadd.s32 s1, s30  }
0xc8: {  	s0 =	sor.u32 s4, s0;
	s1 =	sshll.u32 s1, $0x11  }
0xc9: {  	s0 =	sor.u32 s1, s0  }
0xca: {  	s0 =	sadd.s32 $0x8F2B, s0  }
0xcb: {  	[sflag:s0] =	ssyncadd.remote.s32 $0x1  }
0xcc: {  	_ =	sfence.sel $0xFFFF  }
0xcd: {  	[dreg:$0x0] =	wrdreg $0xFFFFFFFF;
	(pc) =	sbr.abs _section_cstart, $3  }
0xce: {  	[dreg:$0x1] =	wrdreg $0xFFFFFFFF  }
0xcf: {  	_ =	task.clear_ibuf [dreg:s22], $0x2FFFF;
	_ =	strace $0x9FFFFFFF  }
0xd0: {  	(tm) =	ssettm $0x7FFFFFFF  }
0xd1: {  	_ =	shalt  }
tec
execute0_lowered:
.L_overlay_start_1:
0x0: {  	(tag) =	ssettag $0x1  }
0x1: {  	s0 =	rddreg [dreg:$0x0]  }
0x2: {  	s1 =	simm.s32 $0x0;
	s2 =	srdreg.scid;
	s9 =	stileid.u32  }
0x3: {  	s10 =	simm.s32 $0x80;
	s11 =	simm.s32 $0x800;
	s12 =	simm.s32 $0x1800  }
0x4: {  	s13 =	simm.s32 $0x100;
	s14 =	simm.s32 $0x2800;
	s15 =	simm.s32 $0x180  }
0x5: {  	s22 =	simm.s32 $0x480;
	s23 =	simm.s32 $0x500;
	s24 =	simm.s32 $0x580  }
0x6: {  	s25 =	simm.s32 $0x600;
	s26 =	simm.s32 $0x680;
	s28 =	simm.s32 $0x2  }
0x7: {  	s29 =	simm.s32 $0x700;
	s30 =	simm.s32 $0x780;
	s31 =	simm.s32 $0x0  }
0x8: {  	[smem:$0x7FF] =	sst s1;
	s4 =	sadd.s32 $0xBC00, s0;
	s2 =	sand.u32 $0x1, s2  }
0x9: {  	s3 =	sadd.s32 $0x2200, s0;
	s0 =	sadd.s32 $0x38FC00, s0;
	s20 =	sshll.u32 s9, $0x7  }
0xa: {  	s21 =	sshll.u32 s9, $0xC;
	_ =	strace $0x80000050;
	[dreg:$0x3] =	wrdreg s22  }
0xb: {  	s5 =	sshll.u32 s2, $0x4;
	s6 =	ssub.s32 $0x2, s2;
	[dreg:$0x4] =	wrdreg s23  }
0xc: {  	s19 =	sshll.u32 s2, $0xB;
	s2 =	sshll.u32 s2, $0x10;
	[dreg:$0x5] =	wrdreg s24  }
0xd: {  	s22 =	simm.s32 $0x6800;
	[dreg:$0x6] =	wrdreg s25;
	s23 =	simm.s32 $0x380  }
0xe: {  	s24 =	simm.s32 $0x7800;
	[dreg:$0x7] =	wrdreg s26;
	s25 =	simm.s32 $0x400  }
0xf: {  	s26 =	simm.s32 $0x1;
	s5 =	sor.u32 s9, s5;
	s7 =	sshrl.u32 s6, $0x1  }
0x10: {  	s9 =	simm.s32 $0x3;
	s8 =	sshll.u32 s5, $0x7;
	s5 =	sshll.u32 s5, $0xC  }
0x11: {  	s7 =	ssub.s32 s6, s7;
	s16 =	sadd.s32 s4, s8;
	s17 =	sadd.s32 s5, s0  }
0x12: {  	s4 =	sadd.s32 s19, s4;
	s0 =	sadd.s32 s2, s0;
	s7 =	smax.u32 s7, $0x1  }
0x13: {  	s19 =	simm.s32 $0x280;
	[dreg:$0x8] =	wrdreg s16;
	s5 =	sadd.s32 $0x100000, s17  }
0x14: {  	s18 =	sadd.s32 $0x100800, s17;
	s4 =	sadd.s32 s20, s4;
	s0 =	sadd.s32 s21, s0  }
0x15: {  	s16 =	simm.s32 $0x3800;
	s17 =	simm.s32 $0x200;
	[dreg:$0x9] =	wrdreg s5  }
0x16: {  	s20 =	simm.s32 $0x5800;
	s21 =	simm.s32 $0x300;
	[dreg:$0xa] =	wrdreg s18  }
0x17: {  	s8 =	sadd.s32 $0x8000, s4;
	[dreg:$0x2] =	wrdreg s0;
	s18 =	simm.s32 $0x4800  }
.LBB2_1:
0x18: {  	s0 =	rddreg [dreg:$0x8]  }
0x19: {  	[tilespmem:s1], [sflag:$0x3] =	stream.linear.gather [hbm4b:s0+s1], $0x400, $0x38;
	[tilespmem:$0x8800] =	vst v63  }
0x1a: {  	_ =	swait.ge [sflag:s9], $0x400  }
0x1b: {  	[sflag:s9] =	ssyncset.done $0x0  }
0x1c: {  	[sflag:s9] =	ssyncadd.s32 $0xFFFFFC00  }
0x1d: {  	[tilespmem:s11], [sflag:$0x1] =	stream.indirect.gather [hbm4b:s3+s10], $0x20, s1, s10, $0xb8;
	[tilespmem:$0x8800] =	vst v63  }
0x1e: {  	_ = 	snop  }
0x1f: {  	[tilespmem:s12], [sflag:$0x1] =	stream.indirect.gather [hbm4b:s3+s10], $0x20, s10, s10, $0xb8;
	[tilespmem:$0x8800] =	vst v63  }
0x20: {  	_ = 	snop  }
0x21: {  	[tilespmem:s14], [sflag:$0x1] =	stream.indirect.gather [hbm4b:s3+s10], $0x20, s13, s10, $0xb8;
	[tilespmem:$0x8800] =	vst v63  }
0x22: {  	_ = 	snop  }
0x23: {  	[tilespmem:s16], [sflag:$0x1] =	stream.indirect.gather [hbm4b:s3+s10], $0x20, s15, s10, $0xb8;
	[tilespmem:$0x8800] =	vst v63  }
0x24: {  	_ = 	snop  }
0x25: {  	[tilespmem:s18], [sflag:$0x2] =	stream.indirect.gather [hbm4b:s3+s10], $0x20, s17, s10, $0xb8;
	[tilespmem:$0x8800] =	vst v63  }
0x26: {  	_ = 	snop  }
0x27: {  	[tilespmem:s20], [sflag:$0x2] =	stream.indirect.gather [hbm4b:s3+s10], $0x20, s19, s10, $0xb8;
	[tilespmem:$0x8800] =	vst v63  }
0x28: {  	_ = 	snop  }
0x29: {  	[tilespmem:s22], [sflag:$0x2] =	stream.indirect.gather [hbm4b:s3+s10], $0x20, s21, s10, $0xb8;
	[tilespmem:$0x8800] =	vst v63  }
0x2a: {  	_ = 	snop  }
0x2b: {  	[tilespmem:s24], [sflag:$0x2] =	stream.indirect.gather [hbm4b:s3+s10], $0x20, s23, s10, $0xb8;
	[tilespmem:$0x8800] =	vst v63  }
0x2c: {  	s2 =	sadd.s32 $0xFFFFC000, s8  }
0x2d: {  	[tilespmem:s25], [sflag:$0x3] =	stream.linear.gather [hbm4b:s2+s1], $0x400, $0x38;
	[tilespmem:$0x8800] =	vst v63  }
0x2e: {  	_ =	swait.ge [sflag:s9], $0x400  }
0x2f: {  	[sflag:s9] =	ssyncset.done $0x0  }
0x30: {  	[sflag:s9] =	ssyncadd.s32 $0xFFFFFC00  }
0x31: {  	_ =	swait.ge [sflag:s26], $0x4000  }
0x32: {  	s4 =	rddreg [dreg:$0x2];
	[sflag:s26] =	ssyncset.done $0x0  }
0x33: {  	[sflag:s26] =	ssyncadd.s32 $0xFFFFC000;
	s0 =	sadd.s32 $0x0, s4  }
0x34: {  	[hbm4b:s0+s1] =	stream.linear.scatter [tilespmem:s11], [sflag:$0x3], $0x4000, $0x38;
	[tilespmem:$0x8800] =	vst v63  }
0x35: {  	_ =	swait.ge [sflag:s9], $0x4000  }
0x36: {  	[sflag:s9] =	ssyncset.done $0x0  }
0x37: {  	[sflag:s9] =	ssyncadd.s32 $0xFFFFC000  }
0x38: {  	[tilespmem:s11], [sflag:$0x1] =	stream.indirect.gather [hbm4b:s3+s10], $0x20, s25, s10, $0xb8;
	[tilespmem:$0x8800] =	vst v63  }
0x39: {  	s2 =	rddreg [dreg:$0x3]  }
0x3a: {  	[tilespmem:s12], [sflag:$0x1] =	stream.indirect.gather [hbm4b:s3+s10], $0x20, s2, s10, $0xb8;
	[tilespmem:$0x8800] =	vst v63  }
0x3b: {  	s4 =	rddreg [dreg:$0x4]  }
0x3c: {  	[tilespmem:s14], [sflag:$0x1] =	stream.indirect.gather [hbm4b:s3+s10], $0x20, s4, s10, $0xb8;
	[tilespmem:$0x8800] =	vst v63  }
0x3d: {  	s5 =	rddreg [dreg:$0x5]  }
0x3e: {  	[tilespmem:s16], [sflag:$0x1] =	stream.indirect.gather [hbm4b:s3+s10], $0x20, s5, s10, $0xb8;
	[tilespmem:$0x8800] =	vst v63  }
0x3f: {  	_ =	swait.ge [sflag:s28], $0x4000  }
0x40: {  	[sflag:s28] =	ssyncset.done $0x0  }
0x41: {  	s6 =	sadd.s32 $0x800, s0;
	[sflag:s28] =	ssyncadd.s32 $0xFFFFC000  }
0x42: {  	[hbm4b:s6+s1] =	stream.linear.scatter [tilespmem:s18], [sflag:$0x3], $0x4000, $0x38;
	[tilespmem:$0x8800] =	vst v63  }
0x43: {  	_ =	swait.ge [sflag:s9], $0x4000  }
0x44: {  	[sflag:s9] =	ssyncset.done $0x0  }
0x45: {  	s4 =	rddreg [dreg:$0x6];
	[sflag:s9] =	ssyncadd.s32 $0xFFFFC000  }
0x46: {  	[tilespmem:s18], [sflag:$0x2] =	stream.indirect.gather [hbm4b:s3+s10], $0x20, s4, s10, $0xb8;
	[tilespmem:$0x8800] =	vst v63  }
0x47: {  	s5 =	rddreg [dreg:$0x7]  }
0x48: {  	[tilespmem:s20], [sflag:$0x2] =	stream.indirect.gather [hbm4b:s3+s10], $0x20, s5, s10, $0xb8;
	[tilespmem:$0x8800] =	vst v63  }
0x49: {  	_ = 	snop  }
0x4a: {  	[tilespmem:s22], [sflag:$0x2] =	stream.indirect.gather [hbm4b:s3+s10], $0x20, s29, s10, $0xb8;
	[tilespmem:$0x8800] =	vst v63  }
0x4b: {  	_ = 	snop  }
0x4c: {  	[tilespmem:s24], [sflag:$0x2] =	stream.indirect.gather [hbm4b:s3+s10], $0x20, s30, s10, $0xb8;
	[tilespmem:$0x8800] =	vst v63  }
0x4d: {  	_ = 	snop  }
0x4e: {  	[tilespmem:s1], [sflag:$0x3] =	stream.linear.gather [hbm4b:s8+s1], $0x400, $0x38;
	[tilespmem:$0x8800] =	vst v63  }
0x4f: {  	_ =	swait.ge [sflag:s9], $0x400  }
0x50: {  	[sflag:s9] =	ssyncset.done $0x0  }
0x51: {  	[sflag:s9] =	ssyncadd.s32 $0xFFFFFC00  }
0x52: {  	_ =	swait.ge [sflag:s26], $0x4000  }
0x53: {  	[sflag:s26] =	ssyncset.done $0x0  }
0x54: {  	s6 =	sadd.s32 $0x20000, s0;
	[sflag:s26] =	ssyncadd.s32 $0xFFFFC000  }
0x55: {  	[hbm4b:s6+s1] =	stream.linear.scatter [tilespmem:s11], [sflag:$0x3], $0x4000, $0x38;
	[tilespmem:$0x8800] =	vst v63  }
0x56: {  	_ =	swait.ge [sflag:s9], $0x4000  }
0x57: {  	[sflag:s9] =	ssyncset.done $0x0  }
0x58: {  	[sflag:s9] =	ssyncadd.s32 $0xFFFFC000  }
0x59: {  	[tilespmem:s11], [sflag:$0x1] =	stream.indirect.gather [hbm4b:s3+s10], $0x20, s1, s10, $0xb8;
	[tilespmem:$0x8800] =	vst v63  }
0x5a: {  	_ = 	snop  }
0x5b: {  	[tilespmem:s12], [sflag:$0x1] =	stream.indirect.gather [hbm4b:s3+s10], $0x20, s10, s10, $0xb8;
	[tilespmem:$0x8800] =	vst v63  }
0x5c: {  	_ = 	snop  }
0x5d: {  	[tilespmem:s14], [sflag:$0x1] =	stream.indirect.gather [hbm4b:s3+s10], $0x20, s13, s10, $0xb8;
	[tilespmem:$0x8800] =	vst v63  }
0x5e: {  	_ = 	snop  }
0x5f: {  	[tilespmem:s16], [sflag:$0x1] =	stream.indirect.gather [hbm4b:s3+s10], $0x20, s15, s10, $0xb8;
	[tilespmem:$0x8800] =	vst v63  }
0x60: {  	_ =	swait.ge [sflag:s28], $0x4000  }
0x61: {  	[sflag:s28] =	ssyncset.done $0x0  }
0x62: {  	s0 =	sadd.s32 $0x20800, s0;
	[sflag:s28] =	ssyncadd.s32 $0xFFFFC000  }
0x63: {  	[hbm4b:s0+s1] =	stream.linear.scatter [tilespmem:s18], [sflag:$0x3], $0x4000, $0x38;
	[tilespmem:$0x8800] =	vst v63  }
0x64: {  	_ =	swait.ge [sflag:s9], $0x4000  }
0x65: {  	[sflag:s9] =	ssyncset.done $0x0  }
0x66: {  	[sflag:s9] =	ssyncadd.s32 $0xFFFFC000  }
0x67: {  	[tilespmem:s18], [sflag:$0x2] =	stream.indirect.gather [hbm4b:s3+s10], $0x20, s17, s10, $0xb8;
	[tilespmem:$0x8800] =	vst v63  }
0x68: {  	_ = 	snop  }
0x69: {  	[tilespmem:s20], [sflag:$0x2] =	stream.indirect.gather [hbm4b:s3+s10], $0x20, s19, s10, $0xb8;
	[tilespmem:$0x8800] =	vst v63  }
0x6a: {  	s2 =	sadd.s32 $0x8000, s8;
	s0 =	simm.s32 $0x40000  }
0x6b: {  	[tilespmem:s22], [sflag:$0x2] =	stream.indirect.gather [hbm4b:s3+s10], $0x20, s21, s10, $0xb8;
	[tilespmem:$0x8800] =	vst v63  }
.LBB2_2:
0x6c: {  	[tilespmem:s24], [sflag:$0x2] =	stream.indirect.gather [hbm4b:s3+s10], $0x20, s23, s10, $0xb8;
	[tilespmem:$0x8800] =	vst v63  }
0x6d: {  	s5 =	sadd.s32 $0xFFFFC000, s2  }
0x6e: {  	[tilespmem:s25], [sflag:$0x3] =	stream.linear.gather [hbm4b:s5+s1], $0x400, $0x38;
	[tilespmem:$0x8800] =	vst v63  }
0x6f: {  	_ =	swait.ge [sflag:s9], $0x400  }
0x70: {  	[sflag:s9] =	ssyncset.done $0x0  }
0x71: {  	[sflag:s9] =	ssyncadd.s32 $0xFFFFFC00  }
0x72: {  	_ =	swait.ge [sflag:s26], $0x4000  }
0x73: {  	s4 =	smov.u32 s0;
	s6 =	rddreg [dreg:$0x2];
	[sflag:s26] =	ssyncset.done $0x0  }
0x74: {  	[sflag:s26] =	ssyncadd.s32 $0xFFFFC000;
	s4 =	sadd.s32 s4, s6  }
0x75: {  	[hbm4b:s4+s1] =	stream.linear.scatter [tilespmem:s11], [sflag:$0x3], $0x4000, $0x38;
	[tilespmem:$0x8800] =	vst v63  }
0x76: {  	_ =	swait.ge [sflag:s9], $0x4000  }
0x77: {  	[sflag:s9] =	ssyncset.done $0x0  }
0x78: {  	[sflag:s9] =	ssyncadd.s32 $0xFFFFC000  }
0x79: {  	[tilespmem:s11], [sflag:$0x1] =	stream.indirect.gather [hbm4b:s3+s10], $0x20, s25, s10, $0xb8;
	[tilespmem:$0x8800] =	vst v63  }
0x7a: {  	s5 =	rddreg [dreg:$0x3]  }
0x7b: {  	[tilespmem:s12], [sflag:$0x1] =	stream.indirect.gather [hbm4b:s3+s10], $0x20, s5, s10, $0xb8;
	[tilespmem:$0x8800] =	vst v63  }
0x7c: {  	s6 =	rddreg [dreg:$0x4]  }
0x7d: {  	[tilespmem:s14], [sflag:$0x1] =	stream.indirect.gather [hbm4b:s3+s10], $0x20, s6, s10, $0xb8;
	[tilespmem:$0x8800] =	vst v63  }
0x7e: {  	s5 =	rddreg [dreg:$0x5]  }
0x7f: {  	[tilespmem:s16], [sflag:$0x1] =	stream.indirect.gather [hbm4b:s3+s10], $0x20, s5, s10, $0xb8;
	[tilespmem:$0x8800] =	vst v63  }
0x80: {  	_ =	swait.ge [sflag:s28], $0x4000  }
0x81: {  	[sflag:s28] =	ssyncset.done $0x0  }
0x82: {  	s6 =	sadd.s32 $0x800, s4;
	[sflag:s28] =	ssyncadd.s32 $0xFFFFC000  }
0x83: {  	[hbm4b:s6+s1] =	stream.linear.scatter [tilespmem:s18], [sflag:$0x3], $0x4000, $0x38;
	[tilespmem:$0x8800] =	vst v63  }
0x84: {  	_ =	swait.ge [sflag:s9], $0x4000  }
0x85: {  	[sflag:s9] =	ssyncset.done $0x0  }
0x86: {  	s5 =	rddreg [dreg:$0x6];
	[sflag:s9] =	ssyncadd.s32 $0xFFFFC000  }
0x87: {  	[tilespmem:s18], [sflag:$0x2] =	stream.indirect.gather [hbm4b:s3+s10], $0x20, s5, s10, $0xb8;
	[tilespmem:$0x8800] =	vst v63  }
0x88: {  	s6 =	rddreg [dreg:$0x7]  }
0x89: {  	[tilespmem:s20], [sflag:$0x2] =	stream.indirect.gather [hbm4b:s3+s10], $0x20, s6, s10, $0xb8;
	[tilespmem:$0x8800] =	vst v63  }
0x8a: {  	_ = 	snop  }
0x8b: {  	[tilespmem:s22], [sflag:$0x2] =	stream.indirect.gather [hbm4b:s3+s10], $0x20, s29, s10, $0xb8;
	[tilespmem:$0x8800] =	vst v63  }
0x8c: {  	_ = 	snop  }
0x8d: {  	[tilespmem:s24], [sflag:$0x2] =	stream.indirect.gather [hbm4b:s3+s10], $0x20, s30, s10, $0xb8;
	[tilespmem:$0x8800] =	vst v63  }
0x8e: {  	_ = 	snop  }
0x8f: {  	[tilespmem:s1], [sflag:$0x3] =	stream.linear.gather [hbm4b:s2+s1], $0x400, $0x38;
	[tilespmem:$0x8800] =	vst v63  }
0x90: {  	_ =	swait.ge [sflag:s9], $0x400  }
0x91: {  	[sflag:s9] =	ssyncset.done $0x0  }
0x92: {  	[sflag:s9] =	ssyncadd.s32 $0xFFFFFC00  }
0x93: {  	_ =	swait.ge [sflag:s26], $0x4000  }
0x94: {  	[sflag:s26] =	ssyncset.done $0x0  }
0x95: {  	s6 =	sadd.s32 $0x20000, s4;
	[sflag:s26] =	ssyncadd.s32 $0xFFFFC000  }
0x96: {  	[hbm4b:s6+s1] =	stream.linear.scatter [tilespmem:s11], [sflag:$0x3], $0x4000, $0x38;
	[tilespmem:$0x8800] =	vst v63  }
0x97: {  	_ =	swait.ge [sflag:s9], $0x4000  }
0x98: {  	[sflag:s9] =	ssyncset.done $0x0  }
0x99: {  	[sflag:s9] =	ssyncadd.s32 $0xFFFFC000  }
0x9a: {  	[tilespmem:s11], [sflag:$0x1] =	stream.indirect.gather [hbm4b:s3+s10], $0x20, s1, s10, $0xb8;
	[tilespmem:$0x8800] =	vst v63  }
0x9b: {  	_ = 	snop  }
0x9c: {  	[tilespmem:s12], [sflag:$0x1] =	stream.indirect.gather [hbm4b:s3+s10], $0x20, s10, s10, $0xb8;
	[tilespmem:$0x8800] =	vst v63  }
0x9d: {  	_ = 	snop  }
0x9e: {  	[tilespmem:s14], [sflag:$0x1] =	stream.indirect.gather [hbm4b:s3+s10], $0x20, s13, s10, $0xb8;
	[tilespmem:$0x8800] =	vst v63  }
0x9f: {  	_ = 	snop  }
0xa0: {  	[tilespmem:s16], [sflag:$0x1] =	stream.indirect.gather [hbm4b:s3+s10], $0x20, s15, s10, $0xb8;
	[tilespmem:$0x8800] =	vst v63  }
0xa1: {  	_ =	swait.ge [sflag:s28], $0x4000  }
0xa2: {  	[sflag:s28] =	ssyncset.done $0x0  }
0xa3: {  	s4 =	sadd.s32 $0x20800, s4;
	[sflag:s28] =	ssyncadd.s32 $0xFFFFC000  }
0xa4: {  	[hbm4b:s4+s1] =	stream.linear.scatter [tilespmem:s18], [sflag:$0x3], $0x4000, $0x38;
	[tilespmem:$0x8800] =	vst v63  }
0xa5: {  	_ =	swait.ge [sflag:s9], $0x4000  }
0xa6: {  	[sflag:s9] =	ssyncset.done $0x0  }
0xa7: {  	p0 =	sne.s32 s0, $0xC0000;
	[sflag:s9] =	ssyncadd.s32 $0xFFFFC000  }
0xa8: {  	[tilespmem:s18], [sflag:$0x2] =	stream.indirect.gather [hbm4b:s3+s10], $0x20, s17, s10, $0xb8;
	[tilespmem:$0x8800] =	vst v63  }
.Ltmp0:
0xa9: {  	_ = 	snop;
	(pc) =	sbr.rel @p0 .LBB2_2-.Ltmp0, $4  }
0xaa: {  	_ = 	snop  }
0xab: {  	[tilespmem:s20], [sflag:$0x2] =	stream.indirect.gather [hbm4b:s3+s10], $0x20, s19, s10, $0xb8;
	[tilespmem:$0x8800] =	vst v63  }
0xac: {  	s0 =	sadd.s32 $0x40000, s0;
	s2 =	sadd.s32 $0x8000, s2  }
0xad: {  	[tilespmem:s22], [sflag:$0x2] =	stream.indirect.gather [hbm4b:s3+s10], $0x20, s21, s10, $0xb8;
	[tilespmem:$0x8800] =	vst v63  }
0xae: {  	[tilespmem:s24], [sflag:$0x2] =	stream.indirect.gather [hbm4b:s3+s10], $0x20, s23, s10, $0xb8;
	[tilespmem:$0x8800] =	vst v63  }
0xaf: {  	_ =	swait.ge [sflag:s26], $0x4000  }
0xb0: {  	[sflag:s26] =	ssyncset.done $0x0  }
0xb1: {  	s0 =	rddreg [dreg:$0x9];
	[sflag:s26] =	ssyncadd.s32 $0xFFFFC000  }
0xb2: {  	[hbm4b:s0+s1] =	stream.linear.scatter [tilespmem:s11], [sflag:$0x3], $0x4000, $0x38;
	[tilespmem:$0x8800] =	vst v63  }
0xb3: {  	_ =	swait.ge [sflag:s9], $0x4000  }
0xb4: {  	[sflag:s9] =	ssyncset.done $0x0  }
0xb5: {  	[sflag:s9] =	ssyncadd.s32 $0xFFFFC000  }
0xb6: {  	s31 =	sadd.s32 $0x1, s31;
	_ =	swait.ge [sflag:s28], $0x4000  }
0xb7: {  	p0 =	sne.s32 s31, s7;
	[sflag:s28] =	ssyncset.done $0x0  }
.Ltmp1:
0xb8: {  	s6 =	rddreg [dreg:$0xa];
	[sflag:s28] =	ssyncadd.s32 $0xFFFFC000;
	(pc) =	sbr.rel @p0 .LBB2_1-.Ltmp1, $4  }
0xb9: {  	[hbm4b:s6+s1] =	stream.linear.scatter [tilespmem:s18], [sflag:$0x3], $0x4000, $0x38;
	[tilespmem:$0x8800] =	vst v63  }
0xba: {  	_ =	swait.ge [sflag:s9], $0x4000  }
0xbb: {  	[sflag:s9] =	ssyncset.done $0x0  }
0xbc: {  	[sflag:s9] =	ssyncadd.s32 $0xFFFFC000  }
0xbd: {  	_ =	sfence.sel $0x180000  }
0xbe: {  	[bflag:$0x0] =	sbarrier.arrive $0xFFFF  }
0xbf: {  	_ =	strace $0x90000050  }
0xc0: {  	s0 =	stileid.u32;
	[bflag:$0x2] =	sbarrier.arrive $0xFFFF  }
0xc1: {  	p0 =	sne.s32 s0, $0x0;
	s0 =	rddreg [dreg:$0x1]  }
0xc2: {  	s0 =	sadd.s32 @!p0 $0x100000, s0  }
0xc3: {  	[sflag:s0] =	ssyncadd.tile.s32 @!p0 $0x1;
	_ =	shalt  }
.Lfunc_end2:
_tile_overlayer_lowered:
.L_overlay_start_2:
0xc4: {  	(tag) =	ssettag $0x2  }
0xc5: {  	s0 =	rddreg [dreg:$0x0];
	s2 =	stileid.u32  }
0xc6: {  	s1 =	rddreg [dreg:$0x1];
	p0 =	sne.s32 s2, $0x0  }
0xc7: {  	s3 =	rddreg [dreg:$0x2];
	[bflag:$0x3] =	sbarrier.arrive $0xFFFF;
	s2 =	simm.s32 @!p0 $0x1C03  }
0xc8: {  	[timem:s3], [sflag:s2] =	dma.local @!p0 [hbm:s0], s1  }
0xc9: {  	s0 =	simm.s32 @!p0 $0x3  }
0xca: {  	_ =	swait.ge @!p0 [sflag:s0], s1  }
0xcb: {  	s1 =	ssub.s32 @!p0 $0x0, s1;
	[sflag:s0] =	ssyncset.done @!p0 $0x0  }
0xcc: {  	[sflag:s0] =	ssyncadd.s32 @!p0 s1  }
0xcd: {  	[bflag:$0x3] =	sbarrier.arrive $0xFFFF  }
0xce: {  	_ =	shalt  }

// kernel: kernel.13.cloned.1.call-start
scs
__scs_entry_jumppad:
0x0: {  	(pc) =	sbr.rel $0x88, $3  }
0x1: {  	(tag) =	ssettag $0x0;
	lr =	simm.s32 $0x1  }
0x2: {  	[smem:$0x3F97] =	sst lr;
	_ =	strace $0xD0000000  }
0x3: {  	_ = 	snop  }
0x4: {  	_ = 	snop  }
0x5: {  	_ = 	snop  }
0x6: {  	_ = 	snop  }
0x7: {  	_ = 	snop  }
__scs_overlays_trampoline_lowered:
0x8: {  	[smem:$0x3FA6] =	sst s0  }
0x9: {  	[smem:$0x3FA7] =	sst s1  }
0xa: {  	[smem:$0x3FA8] =	sst s2  }
0xb: {  	[smem:$0x3FA9] =	sst s3  }
0xc: {  	[smem:$0x3FAA] =	sst s4  }
0xd: {  	[smem:$0x3FAB] =	sst s5  }
0xe: {  	[smem:$0x3FAC] =	sst s6  }
0xf: {  	[smem:$0x3FAD] =	sst s7  }
0x10: {  	[smem:$0x3FAE] =	sst s8  }
0x11: {  	[smem:$0x3FAF] =	sst s9;
	s0 =	simm.s32 @!p0 $0x0  }
0x12: {  	s1 =	sld [smem:$0x3F95];
	s0 =	simm.s32 @p0 $0x1  }
0x13: {  	[smem:$0x3FB0] =	sst s0;
	s0 =	simm.s32 @!p1 $0x0  }
0x14: {  	s2 =	sld [smem:$0x3F94];
	s0 =	simm.s32 @p1 $0x1  }
0x15: {  	[smem:$0x3FB1] =	sst s0;
	s0 =	simm.s32 @!p2 $0x0  }
0x16: {  	s3 =	sld [smem:$0x3FDB];
	s0 =	simm.s32 @p2 $0x1  }
0x17: {  	s4 =	simm.s32 $0x1BF5;
	[smem:$0x3FB3] =	sst s0  }
0x18: {  	s0 =	sld [smem:$0x3F96];
	_ =	swait.ge [sflag:s4], $0x0  }
0x19: {  	s7 =	sld [smem:$0x3F97]  }
0x1a: {  	s8 =	sadd.s32 $0xFFFFE003, lr  }
0x1b: {  	s9 =	sadd.s32 $0xFFFFFEF7, lr;
	s5 =	simm.s32 $0xFFFFFFFF;
	p2 =	slt.u32 s8, $0xFFFFF086  }
0x1c: {  	p1 =	slt.u32 s9, $0xF7A;
	s5 =	simm.s32 @!p2 $0x0  }
0x1d: {  	s5 =	simm.s32 @p1 $0x1;
	p0 =	seq.s32 s7, s2  }
0x1e: {  	s7 =	smul.u32 @!p0 $0xF7A, s2;
	p2 =	seq.s32 @!p0 s5, $0x0  }
0x1f: {  	s9 =	smul.u32 $0xF7A, s1;
	s8 =	simm.s32 @!p0 $0x1BF5;
	p2 =	por !p2, p0  }
0x20: {  	[sflag:s8] =	ssyncset.s32 @!p0 $0xFFFFF086;
	s6 =	sadd.s32 @!p0 s3, s7;
	s7 =	simm.s32 @!p0 $0x108  }
0x21: {  	s3 =	sadd.s32 s3, s9;
	s6 =	sadd.s32 @!p0 $0x88, s6;
	s7 =	simm.s32 @p2 $0x1082  }
0x22: {  	[simem:s7], [sflag:s8] =	dma.local @!p0 [hbm:s6], $0xF7A  }
0x23: {  	s9 =	sor.u32 $0xD0000000, s2;
	s6 =	simm.s32 $0x108;
	_ =	swait.ge @!p0 [sflag:s8], $0x0  }
0x24: {  	s3 =	sadd.s32 $0x88, s3;
	s6 =	simm.s32 @!p1 $0x1082;
	[sflag:s4] =	ssyncset.s32 $0xFFFFF086  }
0x25: {  	[simem:s6], [sflag:s4] =	dma.local [hbm:s3], $0xF7A  }
0x26: {  	[smem:$0x3F97] =	sst s1;
	(tag) =	ssettag s2;
	_ =	strace s9  }
0x27: {  	s1 =	sld [smem:$0x3FA7]  }
0x28: {  	s2 =	sld [smem:$0x3FA8]  }
0x29: {  	s4 =	sld [smem:$0x3FAA]  }
0x2a: {  	p0 =	seq.s32 s5, $0x0;
	s5 =	sld [smem:$0x3FAB]  }
0x2b: {  	s6 =	sld [smem:$0x3FAC]  }
0x2c: {  	s7 =	sld [smem:$0x3FAD]  }
0x2d: {  	s3 =	simm.s32 $0x108;
	s8 =	sld [smem:$0x3FAE]  }
0x2e: {  	s3 =	simm.s32 @!p0 $0x1082;
	s9 =	sld [smem:$0x3FAF]  }
0x2f: {  	lr =	sadd.s32 s0, s3;
	s0 =	sld [smem:$0x3FA6]  }
0x30: {  	s3 =	sld [smem:$0x3FA9]  }
0x31: {  	[smem:$0x3FB2] =	sst s10  }
0x32: {  	s10 =	sld [smem:$0x3FB0];
	_ =	sdelay $0x3  }
0x33: {  	p0 =	seq.s32 s10, $0x1;
	s10 =	sld [smem:$0x3FB2];
	_ =	sdelay $0x3  }
0x34: {  	[smem:$0x3FB2] =	sst s10  }
0x35: {  	s10 =	sld [smem:$0x3FB1];
	_ =	sdelay $0x3  }
0x36: {  	p1 =	seq.s32 s10, $0x1;
	s10 =	sld [smem:$0x3FB2];
	_ =	sdelay $0x3  }
0x37: {  	[smem:$0x3FB2] =	sst s10  }
0x38: {  	s10 =	sld [smem:$0x3FB3]  }
0x39: {  	_ = 	snop;
	(pc) =	sbr.ind lr, $3  }
0x3a: {  	_ = 	snop  }
0x3b: {  	_ = 	snop  }
0x3c: {  	p2 =	seq.s32 s10, $0x1;
	s10 =	sld [smem:$0x3FB2]  }
0x3d: {  	_ =	shalt  }
0x3e: {  	_ =	shalt  }
0x3f: {  	_ =	shalt  }
0x40: {  	_ =	shalt  }
0x41: {  	_ =	shalt  }
0x42: {  	_ =	shalt  }
0x43: {  	_ =	shalt  }
0x44: {  	_ =	shalt  }
0x45: {  	_ =	shalt  }
0x46: {  	_ =	shalt  }
0x47: {  	_ =	shalt  }
0x48: {  	_ =	shalt  }
0x49: {  	_ =	shalt  }
0x4a: {  	_ =	shalt  }
0x4b: {  	_ =	shalt  }
0x4c: {  	_ =	shalt  }
0x4d: {  	_ =	shalt  }
0x4e: {  	_ =	shalt  }
0x4f: {  	_ =	shalt  }
0x50: {  	_ =	shalt  }
0x51: {  	_ =	shalt  }
0x52: {  	_ =	shalt  }
0x53: {  	_ =	shalt  }
0x54: {  	_ =	shalt  }
0x55: {  	_ =	shalt  }
0x56: {  	_ =	shalt  }
0x57: {  	_ =	shalt  }
0x58: {  	_ =	shalt  }
0x59: {  	_ =	shalt  }
0x5a: {  	_ =	shalt  }
0x5b: {  	_ =	shalt  }
0x5c: {  	_ =	shalt  }
0x5d: {  	_ =	shalt  }
0x5e: {  	_ =	shalt  }
0x5f: {  	_ =	shalt  }
0x60: {  	_ =	shalt  }
0x61: {  	_ =	shalt  }
0x62: {  	_ =	shalt  }
0x63: {  	_ =	shalt  }
0x64: {  	_ =	shalt  }
0x65: {  	_ =	shalt  }
0x66: {  	_ =	shalt  }
0x67: {  	_ =	shalt  }
0x68: {  	_ =	shalt  }
0x69: {  	_ =	shalt  }
0x6a: {  	_ =	shalt  }
0x6b: {  	_ =	shalt  }
0x6c: {  	_ =	shalt  }
0x6d: {  	_ =	shalt  }
0x6e: {  	_ =	shalt  }
0x6f: {  	_ =	shalt  }
0x70: {  	_ =	shalt  }
0x71: {  	_ =	shalt  }
0x72: {  	_ =	shalt  }
0x73: {  	_ =	shalt  }
0x74: {  	_ =	shalt  }
0x75: {  	_ =	shalt  }
0x76: {  	_ =	shalt  }
0x77: {  	_ =	shalt  }
0x78: {  	_ =	shalt  }
0x79: {  	_ =	shalt  }
0x7a: {  	_ =	shalt  }
0x7b: {  	_ =	shalt  }
0x7c: {  	_ =	shalt  }
0x7d: {  	_ =	shalt  }
0x7e: {  	_ =	shalt  }
0x7f: {  	_ =	shalt  }
0x80: {  	_ =	shalt  }
0x81: {  	_ =	shalt  }
0x82: {  	_ =	shalt  }
0x83: {  	_ =	shalt  }
0x84: {  	_ =	shalt  }
0x85: {  	_ =	shalt  }
0x86: {  	_ =	shalt  }
0x87: {  	_ =	shalt  }
.Lfunc_end0:
.L_simem_size_0:
called_computation.1_lowered:
.L_overlay_start_0:
0x88: {  	s2 =	sld [smem:$0x3FD9]  }
0x89: {  	s3 =	sld [smem:$0x3FFE];
	_ =	sdelay $0x1  }
0x8a: {  	s1 =	srdreg.scid  }
0x8b: {  	s0 =	sand.u32 $0x1, s1  }
0x8c: {  	s17 =	sshll.u32 s0, $0xA;
	s2 =	sadd.s32 s3, s2  }
0x8d: {  	s2 =	sadd.s32 s2, s17  }
0x8e: {  	[smem:$0x3FBE] =	sst s2  }
0x8f: {  	_ = 	snop  }
0x90: {  	(tm) =	ssettm $0x1  }
0x91: {  	s18 =	sld [smem:$0x3FFB];
	_ =	sdelay $0x3  }
0x92: {  	_ =	strace s18  }
0x93: {  	s2 =	sld [smem:$0x3FFC];
	_ =	sdelay $0x3  }
0x94: {  	_ =	strace s2  }
0x95: {  	s2 =	sld [smem:$0x3FFD];
	_ =	sdelay $0x3  }
0x96: {  	_ =	strace s2  }
0x97: {  	_ =	strace $0x8FFFFFFF  }
0x98: {  	s19 =	sld [smem:$0x3FDB];
	_ =	sdelay $0x1  }
0x99: {  	s20 =	simm.s32 $_scs_section_size  }
0x9a: {  	s4 =	simm.s32 $_size__tile_overlayer_lowered;
	s5 =	simm.s32 $_tile_overlayer_lowered  }
0x9b: {  	s6 =	simm.s32 $0x1BFF;
	s21 =	sshll.u32 s5, $0x1;
	s3 =	sadd.s32 s20, s19  }
0x9c: {  	s22 =	simm.s32 $0x0;
	s4 =	sshll.u32 s4, $0x1;
	s5 =	sadd.s32 s21, s3  }
0x9d: {  	[timem:s22], [sflag:s6] =	dma.local [hbm:s5], s4  }
0x9e: {  	_ =	swait.ge [sflag:s6], s4  }
0x9f: {  	s4 =	ssub.s32 $0x0, s4;
	[sflag:s6] =	ssyncset.done $0x0  }
0xa0: {  	[sflag:s6] =	ssyncadd.s32 s4;
	_ =	sdelay $0x1  }
0xa1: {  	s23 =	simm.s32 $0x1B8B  }
0xa2: {  	_ =	swait.ge [sflag:s23], $0x1  }
0xa3: {  	[sflag:s23] =	ssyncset.done $0x0  }
0xa4: {  	[sflag:s23] =	ssyncadd.s32 $0xFFFFFFFF  }
0xa5: {  	s4 =	sld [smem:$0x0]  }
0xa6: {  	s5 =	sand.u32 $0xFFFFFFFE, s1  }
0xa7: {  	p0 =	sne.s32 s1, s5  }
0xa8: {  	s5 =	sshll.u32 @p0 s5, $0xE  }
0xa9: {  	s5 =	sadd.s32 @p0 $0x11B8D, s5;
	s6 =	sshll.u32 @p0 s4, $0x11  }
0xaa: {  	s5 =	sor.u32 @p0 s6, s5  }
0xab: {  	[sflag:s5] =	ssyncadd.remote.s32 @p0 $0x1;
	_ =	sdelay $0x1  }
0xac: {  	s5 =	simm.s32 @p0 $0x1B8D  }
0xad: {  	_ =	swait.eq @p0 [sflag:s5], $0x1  }
0xae: {  	[sflag:s5] =	ssyncadd.s32 @p0 $0xFFFFFFFF  }
0xaf: {  	s6 =	sshll.u32 @!p0 s1, $0xE  }
0xb0: {  	s6 =	sor.u32 @!p0 $0x4000, s6;
	s5 =	simm.s32 @!p0 $0x1B8D  }
0xb1: {  	s4 =	sshll.u32 @!p0 s4, $0x11;
	s6 =	sadd.s32 @!p0 $0x11B8D, s6;
	_ =	swait.eq @!p0 [sflag:s5], $0x1  }
0xb2: {  	s4 =	sor.u32 @!p0 s4, s6;
	[sflag:s5] =	ssyncadd.s32 @!p0 $0xFFFFFFFF  }
0xb3: {  	s25 =	simm.s32 $0x1B8E;
	s24 =	sld [smem:$0x3FFE];
	[sflag:s4] =	ssyncadd.remote.s32 @!p0 $0x1  }
0xb4: {  	s26 =	simm.s32 $execute0_lowered;
	[smem:$0x3FD2] =	sst s25  }
0xb5: {  	s5 =	sshll.u32 s26, $0x1;
	_ =	strace $0x8000004C;
	[dreg:$0x1] =	wrdreg $0xFFFFFFFF  }
0xb6: {  	s28 =	simm.s32 $_size_execute0_lowered;
	s3 =	sadd.s32 s3, s5;
	[dreg:$0x0] =	wrdreg $0x0  }
0xb7: {  	s5 =	sshll.u32 s28, $0x1;
	[dreg:$0x2] =	wrdreg s3  }
0xb8: {  	[dreg:$0x3] =	wrdreg s5  }
0xb9: {  	[dreg:$0x4] =	wrdreg $0xC0  }
0xba: {  	_ =	task [dreg:s22], $0x5FFFF  }
0xbb: {  	[dreg:$0x1] =	wrdreg $0xFFFFFFFF  }
0xbc: {  	[dreg:$0x0] =	wrdreg $0x60  }
0xbd: {  	[dreg:$0x2] =	wrdreg s24  }
0xbe: {  	[dreg:$0x3] =	wrdreg $0xA  }
0xbf: {  	_ =	task.clear_ibuf [dreg:s22], $0x4FFFF;
	_ =	strace $0x9000004C  }
0xc0: {  	s29 =	simm.s32 $0xA;
	_ =	strace $0x8000004E  }
0xc1: {  	_ =	swait.ge [sflag:s29], $0x1  }
0xc2: {  	[sflag:s29] =	ssyncadd.s32 $0xFFFFFFFF  }
0xc3: {  	_ =	strace $0x9000004E  }
0xc4: {  	_ =	sfence  }
0xc5: {  	s30 =	sld [smem:$0x0];
	_ =	sdelay $0x2  }
0xc6: {  	s31 =	sshll.u32 s1, $0xD;
	s1 =	sshrl.u32 s1, $0x2  }
0xc7: {  	s4 =	sand.u32 $0x4000, s31;
	s1 =	sadd.s32 s1, s30  }
0xc8: {  	s0 =	sor.u32 s4, s0;
	s1 =	sshll.u32 s1, $0x11  }
0xc9: {  	s0 =	sor.u32 s1, s0  }
0xca: {  	s0 =	sadd.s32 $0x8F2B, s0  }
0xcb: {  	[sflag:s0] =	ssyncadd.remote.s32 $0x1  }
0xcc: {  	_ =	sfence.sel $0xFFFF  }
0xcd: {  	[dreg:$0x0] =	wrdreg $0xFFFFFFFF;
	(pc) =	sbr.abs _section_cstart, $3  }
0xce: {  	[dreg:$0x1] =	wrdreg $0xFFFFFFFF  }
0xcf: {  	_ =	task.clear_ibuf [dreg:s22], $0x2FFFF;
	_ =	strace $0x9FFFFFFF  }
0xd0: {  	(tm) =	ssettm $0x7FFFFFFF  }
0xd1: {  	_ =	shalt  }
tec
execute0_lowered:
.L_overlay_start_1:
0x0: {  	(tag) =	ssettag $0x1  }
0x1: {  	s0 =	rddreg [dreg:$0x0];
	s1 =	simm.s32 $0x0  }
0x2: {  	s2 =	srdreg.scid;
	s9 =	stileid.u32;
	s10 =	simm.s32 $0x80  }
0x3: {  	s11 =	simm.s32 $0x800;
	s12 =	simm.s32 $0x1800;
	s13 =	simm.s32 $0x100  }
0x4: {  	s14 =	simm.s32 $0x2800;
	s15 =	simm.s32 $0x180;
	s16 =	simm.s32 $0x3800  }
0x5: {  	s22 =	simm.s32 $0x480;
	s23 =	simm.s32 $0x500;
	s24 =	simm.s32 $0x580  }
0x6: {  	s25 =	simm.s32 $0x600;
	s26 =	simm.s32 $0x680;
	s28 =	simm.s32 $0x2  }
0x7: {  	s29 =	simm.s32 $0x700;
	s30 =	simm.s32 $0x780;
	s31 =	simm.s32 $0x0  }
0x8: {  	[smem:$0x7FF] =	sst s1;
	s2 =	sand.u32 $0x1, s2;
	s7 =	sadd.s32 $0xBC00, s0  }
0x9: {  	s3 =	sadd.s32 $0x2200, s0;
	s0 =	sadd.s32 $0x26FC00, s0;
	s20 =	sshll.u32 s9, $0x7  }
0xa: {  	s21 =	sshll.u32 s9, $0xC;
	_ =	strace $0x8000004D;
	[dreg:$0x3] =	wrdreg s22  }
0xb: {  	s4 =	sshll.u32 s2, $0x4;
	s5 =	ssub.s32 $0x2, s2;
	[dreg:$0x4] =	wrdreg s23  }
0xc: {  	s19 =	sshll.u32 s2, $0xB;
	s2 =	sshll.u32 s2, $0x10;
	[dreg:$0x5] =	wrdreg s24  }
0xd: {  	s22 =	simm.s32 $0x6800;
	[dreg:$0x6] =	wrdreg s25;
	s23 =	simm.s32 $0x380  }
0xe: {  	s24 =	simm.s32 $0x7800;
	[dreg:$0x7] =	wrdreg s26;
	s4 =	sor.u32 s9, s4  }
0xf: {  	s25 =	simm.s32 $0x400;
	s26 =	simm.s32 $0x1;
	s6 =	sshll.u32 s4, $0x7  }
0x10: {  	s8 =	sshrl.u32 s5, $0x1;
	s4 =	sshll.u32 s4, $0xC;
	s6 =	sadd.s32 s6, s7  }
0x11: {  	s9 =	simm.s32 $0x3;
	s4 =	sadd.s32 s4, s0;
	s17 =	sadd.s32 $0x1000, s6  }
0x12: {  	s8 =	ssub.s32 s5, s8;
	s18 =	sadd.s32 $0x100000, s4;
	[dreg:$0x8] =	wrdreg s17  }
0x13: {  	s0 =	sadd.s32 s2, s0;
	s4 =	sadd.s32 $0x100800, s4;
	[dreg:$0x9] =	wrdreg s18  }
0x14: {  	s0 =	sadd.s32 s21, s0;
	s21 =	simm.s32 $0x300;
	[dreg:$0xa] =	wrdreg s4  }
0x15: {  	s4 =	sadd.s32 s19, s7;
	s7 =	smax.u32 s8, $0x1;
	[dreg:$0x2] =	wrdreg s0  }
0x16: {  	s17 =	simm.s32 $0x200;
	s18 =	simm.s32 $0x4800;
	s4 =	sadd.s32 s20, s4  }
0x17: {  	s19 =	simm.s32 $0x280;
	s20 =	simm.s32 $0x5800;
	s8 =	sadd.s32 $0x9000, s4  }
.LBB2_1:
0x18: {  	s0 =	rddreg [dreg:$0x8]  }
0x19: {  	[tilespmem:s1], [sflag:$0x3] =	stream.linear.gather [hbm4b:s0+s1], $0x400, $0x38;
	[tilespmem:$0x8800] =	vst v63  }
0x1a: {  	_ =	swait.ge [sflag:s9], $0x400  }
0x1b: {  	[sflag:s9] =	ssyncset.done $0x0  }
0x1c: {  	[sflag:s9] =	ssyncadd.s32 $0xFFFFFC00  }
0x1d: {  	[tilespmem:s11], [sflag:$0x1] =	stream.indirect.gather [hbm4b:s3+s10], $0x20, s1, s10, $0xb8;
	[tilespmem:$0x8800] =	vst v63  }
0x1e: {  	_ = 	snop  }
0x1f: {  	[tilespmem:s12], [sflag:$0x1] =	stream.indirect.gather [hbm4b:s3+s10], $0x20, s10, s10, $0xb8;
	[tilespmem:$0x8800] =	vst v63  }
0x20: {  	_ = 	snop  }
0x21: {  	[tilespmem:s14], [sflag:$0x1] =	stream.indirect.gather [hbm4b:s3+s10], $0x20, s13, s10, $0xb8;
	[tilespmem:$0x8800] =	vst v63  }
0x22: {  	_ = 	snop  }
0x23: {  	[tilespmem:s16], [sflag:$0x1] =	stream.indirect.gather [hbm4b:s3+s10], $0x20, s15, s10, $0xb8;
	[tilespmem:$0x8800] =	vst v63  }
0x24: {  	_ = 	snop  }
0x25: {  	[tilespmem:s18], [sflag:$0x2] =	stream.indirect.gather [hbm4b:s3+s10], $0x20, s17, s10, $0xb8;
	[tilespmem:$0x8800] =	vst v63  }
0x26: {  	_ = 	snop  }
0x27: {  	[tilespmem:s20], [sflag:$0x2] =	stream.indirect.gather [hbm4b:s3+s10], $0x20, s19, s10, $0xb8;
	[tilespmem:$0x8800] =	vst v63  }
0x28: {  	_ = 	snop  }
0x29: {  	[tilespmem:s22], [sflag:$0x2] =	stream.indirect.gather [hbm4b:s3+s10], $0x20, s21, s10, $0xb8;
	[tilespmem:$0x8800] =	vst v63  }
0x2a: {  	_ = 	snop  }
0x2b: {  	[tilespmem:s24], [sflag:$0x2] =	stream.indirect.gather [hbm4b:s3+s10], $0x20, s23, s10, $0xb8;
	[tilespmem:$0x8800] =	vst v63  }
0x2c: {  	s2 =	sadd.s32 $0xFFFFC000, s8  }
0x2d: {  	[tilespmem:s25], [sflag:$0x3] =	stream.linear.gather [hbm4b:s2+s1], $0x400, $0x38;
	[tilespmem:$0x8800] =	vst v63  }
0x2e: {  	_ =	swait.ge [sflag:s9], $0x400  }
0x2f: {  	[sflag:s9] =	ssyncset.done $0x0  }
0x30: {  	[sflag:s9] =	ssyncadd.s32 $0xFFFFFC00  }
0x31: {  	_ =	swait.ge [sflag:s26], $0x4000  }
0x32: {  	s4 =	rddreg [dreg:$0x2];
	[sflag:s26] =	ssyncset.done $0x0  }
0x33: {  	[sflag:s26] =	ssyncadd.s32 $0xFFFFC000;
	s0 =	sadd.s32 $0x0, s4  }
0x34: {  	[hbm4b:s0+s1] =	stream.linear.scatter [tilespmem:s11], [sflag:$0x3], $0x4000, $0x38;
	[tilespmem:$0x8800] =	vst v63  }
0x35: {  	_ =	swait.ge [sflag:s9], $0x4000  }
0x36: {  	[sflag:s9] =	ssyncset.done $0x0  }
0x37: {  	[sflag:s9] =	ssyncadd.s32 $0xFFFFC000  }
0x38: {  	[tilespmem:s11], [sflag:$0x1] =	stream.indirect.gather [hbm4b:s3+s10], $0x20, s25, s10, $0xb8;
	[tilespmem:$0x8800] =	vst v63  }
0x39: {  	s2 =	rddreg [dreg:$0x3]  }
0x3a: {  	[tilespmem:s12], [sflag:$0x1] =	stream.indirect.gather [hbm4b:s3+s10], $0x20, s2, s10, $0xb8;
	[tilespmem:$0x8800] =	vst v63  }
0x3b: {  	s4 =	rddreg [dreg:$0x4]  }
0x3c: {  	[tilespmem:s14], [sflag:$0x1] =	stream.indirect.gather [hbm4b:s3+s10], $0x20, s4, s10, $0xb8;
	[tilespmem:$0x8800] =	vst v63  }
0x3d: {  	s5 =	rddreg [dreg:$0x5]  }
0x3e: {  	[tilespmem:s16], [sflag:$0x1] =	stream.indirect.gather [hbm4b:s3+s10], $0x20, s5, s10, $0xb8;
	[tilespmem:$0x8800] =	vst v63  }
0x3f: {  	_ =	swait.ge [sflag:s28], $0x4000  }
0x40: {  	[sflag:s28] =	ssyncset.done $0x0  }
0x41: {  	s6 =	sadd.s32 $0x800, s0;
	[sflag:s28] =	ssyncadd.s32 $0xFFFFC000  }
0x42: {  	[hbm4b:s6+s1] =	stream.linear.scatter [tilespmem:s18], [sflag:$0x3], $0x4000, $0x38;
	[tilespmem:$0x8800] =	vst v63  }
0x43: {  	_ =	swait.ge [sflag:s9], $0x4000  }
0x44: {  	[sflag:s9] =	ssyncset.done $0x0  }
0x45: {  	s4 =	rddreg [dreg:$0x6];
	[sflag:s9] =	ssyncadd.s32 $0xFFFFC000  }
0x46: {  	[tilespmem:s18], [sflag:$0x2] =	stream.indirect.gather [hbm4b:s3+s10], $0x20, s4, s10, $0xb8;
	[tilespmem:$0x8800] =	vst v63  }
0x47: {  	s5 =	rddreg [dreg:$0x7]  }
0x48: {  	[tilespmem:s20], [sflag:$0x2] =	stream.indirect.gather [hbm4b:s3+s10], $0x20, s5, s10, $0xb8;
	[tilespmem:$0x8800] =	vst v63  }
0x49: {  	_ = 	snop  }
0x4a: {  	[tilespmem:s22], [sflag:$0x2] =	stream.indirect.gather [hbm4b:s3+s10], $0x20, s29, s10, $0xb8;
	[tilespmem:$0x8800] =	vst v63  }
0x4b: {  	_ = 	snop  }
0x4c: {  	[tilespmem:s24], [sflag:$0x2] =	stream.indirect.gather [hbm4b:s3+s10], $0x20, s30, s10, $0xb8;
	[tilespmem:$0x8800] =	vst v63  }
0x4d: {  	_ = 	snop  }
0x4e: {  	[tilespmem:s1], [sflag:$0x3] =	stream.linear.gather [hbm4b:s8+s1], $0x400, $0x38;
	[tilespmem:$0x8800] =	vst v63  }
0x4f: {  	_ =	swait.ge [sflag:s9], $0x400  }
0x50: {  	[sflag:s9] =	ssyncset.done $0x0  }
0x51: {  	[sflag:s9] =	ssyncadd.s32 $0xFFFFFC00  }
0x52: {  	_ =	swait.ge [sflag:s26], $0x4000  }
0x53: {  	[sflag:s26] =	ssyncset.done $0x0  }
0x54: {  	s6 =	sadd.s32 $0x20000, s0;
	[sflag:s26] =	ssyncadd.s32 $0xFFFFC000  }
0x55: {  	[hbm4b:s6+s1] =	stream.linear.scatter [tilespmem:s11], [sflag:$0x3], $0x4000, $0x38;
	[tilespmem:$0x8800] =	vst v63  }
0x56: {  	_ =	swait.ge [sflag:s9], $0x4000  }
0x57: {  	[sflag:s9] =	ssyncset.done $0x0  }
0x58: {  	[sflag:s9] =	ssyncadd.s32 $0xFFFFC000  }
0x59: {  	[tilespmem:s11], [sflag:$0x1] =	stream.indirect.gather [hbm4b:s3+s10], $0x20, s1, s10, $0xb8;
	[tilespmem:$0x8800] =	vst v63  }
0x5a: {  	_ = 	snop  }
0x5b: {  	[tilespmem:s12], [sflag:$0x1] =	stream.indirect.gather [hbm4b:s3+s10], $0x20, s10, s10, $0xb8;
	[tilespmem:$0x8800] =	vst v63  }
0x5c: {  	_ = 	snop  }
0x5d: {  	[tilespmem:s14], [sflag:$0x1] =	stream.indirect.gather [hbm4b:s3+s10], $0x20, s13, s10, $0xb8;
	[tilespmem:$0x8800] =	vst v63  }
0x5e: {  	_ = 	snop  }
0x5f: {  	[tilespmem:s16], [sflag:$0x1] =	stream.indirect.gather [hbm4b:s3+s10], $0x20, s15, s10, $0xb8;
	[tilespmem:$0x8800] =	vst v63  }
0x60: {  	_ =	swait.ge [sflag:s28], $0x4000  }
0x61: {  	[sflag:s28] =	ssyncset.done $0x0  }
0x62: {  	s0 =	sadd.s32 $0x20800, s0;
	[sflag:s28] =	ssyncadd.s32 $0xFFFFC000  }
0x63: {  	[hbm4b:s0+s1] =	stream.linear.scatter [tilespmem:s18], [sflag:$0x3], $0x4000, $0x38;
	[tilespmem:$0x8800] =	vst v63  }
0x64: {  	_ =	swait.ge [sflag:s9], $0x4000  }
0x65: {  	[sflag:s9] =	ssyncset.done $0x0  }
0x66: {  	[sflag:s9] =	ssyncadd.s32 $0xFFFFC000  }
0x67: {  	[tilespmem:s18], [sflag:$0x2] =	stream.indirect.gather [hbm4b:s3+s10], $0x20, s17, s10, $0xb8;
	[tilespmem:$0x8800] =	vst v63  }
0x68: {  	_ = 	snop  }
0x69: {  	[tilespmem:s20], [sflag:$0x2] =	stream.indirect.gather [hbm4b:s3+s10], $0x20, s19, s10, $0xb8;
	[tilespmem:$0x8800] =	vst v63  }
0x6a: {  	s2 =	sadd.s32 $0x8000, s8;
	s0 =	simm.s32 $0x40000  }
0x6b: {  	[tilespmem:s22], [sflag:$0x2] =	stream.indirect.gather [hbm4b:s3+s10], $0x20, s21, s10, $0xb8;
	[tilespmem:$0x8800] =	vst v63  }
.LBB2_2:
0x6c: {  	[tilespmem:s24], [sflag:$0x2] =	stream.indirect.gather [hbm4b:s3+s10], $0x20, s23, s10, $0xb8;
	[tilespmem:$0x8800] =	vst v63  }
0x6d: {  	s5 =	sadd.s32 $0xFFFFC000, s2  }
0x6e: {  	[tilespmem:s25], [sflag:$0x3] =	stream.linear.gather [hbm4b:s5+s1], $0x400, $0x38;
	[tilespmem:$0x8800] =	vst v63  }
0x6f: {  	_ =	swait.ge [sflag:s9], $0x400  }
0x70: {  	[sflag:s9] =	ssyncset.done $0x0  }
0x71: {  	[sflag:s9] =	ssyncadd.s32 $0xFFFFFC00  }
0x72: {  	_ =	swait.ge [sflag:s26], $0x4000  }
0x73: {  	s4 =	smov.u32 s0;
	s6 =	rddreg [dreg:$0x2];
	[sflag:s26] =	ssyncset.done $0x0  }
0x74: {  	[sflag:s26] =	ssyncadd.s32 $0xFFFFC000;
	s4 =	sadd.s32 s4, s6  }
0x75: {  	[hbm4b:s4+s1] =	stream.linear.scatter [tilespmem:s11], [sflag:$0x3], $0x4000, $0x38;
	[tilespmem:$0x8800] =	vst v63  }
0x76: {  	_ =	swait.ge [sflag:s9], $0x4000  }
0x77: {  	[sflag:s9] =	ssyncset.done $0x0  }
0x78: {  	[sflag:s9] =	ssyncadd.s32 $0xFFFFC000  }
0x79: {  	[tilespmem:s11], [sflag:$0x1] =	stream.indirect.gather [hbm4b:s3+s10], $0x20, s25, s10, $0xb8;
	[tilespmem:$0x8800] =	vst v63  }
0x7a: {  	s5 =	rddreg [dreg:$0x3]  }
0x7b: {  	[tilespmem:s12], [sflag:$0x1] =	stream.indirect.gather [hbm4b:s3+s10], $0x20, s5, s10, $0xb8;
	[tilespmem:$0x8800] =	vst v63  }
0x7c: {  	s6 =	rddreg [dreg:$0x4]  }
0x7d: {  	[tilespmem:s14], [sflag:$0x1] =	stream.indirect.gather [hbm4b:s3+s10], $0x20, s6, s10, $0xb8;
	[tilespmem:$0x8800] =	vst v63  }
0x7e: {  	s5 =	rddreg [dreg:$0x5]  }
0x7f: {  	[tilespmem:s16], [sflag:$0x1] =	stream.indirect.gather [hbm4b:s3+s10], $0x20, s5, s10, $0xb8;
	[tilespmem:$0x8800] =	vst v63  }
0x80: {  	_ =	swait.ge [sflag:s28], $0x4000  }
0x81: {  	[sflag:s28] =	ssyncset.done $0x0  }
0x82: {  	s6 =	sadd.s32 $0x800, s4;
	[sflag:s28] =	ssyncadd.s32 $0xFFFFC000  }
0x83: {  	[hbm4b:s6+s1] =	stream.linear.scatter [tilespmem:s18], [sflag:$0x3], $0x4000, $0x38;
	[tilespmem:$0x8800] =	vst v63  }
0x84: {  	_ =	swait.ge [sflag:s9], $0x4000  }
0x85: {  	[sflag:s9] =	ssyncset.done $0x0  }
0x86: {  	s5 =	rddreg [dreg:$0x6];
	[sflag:s9] =	ssyncadd.s32 $0xFFFFC000  }
0x87: {  	[tilespmem:s18], [sflag:$0x2] =	stream.indirect.gather [hbm4b:s3+s10], $0x20, s5, s10, $0xb8;
	[tilespmem:$0x8800] =	vst v63  }
0x88: {  	s6 =	rddreg [dreg:$0x7]  }
0x89: {  	[tilespmem:s20], [sflag:$0x2] =	stream.indirect.gather [hbm4b:s3+s10], $0x20, s6, s10, $0xb8;
	[tilespmem:$0x8800] =	vst v63  }
0x8a: {  	_ = 	snop  }
0x8b: {  	[tilespmem:s22], [sflag:$0x2] =	stream.indirect.gather [hbm4b:s3+s10], $0x20, s29, s10, $0xb8;
	[tilespmem:$0x8800] =	vst v63  }
0x8c: {  	_ = 	snop  }
0x8d: {  	[tilespmem:s24], [sflag:$0x2] =	stream.indirect.gather [hbm4b:s3+s10], $0x20, s30, s10, $0xb8;
	[tilespmem:$0x8800] =	vst v63  }
0x8e: {  	_ = 	snop  }
0x8f: {  	[tilespmem:s1], [sflag:$0x3] =	stream.linear.gather [hbm4b:s2+s1], $0x400, $0x38;
	[tilespmem:$0x8800] =	vst v63  }
0x90: {  	_ =	swait.ge [sflag:s9], $0x400  }
0x91: {  	[sflag:s9] =	ssyncset.done $0x0  }
0x92: {  	[sflag:s9] =	ssyncadd.s32 $0xFFFFFC00  }
0x93: {  	_ =	swait.ge [sflag:s26], $0x4000  }
0x94: {  	[sflag:s26] =	ssyncset.done $0x0  }
0x95: {  	s6 =	sadd.s32 $0x20000, s4;
	[sflag:s26] =	ssyncadd.s32 $0xFFFFC000  }
0x96: {  	[hbm4b:s6+s1] =	stream.linear.scatter [tilespmem:s11], [sflag:$0x3], $0x4000, $0x38;
	[tilespmem:$0x8800] =	vst v63  }
0x97: {  	_ =	swait.ge [sflag:s9], $0x4000  }
0x98: {  	[sflag:s9] =	ssyncset.done $0x0  }
0x99: {  	[sflag:s9] =	ssyncadd.s32 $0xFFFFC000  }
0x9a: {  	[tilespmem:s11], [sflag:$0x1] =	stream.indirect.gather [hbm4b:s3+s10], $0x20, s1, s10, $0xb8;
	[tilespmem:$0x8800] =	vst v63  }
0x9b: {  	_ = 	snop  }
0x9c: {  	[tilespmem:s12], [sflag:$0x1] =	stream.indirect.gather [hbm4b:s3+s10], $0x20, s10, s10, $0xb8;
	[tilespmem:$0x8800] =	vst v63  }
0x9d: {  	_ = 	snop  }
0x9e: {  	[tilespmem:s14], [sflag:$0x1] =	stream.indirect.gather [hbm4b:s3+s10], $0x20, s13, s10, $0xb8;
	[tilespmem:$0x8800] =	vst v63  }
0x9f: {  	_ = 	snop  }
0xa0: {  	[tilespmem:s16], [sflag:$0x1] =	stream.indirect.gather [hbm4b:s3+s10], $0x20, s15, s10, $0xb8;
	[tilespmem:$0x8800] =	vst v63  }
0xa1: {  	_ =	swait.ge [sflag:s28], $0x4000  }
0xa2: {  	[sflag:s28] =	ssyncset.done $0x0  }
0xa3: {  	s4 =	sadd.s32 $0x20800, s4;
	[sflag:s28] =	ssyncadd.s32 $0xFFFFC000  }
0xa4: {  	[hbm4b:s4+s1] =	stream.linear.scatter [tilespmem:s18], [sflag:$0x3], $0x4000, $0x38;
	[tilespmem:$0x8800] =	vst v63  }
0xa5: {  	_ =	swait.ge [sflag:s9], $0x4000  }
0xa6: {  	[sflag:s9] =	ssyncset.done $0x0  }
0xa7: {  	p0 =	sne.s32 s0, $0xC0000;
	[sflag:s9] =	ssyncadd.s32 $0xFFFFC000  }
0xa8: {  	[tilespmem:s18], [sflag:$0x2] =	stream.indirect.gather [hbm4b:s3+s10], $0x20, s17, s10, $0xb8;
	[tilespmem:$0x8800] =	vst v63  }
.Ltmp0:
0xa9: {  	_ = 	snop;
	(pc) =	sbr.rel @p0 .LBB2_2-.Ltmp0, $4  }
0xaa: {  	_ = 	snop  }
0xab: {  	[tilespmem:s20], [sflag:$0x2] =	stream.indirect.gather [hbm4b:s3+s10], $0x20, s19, s10, $0xb8;
	[tilespmem:$0x8800] =	vst v63  }
0xac: {  	s0 =	sadd.s32 $0x40000, s0;
	s2 =	sadd.s32 $0x8000, s2  }
0xad: {  	[tilespmem:s22], [sflag:$0x2] =	stream.indirect.gather [hbm4b:s3+s10], $0x20, s21, s10, $0xb8;
	[tilespmem:$0x8800] =	vst v63  }
0xae: {  	[tilespmem:s24], [sflag:$0x2] =	stream.indirect.gather [hbm4b:s3+s10], $0x20, s23, s10, $0xb8;
	[tilespmem:$0x8800] =	vst v63  }
0xaf: {  	_ =	swait.ge [sflag:s26], $0x4000  }
0xb0: {  	[sflag:s26] =	ssyncset.done $0x0  }
0xb1: {  	s0 =	rddreg [dreg:$0x9];
	[sflag:s26] =	ssyncadd.s32 $0xFFFFC000  }
0xb2: {  	[hbm4b:s0+s1] =	stream.linear.scatter [tilespmem:s11], [sflag:$0x3], $0x4000, $0x38;
	[tilespmem:$0x8800] =	vst v63  }
0xb3: {  	_ =	swait.ge [sflag:s9], $0x4000  }
0xb4: {  	[sflag:s9] =	ssyncset.done $0x0  }
0xb5: {  	[sflag:s9] =	ssyncadd.s32 $0xFFFFC000  }
0xb6: {  	s31 =	sadd.s32 $0x1, s31;
	_ =	swait.ge [sflag:s28], $0x4000  }
0xb7: {  	p0 =	sne.s32 s31, s7;
	[sflag:s28] =	ssyncset.done $0x0  }
.Ltmp1:
0xb8: {  	s6 =	rddreg [dreg:$0xa];
	[sflag:s28] =	ssyncadd.s32 $0xFFFFC000;
	(pc) =	sbr.rel @p0 .LBB2_1-.Ltmp1, $4  }
0xb9: {  	[hbm4b:s6+s1] =	stream.linear.scatter [tilespmem:s18], [sflag:$0x3], $0x4000, $0x38;
	[tilespmem:$0x8800] =	vst v63  }
0xba: {  	_ =	swait.ge [sflag:s9], $0x4000  }
0xbb: {  	[sflag:s9] =	ssyncset.done $0x0  }
0xbc: {  	[sflag:s9] =	ssyncadd.s32 $0xFFFFC000  }
0xbd: {  	_ =	sfence.sel $0x180000  }
0xbe: {  	[bflag:$0x0] =	sbarrier.arrive $0xFFFF  }
0xbf: {  	_ =	strace $0x9000004D  }
0xc0: {  	s0 =	stileid.u32;
	[bflag:$0x2] =	sbarrier.arrive $0xFFFF  }
0xc1: {  	p0 =	sne.s32 s0, $0x0;
	s0 =	rddreg [dreg:$0x1]  }
0xc2: {  	s0 =	sadd.s32 @!p0 $0x100000, s0  }
0xc3: {  	[sflag:s0] =	ssyncadd.tile.s32 @!p0 $0x1;
	_ =	shalt  }
.Lfunc_end2:
_tile_overlayer_lowered:
.L_overlay_start_2:
0xc4: {  	(tag) =	ssettag $0x2  }
0xc5: {  	s0 =	rddreg [dreg:$0x0];
	s2 =	stileid.u32  }
0xc6: {  	s1 =	rddreg [dreg:$0x1];
	p0 =	sne.s32 s2, $0x0  }
0xc7: {  	s3 =	rddreg [dreg:$0x2];
	[bflag:$0x3] =	sbarrier.arrive $0xFFFF;
	s2 =	simm.s32 @!p0 $0x1C03  }
0xc8: {  	[timem:s3], [sflag:s2] =	dma.local @!p0 [hbm:s0], s1  }
0xc9: {  	s0 =	simm.s32 @!p0 $0x3  }
0xca: {  	_ =	swait.ge @!p0 [sflag:s0], s1  }
0xcb: {  	s1 =	ssub.s32 @!p0 $0x0, s1;
	[sflag:s0] =	ssyncset.done @!p0 $0x0  }
0xcc: {  	[sflag:s0] =	ssyncadd.s32 @!p0 s1  }
0xcd: {  	[bflag:$0x3] =	sbarrier.arrive $0xFFFF  }
0xce: {  	_ =	shalt  }

// kernel: kernel.16.cloned.1.call-start
scs
__scs_entry_jumppad:
0x0: {  	(pc) =	sbr.rel $0x88, $3  }
0x1: {  	(tag) =	ssettag $0x0;
	lr =	simm.s32 $0x1  }
0x2: {  	[smem:$0x3F97] =	sst lr;
	_ =	strace $0xD0000000  }
0x3: {  	_ = 	snop  }
0x4: {  	_ = 	snop  }
0x5: {  	_ = 	snop  }
0x6: {  	_ = 	snop  }
0x7: {  	_ = 	snop  }
__scs_overlays_trampoline_lowered:
0x8: {  	[smem:$0x3FA6] =	sst s0  }
0x9: {  	[smem:$0x3FA7] =	sst s1  }
0xa: {  	[smem:$0x3FA8] =	sst s2  }
0xb: {  	[smem:$0x3FA9] =	sst s3  }
0xc: {  	[smem:$0x3FAA] =	sst s4  }
0xd: {  	[smem:$0x3FAB] =	sst s5  }
0xe: {  	[smem:$0x3FAC] =	sst s6  }
0xf: {  	[smem:$0x3FAD] =	sst s7  }
0x10: {  	[smem:$0x3FAE] =	sst s8  }
0x11: {  	[smem:$0x3FAF] =	sst s9;
	s0 =	simm.s32 @!p0 $0x0  }
0x12: {  	s1 =	sld [smem:$0x3F95];
	s0 =	simm.s32 @p0 $0x1  }
0x13: {  	[smem:$0x3FB0] =	sst s0;
	s0 =	simm.s32 @!p1 $0x0  }
0x14: {  	s2 =	sld [smem:$0x3F94];
	s0 =	simm.s32 @p1 $0x1  }
0x15: {  	[smem:$0x3FB1] =	sst s0;
	s0 =	simm.s32 @!p2 $0x0  }
0x16: {  	s3 =	sld [smem:$0x3FDB];
	s0 =	simm.s32 @p2 $0x1  }
0x17: {  	s4 =	simm.s32 $0x1BF5;
	[smem:$0x3FB3] =	sst s0  }
0x18: {  	s0 =	sld [smem:$0x3F96];
	_ =	swait.ge [sflag:s4], $0x0  }
0x19: {  	s7 =	sld [smem:$0x3F97]  }
0x1a: {  	s8 =	sadd.s32 $0xFFFFE003, lr  }
0x1b: {  	s9 =	sadd.s32 $0xFFFFFEF7, lr;
	s5 =	simm.s32 $0xFFFFFFFF;
	p2 =	slt.u32 s8, $0xFFFFF086  }
0x1c: {  	p1 =	slt.u32 s9, $0xF7A;
	s5 =	simm.s32 @!p2 $0x0  }
0x1d: {  	s5 =	simm.s32 @p1 $0x1;
	p0 =	seq.s32 s7, s2  }
0x1e: {  	s7 =	smul.u32 @!p0 $0xF7A, s2;
	p2 =	seq.s32 @!p0 s5, $0x0  }
0x1f: {  	s9 =	smul.u32 $0xF7A, s1;
	s8 =	simm.s32 @!p0 $0x1BF5;
	p2 =	por !p2, p0  }
0x20: {  	[sflag:s8] =	ssyncset.s32 @!p0 $0xFFFFF086;
	s6 =	sadd.s32 @!p0 s3, s7;
	s7 =	simm.s32 @!p0 $0x108  }
0x21: {  	s3 =	sadd.s32 s3, s9;
	s6 =	sadd.s32 @!p0 $0x88, s6;
	s7 =	simm.s32 @p2 $0x1082  }
0x22: {  	[simem:s7], [sflag:s8] =	dma.local @!p0 [hbm:s6], $0xF7A  }
0x23: {  	s9 =	sor.u32 $0xD0000000, s2;
	s6 =	simm.s32 $0x108;
	_ =	swait.ge @!p0 [sflag:s8], $0x0  }
0x24: {  	s3 =	sadd.s32 $0x88, s3;
	s6 =	simm.s32 @!p1 $0x1082;
	[sflag:s4] =	ssyncset.s32 $0xFFFFF086  }
0x25: {  	[simem:s6], [sflag:s4] =	dma.local [hbm:s3], $0xF7A  }
0x26: {  	[smem:$0x3F97] =	sst s1;
	(tag) =	ssettag s2;
	_ =	strace s9  }
0x27: {  	s1 =	sld [smem:$0x3FA7]  }
0x28: {  	s2 =	sld [smem:$0x3FA8]  }
0x29: {  	s4 =	sld [smem:$0x3FAA]  }
0x2a: {  	p0 =	seq.s32 s5, $0x0;
	s5 =	sld [smem:$0x3FAB]  }
0x2b: {  	s6 =	sld [smem:$0x3FAC]  }
0x2c: {  	s7 =	sld [smem:$0x3FAD]  }
0x2d: {  	s3 =	simm.s32 $0x108;
	s8 =	sld [smem:$0x3FAE]  }
0x2e: {  	s3 =	simm.s32 @!p0 $0x1082;
	s9 =	sld [smem:$0x3FAF]  }
0x2f: {  	lr =	sadd.s32 s0, s3;
	s0 =	sld [smem:$0x3FA6]  }
0x30: {  	s3 =	sld [smem:$0x3FA9]  }
0x31: {  	[smem:$0x3FB2] =	sst s10  }
0x32: {  	s10 =	sld [smem:$0x3FB0];
	_ =	sdelay $0x3  }
0x33: {  	p0 =	seq.s32 s10, $0x1;
	s10 =	sld [smem:$0x3FB2];
	_ =	sdelay $0x3  }
0x34: {  	[smem:$0x3FB2] =	sst s10  }
0x35: {  	s10 =	sld [smem:$0x3FB1];
	_ =	sdelay $0x3  }
0x36: {  	p1 =	seq.s32 s10, $0x1;
	s10 =	sld [smem:$0x3FB2];
	_ =	sdelay $0x3  }
0x37: {  	[smem:$0x3FB2] =	sst s10  }
0x38: {  	s10 =	sld [smem:$0x3FB3]  }
0x39: {  	_ = 	snop;
	(pc) =	sbr.ind lr, $3  }
0x3a: {  	_ = 	snop  }
0x3b: {  	_ = 	snop  }
0x3c: {  	p2 =	seq.s32 s10, $0x1;
	s10 =	sld [smem:$0x3FB2]  }
0x3d: {  	_ =	shalt  }
0x3e: {  	_ =	shalt  }
0x3f: {  	_ =	shalt  }
0x40: {  	_ =	shalt  }
0x41: {  	_ =	shalt  }
0x42: {  	_ =	shalt  }
0x43: {  	_ =	shalt  }
0x44: {  	_ =	shalt  }
0x45: {  	_ =	shalt  }
0x46: {  	_ =	shalt  }
0x47: {  	_ =	shalt  }
0x48: {  	_ =	shalt  }
0x49: {  	_ =	shalt  }
0x4a: {  	_ =	shalt  }
0x4b: {  	_ =	shalt  }
0x4c: {  	_ =	shalt  }
0x4d: {  	_ =	shalt  }
0x4e: {  	_ =	shalt  }
0x4f: {  	_ =	shalt  }
0x50: {  	_ =	shalt  }
0x51: {  	_ =	shalt  }
0x52: {  	_ =	shalt  }
0x53: {  	_ =	shalt  }
0x54: {  	_ =	shalt  }
0x55: {  	_ =	shalt  }
0x56: {  	_ =	shalt  }
0x57: {  	_ =	shalt  }
0x58: {  	_ =	shalt  }
0x59: {  	_ =	shalt  }
0x5a: {  	_ =	shalt  }
0x5b: {  	_ =	shalt  }
0x5c: {  	_ =	shalt  }
0x5d: {  	_ =	shalt  }
0x5e: {  	_ =	shalt  }
0x5f: {  	_ =	shalt  }
0x60: {  	_ =	shalt  }
0x61: {  	_ =	shalt  }
0x62: {  	_ =	shalt  }
0x63: {  	_ =	shalt  }
0x64: {  	_ =	shalt  }
0x65: {  	_ =	shalt  }
0x66: {  	_ =	shalt  }
0x67: {  	_ =	shalt  }
0x68: {  	_ =	shalt  }
0x69: {  	_ =	shalt  }
0x6a: {  	_ =	shalt  }
0x6b: {  	_ =	shalt  }
0x6c: {  	_ =	shalt  }
0x6d: {  	_ =	shalt  }
0x6e: {  	_ =	shalt  }
0x6f: {  	_ =	shalt  }
0x70: {  	_ =	shalt  }
0x71: {  	_ =	shalt  }
0x72: {  	_ =	shalt  }
0x73: {  	_ =	shalt  }
0x74: {  	_ =	shalt  }
0x75: {  	_ =	shalt  }
0x76: {  	_ =	shalt  }
0x77: {  	_ =	shalt  }
0x78: {  	_ =	shalt  }
0x79: {  	_ =	shalt  }
0x7a: {  	_ =	shalt  }
0x7b: {  	_ =	shalt  }
0x7c: {  	_ =	shalt  }
0x7d: {  	_ =	shalt  }
0x7e: {  	_ =	shalt  }
0x7f: {  	_ =	shalt  }
0x80: {  	_ =	shalt  }
0x81: {  	_ =	shalt  }
0x82: {  	_ =	shalt  }
0x83: {  	_ =	shalt  }
0x84: {  	_ =	shalt  }
0x85: {  	_ =	shalt  }
0x86: {  	_ =	shalt  }
0x87: {  	_ =	shalt  }
.Lfunc_end0:
.L_simem_size_0:
called_computation.2_lowered:
.L_overlay_start_0:
0x88: {  	s2 =	sld [smem:$0x3FD9]  }
0x89: {  	s3 =	sld [smem:$0x3FFE];
	_ =	sdelay $0x1  }
0x8a: {  	s1 =	srdreg.scid  }
0x8b: {  	s0 =	sand.u32 $0x1, s1  }
0x8c: {  	s17 =	sshll.u32 s0, $0xA;
	s2 =	sadd.s32 s3, s2  }
0x8d: {  	s2 =	sadd.s32 s2, s17  }
0x8e: {  	[smem:$0x3FBE] =	sst s2  }
0x8f: {  	_ = 	snop  }
0x90: {  	(tm) =	ssettm $0x1  }
0x91: {  	s18 =	sld [smem:$0x3FFB];
	_ =	sdelay $0x3  }
0x92: {  	_ =	strace s18  }
0x93: {  	s2 =	sld [smem:$0x3FFC];
	_ =	sdelay $0x3  }
0x94: {  	_ =	strace s2  }
0x95: {  	s2 =	sld [smem:$0x3FFD];
	_ =	sdelay $0x3  }
0x96: {  	_ =	strace s2  }
0x97: {  	_ =	strace $0x8FFFFFFF  }
0x98: {  	s19 =	sld [smem:$0x3FDB];
	_ =	sdelay $0x1  }
0x99: {  	s20 =	simm.s32 $_scs_section_size  }
0x9a: {  	s4 =	simm.s32 $_size__tile_overlayer_lowered;
	s5 =	simm.s32 $_tile_overlayer_lowered  }
0x9b: {  	s6 =	simm.s32 $0x1BFF;
	s21 =	sshll.u32 s5, $0x1;
	s3 =	sadd.s32 s20, s19  }
0x9c: {  	s22 =	simm.s32 $0x0;
	s4 =	sshll.u32 s4, $0x1;
	s5 =	sadd.s32 s21, s3  }
0x9d: {  	[timem:s22], [sflag:s6] =	dma.local [hbm:s5], s4  }
0x9e: {  	_ =	swait.ge [sflag:s6], s4  }
0x9f: {  	s4 =	ssub.s32 $0x0, s4;
	[sflag:s6] =	ssyncset.done $0x0  }
0xa0: {  	[sflag:s6] =	ssyncadd.s32 s4;
	_ =	sdelay $0x1  }
0xa1: {  	s23 =	simm.s32 $0x1B8B  }
0xa2: {  	_ =	swait.ge [sflag:s23], $0x1  }
0xa3: {  	[sflag:s23] =	ssyncset.done $0x0  }
0xa4: {  	[sflag:s23] =	ssyncadd.s32 $0xFFFFFFFF  }
0xa5: {  	s4 =	sld [smem:$0x0]  }
0xa6: {  	s5 =	sand.u32 $0xFFFFFFFE, s1  }
0xa7: {  	p0 =	sne.s32 s1, s5  }
0xa8: {  	s5 =	sshll.u32 @p0 s5, $0xE  }
0xa9: {  	s5 =	sadd.s32 @p0 $0x11B8D, s5;
	s6 =	sshll.u32 @p0 s4, $0x11  }
0xaa: {  	s5 =	sor.u32 @p0 s6, s5  }
0xab: {  	[sflag:s5] =	ssyncadd.remote.s32 @p0 $0x1;
	_ =	sdelay $0x1  }
0xac: {  	s5 =	simm.s32 @p0 $0x1B8D  }
0xad: {  	_ =	swait.eq @p0 [sflag:s5], $0x1  }
0xae: {  	[sflag:s5] =	ssyncadd.s32 @p0 $0xFFFFFFFF  }
0xaf: {  	s6 =	sshll.u32 @!p0 s1, $0xE  }
0xb0: {  	s6 =	sor.u32 @!p0 $0x4000, s6;
	s5 =	simm.s32 @!p0 $0x1B8D  }
0xb1: {  	s4 =	sshll.u32 @!p0 s4, $0x11;
	s6 =	sadd.s32 @!p0 $0x11B8D, s6;
	_ =	swait.eq @!p0 [sflag:s5], $0x1  }
0xb2: {  	s4 =	sor.u32 @!p0 s4, s6;
	[sflag:s5] =	ssyncadd.s32 @!p0 $0xFFFFFFFF  }
0xb3: {  	s25 =	simm.s32 $0x1B8E;
	s24 =	sld [smem:$0x3FFE];
	[sflag:s4] =	ssyncadd.remote.s32 @!p0 $0x1  }
0xb4: {  	s26 =	simm.s32 $execute0_lowered;
	[smem:$0x3FD2] =	sst s25  }
0xb5: {  	s5 =	sshll.u32 s26, $0x1;
	_ =	strace $0x80000049;
	[dreg:$0x1] =	wrdreg $0xFFFFFFFF  }
0xb6: {  	s28 =	simm.s32 $_size_execute0_lowered;
	s3 =	sadd.s32 s3, s5;
	[dreg:$0x0] =	wrdreg $0x0  }
0xb7: {  	s5 =	sshll.u32 s28, $0x1;
	[dreg:$0x2] =	wrdreg s3  }
0xb8: {  	[dreg:$0x3] =	wrdreg s5  }
0xb9: {  	[dreg:$0x4] =	wrdreg $0xC0  }
0xba: {  	_ =	task [dreg:s22], $0x5FFFF  }
0xbb: {  	[dreg:$0x1] =	wrdreg $0xFFFFFFFF  }
0xbc: {  	[dreg:$0x0] =	wrdreg $0x60  }
0xbd: {  	[dreg:$0x2] =	wrdreg s24  }
0xbe: {  	[dreg:$0x3] =	wrdreg $0xB  }
0xbf: {  	_ =	task.clear_ibuf [dreg:s22], $0x4FFFF;
	_ =	strace $0x90000049  }
0xc0: {  	s29 =	simm.s32 $0xB;
	_ =	strace $0x8000004B  }
0xc1: {  	_ =	swait.ge [sflag:s29], $0x1  }
0xc2: {  	[sflag:s29] =	ssyncadd.s32 $0xFFFFFFFF  }
0xc3: {  	_ =	strace $0x9000004B  }
0xc4: {  	_ =	sfence  }
0xc5: {  	s30 =	sld [smem:$0x0];
	_ =	sdelay $0x2  }
0xc6: {  	s31 =	sshll.u32 s1, $0xD;
	s1 =	sshrl.u32 s1, $0x2  }
0xc7: {  	s4 =	sand.u32 $0x4000, s31;
	s1 =	sadd.s32 s1, s30  }
0xc8: {  	s0 =	sor.u32 s4, s0;
	s1 =	sshll.u32 s1, $0x11  }
0xc9: {  	s0 =	sor.u32 s1, s0  }
0xca: {  	s0 =	sadd.s32 $0x8F2B, s0  }
0xcb: {  	[sflag:s0] =	ssyncadd.remote.s32 $0x1  }
0xcc: {  	_ =	sfence.sel $0xFFFF  }
0xcd: {  	[dreg:$0x0] =	wrdreg $0xFFFFFFFF;
	(pc) =	sbr.abs _section_cstart, $3  }
0xce: {  	[dreg:$0x1] =	wrdreg $0xFFFFFFFF  }
0xcf: {  	_ =	task.clear_ibuf [dreg:s22], $0x2FFFF;
	_ =	strace $0x9FFFFFFF  }
0xd0: {  	(tm) =	ssettm $0x7FFFFFFF  }
0xd1: {  	_ =	shalt  }
tec
execute0_lowered:
.L_overlay_start_1:
0x0: {  	(tag) =	ssettag $0x1  }
0x1: {  	s0 =	rddreg [dreg:$0x0];
	s1 =	simm.s32 $0x0  }
0x2: {  	s2 =	srdreg.scid;
	s9 =	stileid.u32;
	s10 =	simm.s32 $0x80  }
0x3: {  	s11 =	simm.s32 $0x800;
	s12 =	simm.s32 $0x1800;
	s13 =	simm.s32 $0x100  }
0x4: {  	s14 =	simm.s32 $0x2800;
	s15 =	simm.s32 $0x180;
	s16 =	simm.s32 $0x3800  }
0x5: {  	s22 =	simm.s32 $0x480;
	s23 =	simm.s32 $0x500;
	s24 =	simm.s32 $0x580  }
0x6: {  	s25 =	simm.s32 $0x600;
	s26 =	simm.s32 $0x680;
	s28 =	simm.s32 $0x2  }
0x7: {  	s29 =	simm.s32 $0x700;
	s30 =	simm.s32 $0x780;
	s31 =	simm.s32 $0x0  }
0x8: {  	[smem:$0x7FF] =	sst s1;
	s2 =	sand.u32 $0x1, s2;
	s7 =	sadd.s32 $0xBC00, s0  }
0x9: {  	s3 =	sadd.s32 $0x2200, s0;
	s0 =	sadd.s32 $0x14FC00, s0;
	s20 =	sshll.u32 s9, $0x7  }
0xa: {  	s21 =	sshll.u32 s9, $0xC;
	_ =	strace $0x8000004A;
	[dreg:$0x3] =	wrdreg s22  }
0xb: {  	s4 =	sshll.u32 s2, $0x4;
	s5 =	ssub.s32 $0x2, s2;
	[dreg:$0x4] =	wrdreg s23  }
0xc: {  	s19 =	sshll.u32 s2, $0xB;
	s2 =	sshll.u32 s2, $0x10;
	[dreg:$0x5] =	wrdreg s24  }
0xd: {  	s22 =	simm.s32 $0x6800;
	[dreg:$0x6] =	wrdreg s25;
	s23 =	simm.s32 $0x380  }
0xe: {  	s24 =	simm.s32 $0x7800;
	[dreg:$0x7] =	wrdreg s26;
	s4 =	sor.u32 s9, s4  }
0xf: {  	s25 =	simm.s32 $0x400;
	s26 =	simm.s32 $0x1;
	s6 =	sshll.u32 s4, $0x7  }
0x10: {  	s8 =	sshrl.u32 s5, $0x1;
	s4 =	sshll.u32 s4, $0xC;
	s6 =	sadd.s32 s6, s7  }
0x11: {  	s9 =	simm.s32 $0x3;
	s4 =	sadd.s32 s4, s0;
	s17 =	sadd.s32 $0x2000, s6  }
0x12: {  	s8 =	ssub.s32 s5, s8;
	s18 =	sadd.s32 $0x100000, s4;
	[dreg:$0x8] =	wrdreg s17  }
0x13: {  	s0 =	sadd.s32 s2, s0;
	s4 =	sadd.s32 $0x100800, s4;
	[dreg:$0x9] =	wrdreg s18  }
0x14: {  	s0 =	sadd.s32 s21, s0;
	s21 =	simm.s32 $0x300;
	[dreg:$0xa] =	wrdreg s4  }
0x15: {  	s4 =	sadd.s32 s19, s7;
	s7 =	smax.u32 s8, $0x1;
	[dreg:$0x2] =	wrdreg s0  }
0x16: {  	s17 =	simm.s32 $0x200;
	s18 =	simm.s32 $0x4800;
	s4 =	sadd.s32 s20, s4  }
0x17: {  	s19 =	simm.s32 $0x280;
	s20 =	simm.s32 $0x5800;
	s8 =	sadd.s32 $0xA000, s4  }
.LBB2_1:
0x18: {  	s0 =	rddreg [dreg:$0x8]  }
0x19: {  	[tilespmem:s1], [sflag:$0x3] =	stream.linear.gather [hbm4b:s0+s1], $0x400, $0x38;
	[tilespmem:$0x8800] =	vst v63  }
0x1a: {  	_ =	swait.ge [sflag:s9], $0x400  }
0x1b: {  	[sflag:s9] =	ssyncset.done $0x0  }
0x1c: {  	[sflag:s9] =	ssyncadd.s32 $0xFFFFFC00  }
0x1d: {  	[tilespmem:s11], [sflag:$0x1] =	stream.indirect.gather [hbm4b:s3+s10], $0x20, s1, s10, $0xb8;
	[tilespmem:$0x8800] =	vst v63  }
0x1e: {  	_ = 	snop  }
0x1f: {  	[tilespmem:s12], [sflag:$0x1] =	stream.indirect.gather [hbm4b:s3+s10], $0x20, s10, s10, $0xb8;
	[tilespmem:$0x8800] =	vst v63  }
0x20: {  	_ = 	snop  }
0x21: {  	[tilespmem:s14], [sflag:$0x1] =	stream.indirect.gather [hbm4b:s3+s10], $0x20, s13, s10, $0xb8;
	[tilespmem:$0x8800] =	vst v63  }
0x22: {  	_ = 	snop  }
0x23: {  	[tilespmem:s16], [sflag:$0x1] =	stream.indirect.gather [hbm4b:s3+s10], $0x20, s15, s10, $0xb8;
	[tilespmem:$0x8800] =	vst v63  }
0x24: {  	_ = 	snop  }
0x25: {  	[tilespmem:s18], [sflag:$0x2] =	stream.indirect.gather [hbm4b:s3+s10], $0x20, s17, s10, $0xb8;
	[tilespmem:$0x8800] =	vst v63  }
0x26: {  	_ = 	snop  }
0x27: {  	[tilespmem:s20], [sflag:$0x2] =	stream.indirect.gather [hbm4b:s3+s10], $0x20, s19, s10, $0xb8;
	[tilespmem:$0x8800] =	vst v63  }
0x28: {  	_ = 	snop  }
0x29: {  	[tilespmem:s22], [sflag:$0x2] =	stream.indirect.gather [hbm4b:s3+s10], $0x20, s21, s10, $0xb8;
	[tilespmem:$0x8800] =	vst v63  }
0x2a: {  	_ = 	snop  }
0x2b: {  	[tilespmem:s24], [sflag:$0x2] =	stream.indirect.gather [hbm4b:s3+s10], $0x20, s23, s10, $0xb8;
	[tilespmem:$0x8800] =	vst v63  }
0x2c: {  	s2 =	sadd.s32 $0xFFFFC000, s8  }
0x2d: {  	[tilespmem:s25], [sflag:$0x3] =	stream.linear.gather [hbm4b:s2+s1], $0x400, $0x38;
	[tilespmem:$0x8800] =	vst v63  }
0x2e: {  	_ =	swait.ge [sflag:s9], $0x400  }
0x2f: {  	[sflag:s9] =	ssyncset.done $0x0  }
0x30: {  	[sflag:s9] =	ssyncadd.s32 $0xFFFFFC00  }
0x31: {  	_ =	swait.ge [sflag:s26], $0x4000  }
0x32: {  	s4 =	rddreg [dreg:$0x2];
	[sflag:s26] =	ssyncset.done $0x0  }
0x33: {  	[sflag:s26] =	ssyncadd.s32 $0xFFFFC000;
	s0 =	sadd.s32 $0x0, s4  }
0x34: {  	[hbm4b:s0+s1] =	stream.linear.scatter [tilespmem:s11], [sflag:$0x3], $0x4000, $0x38;
	[tilespmem:$0x8800] =	vst v63  }
0x35: {  	_ =	swait.ge [sflag:s9], $0x4000  }
0x36: {  	[sflag:s9] =	ssyncset.done $0x0  }
0x37: {  	[sflag:s9] =	ssyncadd.s32 $0xFFFFC000  }
0x38: {  	[tilespmem:s11], [sflag:$0x1] =	stream.indirect.gather [hbm4b:s3+s10], $0x20, s25, s10, $0xb8;
	[tilespmem:$0x8800] =	vst v63  }
0x39: {  	s2 =	rddreg [dreg:$0x3]  }
0x3a: {  	[tilespmem:s12], [sflag:$0x1] =	stream.indirect.gather [hbm4b:s3+s10], $0x20, s2, s10, $0xb8;
	[tilespmem:$0x8800] =	vst v63  }
0x3b: {  	s4 =	rddreg [dreg:$0x4]  }
0x3c: {  	[tilespmem:s14], [sflag:$0x1] =	stream.indirect.gather [hbm4b:s3+s10], $0x20, s4, s10, $0xb8;
	[tilespmem:$0x8800] =	vst v63  }
0x3d: {  	s5 =	rddreg [dreg:$0x5]  }
0x3e: {  	[tilespmem:s16], [sflag:$0x1] =	stream.indirect.gather [hbm4b:s3+s10], $0x20, s5, s10, $0xb8;
	[tilespmem:$0x8800] =	vst v63  }
0x3f: {  	_ =	swait.ge [sflag:s28], $0x4000  }
0x40: {  	[sflag:s28] =	ssyncset.done $0x0  }
0x41: {  	s6 =	sadd.s32 $0x800, s0;
	[sflag:s28] =	ssyncadd.s32 $0xFFFFC000  }
0x42: {  	[hbm4b:s6+s1] =	stream.linear.scatter [tilespmem:s18], [sflag:$0x3], $0x4000, $0x38;
	[tilespmem:$0x8800] =	vst v63  }
0x43: {  	_ =	swait.ge [sflag:s9], $0x4000  }
0x44: {  	[sflag:s9] =	ssyncset.done $0x0  }
0x45: {  	s4 =	rddreg [dreg:$0x6];
	[sflag:s9] =	ssyncadd.s32 $0xFFFFC000  }
0x46: {  	[tilespmem:s18], [sflag:$0x2] =	stream.indirect.gather [hbm4b:s3+s10], $0x20, s4, s10, $0xb8;
	[tilespmem:$0x8800] =	vst v63  }
0x47: {  	s5 =	rddreg [dreg:$0x7]  }
0x48: {  	[tilespmem:s20], [sflag:$0x2] =	stream.indirect.gather [hbm4b:s3+s10], $0x20, s5, s10, $0xb8;
	[tilespmem:$0x8800] =	vst v63  }
0x49: {  	_ = 	snop  }
0x4a: {  	[tilespmem:s22], [sflag:$0x2] =	stream.indirect.gather [hbm4b:s3+s10], $0x20, s29, s10, $0xb8;
	[tilespmem:$0x8800] =	vst v63  }
0x4b: {  	_ = 	snop  }
0x4c: {  	[tilespmem:s24], [sflag:$0x2] =	stream.indirect.gather [hbm4b:s3+s10], $0x20, s30, s10, $0xb8;
	[tilespmem:$0x8800] =	vst v63  }
0x4d: {  	_ = 	snop  }
0x4e: {  	[tilespmem:s1], [sflag:$0x3] =	stream.linear.gather [hbm4b:s8+s1], $0x400, $0x38;
	[tilespmem:$0x8800] =	vst v63  }
0x4f: {  	_ =	swait.ge [sflag:s9], $0x400  }
0x50: {  	[sflag:s9] =	ssyncset.done $0x0  }
0x51: {  	[sflag:s9] =	ssyncadd.s32 $0xFFFFFC00  }
0x52: {  	_ =	swait.ge [sflag:s26], $0x4000  }
0x53: {  	[sflag:s26] =	ssyncset.done $0x0  }
0x54: {  	s6 =	sadd.s32 $0x20000, s0;
	[sflag:s26] =	ssyncadd.s32 $0xFFFFC000  }
0x55: {  	[hbm4b:s6+s1] =	stream.linear.scatter [tilespmem:s11], [sflag:$0x3], $0x4000, $0x38;
	[tilespmem:$0x8800] =	vst v63  }
0x56: {  	_ =	swait.ge [sflag:s9], $0x4000  }
0x57: {  	[sflag:s9] =	ssyncset.done $0x0  }
0x58: {  	[sflag:s9] =	ssyncadd.s32 $0xFFFFC000  }
0x59: {  	[tilespmem:s11], [sflag:$0x1] =	stream.indirect.gather [hbm4b:s3+s10], $0x20, s1, s10, $0xb8;
	[tilespmem:$0x8800] =	vst v63  }
0x5a: {  	_ = 	snop  }
0x5b: {  	[tilespmem:s12], [sflag:$0x1] =	stream.indirect.gather [hbm4b:s3+s10], $0x20, s10, s10, $0xb8;
	[tilespmem:$0x8800] =	vst v63  }
0x5c: {  	_ = 	snop  }
0x5d: {  	[tilespmem:s14], [sflag:$0x1] =	stream.indirect.gather [hbm4b:s3+s10], $0x20, s13, s10, $0xb8;
	[tilespmem:$0x8800] =	vst v63  }
0x5e: {  	_ = 	snop  }
0x5f: {  	[tilespmem:s16], [sflag:$0x1] =	stream.indirect.gather [hbm4b:s3+s10], $0x20, s15, s10, $0xb8;
	[tilespmem:$0x8800] =	vst v63  }
0x60: {  	_ =	swait.ge [sflag:s28], $0x4000  }
0x61: {  	[sflag:s28] =	ssyncset.done $0x0  }
0x62: {  	s0 =	sadd.s32 $0x20800, s0;
	[sflag:s28] =	ssyncadd.s32 $0xFFFFC000  }
0x63: {  	[hbm4b:s0+s1] =	stream.linear.scatter [tilespmem:s18], [sflag:$0x3], $0x4000, $0x38;
	[tilespmem:$0x8800] =	vst v63  }
0x64: {  	_ =	swait.ge [sflag:s9], $0x4000  }
0x65: {  	[sflag:s9] =	ssyncset.done $0x0  }
0x66: {  	[sflag:s9] =	ssyncadd.s32 $0xFFFFC000  }
0x67: {  	[tilespmem:s18], [sflag:$0x2] =	stream.indirect.gather [hbm4b:s3+s10], $0x20, s17, s10, $0xb8;
	[tilespmem:$0x8800] =	vst v63  }
0x68: {  	_ = 	snop  }
0x69: {  	[tilespmem:s20], [sflag:$0x2] =	stream.indirect.gather [hbm4b:s3+s10], $0x20, s19, s10, $0xb8;
	[tilespmem:$0x8800] =	vst v63  }
0x6a: {  	s2 =	sadd.s32 $0x8000, s8;
	s0 =	simm.s32 $0x40000  }
0x6b: {  	[tilespmem:s22], [sflag:$0x2] =	stream.indirect.gather [hbm4b:s3+s10], $0x20, s21, s10, $0xb8;
	[tilespmem:$0x8800] =	vst v63  }
.LBB2_2:
0x6c: {  	[tilespmem:s24], [sflag:$0x2] =	stream.indirect.gather [hbm4b:s3+s10], $0x20, s23, s10, $0xb8;
	[tilespmem:$0x8800] =	vst v63  }
0x6d: {  	s5 =	sadd.s32 $0xFFFFC000, s2  }
0x6e: {  	[tilespmem:s25], [sflag:$0x3] =	stream.linear.gather [hbm4b:s5+s1], $0x400, $0x38;
	[tilespmem:$0x8800] =	vst v63  }
0x6f: {  	_ =	swait.ge [sflag:s9], $0x400  }
0x70: {  	[sflag:s9] =	ssyncset.done $0x0  }
0x71: {  	[sflag:s9] =	ssyncadd.s32 $0xFFFFFC00  }
0x72: {  	_ =	swait.ge [sflag:s26], $0x4000  }
0x73: {  	s4 =	smov.u32 s0;
	s6 =	rddreg [dreg:$0x2];
	[sflag:s26] =	ssyncset.done $0x0  }
0x74: {  	[sflag:s26] =	ssyncadd.s32 $0xFFFFC000;
	s4 =	sadd.s32 s4, s6  }
0x75: {  	[hbm4b:s4+s1] =	stream.linear.scatter [tilespmem:s11], [sflag:$0x3], $0x4000, $0x38;
	[tilespmem:$0x8800] =	vst v63  }
0x76: {  	_ =	swait.ge [sflag:s9], $0x4000  }
0x77: {  	[sflag:s9] =	ssyncset.done $0x0  }
0x78: {  	[sflag:s9] =	ssyncadd.s32 $0xFFFFC000  }
0x79: {  	[tilespmem:s11], [sflag:$0x1] =	stream.indirect.gather [hbm4b:s3+s10], $0x20, s25, s10, $0xb8;
	[tilespmem:$0x8800] =	vst v63  }
0x7a: {  	s5 =	rddreg [dreg:$0x3]  }
0x7b: {  	[tilespmem:s12], [sflag:$0x1] =	stream.indirect.gather [hbm4b:s3+s10], $0x20, s5, s10, $0xb8;
	[tilespmem:$0x8800] =	vst v63  }
0x7c: {  	s6 =	rddreg [dreg:$0x4]  }
0x7d: {  	[tilespmem:s14], [sflag:$0x1] =	stream.indirect.gather [hbm4b:s3+s10], $0x20, s6, s10, $0xb8;
	[tilespmem:$0x8800] =	vst v63  }
0x7e: {  	s5 =	rddreg [dreg:$0x5]  }
0x7f: {  	[tilespmem:s16], [sflag:$0x1] =	stream.indirect.gather [hbm4b:s3+s10], $0x20, s5, s10, $0xb8;
	[tilespmem:$0x8800] =	vst v63  }
0x80: {  	_ =	swait.ge [sflag:s28], $0x4000  }
0x81: {  	[sflag:s28] =	ssyncset.done $0x0  }
0x82: {  	s6 =	sadd.s32 $0x800, s4;
	[sflag:s28] =	ssyncadd.s32 $0xFFFFC000  }
0x83: {  	[hbm4b:s6+s1] =	stream.linear.scatter [tilespmem:s18], [sflag:$0x3], $0x4000, $0x38;
	[tilespmem:$0x8800] =	vst v63  }
0x84: {  	_ =	swait.ge [sflag:s9], $0x4000  }
0x85: {  	[sflag:s9] =	ssyncset.done $0x0  }
0x86: {  	s5 =	rddreg [dreg:$0x6];
	[sflag:s9] =	ssyncadd.s32 $0xFFFFC000  }
0x87: {  	[tilespmem:s18], [sflag:$0x2] =	stream.indirect.gather [hbm4b:s3+s10], $0x20, s5, s10, $0xb8;
	[tilespmem:$0x8800] =	vst v63  }
0x88: {  	s6 =	rddreg [dreg:$0x7]  }
0x89: {  	[tilespmem:s20], [sflag:$0x2] =	stream.indirect.gather [hbm4b:s3+s10], $0x20, s6, s10, $0xb8;
	[tilespmem:$0x8800] =	vst v63  }
0x8a: {  	_ = 	snop  }
0x8b: {  	[tilespmem:s22], [sflag:$0x2] =	stream.indirect.gather [hbm4b:s3+s10], $0x20, s29, s10, $0xb8;
	[tilespmem:$0x8800] =	vst v63  }
0x8c: {  	_ = 	snop  }
0x8d: {  	[tilespmem:s24], [sflag:$0x2] =	stream.indirect.gather [hbm4b:s3+s10], $0x20, s30, s10, $0xb8;
	[tilespmem:$0x8800] =	vst v63  }
0x8e: {  	_ = 	snop  }
0x8f: {  	[tilespmem:s1], [sflag:$0x3] =	stream.linear.gather [hbm4b:s2+s1], $0x400, $0x38;
	[tilespmem:$0x8800] =	vst v63  }
0x90: {  	_ =	swait.ge [sflag:s9], $0x400  }
0x91: {  	[sflag:s9] =	ssyncset.done $0x0  }
0x92: {  	[sflag:s9] =	ssyncadd.s32 $0xFFFFFC00  }
0x93: {  	_ =	swait.ge [sflag:s26], $0x4000  }
0x94: {  	[sflag:s26] =	ssyncset.done $0x0  }
0x95: {  	s6 =	sadd.s32 $0x20000, s4;
	[sflag:s26] =	ssyncadd.s32 $0xFFFFC000  }
0x96: {  	[hbm4b:s6+s1] =	stream.linear.scatter [tilespmem:s11], [sflag:$0x3], $0x4000, $0x38;
	[tilespmem:$0x8800] =	vst v63  }
0x97: {  	_ =	swait.ge [sflag:s9], $0x4000  }
0x98: {  	[sflag:s9] =	ssyncset.done $0x0  }
0x99: {  	[sflag:s9] =	ssyncadd.s32 $0xFFFFC000  }
0x9a: {  	[tilespmem:s11], [sflag:$0x1] =	stream.indirect.gather [hbm4b:s3+s10], $0x20, s1, s10, $0xb8;
	[tilespmem:$0x8800] =	vst v63  }
0x9b: {  	_ = 	snop  }
0x9c: {  	[tilespmem:s12], [sflag:$0x1] =	stream.indirect.gather [hbm4b:s3+s10], $0x20, s10, s10, $0xb8;
	[tilespmem:$0x8800] =	vst v63  }
0x9d: {  	_ = 	snop  }
0x9e: {  	[tilespmem:s14], [sflag:$0x1] =	stream.indirect.gather [hbm4b:s3+s10], $0x20, s13, s10, $0xb8;
	[tilespmem:$0x8800] =	vst v63  }
0x9f: {  	_ = 	snop  }
0xa0: {  	[tilespmem:s16], [sflag:$0x1] =	stream.indirect.gather [hbm4b:s3+s10], $0x20, s15, s10, $0xb8;
	[tilespmem:$0x8800] =	vst v63  }
0xa1: {  	_ =	swait.ge [sflag:s28], $0x4000  }
0xa2: {  	[sflag:s28] =	ssyncset.done $0x0  }
0xa3: {  	s4 =	sadd.s32 $0x20800, s4;
	[sflag:s28] =	ssyncadd.s32 $0xFFFFC000  }
0xa4: {  	[hbm4b:s4+s1] =	stream.linear.scatter [tilespmem:s18], [sflag:$0x3], $0x4000, $0x38;
	[tilespmem:$0x8800] =	vst v63  }
0xa5: {  	_ =	swait.ge [sflag:s9], $0x4000  }
0xa6: {  	[sflag:s9] =	ssyncset.done $0x0  }
0xa7: {  	p0 =	sne.s32 s0, $0xC0000;
	[sflag:s9] =	ssyncadd.s32 $0xFFFFC000  }
0xa8: {  	[tilespmem:s18], [sflag:$0x2] =	stream.indirect.gather [hbm4b:s3+s10], $0x20, s17, s10, $0xb8;
	[tilespmem:$0x8800] =	vst v63  }
.Ltmp0:
0xa9: {  	_ = 	snop;
	(pc) =	sbr.rel @p0 .LBB2_2-.Ltmp0, $4  }
0xaa: {  	_ = 	snop  }
0xab: {  	[tilespmem:s20], [sflag:$0x2] =	stream.indirect.gather [hbm4b:s3+s10], $0x20, s19, s10, $0xb8;
	[tilespmem:$0x8800] =	vst v63  }
0xac: {  	s0 =	sadd.s32 $0x40000, s0;
	s2 =	sadd.s32 $0x8000, s2  }
0xad: {  	[tilespmem:s22], [sflag:$0x2] =	stream.indirect.gather [hbm4b:s3+s10], $0x20, s21, s10, $0xb8;
	[tilespmem:$0x8800] =	vst v63  }
0xae: {  	[tilespmem:s24], [sflag:$0x2] =	stream.indirect.gather [hbm4b:s3+s10], $0x20, s23, s10, $0xb8;
	[tilespmem:$0x8800] =	vst v63  }
0xaf: {  	_ =	swait.ge [sflag:s26], $0x4000  }
0xb0: {  	[sflag:s26] =	ssyncset.done $0x0  }
0xb1: {  	s0 =	rddreg [dreg:$0x9];
	[sflag:s26] =	ssyncadd.s32 $0xFFFFC000  }
0xb2: {  	[hbm4b:s0+s1] =	stream.linear.scatter [tilespmem:s11], [sflag:$0x3], $0x4000, $0x38;
	[tilespmem:$0x8800] =	vst v63  }
0xb3: {  	_ =	swait.ge [sflag:s9], $0x4000  }
0xb4: {  	[sflag:s9] =	ssyncset.done $0x0  }
0xb5: {  	[sflag:s9] =	ssyncadd.s32 $0xFFFFC000  }
0xb6: {  	s31 =	sadd.s32 $0x1, s31;
	_ =	swait.ge [sflag:s28], $0x4000  }
0xb7: {  	p0 =	sne.s32 s31, s7;
	[sflag:s28] =	ssyncset.done $0x0  }
.Ltmp1:
0xb8: {  	s6 =	rddreg [dreg:$0xa];
	[sflag:s28] =	ssyncadd.s32 $0xFFFFC000;
	(pc) =	sbr.rel @p0 .LBB2_1-.Ltmp1, $4  }
0xb9: {  	[hbm4b:s6+s1] =	stream.linear.scatter [tilespmem:s18], [sflag:$0x3], $0x4000, $0x38;
	[tilespmem:$0x8800] =	vst v63  }
0xba: {  	_ =	swait.ge [sflag:s9], $0x4000  }
0xbb: {  	[sflag:s9] =	ssyncset.done $0x0  }
0xbc: {  	[sflag:s9] =	ssyncadd.s32 $0xFFFFC000  }
0xbd: {  	_ =	sfence.sel $0x180000  }
0xbe: {  	[bflag:$0x0] =	sbarrier.arrive $0xFFFF  }
0xbf: {  	_ =	strace $0x9000004A  }
0xc0: {  	s0 =	stileid.u32;
	[bflag:$0x2] =	sbarrier.arrive $0xFFFF  }
0xc1: {  	p0 =	sne.s32 s0, $0x0;
	s0 =	rddreg [dreg:$0x1]  }
0xc2: {  	s0 =	sadd.s32 @!p0 $0x100000, s0  }
0xc3: {  	[sflag:s0] =	ssyncadd.tile.s32 @!p0 $0x1;
	_ =	shalt  }
.Lfunc_end2:
_tile_overlayer_lowered:
.L_overlay_start_2:
0xc4: {  	(tag) =	ssettag $0x2  }
0xc5: {  	s0 =	rddreg [dreg:$0x0];
	s2 =	stileid.u32  }
0xc6: {  	s1 =	rddreg [dreg:$0x1];
	p0 =	sne.s32 s2, $0x0  }
0xc7: {  	s3 =	rddreg [dreg:$0x2];
	[bflag:$0x3] =	sbarrier.arrive $0xFFFF;
	s2 =	simm.s32 @!p0 $0x1C03  }
0xc8: {  	[timem:s3], [sflag:s2] =	dma.local @!p0 [hbm:s0], s1  }
0xc9: {  	s0 =	simm.s32 @!p0 $0x3  }
0xca: {  	_ =	swait.ge @!p0 [sflag:s0], s1  }
0xcb: {  	s1 =	ssub.s32 @!p0 $0x0, s1;
	[sflag:s0] =	ssyncset.done @!p0 $0x0  }
0xcc: {  	[sflag:s0] =	ssyncadd.s32 @!p0 s1  }
0xcd: {  	[bflag:$0x3] =	sbarrier.arrive $0xFFFF  }
0xce: {  	_ =	shalt  }

// kernel: kernel.19.cloned.1.call-start
scs
__scs_entry_jumppad:
0x0: {  	(pc) =	sbr.rel $0x88, $3  }
0x1: {  	(tag) =	ssettag $0x0;
	lr =	simm.s32 $0x1  }
0x2: {  	[smem:$0x3F97] =	sst lr;
	_ =	strace $0xD0000000  }
0x3: {  	_ = 	snop  }
0x4: {  	_ = 	snop  }
0x5: {  	_ = 	snop  }
0x6: {  	_ = 	snop  }
0x7: {  	_ = 	snop  }
__scs_overlays_trampoline_lowered:
0x8: {  	[smem:$0x3FA6] =	sst s0  }
0x9: {  	[smem:$0x3FA7] =	sst s1  }
0xa: {  	[smem:$0x3FA8] =	sst s2  }
0xb: {  	[smem:$0x3FA9] =	sst s3  }
0xc: {  	[smem:$0x3FAA] =	sst s4  }
0xd: {  	[smem:$0x3FAB] =	sst s5  }
0xe: {  	[smem:$0x3FAC] =	sst s6  }
0xf: {  	[smem:$0x3FAD] =	sst s7  }
0x10: {  	[smem:$0x3FAE] =	sst s8  }
0x11: {  	[smem:$0x3FAF] =	sst s9;
	s0 =	simm.s32 @!p0 $0x0  }
0x12: {  	s1 =	sld [smem:$0x3F95];
	s0 =	simm.s32 @p0 $0x1  }
0x13: {  	[smem:$0x3FB0] =	sst s0;
	s0 =	simm.s32 @!p1 $0x0  }
0x14: {  	s2 =	sld [smem:$0x3F94];
	s0 =	simm.s32 @p1 $0x1  }
0x15: {  	[smem:$0x3FB1] =	sst s0;
	s0 =	simm.s32 @!p2 $0x0  }
0x16: {  	s3 =	sld [smem:$0x3FDB];
	s0 =	simm.s32 @p2 $0x1  }
0x17: {  	s4 =	simm.s32 $0x1BF5;
	[smem:$0x3FB3] =	sst s0  }
0x18: {  	s0 =	sld [smem:$0x3F96];
	_ =	swait.ge [sflag:s4], $0x0  }
0x19: {  	s7 =	sld [smem:$0x3F97]  }
0x1a: {  	s8 =	sadd.s32 $0xFFFFE003, lr  }
0x1b: {  	s9 =	sadd.s32 $0xFFFFFEF7, lr;
	s5 =	simm.s32 $0xFFFFFFFF;
	p2 =	slt.u32 s8, $0xFFFFF086  }
0x1c: {  	p1 =	slt.u32 s9, $0xF7A;
	s5 =	simm.s32 @!p2 $0x0  }
0x1d: {  	s5 =	simm.s32 @p1 $0x1;
	p0 =	seq.s32 s7, s2  }
0x1e: {  	s7 =	smul.u32 @!p0 $0xF7A, s2;
	p2 =	seq.s32 @!p0 s5, $0x0  }
0x1f: {  	s9 =	smul.u32 $0xF7A, s1;
	s8 =	simm.s32 @!p0 $0x1BF5;
	p2 =	por !p2, p0  }
0x20: {  	[sflag:s8] =	ssyncset.s32 @!p0 $0xFFFFF086;
	s6 =	sadd.s32 @!p0 s3, s7;
	s7 =	simm.s32 @!p0 $0x108  }
0x21: {  	s3 =	sadd.s32 s3, s9;
	s6 =	sadd.s32 @!p0 $0x88, s6;
	s7 =	simm.s32 @p2 $0x1082  }
0x22: {  	[simem:s7], [sflag:s8] =	dma.local @!p0 [hbm:s6], $0xF7A  }
0x23: {  	s9 =	sor.u32 $0xD0000000, s2;
	s6 =	simm.s32 $0x108;
	_ =	swait.ge @!p0 [sflag:s8], $0x0  }
0x24: {  	s3 =	sadd.s32 $0x88, s3;
	s6 =	simm.s32 @!p1 $0x1082;
	[sflag:s4] =	ssyncset.s32 $0xFFFFF086  }
0x25: {  	[simem:s6], [sflag:s4] =	dma.local [hbm:s3], $0xF7A  }
0x26: {  	[smem:$0x3F97] =	sst s1;
	(tag) =	ssettag s2;
	_ =	strace s9  }
0x27: {  	s1 =	sld [smem:$0x3FA7]  }
0x28: {  	s2 =	sld [smem:$0x3FA8]  }
0x29: {  	s4 =	sld [smem:$0x3FAA]  }
0x2a: {  	p0 =	seq.s32 s5, $0x0;
	s5 =	sld [smem:$0x3FAB]  }
0x2b: {  	s6 =	sld [smem:$0x3FAC]  }
0x2c: {  	s7 =	sld [smem:$0x3FAD]  }
0x2d: {  	s3 =	simm.s32 $0x108;
	s8 =	sld [smem:$0x3FAE]  }
0x2e: {  	s3 =	simm.s32 @!p0 $0x1082;
	s9 =	sld [smem:$0x3FAF]  }
0x2f: {  	lr =	sadd.s32 s0, s3;
	s0 =	sld [smem:$0x3FA6]  }
0x30: {  	s3 =	sld [smem:$0x3FA9]  }
0x31: {  	[smem:$0x3FB2] =	sst s10  }
0x32: {  	s10 =	sld [smem:$0x3FB0];
	_ =	sdelay $0x3  }
0x33: {  	p0 =	seq.s32 s10, $0x1;
	s10 =	sld [smem:$0x3FB2];
	_ =	sdelay $0x3  }
0x34: {  	[smem:$0x3FB2] =	sst s10  }
0x35: {  	s10 =	sld [smem:$0x3FB1];
	_ =	sdelay $0x3  }
0x36: {  	p1 =	seq.s32 s10, $0x1;
	s10 =	sld [smem:$0x3FB2];
	_ =	sdelay $0x3  }
0x37: {  	[smem:$0x3FB2] =	sst s10  }
0x38: {  	s10 =	sld [smem:$0x3FB3]  }
0x39: {  	_ = 	snop;
	(pc) =	sbr.ind lr, $3  }
0x3a: {  	_ = 	snop  }
0x3b: {  	_ = 	snop  }
0x3c: {  	p2 =	seq.s32 s10, $0x1;
	s10 =	sld [smem:$0x3FB2]  }
0x3d: {  	_ =	shalt  }
0x3e: {  	_ =	shalt  }
0x3f: {  	_ =	shalt  }
0x40: {  	_ =	shalt  }
0x41: {  	_ =	shalt  }
0x42: {  	_ =	shalt  }
0x43: {  	_ =	shalt  }
0x44: {  	_ =	shalt  }
0x45: {  	_ =	shalt  }
0x46: {  	_ =	shalt  }
0x47: {  	_ =	shalt  }
0x48: {  	_ =	shalt  }
0x49: {  	_ =	shalt  }
0x4a: {  	_ =	shalt  }
0x4b: {  	_ =	shalt  }
0x4c: {  	_ =	shalt  }
0x4d: {  	_ =	shalt  }
0x4e: {  	_ =	shalt  }
0x4f: {  	_ =	shalt  }
0x50: {  	_ =	shalt  }
0x51: {  	_ =	shalt  }
0x52: {  	_ =	shalt  }
0x53: {  	_ =	shalt  }
0x54: {  	_ =	shalt  }
0x55: {  	_ =	shalt  }
0x56: {  	_ =	shalt  }
0x57: {  	_ =	shalt  }
0x58: {  	_ =	shalt  }
0x59: {  	_ =	shalt  }
0x5a: {  	_ =	shalt  }
0x5b: {  	_ =	shalt  }
0x5c: {  	_ =	shalt  }
0x5d: {  	_ =	shalt  }
0x5e: {  	_ =	shalt  }
0x5f: {  	_ =	shalt  }
0x60: {  	_ =	shalt  }
0x61: {  	_ =	shalt  }
0x62: {  	_ =	shalt  }
0x63: {  	_ =	shalt  }
0x64: {  	_ =	shalt  }
0x65: {  	_ =	shalt  }
0x66: {  	_ =	shalt  }
0x67: {  	_ =	shalt  }
0x68: {  	_ =	shalt  }
0x69: {  	_ =	shalt  }
0x6a: {  	_ =	shalt  }
0x6b: {  	_ =	shalt  }
0x6c: {  	_ =	shalt  }
0x6d: {  	_ =	shalt  }
0x6e: {  	_ =	shalt  }
0x6f: {  	_ =	shalt  }
0x70: {  	_ =	shalt  }
0x71: {  	_ =	shalt  }
0x72: {  	_ =	shalt  }
0x73: {  	_ =	shalt  }
0x74: {  	_ =	shalt  }
0x75: {  	_ =	shalt  }
0x76: {  	_ =	shalt  }
0x77: {  	_ =	shalt  }
0x78: {  	_ =	shalt  }
0x79: {  	_ =	shalt  }
0x7a: {  	_ =	shalt  }
0x7b: {  	_ =	shalt  }
0x7c: {  	_ =	shalt  }
0x7d: {  	_ =	shalt  }
0x7e: {  	_ =	shalt  }
0x7f: {  	_ =	shalt  }
0x80: {  	_ =	shalt  }
0x81: {  	_ =	shalt  }
0x82: {  	_ =	shalt  }
0x83: {  	_ =	shalt  }
0x84: {  	_ =	shalt  }
0x85: {  	_ =	shalt  }
0x86: {  	_ =	shalt  }
0x87: {  	_ =	shalt  }
.Lfunc_end0:
.L_simem_size_0:
called_computation.3_lowered:
.L_overlay_start_0:
0x88: {  	s2 =	sld [smem:$0x3FD9]  }
0x89: {  	s3 =	sld [smem:$0x3FFE];
	_ =	sdelay $0x1  }
0x8a: {  	s1 =	srdreg.scid  }
0x8b: {  	s0 =	sand.u32 $0x1, s1  }
0x8c: {  	s16 =	sshll.u32 s0, $0xA;
	s2 =	sadd.s32 s3, s2  }
0x8d: {  	s2 =	sadd.s32 s2, s16  }
0x8e: {  	[smem:$0x3FBE] =	sst s2  }
0x8f: {  	_ = 	snop  }
0x90: {  	(tm) =	ssettm $0x1  }
0x91: {  	s17 =	sld [smem:$0x3FFB];
	_ =	sdelay $0x3  }
0x92: {  	_ =	strace s17  }
0x93: {  	s2 =	sld [smem:$0x3FFC];
	_ =	sdelay $0x3  }
0x94: {  	_ =	strace s2  }
0x95: {  	s2 =	sld [smem:$0x3FFD];
	_ =	sdelay $0x3  }
0x96: {  	_ =	strace s2  }
0x97: {  	_ =	strace $0x8FFFFFFF  }
0x98: {  	s18 =	sld [smem:$0x3FDB];
	_ =	sdelay $0x1  }
0x99: {  	s19 =	simm.s32 $_scs_section_size  }
0x9a: {  	s4 =	simm.s32 $_size__tile_overlayer_lowered;
	s5 =	simm.s32 $_tile_overlayer_lowered  }
0x9b: {  	s22 =	simm.s32 $0x1BFF;
	s21 =	sshll.u32 s5, $0x1;
	s2 =	sadd.s32 s19, s18  }
0x9c: {  	s6 =	simm.s32 $0x0;
	s20 =	sshll.u32 s4, $0x1;
	s4 =	sadd.s32 s21, s2  }
0x9d: {  	[timem:s6], [sflag:s22] =	dma.local [hbm:s4], s20  }
0x9e: {  	_ =	swait.ge [sflag:s22], s20  }
0x9f: {  	s3 =	ssub.s32 $0x0, s20;
	[sflag:s22] =	ssyncset.done $0x0  }
0xa0: {  	[sflag:s22] =	ssyncadd.s32 s3;
	_ =	sdelay $0x1  }
0xa1: {  	s23 =	simm.s32 $0x1B8B  }
0xa2: {  	_ =	swait.ge [sflag:s23], $0x1  }
0xa3: {  	[sflag:s23] =	ssyncset.done $0x0  }
0xa4: {  	s25 =	simm.s32 $0x1B8E;
	s24 =	sld [smem:$0x3FFE];
	[sflag:s23] =	ssyncadd.s32 $0xFFFFFFFF  }
0xa5: {  	s26 =	simm.s32 $execute0_lowered;
	[smem:$0x3FD2] =	sst s25  }
0xa6: {  	s4 =	sshll.u32 s26, $0x1;
	_ =	strace $0x80000046;
	[dreg:$0x1] =	wrdreg $0xFFFFFFFF  }
0xa7: {  	s28 =	simm.s32 $_size_execute0_lowered;
	s2 =	sadd.s32 s2, s4;
	[dreg:$0x0] =	wrdreg $0x0  }
0xa8: {  	s4 =	sshll.u32 s28, $0x1;
	[dreg:$0x2] =	wrdreg s2  }
0xa9: {  	[dreg:$0x3] =	wrdreg s4  }
0xaa: {  	[dreg:$0x4] =	wrdreg $0xC0  }
0xab: {  	_ =	task [dreg:s6], $0x5FFFF  }
0xac: {  	[dreg:$0x1] =	wrdreg $0xFFFFFFFF  }
0xad: {  	[dreg:$0x0] =	wrdreg $0x60  }
0xae: {  	[dreg:$0x2] =	wrdreg s24  }
0xaf: {  	[dreg:$0x3] =	wrdreg $0xC  }
0xb0: {  	_ =	task.clear_ibuf [dreg:s6], $0x4FFFF;
	_ =	strace $0x90000046  }
0xb1: {  	s29 =	simm.s32 $0xC;
	_ =	strace $0x80000048  }
0xb2: {  	_ =	swait.ge [sflag:s29], $0x1  }
0xb3: {  	[sflag:s29] =	ssyncadd.s32 $0xFFFFFFFF  }
0xb4: {  	_ =	strace $0x90000048  }
0xb5: {  	_ =	sfence  }
0xb6: {  	s30 =	sld [smem:$0x0];
	_ =	sdelay $0x2  }
0xb7: {  	s31 =	sshll.u32 s1, $0xD;
	s1 =	sshrl.u32 s1, $0x2  }
0xb8: {  	s3 =	sand.u32 $0x4000, s31;
	s1 =	sadd.s32 s1, s30  }
0xb9: {  	s0 =	sor.u32 s3, s0;
	s1 =	sshll.u32 s1, $0x11  }
0xba: {  	s0 =	sor.u32 s1, s0  }
0xbb: {  	s0 =	sadd.s32 $0x8F2B, s0  }
0xbc: {  	[sflag:s0] =	ssyncadd.remote.s32 $0x1  }
0xbd: {  	_ =	sfence.sel $0xFFFF  }
0xbe: {  	[dreg:$0x0] =	wrdreg $0xFFFFFFFF;
	(pc) =	sbr.abs _section_cstart, $3  }
0xbf: {  	[dreg:$0x1] =	wrdreg $0xFFFFFFFF  }
0xc0: {  	_ =	task.clear_ibuf [dreg:s6], $0x2FFFF;
	_ =	strace $0x9FFFFFFF  }
0xc1: {  	(tm) =	ssettm $0x7FFFFFFF  }
tec
execute0_lowered:
.L_overlay_start_1:
0x0: {  	(tag) =	ssettag $0x1  }
0x1: {  	s0 =	rddreg [dreg:$0x0];
	s1 =	simm.s32 $0x0  }
0x2: {  	s2 =	srdreg.scid;
	s9 =	stileid.u32;
	s10 =	simm.s32 $0x80  }
0x3: {  	s11 =	simm.s32 $0x800;
	s12 =	simm.s32 $0x1800;
	s13 =	simm.s32 $0x100  }
0x4: {  	s14 =	simm.s32 $0x2800;
	s15 =	simm.s32 $0x180;
	s16 =	simm.s32 $0x3800  }
0x5: {  	s22 =	simm.s32 $0x480;
	s23 =	simm.s32 $0x500;
	s24 =	simm.s32 $0x580  }
0x6: {  	s25 =	simm.s32 $0x600;
	s26 =	simm.s32 $0x680;
	s28 =	simm.s32 $0x2  }
0x7: {  	s29 =	simm.s32 $0x700;
	s30 =	simm.s32 $0x780;
	s31 =	simm.s32 $0x0  }
0x8: {  	[smem:$0x7FF] =	sst s1;
	s2 =	sand.u32 $0x1, s2;
	s7 =	sadd.s32 $0xBC00, s0  }
0x9: {  	s3 =	sadd.s32 $0x2200, s0;
	s0 =	sadd.s32 $0x2FC00, s0;
	s20 =	sshll.u32 s9, $0x7  }
0xa: {  	s21 =	sshll.u32 s9, $0xC;
	_ =	strace $0x80000047;
	[dreg:$0x3] =	wrdreg s22  }
0xb: {  	s4 =	sshll.u32 s2, $0x4;
	s5 =	ssub.s32 $0x2, s2;
	[dreg:$0x4] =	wrdreg s23  }
0xc: {  	s19 =	sshll.u32 s2, $0xB;
	s2 =	sshll.u32 s2, $0x10;
	[dreg:$0x5] =	wrdreg s24  }
0xd: {  	s22 =	simm.s32 $0x6800;
	[dreg:$0x6] =	wrdreg s25;
	s23 =	simm.s32 $0x380  }
0xe: {  	s24 =	simm.s32 $0x7800;
	[dreg:$0x7] =	wrdreg s26;
	s4 =	sor.u32 s9, s4  }
0xf: {  	s25 =	simm.s32 $0x400;
	s26 =	simm.s32 $0x1;
	s6 =	sshll.u32 s4, $0x7  }
0x10: {  	s8 =	sshrl.u32 s5, $0x1;
	s4 =	sshll.u32 s4, $0xC;
	s6 =	sadd.s32 s6, s7  }
0x11: {  	s9 =	simm.s32 $0x3;
	s4 =	sadd.s32 s4, s0;
	s17 =	sadd.s32 $0x3000, s6  }
0x12: {  	s8 =	ssub.s32 s5, s8;
	s18 =	sadd.s32 $0x100000, s4;
	[dreg:$0x8] =	wrdreg s17  }
0x13: {  	s0 =	sadd.s32 s2, s0;
	s4 =	sadd.s32 $0x100800, s4;
	[dreg:$0x9] =	wrdreg s18  }
0x14: {  	s0 =	sadd.s32 s21, s0;
	s21 =	simm.s32 $0x300;
	[dreg:$0xa] =	wrdreg s4  }
0x15: {  	s4 =	sadd.s32 s19, s7;
	s7 =	smax.u32 s8, $0x1;
	[dreg:$0x2] =	wrdreg s0  }
0x16: {  	s17 =	simm.s32 $0x200;
	s18 =	simm.s32 $0x4800;
	s4 =	sadd.s32 s20, s4  }
0x17: {  	s19 =	simm.s32 $0x280;
	s20 =	simm.s32 $0x5800;
	s8 =	sadd.s32 $0xB000, s4  }
.LBB2_1:
0x18: {  	s0 =	rddreg [dreg:$0x8]  }
0x19: {  	[tilespmem:s1], [sflag:$0x3] =	stream.linear.gather [hbm4b:s0+s1], $0x400, $0x38;
	[tilespmem:$0x8800] =	vst v63  }
0x1a: {  	_ =	swait.ge [sflag:s9], $0x400  }
0x1b: {  	[sflag:s9] =	ssyncset.done $0x0  }
0x1c: {  	[sflag:s9] =	ssyncadd.s32 $0xFFFFFC00  }
0x1d: {  	[tilespmem:s11], [sflag:$0x1] =	stream.indirect.gather [hbm4b:s3+s10], $0x20, s1, s10, $0xb8;
	[tilespmem:$0x8800] =	vst v63  }
0x1e: {  	_ = 	snop  }
0x1f: {  	[tilespmem:s12], [sflag:$0x1] =	stream.indirect.gather [hbm4b:s3+s10], $0x20, s10, s10, $0xb8;
	[tilespmem:$0x8800] =	vst v63  }
0x20: {  	_ = 	snop  }
0x21: {  	[tilespmem:s14], [sflag:$0x1] =	stream.indirect.gather [hbm4b:s3+s10], $0x20, s13, s10, $0xb8;
	[tilespmem:$0x8800] =	vst v63  }
0x22: {  	_ = 	snop  }
0x23: {  	[tilespmem:s16], [sflag:$0x1] =	stream.indirect.gather [hbm4b:s3+s10], $0x20, s15, s10, $0xb8;
	[tilespmem:$0x8800] =	vst v63  }
0x24: {  	_ = 	snop  }
0x25: {  	[tilespmem:s18], [sflag:$0x2] =	stream.indirect.gather [hbm4b:s3+s10], $0x20, s17, s10, $0xb8;
	[tilespmem:$0x8800] =	vst v63  }
0x26: {  	_ = 	snop  }
0x27: {  	[tilespmem:s20], [sflag:$0x2] =	stream.indirect.gather [hbm4b:s3+s10], $0x20, s19, s10, $0xb8;
	[tilespmem:$0x8800] =	vst v63  }
0x28: {  	_ = 	snop  }
0x29: {  	[tilespmem:s22], [sflag:$0x2] =	stream.indirect.gather [hbm4b:s3+s10], $0x20, s21, s10, $0xb8;
	[tilespmem:$0x8800] =	vst v63  }
0x2a: {  	_ = 	snop  }
0x2b: {  	[tilespmem:s24], [sflag:$0x2] =	stream.indirect.gather [hbm4b:s3+s10], $0x20, s23, s10, $0xb8;
	[tilespmem:$0x8800] =	vst v63  }
0x2c: {  	s2 =	sadd.s32 $0xFFFFC000, s8  }
0x2d: {  	[tilespmem:s25], [sflag:$0x3] =	stream.linear.gather [hbm4b:s2+s1], $0x400, $0x38;
	[tilespmem:$0x8800] =	vst v63  }
0x2e: {  	_ =	swait.ge [sflag:s9], $0x400  }
0x2f: {  	[sflag:s9] =	ssyncset.done $0x0  }
0x30: {  	[sflag:s9] =	ssyncadd.s32 $0xFFFFFC00  }
0x31: {  	_ =	swait.ge [sflag:s26], $0x4000  }
0x32: {  	s4 =	rddreg [dreg:$0x2];
	[sflag:s26] =	ssyncset.done $0x0  }
0x33: {  	[sflag:s26] =	ssyncadd.s32 $0xFFFFC000;
	s0 =	sadd.s32 $0x0, s4  }
0x34: {  	[hbm4b:s0+s1] =	stream.linear.scatter [tilespmem:s11], [sflag:$0x3], $0x4000, $0x38;
	[tilespmem:$0x8800] =	vst v63  }
0x35: {  	_ =	swait.ge [sflag:s9], $0x4000  }
0x36: {  	[sflag:s9] =	ssyncset.done $0x0  }
0x37: {  	[sflag:s9] =	ssyncadd.s32 $0xFFFFC000  }
0x38: {  	[tilespmem:s11], [sflag:$0x1] =	stream.indirect.gather [hbm4b:s3+s10], $0x20, s25, s10, $0xb8;
	[tilespmem:$0x8800] =	vst v63  }
0x39: {  	s2 =	rddreg [dreg:$0x3]  }
0x3a: {  	[tilespmem:s12], [sflag:$0x1] =	stream.indirect.gather [hbm4b:s3+s10], $0x20, s2, s10, $0xb8;
	[tilespmem:$0x8800] =	vst v63  }
0x3b: {  	s4 =	rddreg [dreg:$0x4]  }
0x3c: {  	[tilespmem:s14], [sflag:$0x1] =	stream.indirect.gather [hbm4b:s3+s10], $0x20, s4, s10, $0xb8;
	[tilespmem:$0x8800] =	vst v63  }
0x3d: {  	s5 =	rddreg [dreg:$0x5]  }
0x3e: {  	[tilespmem:s16], [sflag:$0x1] =	stream.indirect.gather [hbm4b:s3+s10], $0x20, s5, s10, $0xb8;
	[tilespmem:$0x8800] =	vst v63  }
0x3f: {  	_ =	swait.ge [sflag:s28], $0x4000  }
0x40: {  	[sflag:s28] =	ssyncset.done $0x0  }
0x41: {  	s6 =	sadd.s32 $0x800, s0;
	[sflag:s28] =	ssyncadd.s32 $0xFFFFC000  }
0x42: {  	[hbm4b:s6+s1] =	stream.linear.scatter [tilespmem:s18], [sflag:$0x3], $0x4000, $0x38;
	[tilespmem:$0x8800] =	vst v63  }
0x43: {  	_ =	swait.ge [sflag:s9], $0x4000  }
0x44: {  	[sflag:s9] =	ssyncset.done $0x0  }
0x45: {  	s4 =	rddreg [dreg:$0x6];
	[sflag:s9] =	ssyncadd.s32 $0xFFFFC000  }
0x46: {  	[tilespmem:s18], [sflag:$0x2] =	stream.indirect.gather [hbm4b:s3+s10], $0x20, s4, s10, $0xb8;
	[tilespmem:$0x8800] =	vst v63  }
0x47: {  	s5 =	rddreg [dreg:$0x7]  }
0x48: {  	[tilespmem:s20], [sflag:$0x2] =	stream.indirect.gather [hbm4b:s3+s10], $0x20, s5, s10, $0xb8;
	[tilespmem:$0x8800] =	vst v63  }
0x49: {  	_ = 	snop  }
0x4a: {  	[tilespmem:s22], [sflag:$0x2] =	stream.indirect.gather [hbm4b:s3+s10], $0x20, s29, s10, $0xb8;
	[tilespmem:$0x8800] =	vst v63  }
0x4b: {  	_ = 	snop  }
0x4c: {  	[tilespmem:s24], [sflag:$0x2] =	stream.indirect.gather [hbm4b:s3+s10], $0x20, s30, s10, $0xb8;
	[tilespmem:$0x8800] =	vst v63  }
0x4d: {  	_ = 	snop  }
0x4e: {  	[tilespmem:s1], [sflag:$0x3] =	stream.linear.gather [hbm4b:s8+s1], $0x400, $0x38;
	[tilespmem:$0x8800] =	vst v63  }
0x4f: {  	_ =	swait.ge [sflag:s9], $0x400  }
0x50: {  	[sflag:s9] =	ssyncset.done $0x0  }
0x51: {  	[sflag:s9] =	ssyncadd.s32 $0xFFFFFC00  }
0x52: {  	_ =	swait.ge [sflag:s26], $0x4000  }
0x53: {  	[sflag:s26] =	ssyncset.done $0x0  }
0x54: {  	s6 =	sadd.s32 $0x20000, s0;
	[sflag:s26] =	ssyncadd.s32 $0xFFFFC000  }
0x55: {  	[hbm4b:s6+s1] =	stream.linear.scatter [tilespmem:s11], [sflag:$0x3], $0x4000, $0x38;
	[tilespmem:$0x8800] =	vst v63  }
0x56: {  	_ =	swait.ge [sflag:s9], $0x4000  }
0x57: {  	[sflag:s9] =	ssyncset.done $0x0  }
0x58: {  	[sflag:s9] =	ssyncadd.s32 $0xFFFFC000  }
0x59: {  	[tilespmem:s11], [sflag:$0x1] =	stream.indirect.gather [hbm4b:s3+s10], $0x20, s1, s10, $0xb8;
	[tilespmem:$0x8800] =	vst v63  }
0x5a: {  	_ = 	snop  }
0x5b: {  	[tilespmem:s12], [sflag:$0x1] =	stream.indirect.gather [hbm4b:s3+s10], $0x20, s10, s10, $0xb8;
	[tilespmem:$0x8800] =	vst v63  }
0x5c: {  	_ = 	snop  }
0x5d: {  	[tilespmem:s14], [sflag:$0x1] =	stream.indirect.gather [hbm4b:s3+s10], $0x20, s13, s10, $0xb8;
	[tilespmem:$0x8800] =	vst v63  }
0x5e: {  	_ = 	snop  }
0x5f: {  	[tilespmem:s16], [sflag:$0x1] =	stream.indirect.gather [hbm4b:s3+s10], $0x20, s15, s10, $0xb8;
	[tilespmem:$0x8800] =	vst v63  }
0x60: {  	_ =	swait.ge [sflag:s28], $0x4000  }
0x61: {  	[sflag:s28] =	ssyncset.done $0x0  }
0x62: {  	s0 =	sadd.s32 $0x20800, s0;
	[sflag:s28] =	ssyncadd.s32 $0xFFFFC000  }
0x63: {  	[hbm4b:s0+s1] =	stream.linear.scatter [tilespmem:s18], [sflag:$0x3], $0x4000, $0x38;
	[tilespmem:$0x8800] =	vst v63  }
0x64: {  	_ =	swait.ge [sflag:s9], $0x4000  }
0x65: {  	[sflag:s9] =	ssyncset.done $0x0  }
0x66: {  	[sflag:s9] =	ssyncadd.s32 $0xFFFFC000  }
0x67: {  	[tilespmem:s18], [sflag:$0x2] =	stream.indirect.gather [hbm4b:s3+s10], $0x20, s17, s10, $0xb8;
	[tilespmem:$0x8800] =	vst v63  }
0x68: {  	_ = 	snop  }
0x69: {  	[tilespmem:s20], [sflag:$0x2] =	stream.indirect.gather [hbm4b:s3+s10], $0x20, s19, s10, $0xb8;
	[tilespmem:$0x8800] =	vst v63  }
0x6a: {  	s2 =	sadd.s32 $0x8000, s8;
	s0 =	simm.s32 $0x40000  }
0x6b: {  	[tilespmem:s22], [sflag:$0x2] =	stream.indirect.gather [hbm4b:s3+s10], $0x20, s21, s10, $0xb8;
	[tilespmem:$0x8800] =	vst v63  }
.LBB2_2:
0x6c: {  	[tilespmem:s24], [sflag:$0x2] =	stream.indirect.gather [hbm4b:s3+s10], $0x20, s23, s10, $0xb8;
	[tilespmem:$0x8800] =	vst v63  }
0x6d: {  	s5 =	sadd.s32 $0xFFFFC000, s2  }
0x6e: {  	[tilespmem:s25], [sflag:$0x3] =	stream.linear.gather [hbm4b:s5+s1], $0x400, $0x38;
	[tilespmem:$0x8800] =	vst v63  }
0x6f: {  	_ =	swait.ge [sflag:s9], $0x400  }
0x70: {  	[sflag:s9] =	ssyncset.done $0x0  }
0x71: {  	[sflag:s9] =	ssyncadd.s32 $0xFFFFFC00  }
0x72: {  	_ =	swait.ge [sflag:s26], $0x4000  }
0x73: {  	s4 =	smov.u32 s0;
	s6 =	rddreg [dreg:$0x2];
	[sflag:s26] =	ssyncset.done $0x0  }
0x74: {  	[sflag:s26] =	ssyncadd.s32 $0xFFFFC000;
	s4 =	sadd.s32 s4, s6  }
0x75: {  	[hbm4b:s4+s1] =	stream.linear.scatter [tilespmem:s11], [sflag:$0x3], $0x4000, $0x38;
	[tilespmem:$0x8800] =	vst v63  }
0x76: {  	_ =	swait.ge [sflag:s9], $0x4000  }
0x77: {  	[sflag:s9] =	ssyncset.done $0x0  }
0x78: {  	[sflag:s9] =	ssyncadd.s32 $0xFFFFC000  }
0x79: {  	[tilespmem:s11], [sflag:$0x1] =	stream.indirect.gather [hbm4b:s3+s10], $0x20, s25, s10, $0xb8;
	[tilespmem:$0x8800] =	vst v63  }
0x7a: {  	s5 =	rddreg [dreg:$0x3]  }
0x7b: {  	[tilespmem:s12], [sflag:$0x1] =	stream.indirect.gather [hbm4b:s3+s10], $0x20, s5, s10, $0xb8;
	[tilespmem:$0x8800] =	vst v63  }
0x7c: {  	s6 =	rddreg [dreg:$0x4]  }
0x7d: {  	[tilespmem:s14], [sflag:$0x1] =	stream.indirect.gather [hbm4b:s3+s10], $0x20, s6, s10, $0xb8;
	[tilespmem:$0x8800] =	vst v63  }
0x7e: {  	s5 =	rddreg [dreg:$0x5]  }
0x7f: {  	[tilespmem:s16], [sflag:$0x1] =	stream.indirect.gather [hbm4b:s3+s10], $0x20, s5, s10, $0xb8;
	[tilespmem:$0x8800] =	vst v63  }
0x80: {  	_ =	swait.ge [sflag:s28], $0x4000  }
0x81: {  	[sflag:s28] =	ssyncset.done $0x0  }
0x82: {  	s6 =	sadd.s32 $0x800, s4;
	[sflag:s28] =	ssyncadd.s32 $0xFFFFC000  }
0x83: {  	[hbm4b:s6+s1] =	stream.linear.scatter [tilespmem:s18], [sflag:$0x3], $0x4000, $0x38;
	[tilespmem:$0x8800] =	vst v63  }
0x84: {  	_ =	swait.ge [sflag:s9], $0x4000  }
0x85: {  	[sflag:s9] =	ssyncset.done $0x0  }
0x86: {  	s5 =	rddreg [dreg:$0x6];
	[sflag:s9] =	ssyncadd.s32 $0xFFFFC000  }
0x87: {  	[tilespmem:s18], [sflag:$0x2] =	stream.indirect.gather [hbm4b:s3+s10], $0x20, s5, s10, $0xb8;
	[tilespmem:$0x8800] =	vst v63  }
0x88: {  	s6 =	rddreg [dreg:$0x7]  }
0x89: {  	[tilespmem:s20], [sflag:$0x2] =	stream.indirect.gather [hbm4b:s3+s10], $0x20, s6, s10, $0xb8;
	[tilespmem:$0x8800] =	vst v63  }
0x8a: {  	_ = 	snop  }
0x8b: {  	[tilespmem:s22], [sflag:$0x2] =	stream.indirect.gather [hbm4b:s3+s10], $0x20, s29, s10, $0xb8;
	[tilespmem:$0x8800] =	vst v63  }
0x8c: {  	_ = 	snop  }
0x8d: {  	[tilespmem:s24], [sflag:$0x2] =	stream.indirect.gather [hbm4b:s3+s10], $0x20, s30, s10, $0xb8;
	[tilespmem:$0x8800] =	vst v63  }
0x8e: {  	_ = 	snop  }
0x8f: {  	[tilespmem:s1], [sflag:$0x3] =	stream.linear.gather [hbm4b:s2+s1], $0x400, $0x38;
	[tilespmem:$0x8800] =	vst v63  }
0x90: {  	_ =	swait.ge [sflag:s9], $0x400  }
0x91: {  	[sflag:s9] =	ssyncset.done $0x0  }
0x92: {  	[sflag:s9] =	ssyncadd.s32 $0xFFFFFC00  }
0x93: {  	_ =	swait.ge [sflag:s26], $0x4000  }
0x94: {  	[sflag:s26] =	ssyncset.done $0x0  }
0x95: {  	s6 =	sadd.s32 $0x20000, s4;
	[sflag:s26] =	ssyncadd.s32 $0xFFFFC000  }
0x96: {  	[hbm4b:s6+s1] =	stream.linear.scatter [tilespmem:s11], [sflag:$0x3], $0x4000, $0x38;
	[tilespmem:$0x8800] =	vst v63  }
0x97: {  	_ =	swait.ge [sflag:s9], $0x4000  }
0x98: {  	[sflag:s9] =	ssyncset.done $0x0  }
0x99: {  	[sflag:s9] =	ssyncadd.s32 $0xFFFFC000  }
0x9a: {  	[tilespmem:s11], [sflag:$0x1] =	stream.indirect.gather [hbm4b:s3+s10], $0x20, s1, s10, $0xb8;
	[tilespmem:$0x8800] =	vst v63  }
0x9b: {  	_ = 	snop  }
0x9c: {  	[tilespmem:s12], [sflag:$0x1] =	stream.indirect.gather [hbm4b:s3+s10], $0x20, s10, s10, $0xb8;
	[tilespmem:$0x8800] =	vst v63  }
0x9d: {  	_ = 	snop  }
0x9e: {  	[tilespmem:s14], [sflag:$0x1] =	stream.indirect.gather [hbm4b:s3+s10], $0x20, s13, s10, $0xb8;
	[tilespmem:$0x8800] =	vst v63  }
0x9f: {  	_ = 	snop  }
0xa0: {  	[tilespmem:s16], [sflag:$0x1] =	stream.indirect.gather [hbm4b:s3+s10], $0x20, s15, s10, $0xb8;
	[tilespmem:$0x8800] =	vst v63  }
0xa1: {  	_ =	swait.ge [sflag:s28], $0x4000  }
0xa2: {  	[sflag:s28] =	ssyncset.done $0x0  }
0xa3: {  	s4 =	sadd.s32 $0x20800, s4;
	[sflag:s28] =	ssyncadd.s32 $0xFFFFC000  }
0xa4: {  	[hbm4b:s4+s1] =	stream.linear.scatter [tilespmem:s18], [sflag:$0x3], $0x4000, $0x38;
	[tilespmem:$0x8800] =	vst v63  }
0xa5: {  	_ =	swait.ge [sflag:s9], $0x4000  }
0xa6: {  	[sflag:s9] =	ssyncset.done $0x0  }
0xa7: {  	p0 =	sne.s32 s0, $0xC0000;
	[sflag:s9] =	ssyncadd.s32 $0xFFFFC000  }
0xa8: {  	[tilespmem:s18], [sflag:$0x2] =	stream.indirect.gather [hbm4b:s3+s10], $0x20, s17, s10, $0xb8;
	[tilespmem:$0x8800] =	vst v63  }
.Ltmp0:
0xa9: {  	_ = 	snop;
	(pc) =	sbr.rel @p0 .LBB2_2-.Ltmp0, $4  }
0xaa: {  	_ = 	snop  }
0xab: {  	[tilespmem:s20], [sflag:$0x2] =	stream.indirect.gather [hbm4b:s3+s10], $0x20, s19, s10, $0xb8;
	[tilespmem:$0x8800] =	vst v63  }
0xac: {  	s0 =	sadd.s32 $0x40000, s0;
	s2 =	sadd.s32 $0x8000, s2  }
0xad: {  	[tilespmem:s22], [sflag:$0x2] =	stream.indirect.gather [hbm4b:s3+s10], $0x20, s21, s10, $0xb8;
	[tilespmem:$0x8800] =	vst v63  }
0xae: {  	[tilespmem:s24], [sflag:$0x2] =	stream.indirect.gather [hbm4b:s3+s10], $0x20, s23, s10, $0xb8;
	[tilespmem:$0x8800] =	vst v63  }
0xaf: {  	_ =	swait.ge [sflag:s26], $0x4000  }
0xb0: {  	[sflag:s26] =	ssyncset.done $0x0  }
0xb1: {  	s0 =	rddreg [dreg:$0x9];
	[sflag:s26] =	ssyncadd.s32 $0xFFFFC000  }
0xb2: {  	[hbm4b:s0+s1] =	stream.linear.scatter [tilespmem:s11], [sflag:$0x3], $0x4000, $0x38;
	[tilespmem:$0x8800] =	vst v63  }
0xb3: {  	_ =	swait.ge [sflag:s9], $0x4000  }
0xb4: {  	[sflag:s9] =	ssyncset.done $0x0  }
0xb5: {  	[sflag:s9] =	ssyncadd.s32 $0xFFFFC000  }
0xb6: {  	s31 =	sadd.s32 $0x1, s31;
	_ =	swait.ge [sflag:s28], $0x4000  }
0xb7: {  	p0 =	sne.s32 s31, s7;
	[sflag:s28] =	ssyncset.done $0x0  }
.Ltmp1:
0xb8: {  	s6 =	rddreg [dreg:$0xa];
	[sflag:s28] =	ssyncadd.s32 $0xFFFFC000;
	(pc) =	sbr.rel @p0 .LBB2_1-.Ltmp1, $4  }
0xb9: {  	[hbm4b:s6+s1] =	stream.linear.scatter [tilespmem:s18], [sflag:$0x3], $0x4000, $0x38;
	[tilespmem:$0x8800] =	vst v63  }
0xba: {  	_ =	swait.ge [sflag:s9], $0x4000  }
0xbb: {  	[sflag:s9] =	ssyncset.done $0x0  }
0xbc: {  	[sflag:s9] =	ssyncadd.s32 $0xFFFFC000  }
0xbd: {  	_ =	sfence.sel $0x180000  }
0xbe: {  	[bflag:$0x0] =	sbarrier.arrive $0xFFFF  }
0xbf: {  	_ =	strace $0x90000047  }
0xc0: {  	s0 =	stileid.u32;
	[bflag:$0x2] =	sbarrier.arrive $0xFFFF  }
0xc1: {  	p0 =	sne.s32 s0, $0x0;
	s0 =	rddreg [dreg:$0x1]  }
0xc2: {  	s0 =	sadd.s32 @!p0 $0x100000, s0  }
0xc3: {  	[sflag:s0] =	ssyncadd.tile.s32 @!p0 $0x1;
	_ =	shalt  }
.Lfunc_end2:
_tile_overlayer_lowered:
.L_overlay_start_2:
0xc4: {  	(tag) =	ssettag $0x2  }
0xc5: {  	s0 =	rddreg [dreg:$0x0];
	s2 =	stileid.u32  }
0xc6: {  	s1 =	rddreg [dreg:$0x1];
	p0 =	sne.s32 s2, $0x0  }
0xc7: {  	s3 =	rddreg [dreg:$0x2];
	[bflag:$0x3] =	sbarrier.arrive $0xFFFF;
	s2 =	simm.s32 @!p0 $0x1C03  }
0xc8: {  	[timem:s3], [sflag:s2] =	dma.local @!p0 [hbm:s0], s1  }
0xc9: {  	s0 =	simm.s32 @!p0 $0x3  }
0xca: {  	_ =	swait.ge @!p0 [sflag:s0], s1  }
0xcb: {  	s1 =	ssub.s32 @!p0 $0x0, s1;
	[sflag:s0] =	ssyncset.done @!p0 $0x0  }
0xcc: {  	[sflag:s0] =	ssyncadd.s32 @!p0 s1  }
0xcd: {  	[bflag:$0x3] =	sbarrier.arrive $0xFFFF  }
0xce: {  	_ =	shalt  }

</sc_bundles>
